<compile_context>
chip_gen: v7x
topology: tpu7x:2x2x1
jax: 0.10.2.dev20260603
libtpu: 0.0.44.dev20260713+nightly
codegen_flags: <defaults>
</compile_context>

<pallas_src>
import jax
import jax.numpy as jnp
from jax import lax
from jax.experimental import pallas as pl
from jax.experimental.pallas import tpu as pltpu
from jax.experimental.pallas import tpu_sc as plsc

_G, _N, _E = 2048, 64, 1024
_NC = 2
_NS = 16
_NW = _NC * _NS
_K = 2
_GC = _G // _K
_GPW = _GC // _NW
_CHUNKS = _E // 16
_UNROLL = 8
_NH = 4
_BG = 256
_M = float(_E + _N)


def _sc_hist_body(edges_hbm, cnt_hbm, dr_hbm, e0, e1, e2, e3, e4, e5, e6, e7,
                  h0, h1, h2, h3, d0, d1, d2, d3,
                  si0, si1, si2, si3, si4, si5, si6, si7,
                  so0, so1, so2, so3, sd0, sd1, sd2, sd3):
    ebufs = (e0, e1, e2, e3, e4, e5, e6, e7)
    hbufs = (h0, h1, h2, h3)
    dbufs = (d0, d1, d2, d3)
    sins = (si0, si1, si2, si3, si4, si5, si6, si7)
    souts = (so0, so1, so2, so3)
    sdrs = (sd0, sd1, sd2, sd3)
    wid = lax.axis_index("s") * _NC + lax.axis_index("c")
    base = wid * _GPW
    ones16 = jnp.ones((16,), jnp.float32)
    zeros16 = jnp.zeros((16,), jnp.float32)

    def zrow(j, carry):
        for hb in hbufs:
            hb[j, pl.ds(0, 16)] = zeros16
            hb[j, pl.ds(16, 16)] = zeros16
            hb[j, pl.ds(32, 16)] = zeros16
            hb[j, pl.ds(48, 16)] = zeros16
        return carry

    lax.fori_loop(0, _N, zrow, 0)
    for db in dbufs:
        for j in range(8):
            db[pl.ds(j * 16, 16)] = zeros16

    for s in range(_UNROLL):
        pltpu.async_copy(edges_hbm.at[base + s], ebufs[s], sins[s])

    def pipe(k, carry):
        g0 = base + _UNROLL * k
        for s in range(_UNROLL):
            g = g0 + s
            eb, sin = ebufs[s], sins[s]
            hb, sout = hbufs[s % _NH], souts[s % _NH]
            db, sdr = dbufs[s % _NH], sdrs[s % _NH]
            pltpu.make_async_copy(edges_hbm.at[g], eb, sin).wait()

            def _waits():
                pltpu.make_async_copy(hb, cnt_hbm.at[g - _NH], sout).wait()
                pltpu.make_async_copy(db, dr_hbm.at[g - _NH], sdr).wait()

            if s < _NH:
                pl.when(k > 0)(_waits)
            else:
                _waits()

            @plsc.parallel_loop(0, _CHUNKS, 1, unroll=8)
            def _(j):
                r = eb[0, pl.ds(j * 16, 16)]
                c = eb[1, pl.ds(j * 16, 16)]
                plsc.addupdate_scatter(hb, [r, c], ones16)
                plsc.addupdate_scatter(db, [c], ones16)
                plsc.addupdate_scatter(db, [r + _N], ones16)

            pltpu.async_copy(hb, cnt_hbm.at[g], sout)
            pltpu.async_copy(db, dr_hbm.at[g], sdr)

            @pl.when(_UNROLL * k + s + _UNROLL < _GPW)
            def _():
                pltpu.async_copy(edges_hbm.at[g + _UNROLL], eb, sin)
        return carry

    lax.fori_loop(0, _GPW // _UNROLL, pipe, 0)

    for j in range(_NH):
        g = base + _GPW - _NH + j
        pltpu.make_async_copy(hbufs[j], cnt_hbm.at[g], souts[j]).wait()
        pltpu.make_async_copy(dbufs[j], dr_hbm.at[g], sdrs[j]).wait()


def _sc_hist(edge_index):
    mesh = plsc.VectorSubcoreMesh(core_axis_name="c", subcore_axis_name="s")
    return pl.kernel(
        _sc_hist_body,
        mesh=mesh,
        out_type=(
            jax.ShapeDtypeStruct((_GC, _N, _N), jnp.float32),
            jax.ShapeDtypeStruct((_GC, 2 * _N), jnp.float32),
        ),
        scratch_types=(
            [pltpu.VMEM((2, _E), jnp.int32) for _ in range(_UNROLL)]
            + [pltpu.VMEM((_N, _N), jnp.float32) for _ in range(_NH)]
            + [pltpu.VMEM((2 * _N,), jnp.float32) for _ in range(_NH)]
            + [pltpu.SemaphoreType.DMA for _ in range(_UNROLL + 2 * _NH)]
        ),
        compiler_params=pltpu.CompilerParams(needs_layout_passes=False),
    )(edge_index)


def _tc_body(counts_ref, dr_ref, x_ref, w1_ref, b1_ref, w2_ref, b2_ref,
             w3_ref, b3_ref, out_ref):
    acc = counts_ref[...]
    dacc = dr_ref[...]
    cpieces, dpieces = [], []
    for w in range(_BG // _GPW):
        cpieces.append(jnp.zeros((_NH, _N, _N), jnp.float32))
        cpieces.append(acc[w * _GPW:w * _GPW + _GPW - _NH])
        dpieces.append(jnp.zeros((_NH, 2 * _N), jnp.float32))
        dpieces.append(dacc[w * _GPW:w * _GPW + _GPW - _NH])
    c = acc - jnp.concatenate(cpieces, axis=0)
    dr = dacc - jnp.concatenate(dpieces, axis=0)
    deg = dr[:, :_N] + 1.0
    rdeg = dr[:, _N:] + 1.0
    dinv = lax.rsqrt(deg)

    def cmatvec(v):
        return jnp.sum(c * v[:, :, None], axis=1) + v

    av = cmatvec(dinv)
    s = jnp.sum(dinv * av, axis=1)

    def layer(h, w_ref, b_ref):
        t = lax.dot_general(h, w_ref[...], (((1,), (1,)), ((), ())),
                            preferred_element_type=jnp.float32)
        u = cmatvec(t)
        return s[:, None] * u + _M * b_ref[...]

    h1 = layer(x_ref[...], w1_ref, b1_ref)
    h2 = layer(h1, w2_ref, b2_ref)
    t3 = lax.dot_general(h2, w3_ref[...], (((1,), (1,)), ((), ())),
                         preferred_element_type=jnp.float32)
    tot = s * jnp.sum(rdeg * t3, axis=1) + _M * jnp.sum(b3_ref[...])
    out_ref[...] = (tot * (1.0 / _N)).reshape(1, 1, _BG)


def _tc_chain(counts, dr, x, W1, b1, W2, b2, W3, b3):
    nblk = _GC // _BG
    wspec = pl.BlockSpec((_N, _N), lambda i: (0, 0))
    bspec = pl.BlockSpec((1, _N), lambda i: (0, 0))
    out = pl.pallas_call(
        _tc_body,
        grid=(nblk,),
        in_specs=[
            pl.BlockSpec((_BG, _N, _N), lambda i: (i, 0, 0)),
            pl.BlockSpec((_BG, 2 * _N), lambda i: (i, 0)),
            pl.BlockSpec((_BG, _N), lambda i: (i, 0)),
            wspec, bspec, wspec, bspec, wspec, bspec,
        ],
        out_specs=pl.BlockSpec((1, 1, _BG), lambda i: (i, 0, 0)),
        out_shape=jax.ShapeDtypeStruct((nblk, 1, _BG), jnp.float32),
    )(counts, dr, x, W1, b1.reshape(1, _N), W2, b2.reshape(1, _N),
      W3, b3.reshape(1, _N))
    return out.reshape(_GC)


def kernel(x, edge_index, W1, b1, W2, b2, W3, b3):
    outs = []
    for k in range(_K):
        sl = slice(k * _GC, (k + 1) * _GC)
        counts, dr = _sc_hist(edge_index[sl])
        outs.append(_tc_chain(counts, dr, x[sl], W1, b1, W2, b2, W3, b3))
    return jnp.concatenate(outs)

# --- scband reference (transcript-rebuilt; emitter-appended) ---
"""Pipeline reference for scband-charge-model-41180146434459 (READ-ONLY COPY).

The authoritative reference and input builder live on the scoring server;
editing this copy changes nothing except your own understanding.
"""

import jax, jax.numpy as jnp
import numpy as np

G, N, E = 2048, 64, 1024

def _gcn_layer(x_vec, row, col, W, b):
    # add_self_loops with num_nodes = x.size(0) (pre-lin); here N == hidden == 64 so
    # conv1/conv2/conv3 all append arange(64) self loops, matching the torch code.
    n = x_vec.shape[0]
    loops = jnp.arange(n, dtype=row.dtype)
    row2 = jnp.concatenate([row, loops])
    col2 = jnp.concatenate([col, loops])
    # x = self.lin(x): Linear(in, out, bias=False) on a vector -> W @ x
    h = W @ x_vec
    nn = h.shape[0]
    # deg = degree(col, num_nodes=x.size(0) AFTER lin == 64)
    deg = jax.ops.segment_sum(jnp.ones(row2.shape[0], dtype=h.dtype), col2, num_segments=nn)
    dinv = jnp.where(deg > 0, deg ** -0.5, 0.0)
    norm = dinv[row2] * dinv[col2]
    # message: norm.view(-1,1) * x_j with x_j = h[row] (node_dim=-1, 1-D h)
    # broadcasts to [M, M]; scatter-add along last dim at col gives out[a, c] = norm[a] * seg[c];
    # forward then does (out + bias).sum(dim=0) == norm.sum() * seg + M * bias (exact algebraic identity).
    x_j = h[row2]
    seg = jax.ops.segment_sum(x_j, col2, num_segments=nn)
    m = row2.shape[0]
    return jnp.sum(norm) * seg + m * b

def _per_graph(x, ei, W1, b1, W2, b2, W3, b3):
    row = ei[0]
    col = ei[1]
    h1 = _gcn_layer(x, row, col, W1, b1)
    h2 = _gcn_layer(h1, row, col, W2, b2)
    h3 = _gcn_layer(h2, row, col, W3, b3)
    return jnp.mean(h3)

def setup_inputs(seed: int = 0):
    key = jax.random.key(seed)
    ks = jax.random.split(key, 8)
    x = jax.random.normal(ks[0], (G, N), dtype=jnp.float32)
    edge_index = jax.random.randint(ks[1], (G, 2, E), 0, N, dtype=jnp.int32)
    W1 = jax.random.normal(ks[2], (64, N), dtype=jnp.float32) * 0.1
    b1 = jax.random.normal(ks[3], (64,), dtype=jnp.float32) * 0.1
    W2 = jax.random.normal(ks[4], (64, 64), dtype=jnp.float32) * 0.1
    b2 = jax.random.normal(ks[5], (64,), dtype=jnp.float32) * 0.1
    W3 = jax.random.normal(ks[6], (64, 64), dtype=jnp.float32) * 0.1
    b3 = jax.random.normal(ks[7], (64,), dtype=jnp.float32) * 0.1
    return {"x": x, "edge_index": edge_index, "W1": W1, "b1": b1, "W2": W2, "b2": b2, "W3": W3, "b3": b3}

def reference(x, edge_index, W1, b1, W2, b2, W3, b3):
    f = jax.vmap(_per_graph, in_axes=(0, 0, None, None, None, None, None, None))
    return f(x, edge_index, W1, b1, W2, b2, W3, b3)

if __name__ == "__main__":
    import jax
    _d = setup_inputs()
    print(jax.jit(kernel)(*tuple(_d.values())))

</pallas_src>

<mosaic_0001>
#map = affine_map<(d0, d1) -> (0, 0, 0)>
#map1 = affine_map<(d0, d1) -> (0, 0)>
module attributes {stable_mosaic.version = 14 : i64} {
  func.func @_sc_hist_body(%arg0: i32, %arg1: i32, %arg2: memref<1024x2x1024xi32, #tpu.memory_space<hbm>>, %arg3: memref<1024x64x64xf32, #tpu.memory_space<hbm>>, %arg4: memref<1024x128xf32, #tpu.memory_space<hbm>>, %arg5: memref<2x1024xi32, #tpu.memory_space<vmem>>, %arg6: memref<2x1024xi32, #tpu.memory_space<vmem>>, %arg7: memref<2x1024xi32, #tpu.memory_space<vmem>>, %arg8: memref<2x1024xi32, #tpu.memory_space<vmem>>, %arg9: memref<2x1024xi32, #tpu.memory_space<vmem>>, %arg10: memref<2x1024xi32, #tpu.memory_space<vmem>>, %arg11: memref<2x1024xi32, #tpu.memory_space<vmem>>, %arg12: memref<2x1024xi32, #tpu.memory_space<vmem>>, %arg13: memref<64x64xf32, #tpu.memory_space<vmem>>, %arg14: memref<64x64xf32, #tpu.memory_space<vmem>>, %arg15: memref<64x64xf32, #tpu.memory_space<vmem>>, %arg16: memref<64x64xf32, #tpu.memory_space<vmem>>, %arg17: memref<128xf32, #tpu.memory_space<vmem>>, %arg18: memref<128xf32, #tpu.memory_space<vmem>>, %arg19: memref<128xf32, #tpu.memory_space<vmem>>, %arg20: memref<128xf32, #tpu.memory_space<vmem>>, %arg21: memref<!tpu.dma_semaphore, #tpu.memory_space<semaphore_mem>>, %arg22: memref<!tpu.dma_semaphore, #tpu.memory_space<semaphore_mem>>, %arg23: memref<!tpu.dma_semaphore, #tpu.memory_space<semaphore_mem>>, %arg24: memref<!tpu.dma_semaphore, #tpu.memory_space<semaphore_mem>>, %arg25: memref<!tpu.dma_semaphore, #tpu.memory_space<semaphore_mem>>, %arg26: memref<!tpu.dma_semaphore, #tpu.memory_space<semaphore_mem>>, %arg27: memref<!tpu.dma_semaphore, #tpu.memory_space<semaphore_mem>>, %arg28: memref<!tpu.dma_semaphore, #tpu.memory_space<semaphore_mem>>, %arg29: memref<!tpu.dma_semaphore, #tpu.memory_space<semaphore_mem>>, %arg30: memref<!tpu.dma_semaphore, #tpu.memory_space<semaphore_mem>>, %arg31: memref<!tpu.dma_semaphore, #tpu.memory_space<semaphore_mem>>, %arg32: memref<!tpu.dma_semaphore, #tpu.memory_space<semaphore_mem>>, %arg33: memref<!tpu.dma_semaphore, #tpu.memory_space<semaphore_mem>>, %arg34: memref<!tpu.dma_semaphore, #tpu.memory_space<semaphore_mem>>, %arg35: memref<!tpu.dma_semaphore, #tpu.memory_space<semaphore_mem>>, %arg36: memref<!tpu.dma_semaphore, #tpu.memory_space<semaphore_mem>>) attributes {dimension_semantics = [#tpu.dimension_semantics<core_parallel>, #tpu.dimension_semantics<subcore_parallel>], iteration_bounds = array<i64: 2, 16>, scalar_prefetch = 0 : i64, scratch_operands = 32 : i64, tpu.core_type = #tpu.core_type<sc_vector_subcore>, window_params = [{transform_indices = #map}, {transform_indices = #map}, {transform_indices = #map1}]} {
    %mul3A = arith.constant 2 : i32
    %mul3A_0 = arith.muli %arg1, %mul3A : i32
    %add3A = arith.addi %mul3A_0, %arg0 : i32
    %mul3A_1 = arith.constant 32 : i32
    %mul3A_2 = arith.muli %add3A, %mul3A_1 : i32
    %broadcast_in_dim3A = arith.constant 1.000000e+00 : f32
    %broadcast_in_dim3A_3 = vector.broadcast %broadcast_in_dim3A : f32 to vector<16xf32>
    %broadcast_in_dim3A_4 = arith.constant 0.000000e+00 : f32
    %broadcast_in_dim3A_5 = vector.broadcast %broadcast_in_dim3A_4 : f32 to vector<16xf32>
    %scan3A = arith.constant 0 : i32
    %scan3A_6 = arith.constant 0 : i32
    %scan3A_7 = arith.constant 64 : i32
    %scan3A_8 = arith.addi %scan3A_6, %scan3A_7 : i32
    %scan3A_9 = arith.constant 1 : i32
    scf.for %scan3A_237 = %scan3A_6 to %scan3A_8 step %scan3A_9  : i32 {
      %swap3A_238 = arith.index_cast %scan3A_237 : i32 to index
      %swap3A_239 = arith.constant 0 : index
      %swap3A_240 = tpu.vector_load %arg13[%swap3A_238, %swap3A_239] {strides = array<i32>} : memref<64x64xf32, #tpu.memory_space<vmem>>, vector<16xf32>,
      tpu.vector_store %arg13[%swap3A_238, %swap3A_239], %broadcast_in_dim3A_5 {strides = array<i32>} : memref<64x64xf32, #tpu.memory_space<vmem>>, vector<16xf32>,
      %swap3A_241 = arith.index_cast %scan3A_237 : i32 to index
      %swap3A_242 = arith.constant 16 : index
      %swap3A_243 = tpu.vector_load %arg13[%swap3A_241, %swap3A_242] {strides = array<i32>} : memref<64x64xf32, #tpu.memory_space<vmem>>, vector<16xf32>,
      tpu.vector_store %arg13[%swap3A_241, %swap3A_242], %broadcast_in_dim3A_5 {strides = array<i32>} : memref<64x64xf32, #tpu.memory_space<vmem>>, vector<16xf32>,
      %swap3A_244 = arith.index_cast %scan3A_237 : i32 to index
      %swap3A_245 = arith.constant 32 : index
      %swap3A_246 = tpu.vector_load %arg13[%swap3A_244, %swap3A_245] {strides = array<i32>} : memref<64x64xf32, #tpu.memory_space<vmem>>, vector<16xf32>,
      tpu.vector_store %arg13[%swap3A_244, %swap3A_245], %broadcast_in_dim3A_5 {strides = array<i32>} : memref<64x64xf32, #tpu.memory_space<vmem>>, vector<16xf32>,
      %swap3A_247 = arith.index_cast %scan3A_237 : i32 to index
      %swap3A_248 = arith.constant 48 : index
      %swap3A_249 = tpu.vector_load %arg13[%swap3A_247, %swap3A_248] {strides = array<i32>} : memref<64x64xf32, #tpu.memory_space<vmem>>, vector<16xf32>,
      tpu.vector_store %arg13[%swap3A_247, %swap3A_248], %broadcast_in_dim3A_5 {strides = array<i32>} : memref<64x64xf32, #tpu.memory_space<vmem>>, vector<16xf32>,
      %swap3A_250 = arith.index_cast %scan3A_237 : i32 to index
      %swap3A_251 = arith.constant 0 : index
      %swap3A_252 = tpu.vector_load %arg14[%swap3A_250, %swap3A_251] {strides = array<i32>} : memref<64x64xf32, #tpu.memory_space<vmem>>, vector<16xf32>,
      tpu.vector_store %arg14[%swap3A_250, %swap3A_251], %broadcast_in_dim3A_5 {strides = array<i32>} : memref<64x64xf32, #tpu.memory_space<vmem>>, vector<16xf32>,
      %swap3A_253 = arith.index_cast %scan3A_237 : i32 to index
      %swap3A_254 = arith.constant 16 : index
      %swap3A_255 = tpu.vector_load %arg14[%swap3A_253, %swap3A_254] {strides = array<i32>} : memref<64x64xf32, #tpu.memory_space<vmem>>, vector<16xf32>,
      tpu.vector_store %arg14[%swap3A_253, %swap3A_254], %broadcast_in_dim3A_5 {strides = array<i32>} : memref<64x64xf32, #tpu.memory_space<vmem>>, vector<16xf32>,
      %swap3A_256 = arith.index_cast %scan3A_237 : i32 to index
      %swap3A_257 = arith.constant 32 : index
      %swap3A_258 = tpu.vector_load %arg14[%swap3A_256, %swap3A_257] {strides = array<i32>} : memref<64x64xf32, #tpu.memory_space<vmem>>, vector<16xf32>,
      tpu.vector_store %arg14[%swap3A_256, %swap3A_257], %broadcast_in_dim3A_5 {strides = array<i32>} : memref<64x64xf32, #tpu.memory_space<vmem>>, vector<16xf32>,
      %swap3A_259 = arith.index_cast %scan3A_237 : i32 to index
      %swap3A_260 = arith.constant 48 : index
      %swap3A_261 = tpu.vector_load %arg14[%swap3A_259, %swap3A_260] {strides = array<i32>} : memref<64x64xf32, #tpu.memory_space<vmem>>, vector<16xf32>,
      tpu.vector_store %arg14[%swap3A_259, %swap3A_260], %broadcast_in_dim3A_5 {strides = array<i32>} : memref<64x64xf32, #tpu.memory_space<vmem>>, vector<16xf32>,
      %swap3A_262 = arith.index_cast %scan3A_237 : i32 to index
      %swap3A_263 = arith.constant 0 : index
      %swap3A_264 = tpu.vector_load %arg15[%swap3A_262, %swap3A_263] {strides = array<i32>} : memref<64x64xf32, #tpu.memory_space<vmem>>, vector<16xf32>,
      tpu.vector_store %arg15[%swap3A_262, %swap3A_263], %broadcast_in_dim3A_5 {strides = array<i32>} : memref<64x64xf32, #tpu.memory_space<vmem>>, vector<16xf32>,
      %swap3A_265 = arith.index_cast %scan3A_237 : i32 to index
      %swap3A_266 = arith.constant 16 : index
      %swap3A_267 = tpu.vector_load %arg15[%swap3A_265, %swap3A_266] {strides = array<i32>} : memref<64x64xf32, #tpu.memory_space<vmem>>, vector<16xf32>,
      tpu.vector_store %arg15[%swap3A_265, %swap3A_266], %broadcast_in_dim3A_5 {strides = array<i32>} : memref<64x64xf32, #tpu.memory_space<vmem>>, vector<16xf32>,
      %swap3A_268 = arith.index_cast %scan3A_237 : i32 to index
      %swap3A_269 = arith.constant 32 : index
      %swap3A_270 = tpu.vector_load %arg15[%swap3A_268, %swap3A_269] {strides = array<i32>} : memref<64x64xf32, #tpu.memory_space<vmem>>, vector<16xf32>,
      tpu.vector_store %arg15[%swap3A_268, %swap3A_269], %broadcast_in_dim3A_5 {strides = array<i32>} : memref<64x64xf32, #tpu.memory_space<vmem>>, vector<16xf32>,
      %swap3A_271 = arith.index_cast %scan3A_237 : i32 to index
      %swap3A_272 = arith.constant 48 : index
      %swap3A_273 = tpu.vector_load %arg15[%swap3A_271, %swap3A_272] {strides = array<i32>} : memref<64x64xf32, #tpu.memory_space<vmem>>, vector<16xf32>,
      tpu.vector_store %arg15[%swap3A_271, %swap3A_272], %broadcast_in_dim3A_5 {strides = array<i32>} : memref<64x64xf32, #tpu.memory_space<vmem>>, vector<16xf32>,
      %swap3A_274 = arith.index_cast %scan3A_237 : i32 to index
      %swap3A_275 = arith.constant 0 : index
      %swap3A_276 = tpu.vector_load %arg16[%swap3A_274, %swap3A_275] {strides = array<i32>} : memref<64x64xf32, #tpu.memory_space<vmem>>, vector<16xf32>,
      tpu.vector_store %arg16[%swap3A_274, %swap3A_275], %broadcast_in_dim3A_5 {strides = array<i32>} : memref<64x64xf32, #tpu.memory_space<vmem>>, vector<16xf32>,
      %swap3A_277 = arith.index_cast %scan3A_237 : i32 to index
      %swap3A_278 = arith.constant 16 : index
      %swap3A_279 = tpu.vector_load %arg16[%swap3A_277, %swap3A_278] {strides = array<i32>} : memref<64x64xf32, #tpu.memory_space<vmem>>, vector<16xf32>,
      tpu.vector_store %arg16[%swap3A_277, %swap3A_278], %broadcast_in_dim3A_5 {strides = array<i32>} : memref<64x64xf32, #tpu.memory_space<vmem>>, vector<16xf32>,
      %swap3A_280 = arith.index_cast %scan3A_237 : i32 to index
      %swap3A_281 = arith.constant 32 : index
      %swap3A_282 = tpu.vector_load %arg16[%swap3A_280, %swap3A_281] {strides = array<i32>} : memref<64x64xf32, #tpu.memory_space<vmem>>, vector<16xf32>,
      tpu.vector_store %arg16[%swap3A_280, %swap3A_281], %broadcast_in_dim3A_5 {strides = array<i32>} : memref<64x64xf32, #tpu.memory_space<vmem>>, vector<16xf32>,
      %swap3A_283 = arith.index_cast %scan3A_237 : i32 to index
      %swap3A_284 = arith.constant 48 : index
      %swap3A_285 = tpu.vector_load %arg16[%swap3A_283, %swap3A_284] {strides = array<i32>} : memref<64x64xf32, #tpu.memory_space<vmem>>, vector<16xf32>,
      tpu.vector_store %arg16[%swap3A_283, %swap3A_284], %broadcast_in_dim3A_5 {strides = array<i32>} : memref<64x64xf32, #tpu.memory_space<vmem>>, vector<16xf32>,
    }
    %scan3A_10 = arith.constant 64 : i32
    %swap3A = arith.constant 0 : index
    %swap3A_11 = tpu.vector_load %arg17[%swap3A] {strides = array<i32>} : memref<128xf32, #tpu.memory_space<vmem>>, vector<16xf32>,
    tpu.vector_store %arg17[%swap3A], %broadcast_in_dim3A_5 {strides = array<i32>} : memref<128xf32, #tpu.memory_space<vmem>>, vector<16xf32>,
    %swap3A_12 = arith.constant 16 : index
    %swap3A_13 = tpu.vector_load %arg17[%swap3A_12] {strides = array<i32>} : memref<128xf32, #tpu.memory_space<vmem>>, vector<16xf32>,
    tpu.vector_store %arg17[%swap3A_12], %broadcast_in_dim3A_5 {strides = array<i32>} : memref<128xf32, #tpu.memory_space<vmem>>, vector<16xf32>,
    %swap3A_14 = arith.constant 32 : index
    %swap3A_15 = tpu.vector_load %arg17[%swap3A_14] {strides = array<i32>} : memref<128xf32, #tpu.memory_space<vmem>>, vector<16xf32>,
    tpu.vector_store %arg17[%swap3A_14], %broadcast_in_dim3A_5 {strides = array<i32>} : memref<128xf32, #tpu.memory_space<vmem>>, vector<16xf32>,
    %swap3A_16 = arith.constant 48 : index
    %swap3A_17 = tpu.vector_load %arg17[%swap3A_16] {strides = array<i32>} : memref<128xf32, #tpu.memory_space<vmem>>, vector<16xf32>,
    tpu.vector_store %arg17[%swap3A_16], %broadcast_in_dim3A_5 {strides = array<i32>} : memref<128xf32, #tpu.memory_space<vmem>>, vector<16xf32>,
    %swap3A_18 = arith.constant 64 : index
    %swap3A_19 = tpu.vector_load %arg17[%swap3A_18] {strides = array<i32>} : memref<128xf32, #tpu.memory_space<vmem>>, vector<16xf32>,
    tpu.vector_store %arg17[%swap3A_18], %broadcast_in_dim3A_5 {strides = array<i32>} : memref<128xf32, #tpu.memory_space<vmem>>, vector<16xf32>,
    %swap3A_20 = arith.constant 80 : index
    %swap3A_21 = tpu.vector_load %arg17[%swap3A_20] {strides = array<i32>} : memref<128xf32, #tpu.memory_space<vmem>>, vector<16xf32>,
    tpu.vector_store %arg17[%swap3A_20], %broadcast_in_dim3A_5 {strides = array<i32>} : memref<128xf32, #tpu.memory_space<vmem>>, vector<16xf32>,
    %swap3A_22 = arith.constant 96 : index
    %swap3A_23 = tpu.vector_load %arg17[%swap3A_22] {strides = array<i32>} : memref<128xf32, #tpu.memory_space<vmem>>, vector<16xf32>,
    tpu.vector_store %arg17[%swap3A_22], %broadcast_in_dim3A_5 {strides = array<i32>} : memref<128xf32, #tpu.memory_space<vmem>>, vector<16xf32>,
    %swap3A_24 = arith.constant 112 : index
    %swap3A_25 = tpu.vector_load %arg17[%swap3A_24] {strides = array<i32>} : memref<128xf32, #tpu.memory_space<vmem>>, vector<16xf32>,
    tpu.vector_store %arg17[%swap3A_24], %broadcast_in_dim3A_5 {strides = array<i32>} : memref<128xf32, #tpu.memory_space<vmem>>, vector<16xf32>,
    %swap3A_26 = arith.constant 0 : index
    %swap3A_27 = tpu.vector_load %arg18[%swap3A_26] {strides = array<i32>} : memref<128xf32, #tpu.memory_space<vmem>>, vector<16xf32>,
    tpu.vector_store %arg18[%swap3A_26], %broadcast_in_dim3A_5 {strides = array<i32>} : memref<128xf32, #tpu.memory_space<vmem>>, vector<16xf32>,
    %swap3A_28 = arith.constant 16 : index
    %swap3A_29 = tpu.vector_load %arg18[%swap3A_28] {strides = array<i32>} : memref<128xf32, #tpu.memory_space<vmem>>, vector<16xf32>,
    tpu.vector_store %arg18[%swap3A_28], %broadcast_in_dim3A_5 {strides = array<i32>} : memref<128xf32, #tpu.memory_space<vmem>>, vector<16xf32>,
    %swap3A_30 = arith.constant 32 : index
    %swap3A_31 = tpu.vector_load %arg18[%swap3A_30] {strides = array<i32>} : memref<128xf32, #tpu.memory_space<vmem>>, vector<16xf32>,
    tpu.vector_store %arg18[%swap3A_30], %broadcast_in_dim3A_5 {strides = array<i32>} : memref<128xf32, #tpu.memory_space<vmem>>, vector<16xf32>,
    %swap3A_32 = arith.constant 48 : index
    %swap3A_33 = tpu.vector_load %arg18[%swap3A_32] {strides = array<i32>} : memref<128xf32, #tpu.memory_space<vmem>>, vector<16xf32>,
    tpu.vector_store %arg18[%swap3A_32], %broadcast_in_dim3A_5 {strides = array<i32>} : memref<128xf32, #tpu.memory_space<vmem>>, vector<16xf32>,
    %swap3A_34 = arith.constant 64 : index
    %swap3A_35 = tpu.vector_load %arg18[%swap3A_34] {strides = array<i32>} : memref<128xf32, #tpu.memory_space<vmem>>, vector<16xf32>,
    tpu.vector_store %arg18[%swap3A_34], %broadcast_in_dim3A_5 {strides = array<i32>} : memref<128xf32, #tpu.memory_space<vmem>>, vector<16xf32>,
    %swap3A_36 = arith.constant 80 : index
    %swap3A_37 = tpu.vector_load %arg18[%swap3A_36] {strides = array<i32>} : memref<128xf32, #tpu.memory_space<vmem>>, vector<16xf32>,
    tpu.vector_store %arg18[%swap3A_36], %broadcast_in_dim3A_5 {strides = array<i32>} : memref<128xf32, #tpu.memory_space<vmem>>, vector<16xf32>,
    %swap3A_38 = arith.constant 96 : index
    %swap3A_39 = tpu.vector_load %arg18[%swap3A_38] {strides = array<i32>} : memref<128xf32, #tpu.memory_space<vmem>>, vector<16xf32>,
    tpu.vector_store %arg18[%swap3A_38], %broadcast_in_dim3A_5 {strides = array<i32>} : memref<128xf32, #tpu.memory_space<vmem>>, vector<16xf32>,
    %swap3A_40 = arith.constant 112 : index
    %swap3A_41 = tpu.vector_load %arg18[%swap3A_40] {strides = array<i32>} : memref<128xf32, #tpu.memory_space<vmem>>, vector<16xf32>,
    tpu.vector_store %arg18[%swap3A_40], %broadcast_in_dim3A_5 {strides = array<i32>} : memref<128xf32, #tpu.memory_space<vmem>>, vector<16xf32>,
    %swap3A_42 = arith.constant 0 : index
    %swap3A_43 = tpu.vector_load %arg19[%swap3A_42] {strides = array<i32>} : memref<128xf32, #tpu.memory_space<vmem>>, vector<16xf32>,
    tpu.vector_store %arg19[%swap3A_42], %broadcast_in_dim3A_5 {strides = array<i32>} : memref<128xf32, #tpu.memory_space<vmem>>, vector<16xf32>,
    %swap3A_44 = arith.constant 16 : index
    %swap3A_45 = tpu.vector_load %arg19[%swap3A_44] {strides = array<i32>} : memref<128xf32, #tpu.memory_space<vmem>>, vector<16xf32>,
    tpu.vector_store %arg19[%swap3A_44], %broadcast_in_dim3A_5 {strides = array<i32>} : memref<128xf32, #tpu.memory_space<vmem>>, vector<16xf32>,
    %swap3A_46 = arith.constant 32 : index
    %swap3A_47 = tpu.vector_load %arg19[%swap3A_46] {strides = array<i32>} : memref<128xf32, #tpu.memory_space<vmem>>, vector<16xf32>,
    tpu.vector_store %arg19[%swap3A_46], %broadcast_in_dim3A_5 {strides = array<i32>} : memref<128xf32, #tpu.memory_space<vmem>>, vector<16xf32>,
    %swap3A_48 = arith.constant 48 : index
    %swap3A_49 = tpu.vector_load %arg19[%swap3A_48] {strides = array<i32>} : memref<128xf32, #tpu.memory_space<vmem>>, vector<16xf32>,
    tpu.vector_store %arg19[%swap3A_48], %broadcast_in_dim3A_5 {strides = array<i32>} : memref<128xf32, #tpu.memory_space<vmem>>, vector<16xf32>,
    %swap3A_50 = arith.constant 64 : index
    %swap3A_51 = tpu.vector_load %arg19[%swap3A_50] {strides = array<i32>} : memref<128xf32, #tpu.memory_space<vmem>>, vector<16xf32>,
    tpu.vector_store %arg19[%swap3A_50], %broadcast_in_dim3A_5 {strides = array<i32>} : memref<128xf32, #tpu.memory_space<vmem>>, vector<16xf32>,
    %swap3A_52 = arith.constant 80 : index
    %swap3A_53 = tpu.vector_load %arg19[%swap3A_52] {strides = array<i32>} : memref<128xf32, #tpu.memory_space<vmem>>, vector<16xf32>,
    tpu.vector_store %arg19[%swap3A_52], %broadcast_in_dim3A_5 {strides = array<i32>} : memref<128xf32, #tpu.memory_space<vmem>>, vector<16xf32>,
    %swap3A_54 = arith.constant 96 : index
    %swap3A_55 = tpu.vector_load %arg19[%swap3A_54] {strides = array<i32>} : memref<128xf32, #tpu.memory_space<vmem>>, vector<16xf32>,
    tpu.vector_store %arg19[%swap3A_54], %broadcast_in_dim3A_5 {strides = array<i32>} : memref<128xf32, #tpu.memory_space<vmem>>, vector<16xf32>,
    %swap3A_56 = arith.constant 112 : index
    %swap3A_57 = tpu.vector_load %arg19[%swap3A_56] {strides = array<i32>} : memref<128xf32, #tpu.memory_space<vmem>>, vector<16xf32>,
    tpu.vector_store %arg19[%swap3A_56], %broadcast_in_dim3A_5 {strides = array<i32>} : memref<128xf32, #tpu.memory_space<vmem>>, vector<16xf32>,
    %swap3A_58 = arith.constant 0 : index
    %swap3A_59 = tpu.vector_load %arg20[%swap3A_58] {strides = array<i32>} : memref<128xf32, #tpu.memory_space<vmem>>, vector<16xf32>,
    tpu.vector_store %arg20[%swap3A_58], %broadcast_in_dim3A_5 {strides = array<i32>} : memref<128xf32, #tpu.memory_space<vmem>>, vector<16xf32>,
    %swap3A_60 = arith.constant 16 : index
    %swap3A_61 = tpu.vector_load %arg20[%swap3A_60] {strides = array<i32>} : memref<128xf32, #tpu.memory_space<vmem>>, vector<16xf32>,
    tpu.vector_store %arg20[%swap3A_60], %broadcast_in_dim3A_5 {strides = array<i32>} : memref<128xf32, #tpu.memory_space<vmem>>, vector<16xf32>,
    %swap3A_62 = arith.constant 32 : index
    %swap3A_63 = tpu.vector_load %arg20[%swap3A_62] {strides = array<i32>} : memref<128xf32, #tpu.memory_space<vmem>>, vector<16xf32>,
    tpu.vector_store %arg20[%swap3A_62], %broadcast_in_dim3A_5 {strides = array<i32>} : memref<128xf32, #tpu.memory_space<vmem>>, vector<16xf32>,
    %swap3A_64 = arith.constant 48 : index
    %swap3A_65 = tpu.vector_load %arg20[%swap3A_64] {strides = array<i32>} : memref<128xf32, #tpu.memory_space<vmem>>, vector<16xf32>,
    tpu.vector_store %arg20[%swap3A_64], %broadcast_in_dim3A_5 {strides = array<i32>} : memref<128xf32, #tpu.memory_space<vmem>>, vector<16xf32>,
    %swap3A_66 = arith.constant 64 : index
    %swap3A_67 = tpu.vector_load %arg20[%swap3A_66] {strides = array<i32>} : memref<128xf32, #tpu.memory_space<vmem>>, vector<16xf32>,
    tpu.vector_store %arg20[%swap3A_66], %broadcast_in_dim3A_5 {strides = array<i32>} : memref<128xf32, #tpu.memory_space<vmem>>, vector<16xf32>,
    %swap3A_68 = arith.constant 80 : index
    %swap3A_69 = tpu.vector_load %arg20[%swap3A_68] {strides = array<i32>} : memref<128xf32, #tpu.memory_space<vmem>>, vector<16xf32>,
    tpu.vector_store %arg20[%swap3A_68], %broadcast_in_dim3A_5 {strides = array<i32>} : memref<128xf32, #tpu.memory_space<vmem>>, vector<16xf32>,
    %swap3A_70 = arith.constant 96 : index
    %swap3A_71 = tpu.vector_load %arg20[%swap3A_70] {strides = array<i32>} : memref<128xf32, #tpu.memory_space<vmem>>, vector<16xf32>,
    tpu.vector_store %arg20[%swap3A_70], %broadcast_in_dim3A_5 {strides = array<i32>} : memref<128xf32, #tpu.memory_space<vmem>>, vector<16xf32>,
    %swap3A_72 = arith.constant 112 : index
    %swap3A_73 = tpu.vector_load %arg20[%swap3A_72] {strides = array<i32>} : memref<128xf32, #tpu.memory_space<vmem>>, vector<16xf32>,
    tpu.vector_store %arg20[%swap3A_72], %broadcast_in_dim3A_5 {strides = array<i32>} : memref<128xf32, #tpu.memory_space<vmem>>, vector<16xf32>,
    %add3A_74 = arith.constant 0 : i32
    %add3A_75 = arith.addi %mul3A_2, %add3A_74 : i32
    %dma_start3A = arith.constant 0 : i32
    %dma_start3A_76 = arith.constant 0 : i32
    %dma_start3A_77 = tpu.memref_slice %arg2[%add3A_75, %dma_start3A, %dma_start3A_76] : memref<1024x2x1024xi32, #tpu.memory_space<hbm>> -> memref<1x2x1024xi32, #tpu.memory_space<hbm>>
    %dma_start3A_78 = tpu.memref_squeeze %dma_start3A_77 : memref<1x2x1024xi32, #tpu.memory_space<hbm>> -> memref<2x1024xi32, #tpu.memory_space<hbm>>
    %dma_start3A_79 = arith.constant 0 : i32
    %dma_start3A_80 = arith.constant 0 : i32
    %dma_start3A_81 = tpu.memref_slice %arg2[%add3A_75, %dma_start3A_79, %dma_start3A_80] : memref<1024x2x1024xi32, #tpu.memory_space<hbm>> -> memref<1x2x1024xi32, #tpu.memory_space<hbm>>
    %dma_start3A_82 = tpu.memref_squeeze %dma_start3A_81 : memref<1x2x1024xi32, #tpu.memory_space<hbm>> -> memref<2x1024xi32, #tpu.memory_space<hbm>>
    tpu.enqueue_dma source(%dma_start3A_82 : memref<2x1024xi32, #tpu.memory_space<hbm>>) target(%arg5 : memref<2x1024xi32, #tpu.memory_space<vmem>>) target_semaphore(%arg21 : memref<!tpu.dma_semaphore, #tpu.memory_space<semaphore_mem>>)
    %add3A_83 = arith.constant 1 : i32
    %add3A_84 = arith.addi %mul3A_2, %add3A_83 : i32
    %dma_start3A_85 = arith.constant 0 : i32
    %dma_start3A_86 = arith.constant 0 : i32
    %dma_start3A_87 = tpu.memref_slice %arg2[%add3A_84, %dma_start3A_85, %dma_start3A_86] : memref<1024x2x1024xi32, #tpu.memory_space<hbm>> -> memref<1x2x1024xi32, #tpu.memory_space<hbm>>
    %dma_start3A_88 = tpu.memref_squeeze %dma_start3A_87 : memref<1x2x1024xi32, #tpu.memory_space<hbm>> -> memref<2x1024xi32, #tpu.memory_space<hbm>>
    %dma_start3A_89 = arith.constant 0 : i32
    %dma_start3A_90 = arith.constant 0 : i32
    %dma_start3A_91 = tpu.memref_slice %arg2[%add3A_84, %dma_start3A_89, %dma_start3A_90] : memref<1024x2x1024xi32, #tpu.memory_space<hbm>> -> memref<1x2x1024xi32, #tpu.memory_space<hbm>>
    %dma_start3A_92 = tpu.memref_squeeze %dma_start3A_91 : memref<1x2x1024xi32, #tpu.memory_space<hbm>> -> memref<2x1024xi32, #tpu.memory_space<hbm>>
    tpu.enqueue_dma source(%dma_start3A_92 : memref<2x1024xi32, #tpu.memory_space<hbm>>) target(%arg6 : memref<2x1024xi32, #tpu.memory_space<vmem>>) target_semaphore(%arg22 : memref<!tpu.dma_semaphore, #tpu.memory_space<semaphore_mem>>)
    %add3A_93 = arith.constant 2 : i32
    %add3A_94 = arith.addi %mul3A_2, %add3A_93 : i32
    %dma_start3A_95 = arith.constant 0 : i32
    %dma_start3A_96 = arith.constant 0 : i32
    %dma_start3A_97 = tpu.memref_slice %arg2[%add3A_94, %dma_start3A_95, %dma_start3A_96] : memref<1024x2x1024xi32, #tpu.memory_space<hbm>> -> memref<1x2x1024xi32, #tpu.memory_space<hbm>>
    %dma_start3A_98 = tpu.memref_squeeze %dma_start3A_97 : memref<1x2x1024xi32, #tpu.memory_space<hbm>> -> memref<2x1024xi32, #tpu.memory_space<hbm>>
    %dma_start3A_99 = arith.constant 0 : i32
    %dma_start3A_100 = arith.constant 0 : i32
    %dma_start3A_101 = tpu.memref_slice %arg2[%add3A_94, %dma_start3A_99, %dma_start3A_100] : memref<1024x2x1024xi32, #tpu.memory_space<hbm>> -> memref<1x2x1024xi32, #tpu.memory_space<hbm>>
    %dma_start3A_102 = tpu.memref_squeeze %dma_start3A_101 : memref<1x2x1024xi32, #tpu.memory_space<hbm>> -> memref<2x1024xi32, #tpu.memory_space<hbm>>
    tpu.enqueue_dma source(%dma_start3A_102 : memref<2x1024xi32, #tpu.memory_space<hbm>>) target(%arg7 : memref<2x1024xi32, #tpu.memory_space<vmem>>) target_semaphore(%arg23 : memref<!tpu.dma_semaphore, #tpu.memory_space<semaphore_mem>>)
    %add3A_103 = arith.constant 3 : i32
    %add3A_104 = arith.addi %mul3A_2, %add3A_103 : i32
    %dma_start3A_105 = arith.constant 0 : i32
    %dma_start3A_106 = arith.constant 0 : i32
    %dma_start3A_107 = tpu.memref_slice %arg2[%add3A_104, %dma_start3A_105, %dma_start3A_106] : memref<1024x2x1024xi32, #tpu.memory_space<hbm>> -> memref<1x2x1024xi32, #tpu.memory_space<hbm>>
    %dma_start3A_108 = tpu.memref_squeeze %dma_start3A_107 : memref<1x2x1024xi32, #tpu.memory_space<hbm>> -> memref<2x1024xi32, #tpu.memory_space<hbm>>
    %dma_start3A_109 = arith.constant 0 : i32
    %dma_start3A_110 = arith.constant 0 : i32
    %dma_start3A_111 = tpu.memref_slice %arg2[%add3A_104, %dma_start3A_109, %dma_start3A_110] : memref<1024x2x1024xi32, #tpu.memory_space<hbm>> -> memref<1x2x1024xi32, #tpu.memory_space<hbm>>
    %dma_start3A_112 = tpu.memref_squeeze %dma_start3A_111 : memref<1x2x1024xi32, #tpu.memory_space<hbm>> -> memref<2x1024xi32, #tpu.memory_space<hbm>>
    tpu.enqueue_dma source(%dma_start3A_112 : memref<2x1024xi32, #tpu.memory_space<hbm>>) target(%arg8 : memref<2x1024xi32, #tpu.memory_space<vmem>>) target_semaphore(%arg24 : memref<!tpu.dma_semaphore, #tpu.memory_space<semaphore_mem>>)
    %add3A_113 = arith.constant 4 : i32
    %add3A_114 = arith.addi %mul3A_2, %add3A_113 : i32
    %dma_start3A_115 = arith.constant 0 : i32
    %dma_start3A_116 = arith.constant 0 : i32
    %dma_start3A_117 = tpu.memref_slice %arg2[%add3A_114, %dma_start3A_115, %dma_start3A_116] : memref<1024x2x1024xi32, #tpu.memory_space<hbm>> -> memref<1x2x1024xi32, #tpu.memory_space<hbm>>
    %dma_start3A_118 = tpu.memref_squeeze %dma_start3A_117 : memref<1x2x1024xi32, #tpu.memory_space<hbm>> -> memref<2x1024xi32, #tpu.memory_space<hbm>>
    %dma_start3A_119 = arith.constant 0 : i32
    %dma_start3A_120 = arith.constant 0 : i32
    %dma_start3A_121 = tpu.memref_slice %arg2[%add3A_114, %dma_start3A_119, %dma_start3A_120] : memref<1024x2x1024xi32, #tpu.memory_space<hbm>> -> memref<1x2x1024xi32, #tpu.memory_space<hbm>>
    %dma_start3A_122 = tpu.memref_squeeze %dma_start3A_121 : memref<1x2x1024xi32, #tpu.memory_space<hbm>> -> memref<2x1024xi32, #tpu.memory_space<hbm>>
    tpu.enqueue_dma source(%dma_start3A_122 : memref<2x1024xi32, #tpu.memory_space<hbm>>) target(%arg9 : memref<2x1024xi32, #tpu.memory_space<vmem>>) target_semaphore(%arg25 : memref<!tpu.dma_semaphore, #tpu.memory_space<semaphore_mem>>)
    %add3A_123 = arith.constant 5 : i32
    %add3A_124 = arith.addi %mul3A_2, %add3A_123 : i32
    %dma_start3A_125 = arith.constant 0 : i32
    %dma_start3A_126 = arith.constant 0 : i32
    %dma_start3A_127 = tpu.memref_slice %arg2[%add3A_124, %dma_start3A_125, %dma_start3A_126] : memref<1024x2x1024xi32, #tpu.memory_space<hbm>> -> memref<1x2x1024xi32, #tpu.memory_space<hbm>>
    %dma_start3A_128 = tpu.memref_squeeze %dma_start3A_127 : memref<1x2x1024xi32, #tpu.memory_space<hbm>> -> memref<2x1024xi32, #tpu.memory_space<hbm>>
    %dma_start3A_129 = arith.constant 0 : i32
    %dma_start3A_130 = arith.constant 0 : i32
    %dma_start3A_131 = tpu.memref_slice %arg2[%add3A_124, %dma_start3A_129, %dma_start3A_130] : memref<1024x2x1024xi32, #tpu.memory_space<hbm>> -> memref<1x2x1024xi32, #tpu.memory_space<hbm>>
    %dma_start3A_132 = tpu.memref_squeeze %dma_start3A_131 : memref<1x2x1024xi32, #tpu.memory_space<hbm>> -> memref<2x1024xi32, #tpu.memory_space<hbm>>
    tpu.enqueue_dma source(%dma_start3A_132 : memref<2x1024xi32, #tpu.memory_space<hbm>>) target(%arg10 : memref<2x1024xi32, #tpu.memory_space<vmem>>) target_semaphore(%arg26 : memref<!tpu.dma_semaphore, #tpu.memory_space<semaphore_mem>>)
    %add3A_133 = arith.constant 6 : i32
    %add3A_134 = arith.addi %mul3A_2, %add3A_133 : i32
    %dma_start3A_135 = arith.constant 0 : i32
    %dma_start3A_136 = arith.constant 0 : i32
    %dma_start3A_137 = tpu.memref_slice %arg2[%add3A_134, %dma_start3A_135, %dma_start3A_136] : memref<1024x2x1024xi32, #tpu.memory_space<hbm>> -> memref<1x2x1024xi32, #tpu.memory_space<hbm>>
    %dma_start3A_138 = tpu.memref_squeeze %dma_start3A_137 : memref<1x2x1024xi32, #tpu.memory_space<hbm>> -> memref<2x1024xi32, #tpu.memory_space<hbm>>
    %dma_start3A_139 = arith.constant 0 : i32
    %dma_start3A_140 = arith.constant 0 : i32
    %dma_start3A_141 = tpu.memref_slice %arg2[%add3A_134, %dma_start3A_139, %dma_start3A_140] : memref<1024x2x1024xi32, #tpu.memory_space<hbm>> -> memref<1x2x1024xi32, #tpu.memory_space<hbm>>
    %dma_start3A_142 = tpu.memref_squeeze %dma_start3A_141 : memref<1x2x1024xi32, #tpu.memory_space<hbm>> -> memref<2x1024xi32, #tpu.memory_space<hbm>>
    tpu.enqueue_dma source(%dma_start3A_142 : memref<2x1024xi32, #tpu.memory_space<hbm>>) target(%arg11 : memref<2x1024xi32, #tpu.memory_space<vmem>>) target_semaphore(%arg27 : memref<!tpu.dma_semaphore, #tpu.memory_space<semaphore_mem>>)
    %add3A_143 = arith.constant 7 : i32
    %add3A_144 = arith.addi %mul3A_2, %add3A_143 : i32
    %dma_start3A_145 = arith.constant 0 : i32
    %dma_start3A_146 = arith.constant 0 : i32
    %dma_start3A_147 = tpu.memref_slice %arg2[%add3A_144, %dma_start3A_145, %dma_start3A_146] : memref<1024x2x1024xi32, #tpu.memory_space<hbm>> -> memref<1x2x1024xi32, #tpu.memory_space<hbm>>
    %dma_start3A_148 = tpu.memref_squeeze %dma_start3A_147 : memref<1x2x1024xi32, #tpu.memory_space<hbm>> -> memref<2x1024xi32, #tpu.memory_space<hbm>>
    %dma_start3A_149 = arith.constant 0 : i32
    %dma_start3A_150 = arith.constant 0 : i32
    %dma_start3A_151 = tpu.memref_slice %arg2[%add3A_144, %dma_start3A_149, %dma_start3A_150] : memref<1024x2x1024xi32, #tpu.memory_space<hbm>> -> memref<1x2x1024xi32, #tpu.memory_space<hbm>>
    %dma_start3A_152 = tpu.memref_squeeze %dma_start3A_151 : memref<1x2x1024xi32, #tpu.memory_space<hbm>> -> memref<2x1024xi32, #tpu.memory_space<hbm>>
    tpu.enqueue_dma source(%dma_start3A_152 : memref<2x1024xi32, #tpu.memory_space<hbm>>) target(%arg12 : memref<2x1024xi32, #tpu.memory_space<vmem>>) target_semaphore(%arg28 : memref<!tpu.dma_semaphore, #tpu.memory_space<semaphore_mem>>)
    %scan3A_153 = arith.constant 0 : i32
    %scan3A_154 = arith.constant 0 : i32
    %scan3A_155 = arith.constant 4 : i32
    %scan3A_156 = arith.addi %scan3A_154, %scan3A_155 : i32
    %scan3A_157 = arith.constant 1 : i32
    scf.for %scan3A_237 = %scan3A_154 to %scan3A_156 step %scan3A_157  : i32 {
      %mul3A_238 = arith.constant 8 : i32
      %mul3A_239 = arith.muli %mul3A_238, %scan3A_237 : i32
      %add3A_240 = arith.addi %mul3A_2, %mul3A_239 : i32
      %add3A_241 = arith.constant 0 : i32
      %add3A_242 = arith.addi %add3A_240, %add3A_241 : i32
      %dma_wait3A_243 = arith.constant 0 : i32
      %dma_wait3A_244 = arith.constant 0 : i32
      %dma_wait3A_245 = tpu.memref_slice %arg2[%add3A_242, %dma_wait3A_243, %dma_wait3A_244] : memref<1024x2x1024xi32, #tpu.memory_space<hbm>> -> memref<1x2x1024xi32, #tpu.memory_space<hbm>>
      %dma_wait3A_246 = tpu.memref_squeeze %dma_wait3A_245 : memref<1x2x1024xi32, #tpu.memory_space<hbm>> -> memref<2x1024xi32, #tpu.memory_space<hbm>>
      %dma_wait3A_247 = arith.constant 0 : i32
      %dma_wait3A_248 = arith.constant 0 : i32
      %dma_wait3A_249 = tpu.memref_slice %arg2[%add3A_242, %dma_wait3A_247, %dma_wait3A_248] : memref<1024x2x1024xi32, #tpu.memory_space<hbm>> -> memref<1x2x1024xi32, #tpu.memory_space<hbm>>
      %dma_wait3A_250 = tpu.memref_squeeze %dma_wait3A_249 : memref<1x2x1024xi32, #tpu.memory_space<hbm>> -> memref<2x1024xi32, #tpu.memory_space<hbm>>
      tpu.wait_dma2 semaphore(%arg21 : memref<!tpu.dma_semaphore, #tpu.memory_space<semaphore_mem>>) src(%dma_wait3A_250 : memref<2x1024xi32, #tpu.memory_space<hbm>>) dst(%arg5 : memref<2x1024xi32, #tpu.memory_space<vmem>>)
      %gt3A = arith.constant 0 : i32
      %gt3A_251 = arith.cmpi sgt, %scan3A_237, %gt3A : i32
      %convert_element_type3A = arith.extui %gt3A_251 : i1 to i32
      %cond3A = arith.constant 0 : i32
      %cond3A_252 = arith.cmpi ne, %convert_element_type3A, %cond3A : i32
      scf.if %cond3A_252 {
        %sub3A_632 = arith.constant 4 : i32
        %sub3A_633 = arith.subi %add3A_242, %sub3A_632 : i32
        %dma_wait3A_634 = arith.constant 0 : i32
        %dma_wait3A_635 = arith.constant 0 : i32
        %dma_wait3A_636 = tpu.memref_slice %arg3[%sub3A_633, %dma_wait3A_634, %dma_wait3A_635] : memref<1024x64x64xf32, #tpu.memory_space<hbm>> -> memref<1x64x64xf32, #tpu.memory_space<hbm>>
        %dma_wait3A_637 = tpu.memref_squeeze %dma_wait3A_636 : memref<1x64x64xf32, #tpu.memory_space<hbm>> -> memref<64x64xf32, #tpu.memory_space<hbm>>
        %dma_wait3A_638 = arith.constant 0 : i32
        %dma_wait3A_639 = arith.constant 0 : i32
        %dma_wait3A_640 = tpu.memref_slice %arg3[%sub3A_633, %dma_wait3A_638, %dma_wait3A_639] : memref<1024x64x64xf32, #tpu.memory_space<hbm>> -> memref<1x64x64xf32, #tpu.memory_space<hbm>>
        %dma_wait3A_641 = tpu.memref_squeeze %dma_wait3A_640 : memref<1x64x64xf32, #tpu.memory_space<hbm>> -> memref<64x64xf32, #tpu.memory_space<hbm>>
        tpu.wait_dma2 semaphore(%arg29 : memref<!tpu.dma_semaphore, #tpu.memory_space<semaphore_mem>>) src(%arg13 : memref<64x64xf32, #tpu.memory_space<vmem>>) dst(%dma_wait3A_641 : memref<64x64xf32, #tpu.memory_space<hbm>>)
        %sub3A_642 = arith.constant 4 : i32
        %sub3A_643 = arith.subi %add3A_242, %sub3A_642 : i32
        %dma_wait3A_644 = arith.constant 0 : i32
        %dma_wait3A_645 = tpu.memref_slice %arg4[%sub3A_643, %dma_wait3A_644] : memref<1024x128xf32, #tpu.memory_space<hbm>> -> memref<1x128xf32, #tpu.memory_space<hbm>>
        %dma_wait3A_646 = tpu.memref_squeeze %dma_wait3A_645 : memref<1x128xf32, #tpu.memory_space<hbm>> -> memref<128xf32, #tpu.memory_space<hbm>>
        %dma_wait3A_647 = arith.constant 0 : i32
        %dma_wait3A_648 = tpu.memref_slice %arg4[%sub3A_643, %dma_wait3A_647] : memref<1024x128xf32, #tpu.memory_space<hbm>> -> memref<1x128xf32, #tpu.memory_space<hbm>>
        %dma_wait3A_649 = tpu.memref_squeeze %dma_wait3A_648 : memref<1x128xf32, #tpu.memory_space<hbm>> -> memref<128xf32, #tpu.memory_space<hbm>>
        tpu.wait_dma2 semaphore(%arg33 : memref<!tpu.dma_semaphore, #tpu.memory_space<semaphore_mem>>) src(%arg17 : memref<128xf32, #tpu.memory_space<vmem>>) dst(%dma_wait3A_649 : memref<128xf32, #tpu.memory_space<hbm>>)
      } else {
      }
      %parallel_loop3A = arith.constant 0 : i32
      %parallel_loop3A_253 = arith.constant 64 : i32
      %parallel_loop3A_254 = arith.constant 1 : i32
      scf.for %parallel_loop3A_632 = %parallel_loop3A to %parallel_loop3A_253 step %parallel_loop3A_254  : i32 {
        %parallel_loop3A_633 = arith.constant 16 : i32
        %parallel_loop3A_634 = arith.muli %parallel_loop3A_632, %parallel_loop3A_633 : i32
        %parallel_loop3A_635 = arith.constant 0 : i32
        %parallel_loop3A_636 = arith.index_cast %parallel_loop3A_635 : i32 to index
        %parallel_loop3A_637 = arith.index_cast %parallel_loop3A_634 : i32 to index
        %parallel_loop3A_638 = tpu.vector_load %arg5[%parallel_loop3A_636, %parallel_loop3A_637] {strides = array<i32>} : memref<2x1024xi32, #tpu.memory_space<vmem>>, vector<16xi32>,
        %parallel_loop3A_639 = arith.constant 16 : i32
        %parallel_loop3A_640 = arith.muli %parallel_loop3A_632, %parallel_loop3A_639 : i32
        %parallel_loop3A_641 = arith.constant 1 : i32
        %parallel_loop3A_642 = arith.index_cast %parallel_loop3A_641 : i32 to index
        %parallel_loop3A_643 = arith.index_cast %parallel_loop3A_640 : i32 to index
        %parallel_loop3A_644 = tpu.vector_load %arg5[%parallel_loop3A_642, %parallel_loop3A_643] {strides = array<i32>} : memref<2x1024xi32, #tpu.memory_space<vmem>>, vector<16xi32>,
        tpu.vector_store_idx %arg13[%parallel_loop3A_638, %parallel_loop3A_644], %broadcast_in_dim3A_3 {add = true} : memref<64x64xf32, #tpu.memory_space<vmem>>[vector<16xi32>, vector<16xi32>], vector<16xf32>,
        tpu.vector_store_idx %arg17[%parallel_loop3A_644], %broadcast_in_dim3A_3 {add = true} : memref<128xf32, #tpu.memory_space<vmem>>[vector<16xi32>], vector<16xf32>,
        %parallel_loop3A_645 = arith.constant 64 : i32
        %parallel_loop3A_646 = vector.broadcast %parallel_loop3A_645 : i32 to vector<16xi32>
        %parallel_loop3A_647 = arith.addi %parallel_loop3A_638, %parallel_loop3A_646 : vector<16xi32>
        tpu.vector_store_idx %arg17[%parallel_loop3A_647], %broadcast_in_dim3A_3 {add = true} : memref<128xf32, #tpu.memory_space<vmem>>[vector<16xi32>], vector<16xf32>,
      } {sc.loop_unroll_factor = 8 : i64, sc.parallel_access}
      %dma_start3A_255 = arith.constant 0 : i32
      %dma_start3A_256 = arith.constant 0 : i32
      %dma_start3A_257 = tpu.memref_slice %arg3[%add3A_242, %dma_start3A_255, %dma_start3A_256] : memref<1024x64x64xf32, #tpu.memory_space<hbm>> -> memref<1x64x64xf32, #tpu.memory_space<hbm>>
      %dma_start3A_258 = tpu.memref_squeeze %dma_start3A_257 : memref<1x64x64xf32, #tpu.memory_space<hbm>> -> memref<64x64xf32, #tpu.memory_space<hbm>>
      %dma_start3A_259 = arith.constant 0 : i32
      %dma_start3A_260 = arith.constant 0 : i32
      %dma_start3A_261 = tpu.memref_slice %arg3[%add3A_242, %dma_start3A_259, %dma_start3A_260] : memref<1024x64x64xf32, #tpu.memory_space<hbm>> -> memref<1x64x64xf32, #tpu.memory_space<hbm>>
      %dma_start3A_262 = tpu.memref_squeeze %dma_start3A_261 : memref<1x64x64xf32, #tpu.memory_space<hbm>> -> memref<64x64xf32, #tpu.memory_space<hbm>>
      tpu.enqueue_dma source(%arg13 : memref<64x64xf32, #tpu.memory_space<vmem>>) target(%dma_start3A_262 : memref<64x64xf32, #tpu.memory_space<hbm>>) target_semaphore(%arg29 : memref<!tpu.dma_semaphore, #tpu.memory_space<semaphore_mem>>)
      %dma_start3A_263 = arith.constant 0 : i32
      %dma_start3A_264 = tpu.memref_slice %arg4[%add3A_242, %dma_start3A_263] : memref<1024x128xf32, #tpu.memory_space<hbm>> -> memref<1x128xf32, #tpu.memory_space<hbm>>
      %dma_start3A_265 = tpu.memref_squeeze %dma_start3A_264 : memref<1x128xf32, #tpu.memory_space<hbm>> -> memref<128xf32, #tpu.memory_space<hbm>>
      %dma_start3A_266 = arith.constant 0 : i32
      %dma_start3A_267 = tpu.memref_slice %arg4[%add3A_242, %dma_start3A_266] : memref<1024x128xf32, #tpu.memory_space<hbm>> -> memref<1x128xf32, #tpu.memory_space<hbm>>
      %dma_start3A_268 = tpu.memref_squeeze %dma_start3A_267 : memref<1x128xf32, #tpu.memory_space<hbm>> -> memref<128xf32, #tpu.memory_space<hbm>>
      tpu.enqueue_dma source(%arg17 : memref<128xf32, #tpu.memory_space<vmem>>) target(%dma_start3A_268 : memref<128xf32, #tpu.memory_space<hbm>>) target_semaphore(%arg33 : memref<!tpu.dma_semaphore, #tpu.memory_space<semaphore_mem>>)
      %mul3A_269 = arith.constant 8 : i32
      %mul3A_270 = arith.muli %mul3A_269, %scan3A_237 : i32
      %add3A_271 = arith.constant 0 : i32
      %add3A_272 = arith.addi %mul3A_270, %add3A_271 : i32
      %add3A_273 = arith.constant 8 : i32
      %add3A_274 = arith.addi %add3A_272, %add3A_273 : i32
      %lt3A = arith.constant 32 : i32
      %lt3A_275 = arith.cmpi slt, %add3A_274, %lt3A : i32
      %convert_element_type3A_276 = arith.extui %lt3A_275 : i1 to i32
      %cond3A_277 = arith.constant 0 : i32
      %cond3A_278 = arith.cmpi ne, %convert_element_type3A_276, %cond3A_277 : i32
      scf.if %cond3A_278 {
        %add3A_632 = arith.constant 8 : i32
        %add3A_633 = arith.addi %add3A_242, %add3A_632 : i32
        %dma_start3A_634 = arith.constant 0 : i32
        %dma_start3A_635 = arith.constant 0 : i32
        %dma_start3A_636 = tpu.memref_slice %arg2[%add3A_633, %dma_start3A_634, %dma_start3A_635] : memref<1024x2x1024xi32, #tpu.memory_space<hbm>> -> memref<1x2x1024xi32, #tpu.memory_space<hbm>>
        %dma_start3A_637 = tpu.memref_squeeze %dma_start3A_636 : memref<1x2x1024xi32, #tpu.memory_space<hbm>> -> memref<2x1024xi32, #tpu.memory_space<hbm>>
        %dma_start3A_638 = arith.constant 0 : i32
        %dma_start3A_639 = arith.constant 0 : i32
        %dma_start3A_640 = tpu.memref_slice %arg2[%add3A_633, %dma_start3A_638, %dma_start3A_639] : memref<1024x2x1024xi32, #tpu.memory_space<hbm>> -> memref<1x2x1024xi32, #tpu.memory_space<hbm>>
        %dma_start3A_641 = tpu.memref_squeeze %dma_start3A_640 : memref<1x2x1024xi32, #tpu.memory_space<hbm>> -> memref<2x1024xi32, #tpu.memory_space<hbm>>
        tpu.enqueue_dma source(%dma_start3A_641 : memref<2x1024xi32, #tpu.memory_space<hbm>>) target(%arg5 : memref<2x1024xi32, #tpu.memory_space<vmem>>) target_semaphore(%arg21 : memref<!tpu.dma_semaphore, #tpu.memory_space<semaphore_mem>>)
      } else {
      }
      %add3A_279 = arith.constant 1 : i32
      %add3A_280 = arith.addi %add3A_240, %add3A_279 : i32
      %dma_wait3A_281 = arith.constant 0 : i32
      %dma_wait3A_282 = arith.constant 0 : i32
      %dma_wait3A_283 = tpu.memref_slice %arg2[%add3A_280, %dma_wait3A_281, %dma_wait3A_282] : memref<1024x2x1024xi32, #tpu.memory_space<hbm>> -> memref<1x2x1024xi32, #tpu.memory_space<hbm>>
      %dma_wait3A_284 = tpu.memref_squeeze %dma_wait3A_283 : memref<1x2x1024xi32, #tpu.memory_space<hbm>> -> memref<2x1024xi32, #tpu.memory_space<hbm>>
      %dma_wait3A_285 = arith.constant 0 : i32
      %dma_wait3A_286 = arith.constant 0 : i32
      %dma_wait3A_287 = tpu.memref_slice %arg2[%add3A_280, %dma_wait3A_285, %dma_wait3A_286] : memref<1024x2x1024xi32, #tpu.memory_space<hbm>> -> memref<1x2x1024xi32, #tpu.memory_space<hbm>>
      %dma_wait3A_288 = tpu.memref_squeeze %dma_wait3A_287 : memref<1x2x1024xi32, #tpu.memory_space<hbm>> -> memref<2x1024xi32, #tpu.memory_space<hbm>>
      tpu.wait_dma2 semaphore(%arg22 : memref<!tpu.dma_semaphore, #tpu.memory_space<semaphore_mem>>) src(%dma_wait3A_288 : memref<2x1024xi32, #tpu.memory_space<hbm>>) dst(%arg6 : memref<2x1024xi32, #tpu.memory_space<vmem>>)
      %gt3A_289 = arith.constant 0 : i32
      %gt3A_290 = arith.cmpi sgt, %scan3A_237, %gt3A_289 : i32
      %convert_element_type3A_291 = arith.extui %gt3A_290 : i1 to i32
      %cond3A_292 = arith.constant 0 : i32
      %cond3A_293 = arith.cmpi ne, %convert_element_type3A_291, %cond3A_292 : i32
      scf.if %cond3A_293 {
        %sub3A_632 = arith.constant 4 : i32
        %sub3A_633 = arith.subi %add3A_280, %sub3A_632 : i32
        %dma_wait3A_634 = arith.constant 0 : i32
        %dma_wait3A_635 = arith.constant 0 : i32
        %dma_wait3A_636 = tpu.memref_slice %arg3[%sub3A_633, %dma_wait3A_634, %dma_wait3A_635] : memref<1024x64x64xf32, #tpu.memory_space<hbm>> -> memref<1x64x64xf32, #tpu.memory_space<hbm>>
        %dma_wait3A_637 = tpu.memref_squeeze %dma_wait3A_636 : memref<1x64x64xf32, #tpu.memory_space<hbm>> -> memref<64x64xf32, #tpu.memory_space<hbm>>
        %dma_wait3A_638 = arith.constant 0 : i32
        %dma_wait3A_639 = arith.constant 0 : i32
        %dma_wait3A_640 = tpu.memref_slice %arg3[%sub3A_633, %dma_wait3A_638, %dma_wait3A_639] : memref<1024x64x64xf32, #tpu.memory_space<hbm>> -> memref<1x64x64xf32, #tpu.memory_space<hbm>>
        %dma_wait3A_641 = tpu.memref_squeeze %dma_wait3A_640 : memref<1x64x64xf32, #tpu.memory_space<hbm>> -> memref<64x64xf32, #tpu.memory_space<hbm>>
        tpu.wait_dma2 semaphore(%arg30 : memref<!tpu.dma_semaphore, #tpu.memory_space<semaphore_mem>>) src(%arg14 : memref<64x64xf32, #tpu.memory_space<vmem>>) dst(%dma_wait3A_641 : memref<64x64xf32, #tpu.memory_space<hbm>>)
        %sub3A_642 = arith.constant 4 : i32
        %sub3A_643 = arith.subi %add3A_280, %sub3A_642 : i32
        %dma_wait3A_644 = arith.constant 0 : i32
        %dma_wait3A_645 = tpu.memref_slice %arg4[%sub3A_643, %dma_wait3A_644] : memref<1024x128xf32, #tpu.memory_space<hbm>> -> memref<1x128xf32, #tpu.memory_space<hbm>>
        %dma_wait3A_646 = tpu.memref_squeeze %dma_wait3A_645 : memref<1x128xf32, #tpu.memory_space<hbm>> -> memref<128xf32, #tpu.memory_space<hbm>>
        %dma_wait3A_647 = arith.constant 0 : i32
        %dma_wait3A_648 = tpu.memref_slice %arg4[%sub3A_643, %dma_wait3A_647] : memref<1024x128xf32, #tpu.memory_space<hbm>> -> memref<1x128xf32, #tpu.memory_space<hbm>>
        %dma_wait3A_649 = tpu.memref_squeeze %dma_wait3A_648 : memref<1x128xf32, #tpu.memory_space<hbm>> -> memref<128xf32, #tpu.memory_space<hbm>>
        tpu.wait_dma2 semaphore(%arg34 : memref<!tpu.dma_semaphore, #tpu.memory_space<semaphore_mem>>) src(%arg18 : memref<128xf32, #tpu.memory_space<vmem>>) dst(%dma_wait3A_649 : memref<128xf32, #tpu.memory_space<hbm>>)
      } else {
      }
      %parallel_loop3A_294 = arith.constant 0 : i32
      %parallel_loop3A_295 = arith.constant 64 : i32
      %parallel_loop3A_296 = arith.constant 1 : i32
      scf.for %parallel_loop3A_632 = %parallel_loop3A_294 to %parallel_loop3A_295 step %parallel_loop3A_296  : i32 {
        %parallel_loop3A_633 = arith.constant 16 : i32
        %parallel_loop3A_634 = arith.muli %parallel_loop3A_632, %parallel_loop3A_633 : i32
        %parallel_loop3A_635 = arith.constant 0 : i32
        %parallel_loop3A_636 = arith.index_cast %parallel_loop3A_635 : i32 to index
        %parallel_loop3A_637 = arith.index_cast %parallel_loop3A_634 : i32 to index
        %parallel_loop3A_638 = tpu.vector_load %arg6[%parallel_loop3A_636, %parallel_loop3A_637] {strides = array<i32>} : memref<2x1024xi32, #tpu.memory_space<vmem>>, vector<16xi32>,
        %parallel_loop3A_639 = arith.constant 16 : i32
        %parallel_loop3A_640 = arith.muli %parallel_loop3A_632, %parallel_loop3A_639 : i32
        %parallel_loop3A_641 = arith.constant 1 : i32
        %parallel_loop3A_642 = arith.index_cast %parallel_loop3A_641 : i32 to index
        %parallel_loop3A_643 = arith.index_cast %parallel_loop3A_640 : i32 to index
        %parallel_loop3A_644 = tpu.vector_load %arg6[%parallel_loop3A_642, %parallel_loop3A_643] {strides = array<i32>} : memref<2x1024xi32, #tpu.memory_space<vmem>>, vector<16xi32>,
        tpu.vector_store_idx %arg14[%parallel_loop3A_638, %parallel_loop3A_644], %broadcast_in_dim3A_3 {add = true} : memref<64x64xf32, #tpu.memory_space<vmem>>[vector<16xi32>, vector<16xi32>], vector<16xf32>,
        tpu.vector_store_idx %arg18[%parallel_loop3A_644], %broadcast_in_dim3A_3 {add = true} : memref<128xf32, #tpu.memory_space<vmem>>[vector<16xi32>], vector<16xf32>,
        %parallel_loop3A_645 = arith.constant 64 : i32
        %parallel_loop3A_646 = vector.broadcast %parallel_loop3A_645 : i32 to vector<16xi32>
        %parallel_loop3A_647 = arith.addi %parallel_loop3A_638, %parallel_loop3A_646 : vector<16xi32>
        tpu.vector_store_idx %arg18[%parallel_loop3A_647], %broadcast_in_dim3A_3 {add = true} : memref<128xf32, #tpu.memory_space<vmem>>[vector<16xi32>], vector<16xf32>,
      } {sc.loop_unroll_factor = 8 : i64, sc.parallel_access}
      %dma_start3A_297 = arith.constant 0 : i32
      %dma_start3A_298 = arith.constant 0 : i32
      %dma_start3A_299 = tpu.memref_slice %arg3[%add3A_280, %dma_start3A_297, %dma_start3A_298] : memref<1024x64x64xf32, #tpu.memory_space<hbm>> -> memref<1x64x64xf32, #tpu.memory_space<hbm>>
      %dma_start3A_300 = tpu.memref_squeeze %dma_start3A_299 : memref<1x64x64xf32, #tpu.memory_space<hbm>> -> memref<64x64xf32, #tpu.memory_space<hbm>>
      %dma_start3A_301 = arith.constant 0 : i32
      %dma_start3A_302 = arith.constant 0 : i32
      %dma_start3A_303 = tpu.memref_slice %arg3[%add3A_280, %dma_start3A_301, %dma_start3A_302] : memref<1024x64x64xf32, #tpu.memory_space<hbm>> -> memref<1x64x64xf32, #tpu.memory_space<hbm>>
      %dma_start3A_304 = tpu.memref_squeeze %dma_start3A_303 : memref<1x64x64xf32, #tpu.memory_space<hbm>> -> memref<64x64xf32, #tpu.memory_space<hbm>>
      tpu.enqueue_dma source(%arg14 : memref<64x64xf32, #tpu.memory_space<vmem>>) target(%dma_start3A_304 : memref<64x64xf32, #tpu.memory_space<hbm>>) target_semaphore(%arg30 : memref<!tpu.dma_semaphore, #tpu.memory_space<semaphore_mem>>)
      %dma_start3A_305 = arith.constant 0 : i32
      %dma_start3A_306 = tpu.memref_slice %arg4[%add3A_280, %dma_start3A_305] : memref<1024x128xf32, #tpu.memory_space<hbm>> -> memref<1x128xf32, #tpu.memory_space<hbm>>
      %dma_start3A_307 = tpu.memref_squeeze %dma_start3A_306 : memref<1x128xf32, #tpu.memory_space<hbm>> -> memref<128xf32, #tpu.memory_space<hbm>>
      %dma_start3A_308 = arith.constant 0 : i32
      %dma_start3A_309 = tpu.memref_slice %arg4[%add3A_280, %dma_start3A_308] : memref<1024x128xf32, #tpu.memory_space<hbm>> -> memref<1x128xf32, #tpu.memory_space<hbm>>
      %dma_start3A_310 = tpu.memref_squeeze %dma_start3A_309 : memref<1x128xf32, #tpu.memory_space<hbm>> -> memref<128xf32, #tpu.memory_space<hbm>>
      tpu.enqueue_dma source(%arg18 : memref<128xf32, #tpu.memory_space<vmem>>) target(%dma_start3A_310 : memref<128xf32, #tpu.memory_space<hbm>>) target_semaphore(%arg34 : memref<!tpu.dma_semaphore, #tpu.memory_space<semaphore_mem>>)
      %mul3A_311 = arith.constant 8 : i32
      %mul3A_312 = arith.muli %mul3A_311, %scan3A_237 : i32
      %add3A_313 = arith.constant 1 : i32
      %add3A_314 = arith.addi %mul3A_312, %add3A_313 : i32
      %add3A_315 = arith.constant 8 : i32
      %add3A_316 = arith.addi %add3A_314, %add3A_315 : i32
      %lt3A_317 = arith.constant 32 : i32
      %lt3A_318 = arith.cmpi slt, %add3A_316, %lt3A_317 : i32
      %convert_element_type3A_319 = arith.extui %lt3A_318 : i1 to i32
      %cond3A_320 = arith.constant 0 : i32
      %cond3A_321 = arith.cmpi ne, %convert_element_type3A_319, %cond3A_320 : i32
      scf.if %cond3A_321 {
        %add3A_632 = arith.constant 8 : i32
        %add3A_633 = arith.addi %add3A_280, %add3A_632 : i32
        %dma_start3A_634 = arith.constant 0 : i32
        %dma_start3A_635 = arith.constant 0 : i32
        %dma_start3A_636 = tpu.memref_slice %arg2[%add3A_633, %dma_start3A_634, %dma_start3A_635] : memref<1024x2x1024xi32, #tpu.memory_space<hbm>> -> memref<1x2x1024xi32, #tpu.memory_space<hbm>>
        %dma_start3A_637 = tpu.memref_squeeze %dma_start3A_636 : memref<1x2x1024xi32, #tpu.memory_space<hbm>> -> memref<2x1024xi32, #tpu.memory_space<hbm>>
        %dma_start3A_638 = arith.constant 0 : i32
        %dma_start3A_639 = arith.constant 0 : i32
        %dma_start3A_640 = tpu.memref_slice %arg2[%add3A_633, %dma_start3A_638, %dma_start3A_639] : memref<1024x2x1024xi32, #tpu.memory_space<hbm>> -> memref<1x2x1024xi32, #tpu.memory_space<hbm>>
        %dma_start3A_641 = tpu.memref_squeeze %dma_start3A_640 : memref<1x2x1024xi32, #tpu.memory_space<hbm>> -> memref<2x1024xi32, #tpu.memory_space<hbm>>
        tpu.enqueue_dma source(%dma_start3A_641 : memref<2x1024xi32, #tpu.memory_space<hbm>>) target(%arg6 : memref<2x1024xi32, #tpu.memory_space<vmem>>) target_semaphore(%arg22 : memref<!tpu.dma_semaphore, #tpu.memory_space<semaphore_mem>>)
      } else {
      }
      %add3A_322 = arith.constant 2 : i32
      %add3A_323 = arith.addi %add3A_240, %add3A_322 : i32
      %dma_wait3A_324 = arith.constant 0 : i32
      %dma_wait3A_325 = arith.constant 0 : i32
      %dma_wait3A_326 = tpu.memref_slice %arg2[%add3A_323, %dma_wait3A_324, %dma_wait3A_325] : memref<1024x2x1024xi32, #tpu.memory_space<hbm>> -> memref<1x2x1024xi32, #tpu.memory_space<hbm>>
      %dma_wait3A_327 = tpu.memref_squeeze %dma_wait3A_326 : memref<1x2x1024xi32, #tpu.memory_space<hbm>> -> memref<2x1024xi32, #tpu.memory_space<hbm>>
      %dma_wait3A_328 = arith.constant 0 : i32
      %dma_wait3A_329 = arith.constant 0 : i32
      %dma_wait3A_330 = tpu.memref_slice %arg2[%add3A_323, %dma_wait3A_328, %dma_wait3A_329] : memref<1024x2x1024xi32, #tpu.memory_space<hbm>> -> memref<1x2x1024xi32, #tpu.memory_space<hbm>>
      %dma_wait3A_331 = tpu.memref_squeeze %dma_wait3A_330 : memref<1x2x1024xi32, #tpu.memory_space<hbm>> -> memref<2x1024xi32, #tpu.memory_space<hbm>>
      tpu.wait_dma2 semaphore(%arg23 : memref<!tpu.dma_semaphore, #tpu.memory_space<semaphore_mem>>) src(%dma_wait3A_331 : memref<2x1024xi32, #tpu.memory_space<hbm>>) dst(%arg7 : memref<2x1024xi32, #tpu.memory_space<vmem>>)
      %gt3A_332 = arith.constant 0 : i32
      %gt3A_333 = arith.cmpi sgt, %scan3A_237, %gt3A_332 : i32
      %convert_element_type3A_334 = arith.extui %gt3A_333 : i1 to i32
      %cond3A_335 = arith.constant 0 : i32
      %cond3A_336 = arith.cmpi ne, %convert_element_type3A_334, %cond3A_335 : i32
      scf.if %cond3A_336 {
        %sub3A_632 = arith.constant 4 : i32
        %sub3A_633 = arith.subi %add3A_323, %sub3A_632 : i32
        %dma_wait3A_634 = arith.constant 0 : i32
        %dma_wait3A_635 = arith.constant 0 : i32
        %dma_wait3A_636 = tpu.memref_slice %arg3[%sub3A_633, %dma_wait3A_634, %dma_wait3A_635] : memref<1024x64x64xf32, #tpu.memory_space<hbm>> -> memref<1x64x64xf32, #tpu.memory_space<hbm>>
        %dma_wait3A_637 = tpu.memref_squeeze %dma_wait3A_636 : memref<1x64x64xf32, #tpu.memory_space<hbm>> -> memref<64x64xf32, #tpu.memory_space<hbm>>
        %dma_wait3A_638 = arith.constant 0 : i32
        %dma_wait3A_639 = arith.constant 0 : i32
        %dma_wait3A_640 = tpu.memref_slice %arg3[%sub3A_633, %dma_wait3A_638, %dma_wait3A_639] : memref<1024x64x64xf32, #tpu.memory_space<hbm>> -> memref<1x64x64xf32, #tpu.memory_space<hbm>>
        %dma_wait3A_641 = tpu.memref_squeeze %dma_wait3A_640 : memref<1x64x64xf32, #tpu.memory_space<hbm>> -> memref<64x64xf32, #tpu.memory_space<hbm>>
        tpu.wait_dma2 semaphore(%arg31 : memref<!tpu.dma_semaphore, #tpu.memory_space<semaphore_mem>>) src(%arg15 : memref<64x64xf32, #tpu.memory_space<vmem>>) dst(%dma_wait3A_641 : memref<64x64xf32, #tpu.memory_space<hbm>>)
        %sub3A_642 = arith.constant 4 : i32
        %sub3A_643 = arith.subi %add3A_323, %sub3A_642 : i32
        %dma_wait3A_644 = arith.constant 0 : i32
        %dma_wait3A_645 = tpu.memref_slice %arg4[%sub3A_643, %dma_wait3A_644] : memref<1024x128xf32, #tpu.memory_space<hbm>> -> memref<1x128xf32, #tpu.memory_space<hbm>>
        %dma_wait3A_646 = tpu.memref_squeeze %dma_wait3A_645 : memref<1x128xf32, #tpu.memory_space<hbm>> -> memref<128xf32, #tpu.memory_space<hbm>>
        %dma_wait3A_647 = arith.constant 0 : i32
        %dma_wait3A_648 = tpu.memref_slice %arg4[%sub3A_643, %dma_wait3A_647] : memref<1024x128xf32, #tpu.memory_space<hbm>> -> memref<1x128xf32, #tpu.memory_space<hbm>>
        %dma_wait3A_649 = tpu.memref_squeeze %dma_wait3A_648 : memref<1x128xf32, #tpu.memory_space<hbm>> -> memref<128xf32, #tpu.memory_space<hbm>>
        tpu.wait_dma2 semaphore(%arg35 : memref<!tpu.dma_semaphore, #tpu.memory_space<semaphore_mem>>) src(%arg19 : memref<128xf32, #tpu.memory_space<vmem>>) dst(%dma_wait3A_649 : memref<128xf32, #tpu.memory_space<hbm>>)
      } else {
      }
      %parallel_loop3A_337 = arith.constant 0 : i32
      %parallel_loop3A_338 = arith.constant 64 : i32
      %parallel_loop3A_339 = arith.constant 1 : i32
      scf.for %parallel_loop3A_632 = %parallel_loop3A_337 to %parallel_loop3A_338 step %parallel_loop3A_339  : i32 {
        %parallel_loop3A_633 = arith.constant 16 : i32
        %parallel_loop3A_634 = arith.muli %parallel_loop3A_632, %parallel_loop3A_633 : i32
        %parallel_loop3A_635 = arith.constant 0 : i32
        %parallel_loop3A_636 = arith.index_cast %parallel_loop3A_635 : i32 to index
        %parallel_loop3A_637 = arith.index_cast %parallel_loop3A_634 : i32 to index
        %parallel_loop3A_638 = tpu.vector_load %arg7[%parallel_loop3A_636, %parallel_loop3A_637] {strides = array<i32>} : memref<2x1024xi32, #tpu.memory_space<vmem>>, vector<16xi32>,
        %parallel_loop3A_639 = arith.constant 16 : i32
        %parallel_loop3A_640 = arith.muli %parallel_loop3A_632, %parallel_loop3A_639 : i32
        %parallel_loop3A_641 = arith.constant 1 : i32
        %parallel_loop3A_642 = arith.index_cast %parallel_loop3A_641 : i32 to index
        %parallel_loop3A_643 = arith.index_cast %parallel_loop3A_640 : i32 to index
        %parallel_loop3A_644 = tpu.vector_load %arg7[%parallel_loop3A_642, %parallel_loop3A_643] {strides = array<i32>} : memref<2x1024xi32, #tpu.memory_space<vmem>>, vector<16xi32>,
        tpu.vector_store_idx %arg15[%parallel_loop3A_638, %parallel_loop3A_644], %broadcast_in_dim3A_3 {add = true} : memref<64x64xf32, #tpu.memory_space<vmem>>[vector<16xi32>, vector<16xi32>], vector<16xf32>,
        tpu.vector_store_idx %arg19[%parallel_loop3A_644], %broadcast_in_dim3A_3 {add = true} : memref<128xf32, #tpu.memory_space<vmem>>[vector<16xi32>], vector<16xf32>,
        %parallel_loop3A_645 = arith.constant 64 : i32
        %parallel_loop3A_646 = vector.broadcast %parallel_loop3A_645 : i32 to vector<16xi32>
        %parallel_loop3A_647 = arith.addi %parallel_loop3A_638, %parallel_loop3A_646 : vector<16xi32>
        tpu.vector_store_idx %arg19[%parallel_loop3A_647], %broadcast_in_dim3A_3 {add = true} : memref<128xf32, #tpu.memory_space<vmem>>[vector<16xi32>], vector<16xf32>,
      } {sc.loop_unroll_factor = 8 : i64, sc.parallel_access}
      %dma_start3A_340 = arith.constant 0 : i32
      %dma_start3A_341 = arith.constant 0 : i32
      %dma_start3A_342 = tpu.memref_slice %arg3[%add3A_323, %dma_start3A_340, %dma_start3A_341] : memref<1024x64x64xf32, #tpu.memory_space<hbm>> -> memref<1x64x64xf32, #tpu.memory_space<hbm>>
      %dma_start3A_343 = tpu.memref_squeeze %dma_start3A_342 : memref<1x64x64xf32, #tpu.memory_space<hbm>> -> memref<64x64xf32, #tpu.memory_space<hbm>>
      %dma_start3A_344 = arith.constant 0 : i32
      %dma_start3A_345 = arith.constant 0 : i32
      %dma_start3A_346 = tpu.memref_slice %arg3[%add3A_323, %dma_start3A_344, %dma_start3A_345] : memref<1024x64x64xf32, #tpu.memory_space<hbm>> -> memref<1x64x64xf32, #tpu.memory_space<hbm>>
      %dma_start3A_347 = tpu.memref_squeeze %dma_start3A_346 : memref<1x64x64xf32, #tpu.memory_space<hbm>> -> memref<64x64xf32, #tpu.memory_space<hbm>>
      tpu.enqueue_dma source(%arg15 : memref<64x64xf32, #tpu.memory_space<vmem>>) target(%dma_start3A_347 : memref<64x64xf32, #tpu.memory_space<hbm>>) target_semaphore(%arg31 : memref<!tpu.dma_semaphore, #tpu.memory_space<semaphore_mem>>)
      %dma_start3A_348 = arith.constant 0 : i32
      %dma_start3A_349 = tpu.memref_slice %arg4[%add3A_323, %dma_start3A_348] : memref<1024x128xf32, #tpu.memory_space<hbm>> -> memref<1x128xf32, #tpu.memory_space<hbm>>
      %dma_start3A_350 = tpu.memref_squeeze %dma_start3A_349 : memref<1x128xf32, #tpu.memory_space<hbm>> -> memref<128xf32, #tpu.memory_space<hbm>>
      %dma_start3A_351 = arith.constant 0 : i32
      %dma_start3A_352 = tpu.memref_slice %arg4[%add3A_323, %dma_start3A_351] : memref<1024x128xf32, #tpu.memory_space<hbm>> -> memref<1x128xf32, #tpu.memory_space<hbm>>
      %dma_start3A_353 = tpu.memref_squeeze %dma_start3A_352 : memref<1x128xf32, #tpu.memory_space<hbm>> -> memref<128xf32, #tpu.memory_space<hbm>>
      tpu.enqueue_dma source(%arg19 : memref<128xf32, #tpu.memory_space<vmem>>) target(%dma_start3A_353 : memref<128xf32, #tpu.memory_space<hbm>>) target_semaphore(%arg35 : memref<!tpu.dma_semaphore, #tpu.memory_space<semaphore_mem>>)
      %mul3A_354 = arith.constant 8 : i32
      %mul3A_355 = arith.muli %mul3A_354, %scan3A_237 : i32
      %add3A_356 = arith.constant 2 : i32
      %add3A_357 = arith.addi %mul3A_355, %add3A_356 : i32
      %add3A_358 = arith.constant 8 : i32
      %add3A_359 = arith.addi %add3A_357, %add3A_358 : i32
      %lt3A_360 = arith.constant 32 : i32
      %lt3A_361 = arith.cmpi slt, %add3A_359, %lt3A_360 : i32
      %convert_element_type3A_362 = arith.extui %lt3A_361 : i1 to i32
      %cond3A_363 = arith.constant 0 : i32
      %cond3A_364 = arith.cmpi ne, %convert_element_type3A_362, %cond3A_363 : i32
      scf.if %cond3A_364 {
        %add3A_632 = arith.constant 8 : i32
        %add3A_633 = arith.addi %add3A_323, %add3A_632 : i32
        %dma_start3A_634 = arith.constant 0 : i32
        %dma_start3A_635 = arith.constant 0 : i32
        %dma_start3A_636 = tpu.memref_slice %arg2[%add3A_633, %dma_start3A_634, %dma_start3A_635] : memref<1024x2x1024xi32, #tpu.memory_space<hbm>> -> memref<1x2x1024xi32, #tpu.memory_space<hbm>>
        %dma_start3A_637 = tpu.memref_squeeze %dma_start3A_636 : memref<1x2x1024xi32, #tpu.memory_space<hbm>> -> memref<2x1024xi32, #tpu.memory_space<hbm>>
        %dma_start3A_638 = arith.constant 0 : i32
        %dma_start3A_639 = arith.constant 0 : i32
        %dma_start3A_640 = tpu.memref_slice %arg2[%add3A_633, %dma_start3A_638, %dma_start3A_639] : memref<1024x2x1024xi32, #tpu.memory_space<hbm>> -> memref<1x2x1024xi32, #tpu.memory_space<hbm>>
        %dma_start3A_641 = tpu.memref_squeeze %dma_start3A_640 : memref<1x2x1024xi32, #tpu.memory_space<hbm>> -> memref<2x1024xi32, #tpu.memory_space<hbm>>
        tpu.enqueue_dma source(%dma_start3A_641 : memref<2x1024xi32, #tpu.memory_space<hbm>>) target(%arg7 : memref<2x1024xi32, #tpu.memory_space<vmem>>) target_semaphore(%arg23 : memref<!tpu.dma_semaphore, #tpu.memory_space<semaphore_mem>>)
      } else {
      }
      %add3A_365 = arith.constant 3 : i32
      %add3A_366 = arith.addi %add3A_240, %add3A_365 : i32
      %dma_wait3A_367 = arith.constant 0 : i32
      %dma_wait3A_368 = arith.constant 0 : i32
      %dma_wait3A_369 = tpu.memref_slice %arg2[%add3A_366, %dma_wait3A_367, %dma_wait3A_368] : memref<1024x2x1024xi32, #tpu.memory_space<hbm>> -> memref<1x2x1024xi32, #tpu.memory_space<hbm>>
      %dma_wait3A_370 = tpu.memref_squeeze %dma_wait3A_369 : memref<1x2x1024xi32, #tpu.memory_space<hbm>> -> memref<2x1024xi32, #tpu.memory_space<hbm>>
      %dma_wait3A_371 = arith.constant 0 : i32
      %dma_wait3A_372 = arith.constant 0 : i32
      %dma_wait3A_373 = tpu.memref_slice %arg2[%add3A_366, %dma_wait3A_371, %dma_wait3A_372] : memref<1024x2x1024xi32, #tpu.memory_space<hbm>> -> memref<1x2x1024xi32, #tpu.memory_space<hbm>>
      %dma_wait3A_374 = tpu.memref_squeeze %dma_wait3A_373 : memref<1x2x1024xi32, #tpu.memory_space<hbm>> -> memref<2x1024xi32, #tpu.memory_space<hbm>>
      tpu.wait_dma2 semaphore(%arg24 : memref<!tpu.dma_semaphore, #tpu.memory_space<semaphore_mem>>) src(%dma_wait3A_374 : memref<2x1024xi32, #tpu.memory_space<hbm>>) dst(%arg8 : memref<2x1024xi32, #tpu.memory_space<vmem>>)
      %gt3A_375 = arith.constant 0 : i32
      %gt3A_376 = arith.cmpi sgt, %scan3A_237, %gt3A_375 : i32
      %convert_element_type3A_377 = arith.extui %gt3A_376 : i1 to i32
      %cond3A_378 = arith.constant 0 : i32
      %cond3A_379 = arith.cmpi ne, %convert_element_type3A_377, %cond3A_378 : i32
      scf.if %cond3A_379 {
        %sub3A_632 = arith.constant 4 : i32
        %sub3A_633 = arith.subi %add3A_366, %sub3A_632 : i32
        %dma_wait3A_634 = arith.constant 0 : i32
        %dma_wait3A_635 = arith.constant 0 : i32
        %dma_wait3A_636 = tpu.memref_slice %arg3[%sub3A_633, %dma_wait3A_634, %dma_wait3A_635] : memref<1024x64x64xf32, #tpu.memory_space<hbm>> -> memref<1x64x64xf32, #tpu.memory_space<hbm>>
        %dma_wait3A_637 = tpu.memref_squeeze %dma_wait3A_636 : memref<1x64x64xf32, #tpu.memory_space<hbm>> -> memref<64x64xf32, #tpu.memory_space<hbm>>
        %dma_wait3A_638 = arith.constant 0 : i32
        %dma_wait3A_639 = arith.constant 0 : i32
        %dma_wait3A_640 = tpu.memref_slice %arg3[%sub3A_633, %dma_wait3A_638, %dma_wait3A_639] : memref<1024x64x64xf32, #tpu.memory_space<hbm>> -> memref<1x64x64xf32, #tpu.memory_space<hbm>>
        %dma_wait3A_641 = tpu.memref_squeeze %dma_wait3A_640 : memref<1x64x64xf32, #tpu.memory_space<hbm>> -> memref<64x64xf32, #tpu.memory_space<hbm>>
        tpu.wait_dma2 semaphore(%arg32 : memref<!tpu.dma_semaphore, #tpu.memory_space<semaphore_mem>>) src(%arg16 : memref<64x64xf32, #tpu.memory_space<vmem>>) dst(%dma_wait3A_641 : memref<64x64xf32, #tpu.memory_space<hbm>>)
        %sub3A_642 = arith.constant 4 : i32
        %sub3A_643 = arith.subi %add3A_366, %sub3A_642 : i32
        %dma_wait3A_644 = arith.constant 0 : i32
        %dma_wait3A_645 = tpu.memref_slice %arg4[%sub3A_643, %dma_wait3A_644] : memref<1024x128xf32, #tpu.memory_space<hbm>> -> memref<1x128xf32, #tpu.memory_space<hbm>>
        %dma_wait3A_646 = tpu.memref_squeeze %dma_wait3A_645 : memref<1x128xf32, #tpu.memory_space<hbm>> -> memref<128xf32, #tpu.memory_space<hbm>>
        %dma_wait3A_647 = arith.constant 0 : i32
        %dma_wait3A_648 = tpu.memref_slice %arg4[%sub3A_643, %dma_wait3A_647] : memref<1024x128xf32, #tpu.memory_space<hbm>> -> memref<1x128xf32, #tpu.memory_space<hbm>>
        %dma_wait3A_649 = tpu.memref_squeeze %dma_wait3A_648 : memref<1x128xf32, #tpu.memory_space<hbm>> -> memref<128xf32, #tpu.memory_space<hbm>>
        tpu.wait_dma2 semaphore(%arg36 : memref<!tpu.dma_semaphore, #tpu.memory_space<semaphore_mem>>) src(%arg20 : memref<128xf32, #tpu.memory_space<vmem>>) dst(%dma_wait3A_649 : memref<128xf32, #tpu.memory_space<hbm>>)
      } else {
      }
      %parallel_loop3A_380 = arith.constant 0 : i32
      %parallel_loop3A_381 = arith.constant 64 : i32
      %parallel_loop3A_382 = arith.constant 1 : i32
      scf.for %parallel_loop3A_632 = %parallel_loop3A_380 to %parallel_loop3A_381 step %parallel_loop3A_382  : i32 {
        %parallel_loop3A_633 = arith.constant 16 : i32
        %parallel_loop3A_634 = arith.muli %parallel_loop3A_632, %parallel_loop3A_633 : i32
        %parallel_loop3A_635 = arith.constant 0 : i32
        %parallel_loop3A_636 = arith.index_cast %parallel_loop3A_635 : i32 to index
        %parallel_loop3A_637 = arith.index_cast %parallel_loop3A_634 : i32 to index
        %parallel_loop3A_638 = tpu.vector_load %arg8[%parallel_loop3A_636, %parallel_loop3A_637] {strides = array<i32>} : memref<2x1024xi32, #tpu.memory_space<vmem>>, vector<16xi32>,
        %parallel_loop3A_639 = arith.constant 16 : i32
        %parallel_loop3A_640 = arith.muli %parallel_loop3A_632, %parallel_loop3A_639 : i32
        %parallel_loop3A_641 = arith.constant 1 : i32
        %parallel_loop3A_642 = arith.index_cast %parallel_loop3A_641 : i32 to index
        %parallel_loop3A_643 = arith.index_cast %parallel_loop3A_640 : i32 to index
        %parallel_loop3A_644 = tpu.vector_load %arg8[%parallel_loop3A_642, %parallel_loop3A_643] {strides = array<i32>} : memref<2x1024xi32, #tpu.memory_space<vmem>>, vector<16xi32>,
        tpu.vector_store_idx %arg16[%parallel_loop3A_638, %parallel_loop3A_644], %broadcast_in_dim3A_3 {add = true} : memref<64x64xf32, #tpu.memory_space<vmem>>[vector<16xi32>, vector<16xi32>], vector<16xf32>,
        tpu.vector_store_idx %arg20[%parallel_loop3A_644], %broadcast_in_dim3A_3 {add = true} : memref<128xf32, #tpu.memory_space<vmem>>[vector<16xi32>], vector<16xf32>,
        %parallel_loop3A_645 = arith.constant 64 : i32
        %parallel_loop3A_646 = vector.broadcast %parallel_loop3A_645 : i32 to vector<16xi32>
        %parallel_loop3A_647 = arith.addi %parallel_loop3A_638, %parallel_loop3A_646 : vector<16xi32>
        tpu.vector_store_idx %arg20[%parallel_loop3A_647], %broadcast_in_dim3A_3 {add = true} : memref<128xf32, #tpu.memory_space<vmem>>[vector<16xi32>], vector<16xf32>,
      } {sc.loop_unroll_factor = 8 : i64, sc.parallel_access}
      %dma_start3A_383 = arith.constant 0 : i32
      %dma_start3A_384 = arith.constant 0 : i32
      %dma_start3A_385 = tpu.memref_slice %arg3[%add3A_366, %dma_start3A_383, %dma_start3A_384] : memref<1024x64x64xf32, #tpu.memory_space<hbm>> -> memref<1x64x64xf32, #tpu.memory_space<hbm>>
      %dma_start3A_386 = tpu.memref_squeeze %dma_start3A_385 : memref<1x64x64xf32, #tpu.memory_space<hbm>> -> memref<64x64xf32, #tpu.memory_space<hbm>>
      %dma_start3A_387 = arith.constant 0 : i32
      %dma_start3A_388 = arith.constant 0 : i32
      %dma_start3A_389 = tpu.memref_slice %arg3[%add3A_366, %dma_start3A_387, %dma_start3A_388] : memref<1024x64x64xf32, #tpu.memory_space<hbm>> -> memref<1x64x64xf32, #tpu.memory_space<hbm>>
      %dma_start3A_390 = tpu.memref_squeeze %dma_start3A_389 : memref<1x64x64xf32, #tpu.memory_space<hbm>> -> memref<64x64xf32, #tpu.memory_space<hbm>>
      tpu.enqueue_dma source(%arg16 : memref<64x64xf32, #tpu.memory_space<vmem>>) target(%dma_start3A_390 : memref<64x64xf32, #tpu.memory_space<hbm>>) target_semaphore(%arg32 : memref<!tpu.dma_semaphore, #tpu.memory_space<semaphore_mem>>)
      %dma_start3A_391 = arith.constant 0 : i32
      %dma_start3A_392 = tpu.memref_slice %arg4[%add3A_366, %dma_start3A_391] : memref<1024x128xf32, #tpu.memory_space<hbm>> -> memref<1x128xf32, #tpu.memory_space<hbm>>
      %dma_start3A_393 = tpu.memref_squeeze %dma_start3A_392 : memref<1x128xf32, #tpu.memory_space<hbm>> -> memref<128xf32, #tpu.memory_space<hbm>>
      %dma_start3A_394 = arith.constant 0 : i32
      %dma_start3A_395 = tpu.memref_slice %arg4[%add3A_366, %dma_start3A_394] : memref<1024x128xf32, #tpu.memory_space<hbm>> -> memref<1x128xf32, #tpu.memory_space<hbm>>
      %dma_start3A_396 = tpu.memref_squeeze %dma_start3A_395 : memref<1x128xf32, #tpu.memory_space<hbm>> -> memref<128xf32, #tpu.memory_space<hbm>>
      tpu.enqueue_dma source(%arg20 : memref<128xf32, #tpu.memory_space<vmem>>) target(%dma_start3A_396 : memref<128xf32, #tpu.memory_space<hbm>>) target_semaphore(%arg36 : memref<!tpu.dma_semaphore, #tpu.memory_space<semaphore_mem>>)
      %mul3A_397 = arith.constant 8 : i32
      %mul3A_398 = arith.muli %mul3A_397, %scan3A_237 : i32
      %add3A_399 = arith.constant 3 : i32
      %add3A_400 = arith.addi %mul3A_398, %add3A_399 : i32
      %add3A_401 = arith.constant 8 : i32
      %add3A_402 = arith.addi %add3A_400, %add3A_401 : i32
      %lt3A_403 = arith.constant 32 : i32
      %lt3A_404 = arith.cmpi slt, %add3A_402, %lt3A_403 : i32
      %convert_element_type3A_405 = arith.extui %lt3A_404 : i1 to i32
      %cond3A_406 = arith.constant 0 : i32
      %cond3A_407 = arith.cmpi ne, %convert_element_type3A_405, %cond3A_406 : i32
      scf.if %cond3A_407 {
        %add3A_632 = arith.constant 8 : i32
        %add3A_633 = arith.addi %add3A_366, %add3A_632 : i32
        %dma_start3A_634 = arith.constant 0 : i32
        %dma_start3A_635 = arith.constant 0 : i32
        %dma_start3A_636 = tpu.memref_slice %arg2[%add3A_633, %dma_start3A_634, %dma_start3A_635] : memref<1024x2x1024xi32, #tpu.memory_space<hbm>> -> memref<1x2x1024xi32, #tpu.memory_space<hbm>>
        %dma_start3A_637 = tpu.memref_squeeze %dma_start3A_636 : memref<1x2x1024xi32, #tpu.memory_space<hbm>> -> memref<2x1024xi32, #tpu.memory_space<hbm>>
        %dma_start3A_638 = arith.constant 0 : i32
        %dma_start3A_639 = arith.constant 0 : i32
        %dma_start3A_640 = tpu.memref_slice %arg2[%add3A_633, %dma_start3A_638, %dma_start3A_639] : memref<1024x2x1024xi32, #tpu.memory_space<hbm>> -> memref<1x2x1024xi32, #tpu.memory_space<hbm>>
        %dma_start3A_641 = tpu.memref_squeeze %dma_start3A_640 : memref<1x2x1024xi32, #tpu.memory_space<hbm>> -> memref<2x1024xi32, #tpu.memory_space<hbm>>
        tpu.enqueue_dma source(%dma_start3A_641 : memref<2x1024xi32, #tpu.memory_space<hbm>>) target(%arg8 : memref<2x1024xi32, #tpu.memory_space<vmem>>) target_semaphore(%arg24 : memref<!tpu.dma_semaphore, #tpu.memory_space<semaphore_mem>>)
      } else {
      }
      %add3A_408 = arith.constant 4 : i32
      %add3A_409 = arith.addi %add3A_240, %add3A_408 : i32
      %dma_wait3A_410 = arith.constant 0 : i32
      %dma_wait3A_411 = arith.constant 0 : i32
      %dma_wait3A_412 = tpu.memref_slice %arg2[%add3A_409, %dma_wait3A_410, %dma_wait3A_411] : memref<1024x2x1024xi32, #tpu.memory_space<hbm>> -> memref<1x2x1024xi32, #tpu.memory_space<hbm>>
      %dma_wait3A_413 = tpu.memref_squeeze %dma_wait3A_412 : memref<1x2x1024xi32, #tpu.memory_space<hbm>> -> memref<2x1024xi32, #tpu.memory_space<hbm>>
      %dma_wait3A_414 = arith.constant 0 : i32
      %dma_wait3A_415 = arith.constant 0 : i32
      %dma_wait3A_416 = tpu.memref_slice %arg2[%add3A_409, %dma_wait3A_414, %dma_wait3A_415] : memref<1024x2x1024xi32, #tpu.memory_space<hbm>> -> memref<1x2x1024xi32, #tpu.memory_space<hbm>>
      %dma_wait3A_417 = tpu.memref_squeeze %dma_wait3A_416 : memref<1x2x1024xi32, #tpu.memory_space<hbm>> -> memref<2x1024xi32, #tpu.memory_space<hbm>>
      tpu.wait_dma2 semaphore(%arg25 : memref<!tpu.dma_semaphore, #tpu.memory_space<semaphore_mem>>) src(%dma_wait3A_417 : memref<2x1024xi32, #tpu.memory_space<hbm>>) dst(%arg9 : memref<2x1024xi32, #tpu.memory_space<vmem>>)
      %sub3A_418 = arith.constant 4 : i32
      %sub3A_419 = arith.subi %add3A_409, %sub3A_418 : i32
      %dma_wait3A_420 = arith.constant 0 : i32
      %dma_wait3A_421 = arith.constant 0 : i32
      %dma_wait3A_422 = tpu.memref_slice %arg3[%sub3A_419, %dma_wait3A_420, %dma_wait3A_421] : memref<1024x64x64xf32, #tpu.memory_space<hbm>> -> memref<1x64x64xf32, #tpu.memory_space<hbm>>
      %dma_wait3A_423 = tpu.memref_squeeze %dma_wait3A_422 : memref<1x64x64xf32, #tpu.memory_space<hbm>> -> memref<64x64xf32, #tpu.memory_space<hbm>>
      %dma_wait3A_424 = arith.constant 0 : i32
      %dma_wait3A_425 = arith.constant 0 : i32
      %dma_wait3A_426 = tpu.memref_slice %arg3[%sub3A_419, %dma_wait3A_424, %dma_wait3A_425] : memref<1024x64x64xf32, #tpu.memory_space<hbm>> -> memref<1x64x64xf32, #tpu.memory_space<hbm>>
      %dma_wait3A_427 = tpu.memref_squeeze %dma_wait3A_426 : memref<1x64x64xf32, #tpu.memory_space<hbm>> -> memref<64x64xf32, #tpu.memory_space<hbm>>
      tpu.wait_dma2 semaphore(%arg29 : memref<!tpu.dma_semaphore, #tpu.memory_space<semaphore_mem>>) src(%arg13 : memref<64x64xf32, #tpu.memory_space<vmem>>) dst(%dma_wait3A_427 : memref<64x64xf32, #tpu.memory_space<hbm>>)
      %sub3A_428 = arith.constant 4 : i32
      %sub3A_429 = arith.subi %add3A_409, %sub3A_428 : i32
      %dma_wait3A_430 = arith.constant 0 : i32
      %dma_wait3A_431 = tpu.memref_slice %arg4[%sub3A_429, %dma_wait3A_430] : memref<1024x128xf32, #tpu.memory_space<hbm>> -> memref<1x128xf32, #tpu.memory_space<hbm>>
      %dma_wait3A_432 = tpu.memref_squeeze %dma_wait3A_431 : memref<1x128xf32, #tpu.memory_space<hbm>> -> memref<128xf32, #tpu.memory_space<hbm>>
      %dma_wait3A_433 = arith.constant 0 : i32
      %dma_wait3A_434 = tpu.memref_slice %arg4[%sub3A_429, %dma_wait3A_433] : memref<1024x128xf32, #tpu.memory_space<hbm>> -> memref<1x128xf32, #tpu.memory_space<hbm>>
      %dma_wait3A_435 = tpu.memref_squeeze %dma_wait3A_434 : memref<1x128xf32, #tpu.memory_space<hbm>> -> memref<128xf32, #tpu.memory_space<hbm>>
      tpu.wait_dma2 semaphore(%arg33 : memref<!tpu.dma_semaphore, #tpu.memory_space<semaphore_mem>>) src(%arg17 : memref<128xf32, #tpu.memory_space<vmem>>) dst(%dma_wait3A_435 : memref<128xf32, #tpu.memory_space<hbm>>)
      %parallel_loop3A_436 = arith.constant 0 : i32
      %parallel_loop3A_437 = arith.constant 64 : i32
      %parallel_loop3A_438 = arith.constant 1 : i32
      scf.for %parallel_loop3A_632 = %parallel_loop3A_436 to %parallel_loop3A_437 step %parallel_loop3A_438  : i32 {
        %parallel_loop3A_633 = arith.constant 16 : i32
        %parallel_loop3A_634 = arith.muli %parallel_loop3A_632, %parallel_loop3A_633 : i32
        %parallel_loop3A_635 = arith.constant 0 : i32
        %parallel_loop3A_636 = arith.index_cast %parallel_loop3A_635 : i32 to index
        %parallel_loop3A_637 = arith.index_cast %parallel_loop3A_634 : i32 to index
        %parallel_loop3A_638 = tpu.vector_load %arg9[%parallel_loop3A_636, %parallel_loop3A_637] {strides = array<i32>} : memref<2x1024xi32, #tpu.memory_space<vmem>>, vector<16xi32>,
        %parallel_loop3A_639 = arith.constant 16 : i32
        %parallel_loop3A_640 = arith.muli %parallel_loop3A_632, %parallel_loop3A_639 : i32
        %parallel_loop3A_641 = arith.constant 1 : i32
        %parallel_loop3A_642 = arith.index_cast %parallel_loop3A_641 : i32 to index
        %parallel_loop3A_643 = arith.index_cast %parallel_loop3A_640 : i32 to index
        %parallel_loop3A_644 = tpu.vector_load %arg9[%parallel_loop3A_642, %parallel_loop3A_643] {strides = array<i32>} : memref<2x1024xi32, #tpu.memory_space<vmem>>, vector<16xi32>,
        tpu.vector_store_idx %arg13[%parallel_loop3A_638, %parallel_loop3A_644], %broadcast_in_dim3A_3 {add = true} : memref<64x64xf32, #tpu.memory_space<vmem>>[vector<16xi32>, vector<16xi32>], vector<16xf32>,
        tpu.vector_store_idx %arg17[%parallel_loop3A_644], %broadcast_in_dim3A_3 {add = true} : memref<128xf32, #tpu.memory_space<vmem>>[vector<16xi32>], vector<16xf32>,
        %parallel_loop3A_645 = arith.constant 64 : i32
        %parallel_loop3A_646 = vector.broadcast %parallel_loop3A_645 : i32 to vector<16xi32>
        %parallel_loop3A_647 = arith.addi %parallel_loop3A_638, %parallel_loop3A_646 : vector<16xi32>
        tpu.vector_store_idx %arg17[%parallel_loop3A_647], %broadcast_in_dim3A_3 {add = true} : memref<128xf32, #tpu.memory_space<vmem>>[vector<16xi32>], vector<16xf32>,
      } {sc.loop_unroll_factor = 8 : i64, sc.parallel_access}
      %dma_start3A_439 = arith.constant 0 : i32
      %dma_start3A_440 = arith.constant 0 : i32
      %dma_start3A_441 = tpu.memref_slice %arg3[%add3A_409, %dma_start3A_439, %dma_start3A_440] : memref<1024x64x64xf32, #tpu.memory_space<hbm>> -> memref<1x64x64xf32, #tpu.memory_space<hbm>>
      %dma_start3A_442 = tpu.memref_squeeze %dma_start3A_441 : memref<1x64x64xf32, #tpu.memory_space<hbm>> -> memref<64x64xf32, #tpu.memory_space<hbm>>
      %dma_start3A_443 = arith.constant 0 : i32
      %dma_start3A_444 = arith.constant 0 : i32
      %dma_start3A_445 = tpu.memref_slice %arg3[%add3A_409, %dma_start3A_443, %dma_start3A_444] : memref<1024x64x64xf32, #tpu.memory_space<hbm>> -> memref<1x64x64xf32, #tpu.memory_space<hbm>>
      %dma_start3A_446 = tpu.memref_squeeze %dma_start3A_445 : memref<1x64x64xf32, #tpu.memory_space<hbm>> -> memref<64x64xf32, #tpu.memory_space<hbm>>
      tpu.enqueue_dma source(%arg13 : memref<64x64xf32, #tpu.memory_space<vmem>>) target(%dma_start3A_446 : memref<64x64xf32, #tpu.memory_space<hbm>>) target_semaphore(%arg29 : memref<!tpu.dma_semaphore, #tpu.memory_space<semaphore_mem>>)
      %dma_start3A_447 = arith.constant 0 : i32
      %dma_start3A_448 = tpu.memref_slice %arg4[%add3A_409, %dma_start3A_447] : memref<1024x128xf32, #tpu.memory_space<hbm>> -> memref<1x128xf32, #tpu.memory_space<hbm>>
      %dma_start3A_449 = tpu.memref_squeeze %dma_start3A_448 : memref<1x128xf32, #tpu.memory_space<hbm>> -> memref<128xf32, #tpu.memory_space<hbm>>
      %dma_start3A_450 = arith.constant 0 : i32
      %dma_start3A_451 = tpu.memref_slice %arg4[%add3A_409, %dma_start3A_450] : memref<1024x128xf32, #tpu.memory_space<hbm>> -> memref<1x128xf32, #tpu.memory_space<hbm>>
      %dma_start3A_452 = tpu.memref_squeeze %dma_start3A_451 : memref<1x128xf32, #tpu.memory_space<hbm>> -> memref<128xf32, #tpu.memory_space<hbm>>
      tpu.enqueue_dma source(%arg17 : memref<128xf32, #tpu.memory_space<vmem>>) target(%dma_start3A_452 : memref<128xf32, #tpu.memory_space<hbm>>) target_semaphore(%arg33 : memref<!tpu.dma_semaphore, #tpu.memory_space<semaphore_mem>>)
      %mul3A_453 = arith.constant 8 : i32
      %mul3A_454 = arith.muli %mul3A_453, %scan3A_237 : i32
      %add3A_455 = arith.constant 4 : i32
      %add3A_456 = arith.addi %mul3A_454, %add3A_455 : i32
      %add3A_457 = arith.constant 8 : i32
      %add3A_458 = arith.addi %add3A_456, %add3A_457 : i32
      %lt3A_459 = arith.constant 32 : i32
      %lt3A_460 = arith.cmpi slt, %add3A_458, %lt3A_459 : i32
      %convert_element_type3A_461 = arith.extui %lt3A_460 : i1 to i32
      %cond3A_462 = arith.constant 0 : i32
      %cond3A_463 = arith.cmpi ne, %convert_element_type3A_461, %cond3A_462 : i32
      scf.if %cond3A_463 {
        %add3A_632 = arith.constant 8 : i32
        %add3A_633 = arith.addi %add3A_409, %add3A_632 : i32
        %dma_start3A_634 = arith.constant 0 : i32
        %dma_start3A_635 = arith.constant 0 : i32
        %dma_start3A_636 = tpu.memref_slice %arg2[%add3A_633, %dma_start3A_634, %dma_start3A_635] : memref<1024x2x1024xi32, #tpu.memory_space<hbm>> -> memref<1x2x1024xi32, #tpu.memory_space<hbm>>
        %dma_start3A_637 = tpu.memref_squeeze %dma_start3A_636 : memref<1x2x1024xi32, #tpu.memory_space<hbm>> -> memref<2x1024xi32, #tpu.memory_space<hbm>>
        %dma_start3A_638 = arith.constant 0 : i32
        %dma_start3A_639 = arith.constant 0 : i32
        %dma_start3A_640 = tpu.memref_slice %arg2[%add3A_633, %dma_start3A_638, %dma_start3A_639] : memref<1024x2x1024xi32, #tpu.memory_space<hbm>> -> memref<1x2x1024xi32, #tpu.memory_space<hbm>>
        %dma_start3A_641 = tpu.memref_squeeze %dma_start3A_640 : memref<1x2x1024xi32, #tpu.memory_space<hbm>> -> memref<2x1024xi32, #tpu.memory_space<hbm>>
        tpu.enqueue_dma source(%dma_start3A_641 : memref<2x1024xi32, #tpu.memory_space<hbm>>) target(%arg9 : memref<2x1024xi32, #tpu.memory_space<vmem>>) target_semaphore(%arg25 : memref<!tpu.dma_semaphore, #tpu.memory_space<semaphore_mem>>)
      } else {
      }
      %add3A_464 = arith.constant 5 : i32
      %add3A_465 = arith.addi %add3A_240, %add3A_464 : i32
      %dma_wait3A_466 = arith.constant 0 : i32
      %dma_wait3A_467 = arith.constant 0 : i32
      %dma_wait3A_468 = tpu.memref_slice %arg2[%add3A_465, %dma_wait3A_466, %dma_wait3A_467] : memref<1024x2x1024xi32, #tpu.memory_space<hbm>> -> memref<1x2x1024xi32, #tpu.memory_space<hbm>>
      %dma_wait3A_469 = tpu.memref_squeeze %dma_wait3A_468 : memref<1x2x1024xi32, #tpu.memory_space<hbm>> -> memref<2x1024xi32, #tpu.memory_space<hbm>>
      %dma_wait3A_470 = arith.constant 0 : i32
      %dma_wait3A_471 = arith.constant 0 : i32
      %dma_wait3A_472 = tpu.memref_slice %arg2[%add3A_465, %dma_wait3A_470, %dma_wait3A_471] : memref<1024x2x1024xi32, #tpu.memory_space<hbm>> -> memref<1x2x1024xi32, #tpu.memory_space<hbm>>
      %dma_wait3A_473 = tpu.memref_squeeze %dma_wait3A_472 : memref<1x2x1024xi32, #tpu.memory_space<hbm>> -> memref<2x1024xi32, #tpu.memory_space<hbm>>
      tpu.wait_dma2 semaphore(%arg26 : memref<!tpu.dma_semaphore, #tpu.memory_space<semaphore_mem>>) src(%dma_wait3A_473 : memref<2x1024xi32, #tpu.memory_space<hbm>>) dst(%arg10 : memref<2x1024xi32, #tpu.memory_space<vmem>>)
      %sub3A_474 = arith.constant 4 : i32
      %sub3A_475 = arith.subi %add3A_465, %sub3A_474 : i32
      %dma_wait3A_476 = arith.constant 0 : i32
      %dma_wait3A_477 = arith.constant 0 : i32
      %dma_wait3A_478 = tpu.memref_slice %arg3[%sub3A_475, %dma_wait3A_476, %dma_wait3A_477] : memref<1024x64x64xf32, #tpu.memory_space<hbm>> -> memref<1x64x64xf32, #tpu.memory_space<hbm>>
      %dma_wait3A_479 = tpu.memref_squeeze %dma_wait3A_478 : memref<1x64x64xf32, #tpu.memory_space<hbm>> -> memref<64x64xf32, #tpu.memory_space<hbm>>
      %dma_wait3A_480 = arith.constant 0 : i32
      %dma_wait3A_481 = arith.constant 0 : i32
      %dma_wait3A_482 = tpu.memref_slice %arg3[%sub3A_475, %dma_wait3A_480, %dma_wait3A_481] : memref<1024x64x64xf32, #tpu.memory_space<hbm>> -> memref<1x64x64xf32, #tpu.memory_space<hbm>>
      %dma_wait3A_483 = tpu.memref_squeeze %dma_wait3A_482 : memref<1x64x64xf32, #tpu.memory_space<hbm>> -> memref<64x64xf32, #tpu.memory_space<hbm>>
      tpu.wait_dma2 semaphore(%arg30 : memref<!tpu.dma_semaphore, #tpu.memory_space<semaphore_mem>>) src(%arg14 : memref<64x64xf32, #tpu.memory_space<vmem>>) dst(%dma_wait3A_483 : memref<64x64xf32, #tpu.memory_space<hbm>>)
      %sub3A_484 = arith.constant 4 : i32
      %sub3A_485 = arith.subi %add3A_465, %sub3A_484 : i32
      %dma_wait3A_486 = arith.constant 0 : i32
      %dma_wait3A_487 = tpu.memref_slice %arg4[%sub3A_485, %dma_wait3A_486] : memref<1024x128xf32, #tpu.memory_space<hbm>> -> memref<1x128xf32, #tpu.memory_space<hbm>>
      %dma_wait3A_488 = tpu.memref_squeeze %dma_wait3A_487 : memref<1x128xf32, #tpu.memory_space<hbm>> -> memref<128xf32, #tpu.memory_space<hbm>>
      %dma_wait3A_489 = arith.constant 0 : i32
      %dma_wait3A_490 = tpu.memref_slice %arg4[%sub3A_485, %dma_wait3A_489] : memref<1024x128xf32, #tpu.memory_space<hbm>> -> memref<1x128xf32, #tpu.memory_space<hbm>>
      %dma_wait3A_491 = tpu.memref_squeeze %dma_wait3A_490 : memref<1x128xf32, #tpu.memory_space<hbm>> -> memref<128xf32, #tpu.memory_space<hbm>>
      tpu.wait_dma2 semaphore(%arg34 : memref<!tpu.dma_semaphore, #tpu.memory_space<semaphore_mem>>) src(%arg18 : memref<128xf32, #tpu.memory_space<vmem>>) dst(%dma_wait3A_491 : memref<128xf32, #tpu.memory_space<hbm>>)
      %parallel_loop3A_492 = arith.constant 0 : i32
      %parallel_loop3A_493 = arith.constant 64 : i32
      %parallel_loop3A_494 = arith.constant 1 : i32
      scf.for %parallel_loop3A_632 = %parallel_loop3A_492 to %parallel_loop3A_493 step %parallel_loop3A_494  : i32 {
        %parallel_loop3A_633 = arith.constant 16 : i32
        %parallel_loop3A_634 = arith.muli %parallel_loop3A_632, %parallel_loop3A_633 : i32
        %parallel_loop3A_635 = arith.constant 0 : i32
        %parallel_loop3A_636 = arith.index_cast %parallel_loop3A_635 : i32 to index
        %parallel_loop3A_637 = arith.index_cast %parallel_loop3A_634 : i32 to index
        %parallel_loop3A_638 = tpu.vector_load %arg10[%parallel_loop3A_636, %parallel_loop3A_637] {strides = array<i32>} : memref<2x1024xi32, #tpu.memory_space<vmem>>, vector<16xi32>,
        %parallel_loop3A_639 = arith.constant 16 : i32
        %parallel_loop3A_640 = arith.muli %parallel_loop3A_632, %parallel_loop3A_639 : i32
        %parallel_loop3A_641 = arith.constant 1 : i32
        %parallel_loop3A_642 = arith.index_cast %parallel_loop3A_641 : i32 to index
        %parallel_loop3A_643 = arith.index_cast %parallel_loop3A_640 : i32 to index
        %parallel_loop3A_644 = tpu.vector_load %arg10[%parallel_loop3A_642, %parallel_loop3A_643] {strides = array<i32>} : memref<2x1024xi32, #tpu.memory_space<vmem>>, vector<16xi32>,
        tpu.vector_store_idx %arg14[%parallel_loop3A_638, %parallel_loop3A_644], %broadcast_in_dim3A_3 {add = true} : memref<64x64xf32, #tpu.memory_space<vmem>>[vector<16xi32>, vector<16xi32>], vector<16xf32>,
        tpu.vector_store_idx %arg18[%parallel_loop3A_644], %broadcast_in_dim3A_3 {add = true} : memref<128xf32, #tpu.memory_space<vmem>>[vector<16xi32>], vector<16xf32>,
        %parallel_loop3A_645 = arith.constant 64 : i32
        %parallel_loop3A_646 = vector.broadcast %parallel_loop3A_645 : i32 to vector<16xi32>
        %parallel_loop3A_647 = arith.addi %parallel_loop3A_638, %parallel_loop3A_646 : vector<16xi32>
        tpu.vector_store_idx %arg18[%parallel_loop3A_647], %broadcast_in_dim3A_3 {add = true} : memref<128xf32, #tpu.memory_space<vmem>>[vector<16xi32>], vector<16xf32>,
      } {sc.loop_unroll_factor = 8 : i64, sc.parallel_access}
      %dma_start3A_495 = arith.constant 0 : i32
      %dma_start3A_496 = arith.constant 0 : i32
      %dma_start3A_497 = tpu.memref_slice %arg3[%add3A_465, %dma_start3A_495, %dma_start3A_496] : memref<1024x64x64xf32, #tpu.memory_space<hbm>> -> memref<1x64x64xf32, #tpu.memory_space<hbm>>
      %dma_start3A_498 = tpu.memref_squeeze %dma_start3A_497 : memref<1x64x64xf32, #tpu.memory_space<hbm>> -> memref<64x64xf32, #tpu.memory_space<hbm>>
      %dma_start3A_499 = arith.constant 0 : i32
      %dma_start3A_500 = arith.constant 0 : i32
      %dma_start3A_501 = tpu.memref_slice %arg3[%add3A_465, %dma_start3A_499, %dma_start3A_500] : memref<1024x64x64xf32, #tpu.memory_space<hbm>> -> memref<1x64x64xf32, #tpu.memory_space<hbm>>
      %dma_start3A_502 = tpu.memref_squeeze %dma_start3A_501 : memref<1x64x64xf32, #tpu.memory_space<hbm>> -> memref<64x64xf32, #tpu.memory_space<hbm>>
      tpu.enqueue_dma source(%arg14 : memref<64x64xf32, #tpu.memory_space<vmem>>) target(%dma_start3A_502 : memref<64x64xf32, #tpu.memory_space<hbm>>) target_semaphore(%arg30 : memref<!tpu.dma_semaphore, #tpu.memory_space<semaphore_mem>>)
      %dma_start3A_503 = arith.constant 0 : i32
      %dma_start3A_504 = tpu.memref_slice %arg4[%add3A_465, %dma_start3A_503] : memref<1024x128xf32, #tpu.memory_space<hbm>> -> memref<1x128xf32, #tpu.memory_space<hbm>>
      %dma_start3A_505 = tpu.memref_squeeze %dma_start3A_504 : memref<1x128xf32, #tpu.memory_space<hbm>> -> memref<128xf32, #tpu.memory_space<hbm>>
      %dma_start3A_506 = arith.constant 0 : i32
      %dma_start3A_507 = tpu.memref_slice %arg4[%add3A_465, %dma_start3A_506] : memref<1024x128xf32, #tpu.memory_space<hbm>> -> memref<1x128xf32, #tpu.memory_space<hbm>>
      %dma_start3A_508 = tpu.memref_squeeze %dma_start3A_507 : memref<1x128xf32, #tpu.memory_space<hbm>> -> memref<128xf32, #tpu.memory_space<hbm>>
      tpu.enqueue_dma source(%arg18 : memref<128xf32, #tpu.memory_space<vmem>>) target(%dma_start3A_508 : memref<128xf32, #tpu.memory_space<hbm>>) target_semaphore(%arg34 : memref<!tpu.dma_semaphore, #tpu.memory_space<semaphore_mem>>)
      %mul3A_509 = arith.constant 8 : i32
      %mul3A_510 = arith.muli %mul3A_509, %scan3A_237 : i32
      %add3A_511 = arith.constant 5 : i32
      %add3A_512 = arith.addi %mul3A_510, %add3A_511 : i32
      %add3A_513 = arith.constant 8 : i32
      %add3A_514 = arith.addi %add3A_512, %add3A_513 : i32
      %lt3A_515 = arith.constant 32 : i32
      %lt3A_516 = arith.cmpi slt, %add3A_514, %lt3A_515 : i32
      %convert_element_type3A_517 = arith.extui %lt3A_516 : i1 to i32
      %cond3A_518 = arith.constant 0 : i32
      %cond3A_519 = arith.cmpi ne, %convert_element_type3A_517, %cond3A_518 : i32
      scf.if %cond3A_519 {
        %add3A_632 = arith.constant 8 : i32
        %add3A_633 = arith.addi %add3A_465, %add3A_632 : i32
        %dma_start3A_634 = arith.constant 0 : i32
        %dma_start3A_635 = arith.constant 0 : i32
        %dma_start3A_636 = tpu.memref_slice %arg2[%add3A_633, %dma_start3A_634, %dma_start3A_635] : memref<1024x2x1024xi32, #tpu.memory_space<hbm>> -> memref<1x2x1024xi32, #tpu.memory_space<hbm>>
        %dma_start3A_637 = tpu.memref_squeeze %dma_start3A_636 : memref<1x2x1024xi32, #tpu.memory_space<hbm>> -> memref<2x1024xi32, #tpu.memory_space<hbm>>
        %dma_start3A_638 = arith.constant 0 : i32
        %dma_start3A_639 = arith.constant 0 : i32
        %dma_start3A_640 = tpu.memref_slice %arg2[%add3A_633, %dma_start3A_638, %dma_start3A_639] : memref<1024x2x1024xi32, #tpu.memory_space<hbm>> -> memref<1x2x1024xi32, #tpu.memory_space<hbm>>
        %dma_start3A_641 = tpu.memref_squeeze %dma_start3A_640 : memref<1x2x1024xi32, #tpu.memory_space<hbm>> -> memref<2x1024xi32, #tpu.memory_space<hbm>>
        tpu.enqueue_dma source(%dma_start3A_641 : memref<2x1024xi32, #tpu.memory_space<hbm>>) target(%arg10 : memref<2x1024xi32, #tpu.memory_space<vmem>>) target_semaphore(%arg26 : memref<!tpu.dma_semaphore, #tpu.memory_space<semaphore_mem>>)
      } else {
      }
      %add3A_520 = arith.constant 6 : i32
      %add3A_521 = arith.addi %add3A_240, %add3A_520 : i32
      %dma_wait3A_522 = arith.constant 0 : i32
      %dma_wait3A_523 = arith.constant 0 : i32
      %dma_wait3A_524 = tpu.memref_slice %arg2[%add3A_521, %dma_wait3A_522, %dma_wait3A_523] : memref<1024x2x1024xi32, #tpu.memory_space<hbm>> -> memref<1x2x1024xi32, #tpu.memory_space<hbm>>
      %dma_wait3A_525 = tpu.memref_squeeze %dma_wait3A_524 : memref<1x2x1024xi32, #tpu.memory_space<hbm>> -> memref<2x1024xi32, #tpu.memory_space<hbm>>
      %dma_wait3A_526 = arith.constant 0 : i32
      %dma_wait3A_527 = arith.constant 0 : i32
      %dma_wait3A_528 = tpu.memref_slice %arg2[%add3A_521, %dma_wait3A_526, %dma_wait3A_527] : memref<1024x2x1024xi32, #tpu.memory_space<hbm>> -> memref<1x2x1024xi32, #tpu.memory_space<hbm>>
      %dma_wait3A_529 = tpu.memref_squeeze %dma_wait3A_528 : memref<1x2x1024xi32, #tpu.memory_space<hbm>> -> memref<2x1024xi32, #tpu.memory_space<hbm>>
      tpu.wait_dma2 semaphore(%arg27 : memref<!tpu.dma_semaphore, #tpu.memory_space<semaphore_mem>>) src(%dma_wait3A_529 : memref<2x1024xi32, #tpu.memory_space<hbm>>) dst(%arg11 : memref<2x1024xi32, #tpu.memory_space<vmem>>)
      %sub3A_530 = arith.constant 4 : i32
      %sub3A_531 = arith.subi %add3A_521, %sub3A_530 : i32
      %dma_wait3A_532 = arith.constant 0 : i32
      %dma_wait3A_533 = arith.constant 0 : i32
      %dma_wait3A_534 = tpu.memref_slice %arg3[%sub3A_531, %dma_wait3A_532, %dma_wait3A_533] : memref<1024x64x64xf32, #tpu.memory_space<hbm>> -> memref<1x64x64xf32, #tpu.memory_space<hbm>>
      %dma_wait3A_535 = tpu.memref_squeeze %dma_wait3A_534 : memref<1x64x64xf32, #tpu.memory_space<hbm>> -> memref<64x64xf32, #tpu.memory_space<hbm>>
      %dma_wait3A_536 = arith.constant 0 : i32
      %dma_wait3A_537 = arith.constant 0 : i32
      %dma_wait3A_538 = tpu.memref_slice %arg3[%sub3A_531, %dma_wait3A_536, %dma_wait3A_537] : memref<1024x64x64xf32, #tpu.memory_space<hbm>> -> memref<1x64x64xf32, #tpu.memory_space<hbm>>
      %dma_wait3A_539 = tpu.memref_squeeze %dma_wait3A_538 : memref<1x64x64xf32, #tpu.memory_space<hbm>> -> memref<64x64xf32, #tpu.memory_space<hbm>>
      tpu.wait_dma2 semaphore(%arg31 : memref<!tpu.dma_semaphore, #tpu.memory_space<semaphore_mem>>) src(%arg15 : memref<64x64xf32, #tpu.memory_space<vmem>>) dst(%dma_wait3A_539 : memref<64x64xf32, #tpu.memory_space<hbm>>)
      %sub3A_540 = arith.constant 4 : i32
      %sub3A_541 = arith.subi %add3A_521, %sub3A_540 : i32
      %dma_wait3A_542 = arith.constant 0 : i32
      %dma_wait3A_543 = tpu.memref_slice %arg4[%sub3A_541, %dma_wait3A_542] : memref<1024x128xf32, #tpu.memory_space<hbm>> -> memref<1x128xf32, #tpu.memory_space<hbm>>
      %dma_wait3A_544 = tpu.memref_squeeze %dma_wait3A_543 : memref<1x128xf32, #tpu.memory_space<hbm>> -> memref<128xf32, #tpu.memory_space<hbm>>
      %dma_wait3A_545 = arith.constant 0 : i32
      %dma_wait3A_546 = tpu.memref_slice %arg4[%sub3A_541, %dma_wait3A_545] : memref<1024x128xf32, #tpu.memory_space<hbm>> -> memref<1x128xf32, #tpu.memory_space<hbm>>
      %dma_wait3A_547 = tpu.memref_squeeze %dma_wait3A_546 : memref<1x128xf32, #tpu.memory_space<hbm>> -> memref<128xf32, #tpu.memory_space<hbm>>
      tpu.wait_dma2 semaphore(%arg35 : memref<!tpu.dma_semaphore, #tpu.memory_space<semaphore_mem>>) src(%arg19 : memref<128xf32, #tpu.memory_space<vmem>>) dst(%dma_wait3A_547 : memref<128xf32, #tpu.memory_space<hbm>>)
      %parallel_loop3A_548 = arith.constant 0 : i32
      %parallel_loop3A_549 = arith.constant 64 : i32
      %parallel_loop3A_550 = arith.constant 1 : i32
      scf.for %parallel_loop3A_632 = %parallel_loop3A_548 to %parallel_loop3A_549 step %parallel_loop3A_550  : i32 {
        %parallel_loop3A_633 = arith.constant 16 : i32
        %parallel_loop3A_634 = arith.muli %parallel_loop3A_632, %parallel_loop3A_633 : i32
        %parallel_loop3A_635 = arith.constant 0 : i32
        %parallel_loop3A_636 = arith.index_cast %parallel_loop3A_635 : i32 to index
        %parallel_loop3A_637 = arith.index_cast %parallel_loop3A_634 : i32 to index
        %parallel_loop3A_638 = tpu.vector_load %arg11[%parallel_loop3A_636, %parallel_loop3A_637] {strides = array<i32>} : memref<2x1024xi32, #tpu.memory_space<vmem>>, vector<16xi32>,
        %parallel_loop3A_639 = arith.constant 16 : i32
        %parallel_loop3A_640 = arith.muli %parallel_loop3A_632, %parallel_loop3A_639 : i32
        %parallel_loop3A_641 = arith.constant 1 : i32
        %parallel_loop3A_642 = arith.index_cast %parallel_loop3A_641 : i32 to index
        %parallel_loop3A_643 = arith.index_cast %parallel_loop3A_640 : i32 to index
        %parallel_loop3A_644 = tpu.vector_load %arg11[%parallel_loop3A_642, %parallel_loop3A_643] {strides = array<i32>} : memref<2x1024xi32, #tpu.memory_space<vmem>>, vector<16xi32>,
        tpu.vector_store_idx %arg15[%parallel_loop3A_638, %parallel_loop3A_644], %broadcast_in_dim3A_3 {add = true} : memref<64x64xf32, #tpu.memory_space<vmem>>[vector<16xi32>, vector<16xi32>], vector<16xf32>,
        tpu.vector_store_idx %arg19[%parallel_loop3A_644], %broadcast_in_dim3A_3 {add = true} : memref<128xf32, #tpu.memory_space<vmem>>[vector<16xi32>], vector<16xf32>,
        %parallel_loop3A_645 = arith.constant 64 : i32
        %parallel_loop3A_646 = vector.broadcast %parallel_loop3A_645 : i32 to vector<16xi32>
        %parallel_loop3A_647 = arith.addi %parallel_loop3A_638, %parallel_loop3A_646 : vector<16xi32>
        tpu.vector_store_idx %arg19[%parallel_loop3A_647], %broadcast_in_dim3A_3 {add = true} : memref<128xf32, #tpu.memory_space<vmem>>[vector<16xi32>], vector<16xf32>,
      } {sc.loop_unroll_factor = 8 : i64, sc.parallel_access}
      %dma_start3A_551 = arith.constant 0 : i32
      %dma_start3A_552 = arith.constant 0 : i32
      %dma_start3A_553 = tpu.memref_slice %arg3[%add3A_521, %dma_start3A_551, %dma_start3A_552] : memref<1024x64x64xf32, #tpu.memory_space<hbm>> -> memref<1x64x64xf32, #tpu.memory_space<hbm>>
      %dma_start3A_554 = tpu.memref_squeeze %dma_start3A_553 : memref<1x64x64xf32, #tpu.memory_space<hbm>> -> memref<64x64xf32, #tpu.memory_space<hbm>>
      %dma_start3A_555 = arith.constant 0 : i32
      %dma_start3A_556 = arith.constant 0 : i32
      %dma_start3A_557 = tpu.memref_slice %arg3[%add3A_521, %dma_start3A_555, %dma_start3A_556] : memref<1024x64x64xf32, #tpu.memory_space<hbm>> -> memref<1x64x64xf32, #tpu.memory_space<hbm>>
      %dma_start3A_558 = tpu.memref_squeeze %dma_start3A_557 : memref<1x64x64xf32, #tpu.memory_space<hbm>> -> memref<64x64xf32, #tpu.memory_space<hbm>>
      tpu.enqueue_dma source(%arg15 : memref<64x64xf32, #tpu.memory_space<vmem>>) target(%dma_start3A_558 : memref<64x64xf32, #tpu.memory_space<hbm>>) target_semaphore(%arg31 : memref<!tpu.dma_semaphore, #tpu.memory_space<semaphore_mem>>)
      %dma_start3A_559 = arith.constant 0 : i32
      %dma_start3A_560 = tpu.memref_slice %arg4[%add3A_521, %dma_start3A_559] : memref<1024x128xf32, #tpu.memory_space<hbm>> -> memref<1x128xf32, #tpu.memory_space<hbm>>
      %dma_start3A_561 = tpu.memref_squeeze %dma_start3A_560 : memref<1x128xf32, #tpu.memory_space<hbm>> -> memref<128xf32, #tpu.memory_space<hbm>>
      %dma_start3A_562 = arith.constant 0 : i32
      %dma_start3A_563 = tpu.memref_slice %arg4[%add3A_521, %dma_start3A_562] : memref<1024x128xf32, #tpu.memory_space<hbm>> -> memref<1x128xf32, #tpu.memory_space<hbm>>
      %dma_start3A_564 = tpu.memref_squeeze %dma_start3A_563 : memref<1x128xf32, #tpu.memory_space<hbm>> -> memref<128xf32, #tpu.memory_space<hbm>>
      tpu.enqueue_dma source(%arg19 : memref<128xf32, #tpu.memory_space<vmem>>) target(%dma_start3A_564 : memref<128xf32, #tpu.memory_space<hbm>>) target_semaphore(%arg35 : memref<!tpu.dma_semaphore, #tpu.memory_space<semaphore_mem>>)
      %mul3A_565 = arith.constant 8 : i32
      %mul3A_566 = arith.muli %mul3A_565, %scan3A_237 : i32
      %add3A_567 = arith.constant 6 : i32
      %add3A_568 = arith.addi %mul3A_566, %add3A_567 : i32
      %add3A_569 = arith.constant 8 : i32
      %add3A_570 = arith.addi %add3A_568, %add3A_569 : i32
      %lt3A_571 = arith.constant 32 : i32
      %lt3A_572 = arith.cmpi slt, %add3A_570, %lt3A_571 : i32
      %convert_element_type3A_573 = arith.extui %lt3A_572 : i1 to i32
      %cond3A_574 = arith.constant 0 : i32
      %cond3A_575 = arith.cmpi ne, %convert_element_type3A_573, %cond3A_574 : i32
      scf.if %cond3A_575 {
        %add3A_632 = arith.constant 8 : i32
        %add3A_633 = arith.addi %add3A_521, %add3A_632 : i32
        %dma_start3A_634 = arith.constant 0 : i32
        %dma_start3A_635 = arith.constant 0 : i32
        %dma_start3A_636 = tpu.memref_slice %arg2[%add3A_633, %dma_start3A_634, %dma_start3A_635] : memref<1024x2x1024xi32, #tpu.memory_space<hbm>> -> memref<1x2x1024xi32, #tpu.memory_space<hbm>>
        %dma_start3A_637 = tpu.memref_squeeze %dma_start3A_636 : memref<1x2x1024xi32, #tpu.memory_space<hbm>> -> memref<2x1024xi32, #tpu.memory_space<hbm>>
        %dma_start3A_638 = arith.constant 0 : i32
        %dma_start3A_639 = arith.constant 0 : i32
        %dma_start3A_640 = tpu.memref_slice %arg2[%add3A_633, %dma_start3A_638, %dma_start3A_639] : memref<1024x2x1024xi32, #tpu.memory_space<hbm>> -> memref<1x2x1024xi32, #tpu.memory_space<hbm>>
        %dma_start3A_641 = tpu.memref_squeeze %dma_start3A_640 : memref<1x2x1024xi32, #tpu.memory_space<hbm>> -> memref<2x1024xi32, #tpu.memory_space<hbm>>
        tpu.enqueue_dma source(%dma_start3A_641 : memref<2x1024xi32, #tpu.memory_space<hbm>>) target(%arg11 : memref<2x1024xi32, #tpu.memory_space<vmem>>) target_semaphore(%arg27 : memref<!tpu.dma_semaphore, #tpu.memory_space<semaphore_mem>>)
      } else {
      }
      %add3A_576 = arith.constant 7 : i32
      %add3A_577 = arith.addi %add3A_240, %add3A_576 : i32
      %dma_wait3A_578 = arith.constant 0 : i32
      %dma_wait3A_579 = arith.constant 0 : i32
      %dma_wait3A_580 = tpu.memref_slice %arg2[%add3A_577, %dma_wait3A_578, %dma_wait3A_579] : memref<1024x2x1024xi32, #tpu.memory_space<hbm>> -> memref<1x2x1024xi32, #tpu.memory_space<hbm>>
      %dma_wait3A_581 = tpu.memref_squeeze %dma_wait3A_580 : memref<1x2x1024xi32, #tpu.memory_space<hbm>> -> memref<2x1024xi32, #tpu.memory_space<hbm>>
      %dma_wait3A_582 = arith.constant 0 : i32
      %dma_wait3A_583 = arith.constant 0 : i32
      %dma_wait3A_584 = tpu.memref_slice %arg2[%add3A_577, %dma_wait3A_582, %dma_wait3A_583] : memref<1024x2x1024xi32, #tpu.memory_space<hbm>> -> memref<1x2x1024xi32, #tpu.memory_space<hbm>>
      %dma_wait3A_585 = tpu.memref_squeeze %dma_wait3A_584 : memref<1x2x1024xi32, #tpu.memory_space<hbm>> -> memref<2x1024xi32, #tpu.memory_space<hbm>>
      tpu.wait_dma2 semaphore(%arg28 : memref<!tpu.dma_semaphore, #tpu.memory_space<semaphore_mem>>) src(%dma_wait3A_585 : memref<2x1024xi32, #tpu.memory_space<hbm>>) dst(%arg12 : memref<2x1024xi32, #tpu.memory_space<vmem>>)
      %sub3A_586 = arith.constant 4 : i32
      %sub3A_587 = arith.subi %add3A_577, %sub3A_586 : i32
      %dma_wait3A_588 = arith.constant 0 : i32
      %dma_wait3A_589 = arith.constant 0 : i32
      %dma_wait3A_590 = tpu.memref_slice %arg3[%sub3A_587, %dma_wait3A_588, %dma_wait3A_589] : memref<1024x64x64xf32, #tpu.memory_space<hbm>> -> memref<1x64x64xf32, #tpu.memory_space<hbm>>
      %dma_wait3A_591 = tpu.memref_squeeze %dma_wait3A_590 : memref<1x64x64xf32, #tpu.memory_space<hbm>> -> memref<64x64xf32, #tpu.memory_space<hbm>>
      %dma_wait3A_592 = arith.constant 0 : i32
      %dma_wait3A_593 = arith.constant 0 : i32
      %dma_wait3A_594 = tpu.memref_slice %arg3[%sub3A_587, %dma_wait3A_592, %dma_wait3A_593] : memref<1024x64x64xf32, #tpu.memory_space<hbm>> -> memref<1x64x64xf32, #tpu.memory_space<hbm>>
      %dma_wait3A_595 = tpu.memref_squeeze %dma_wait3A_594 : memref<1x64x64xf32, #tpu.memory_space<hbm>> -> memref<64x64xf32, #tpu.memory_space<hbm>>
      tpu.wait_dma2 semaphore(%arg32 : memref<!tpu.dma_semaphore, #tpu.memory_space<semaphore_mem>>) src(%arg16 : memref<64x64xf32, #tpu.memory_space<vmem>>) dst(%dma_wait3A_595 : memref<64x64xf32, #tpu.memory_space<hbm>>)
      %sub3A_596 = arith.constant 4 : i32
      %sub3A_597 = arith.subi %add3A_577, %sub3A_596 : i32
      %dma_wait3A_598 = arith.constant 0 : i32
      %dma_wait3A_599 = tpu.memref_slice %arg4[%sub3A_597, %dma_wait3A_598] : memref<1024x128xf32, #tpu.memory_space<hbm>> -> memref<1x128xf32, #tpu.memory_space<hbm>>
      %dma_wait3A_600 = tpu.memref_squeeze %dma_wait3A_599 : memref<1x128xf32, #tpu.memory_space<hbm>> -> memref<128xf32, #tpu.memory_space<hbm>>
      %dma_wait3A_601 = arith.constant 0 : i32
      %dma_wait3A_602 = tpu.memref_slice %arg4[%sub3A_597, %dma_wait3A_601] : memref<1024x128xf32, #tpu.memory_space<hbm>> -> memref<1x128xf32, #tpu.memory_space<hbm>>
      %dma_wait3A_603 = tpu.memref_squeeze %dma_wait3A_602 : memref<1x128xf32, #tpu.memory_space<hbm>> -> memref<128xf32, #tpu.memory_space<hbm>>
      tpu.wait_dma2 semaphore(%arg36 : memref<!tpu.dma_semaphore, #tpu.memory_space<semaphore_mem>>) src(%arg20 : memref<128xf32, #tpu.memory_space<vmem>>) dst(%dma_wait3A_603 : memref<128xf32, #tpu.memory_space<hbm>>)
      %parallel_loop3A_604 = arith.constant 0 : i32
      %parallel_loop3A_605 = arith.constant 64 : i32
      %parallel_loop3A_606 = arith.constant 1 : i32
      scf.for %parallel_loop3A_632 = %parallel_loop3A_604 to %parallel_loop3A_605 step %parallel_loop3A_606  : i32 {
        %parallel_loop3A_633 = arith.constant 16 : i32
        %parallel_loop3A_634 = arith.muli %parallel_loop3A_632, %parallel_loop3A_633 : i32
        %parallel_loop3A_635 = arith.constant 0 : i32
        %parallel_loop3A_636 = arith.index_cast %parallel_loop3A_635 : i32 to index
        %parallel_loop3A_637 = arith.index_cast %parallel_loop3A_634 : i32 to index
        %parallel_loop3A_638 = tpu.vector_load %arg12[%parallel_loop3A_636, %parallel_loop3A_637] {strides = array<i32>} : memref<2x1024xi32, #tpu.memory_space<vmem>>, vector<16xi32>,
        %parallel_loop3A_639 = arith.constant 16 : i32
        %parallel_loop3A_640 = arith.muli %parallel_loop3A_632, %parallel_loop3A_639 : i32
        %parallel_loop3A_641 = arith.constant 1 : i32
        %parallel_loop3A_642 = arith.index_cast %parallel_loop3A_641 : i32 to index
        %parallel_loop3A_643 = arith.index_cast %parallel_loop3A_640 : i32 to index
        %parallel_loop3A_644 = tpu.vector_load %arg12[%parallel_loop3A_642, %parallel_loop3A_643] {strides = array<i32>} : memref<2x1024xi32, #tpu.memory_space<vmem>>, vector<16xi32>,
        tpu.vector_store_idx %arg16[%parallel_loop3A_638, %parallel_loop3A_644], %broadcast_in_dim3A_3 {add = true} : memref<64x64xf32, #tpu.memory_space<vmem>>[vector<16xi32>, vector<16xi32>], vector<16xf32>,
        tpu.vector_store_idx %arg20[%parallel_loop3A_644], %broadcast_in_dim3A_3 {add = true} : memref<128xf32, #tpu.memory_space<vmem>>[vector<16xi32>], vector<16xf32>,
        %parallel_loop3A_645 = arith.constant 64 : i32
        %parallel_loop3A_646 = vector.broadcast %parallel_loop3A_645 : i32 to vector<16xi32>
        %parallel_loop3A_647 = arith.addi %parallel_loop3A_638, %parallel_loop3A_646 : vector<16xi32>
        tpu.vector_store_idx %arg20[%parallel_loop3A_647], %broadcast_in_dim3A_3 {add = true} : memref<128xf32, #tpu.memory_space<vmem>>[vector<16xi32>], vector<16xf32>,
      } {sc.loop_unroll_factor = 8 : i64, sc.parallel_access}
      %dma_start3A_607 = arith.constant 0 : i32
      %dma_start3A_608 = arith.constant 0 : i32
      %dma_start3A_609 = tpu.memref_slice %arg3[%add3A_577, %dma_start3A_607, %dma_start3A_608] : memref<1024x64x64xf32, #tpu.memory_space<hbm>> -> memref<1x64x64xf32, #tpu.memory_space<hbm>>
      %dma_start3A_610 = tpu.memref_squeeze %dma_start3A_609 : memref<1x64x64xf32, #tpu.memory_space<hbm>> -> memref<64x64xf32, #tpu.memory_space<hbm>>
      %dma_start3A_611 = arith.constant 0 : i32
      %dma_start3A_612 = arith.constant 0 : i32
      %dma_start3A_613 = tpu.memref_slice %arg3[%add3A_577, %dma_start3A_611, %dma_start3A_612] : memref<1024x64x64xf32, #tpu.memory_space<hbm>> -> memref<1x64x64xf32, #tpu.memory_space<hbm>>
      %dma_start3A_614 = tpu.memref_squeeze %dma_start3A_613 : memref<1x64x64xf32, #tpu.memory_space<hbm>> -> memref<64x64xf32, #tpu.memory_space<hbm>>
      tpu.enqueue_dma source(%arg16 : memref<64x64xf32, #tpu.memory_space<vmem>>) target(%dma_start3A_614 : memref<64x64xf32, #tpu.memory_space<hbm>>) target_semaphore(%arg32 : memref<!tpu.dma_semaphore, #tpu.memory_space<semaphore_mem>>)
      %dma_start3A_615 = arith.constant 0 : i32
      %dma_start3A_616 = tpu.memref_slice %arg4[%add3A_577, %dma_start3A_615] : memref<1024x128xf32, #tpu.memory_space<hbm>> -> memref<1x128xf32, #tpu.memory_space<hbm>>
      %dma_start3A_617 = tpu.memref_squeeze %dma_start3A_616 : memref<1x128xf32, #tpu.memory_space<hbm>> -> memref<128xf32, #tpu.memory_space<hbm>>
      %dma_start3A_618 = arith.constant 0 : i32
      %dma_start3A_619 = tpu.memref_slice %arg4[%add3A_577, %dma_start3A_618] : memref<1024x128xf32, #tpu.memory_space<hbm>> -> memref<1x128xf32, #tpu.memory_space<hbm>>
      %dma_start3A_620 = tpu.memref_squeeze %dma_start3A_619 : memref<1x128xf32, #tpu.memory_space<hbm>> -> memref<128xf32, #tpu.memory_space<hbm>>
      tpu.enqueue_dma source(%arg20 : memref<128xf32, #tpu.memory_space<vmem>>) target(%dma_start3A_620 : memref<128xf32, #tpu.memory_space<hbm>>) target_semaphore(%arg36 : memref<!tpu.dma_semaphore, #tpu.memory_space<semaphore_mem>>)
      %mul3A_621 = arith.constant 8 : i32
      %mul3A_622 = arith.muli %mul3A_621, %scan3A_237 : i32
      %add3A_623 = arith.constant 7 : i32
      %add3A_624 = arith.addi %mul3A_622, %add3A_623 : i32
      %add3A_625 = arith.constant 8 : i32
      %add3A_626 = arith.addi %add3A_624, %add3A_625 : i32
      %lt3A_627 = arith.constant 32 : i32
      %lt3A_628 = arith.cmpi slt, %add3A_626, %lt3A_627 : i32
      %convert_element_type3A_629 = arith.extui %lt3A_628 : i1 to i32
      %cond3A_630 = arith.constant 0 : i32
      %cond3A_631 = arith.cmpi ne, %convert_element_type3A_629, %cond3A_630 : i32
      scf.if %cond3A_631 {
        %add3A_632 = arith.constant 8 : i32
        %add3A_633 = arith.addi %add3A_577, %add3A_632 : i32
        %dma_start3A_634 = arith.constant 0 : i32
        %dma_start3A_635 = arith.constant 0 : i32
        %dma_start3A_636 = tpu.memref_slice %arg2[%add3A_633, %dma_start3A_634, %dma_start3A_635] : memref<1024x2x1024xi32, #tpu.memory_space<hbm>> -> memref<1x2x1024xi32, #tpu.memory_space<hbm>>
        %dma_start3A_637 = tpu.memref_squeeze %dma_start3A_636 : memref<1x2x1024xi32, #tpu.memory_space<hbm>> -> memref<2x1024xi32, #tpu.memory_space<hbm>>
        %dma_start3A_638 = arith.constant 0 : i32
        %dma_start3A_639 = arith.constant 0 : i32
        %dma_start3A_640 = tpu.memref_slice %arg2[%add3A_633, %dma_start3A_638, %dma_start3A_639] : memref<1024x2x1024xi32, #tpu.memory_space<hbm>> -> memref<1x2x1024xi32, #tpu.memory_space<hbm>>
        %dma_start3A_641 = tpu.memref_squeeze %dma_start3A_640 : memref<1x2x1024xi32, #tpu.memory_space<hbm>> -> memref<2x1024xi32, #tpu.memory_space<hbm>>
        tpu.enqueue_dma source(%dma_start3A_641 : memref<2x1024xi32, #tpu.memory_space<hbm>>) target(%arg12 : memref<2x1024xi32, #tpu.memory_space<vmem>>) target_semaphore(%arg28 : memref<!tpu.dma_semaphore, #tpu.memory_space<semaphore_mem>>)
      } else {
      }
    }
    %scan3A_158 = arith.constant 4 : i32
    %add3A_159 = arith.constant 32 : i32
    %add3A_160 = arith.addi %mul3A_2, %add3A_159 : i32
    %sub3A = arith.constant 4 : i32
    %sub3A_161 = arith.subi %add3A_160, %sub3A : i32
    %add3A_162 = arith.constant 0 : i32
    %add3A_163 = arith.addi %sub3A_161, %add3A_162 : i32
    %dma_wait3A = arith.constant 0 : i32
    %dma_wait3A_164 = arith.constant 0 : i32
    %dma_wait3A_165 = tpu.memref_slice %arg3[%add3A_163, %dma_wait3A, %dma_wait3A_164] : memref<1024x64x64xf32, #tpu.memory_space<hbm>> -> memref<1x64x64xf32, #tpu.memory_space<hbm>>
    %dma_wait3A_166 = tpu.memref_squeeze %dma_wait3A_165 : memref<1x64x64xf32, #tpu.memory_space<hbm>> -> memref<64x64xf32, #tpu.memory_space<hbm>>
    %dma_wait3A_167 = arith.constant 0 : i32
    %dma_wait3A_168 = arith.constant 0 : i32
    %dma_wait3A_169 = tpu.memref_slice %arg3[%add3A_163, %dma_wait3A_167, %dma_wait3A_168] : memref<1024x64x64xf32, #tpu.memory_space<hbm>> -> memref<1x64x64xf32, #tpu.memory_space<hbm>>
    %dma_wait3A_170 = tpu.memref_squeeze %dma_wait3A_169 : memref<1x64x64xf32, #tpu.memory_space<hbm>> -> memref<64x64xf32, #tpu.memory_space<hbm>>
    tpu.wait_dma2 semaphore(%arg29 : memref<!tpu.dma_semaphore, #tpu.memory_space<semaphore_mem>>) src(%arg13 : memref<64x64xf32, #tpu.memory_space<vmem>>) dst(%dma_wait3A_170 : memref<64x64xf32, #tpu.memory_space<hbm>>)
    %dma_wait3A_171 = arith.constant 0 : i32
    %dma_wait3A_172 = tpu.memref_slice %arg4[%add3A_163, %dma_wait3A_171] : memref<1024x128xf32, #tpu.memory_space<hbm>> -> memref<1x128xf32, #tpu.memory_space<hbm>>
    %dma_wait3A_173 = tpu.memref_squeeze %dma_wait3A_172 : memref<1x128xf32, #tpu.memory_space<hbm>> -> memref<128xf32, #tpu.memory_space<hbm>>
    %dma_wait3A_174 = arith.constant 0 : i32
    %dma_wait3A_175 = tpu.memref_slice %arg4[%add3A_163, %dma_wait3A_174] : memref<1024x128xf32, #tpu.memory_space<hbm>> -> memref<1x128xf32, #tpu.memory_space<hbm>>
    %dma_wait3A_176 = tpu.memref_squeeze %dma_wait3A_175 : memref<1x128xf32, #tpu.memory_space<hbm>> -> memref<128xf32, #tpu.memory_space<hbm>>
    tpu.wait_dma2 semaphore(%arg33 : memref<!tpu.dma_semaphore, #tpu.memory_space<semaphore_mem>>) src(%arg17 : memref<128xf32, #tpu.memory_space<vmem>>) dst(%dma_wait3A_176 : memref<128xf32, #tpu.memory_space<hbm>>)
    %add3A_177 = arith.constant 32 : i32
    %add3A_178 = arith.addi %mul3A_2, %add3A_177 : i32
    %sub3A_179 = arith.constant 4 : i32
    %sub3A_180 = arith.subi %add3A_178, %sub3A_179 : i32
    %add3A_181 = arith.constant 1 : i32
    %add3A_182 = arith.addi %sub3A_180, %add3A_181 : i32
    %dma_wait3A_183 = arith.constant 0 : i32
    %dma_wait3A_184 = arith.constant 0 : i32
    %dma_wait3A_185 = tpu.memref_slice %arg3[%add3A_182, %dma_wait3A_183, %dma_wait3A_184] : memref<1024x64x64xf32, #tpu.memory_space<hbm>> -> memref<1x64x64xf32, #tpu.memory_space<hbm>>
    %dma_wait3A_186 = tpu.memref_squeeze %dma_wait3A_185 : memref<1x64x64xf32, #tpu.memory_space<hbm>> -> memref<64x64xf32, #tpu.memory_space<hbm>>
    %dma_wait3A_187 = arith.constant 0 : i32
    %dma_wait3A_188 = arith.constant 0 : i32
    %dma_wait3A_189 = tpu.memref_slice %arg3[%add3A_182, %dma_wait3A_187, %dma_wait3A_188] : memref<1024x64x64xf32, #tpu.memory_space<hbm>> -> memref<1x64x64xf32, #tpu.memory_space<hbm>>
    %dma_wait3A_190 = tpu.memref_squeeze %dma_wait3A_189 : memref<1x64x64xf32, #tpu.memory_space<hbm>> -> memref<64x64xf32, #tpu.memory_space<hbm>>
    tpu.wait_dma2 semaphore(%arg30 : memref<!tpu.dma_semaphore, #tpu.memory_space<semaphore_mem>>) src(%arg14 : memref<64x64xf32, #tpu.memory_space<vmem>>) dst(%dma_wait3A_190 : memref<64x64xf32, #tpu.memory_space<hbm>>)
    %dma_wait3A_191 = arith.constant 0 : i32
    %dma_wait3A_192 = tpu.memref_slice %arg4[%add3A_182, %dma_wait3A_191] : memref<1024x128xf32, #tpu.memory_space<hbm>> -> memref<1x128xf32, #tpu.memory_space<hbm>>
    %dma_wait3A_193 = tpu.memref_squeeze %dma_wait3A_192 : memref<1x128xf32, #tpu.memory_space<hbm>> -> memref<128xf32, #tpu.memory_space<hbm>>
    %dma_wait3A_194 = arith.constant 0 : i32
    %dma_wait3A_195 = tpu.memref_slice %arg4[%add3A_182, %dma_wait3A_194] : memref<1024x128xf32, #tpu.memory_space<hbm>> -> memref<1x128xf32, #tpu.memory_space<hbm>>
    %dma_wait3A_196 = tpu.memref_squeeze %dma_wait3A_195 : memref<1x128xf32, #tpu.memory_space<hbm>> -> memref<128xf32, #tpu.memory_space<hbm>>
    tpu.wait_dma2 semaphore(%arg34 : memref<!tpu.dma_semaphore, #tpu.memory_space<semaphore_mem>>) src(%arg18 : memref<128xf32, #tpu.memory_space<vmem>>) dst(%dma_wait3A_196 : memref<128xf32, #tpu.memory_space<hbm>>)
    %add3A_197 = arith.constant 32 : i32
    %add3A_198 = arith.addi %mul3A_2, %add3A_197 : i32
    %sub3A_199 = arith.constant 4 : i32
    %sub3A_200 = arith.subi %add3A_198, %sub3A_199 : i32
    %add3A_201 = arith.constant 2 : i32
    %add3A_202 = arith.addi %sub3A_200, %add3A_201 : i32
    %dma_wait3A_203 = arith.constant 0 : i32
    %dma_wait3A_204 = arith.constant 0 : i32
    %dma_wait3A_205 = tpu.memref_slice %arg3[%add3A_202, %dma_wait3A_203, %dma_wait3A_204] : memref<1024x64x64xf32, #tpu.memory_space<hbm>> -> memref<1x64x64xf32, #tpu.memory_space<hbm>>
    %dma_wait3A_206 = tpu.memref_squeeze %dma_wait3A_205 : memref<1x64x64xf32, #tpu.memory_space<hbm>> -> memref<64x64xf32, #tpu.memory_space<hbm>>
    %dma_wait3A_207 = arith.constant 0 : i32
    %dma_wait3A_208 = arith.constant 0 : i32
    %dma_wait3A_209 = tpu.memref_slice %arg3[%add3A_202, %dma_wait3A_207, %dma_wait3A_208] : memref<1024x64x64xf32, #tpu.memory_space<hbm>> -> memref<1x64x64xf32, #tpu.memory_space<hbm>>
    %dma_wait3A_210 = tpu.memref_squeeze %dma_wait3A_209 : memref<1x64x64xf32, #tpu.memory_space<hbm>> -> memref<64x64xf32, #tpu.memory_space<hbm>>
    tpu.wait_dma2 semaphore(%arg31 : memref<!tpu.dma_semaphore, #tpu.memory_space<semaphore_mem>>) src(%arg15 : memref<64x64xf32, #tpu.memory_space<vmem>>) dst(%dma_wait3A_210 : memref<64x64xf32, #tpu.memory_space<hbm>>)
    %dma_wait3A_211 = arith.constant 0 : i32
    %dma_wait3A_212 = tpu.memref_slice %arg4[%add3A_202, %dma_wait3A_211] : memref<1024x128xf32, #tpu.memory_space<hbm>> -> memref<1x128xf32, #tpu.memory_space<hbm>>
    %dma_wait3A_213 = tpu.memref_squeeze %dma_wait3A_212 : memref<1x128xf32, #tpu.memory_space<hbm>> -> memref<128xf32, #tpu.memory_space<hbm>>
    %dma_wait3A_214 = arith.constant 0 : i32
    %dma_wait3A_215 = tpu.memref_slice %arg4[%add3A_202, %dma_wait3A_214] : memref<1024x128xf32, #tpu.memory_space<hbm>> -> memref<1x128xf32, #tpu.memory_space<hbm>>
    %dma_wait3A_216 = tpu.memref_squeeze %dma_wait3A_215 : memref<1x128xf32, #tpu.memory_space<hbm>> -> memref<128xf32, #tpu.memory_space<hbm>>
    tpu.wait_dma2 semaphore(%arg35 : memref<!tpu.dma_semaphore, #tpu.memory_space<semaphore_mem>>) src(%arg19 : memref<128xf32, #tpu.memory_space<vmem>>) dst(%dma_wait3A_216 : memref<128xf32, #tpu.memory_space<hbm>>)
    %add3A_217 = arith.constant 32 : i32
    %add3A_218 = arith.addi %mul3A_2, %add3A_217 : i32
    %sub3A_219 = arith.constant 4 : i32
    %sub3A_220 = arith.subi %add3A_218, %sub3A_219 : i32
    %add3A_221 = arith.constant 3 : i32
    %add3A_222 = arith.addi %sub3A_220, %add3A_221 : i32
    %dma_wait3A_223 = arith.constant 0 : i32
    %dma_wait3A_224 = arith.constant 0 : i32
    %dma_wait3A_225 = tpu.memref_slice %arg3[%add3A_222, %dma_wait3A_223, %dma_wait3A_224] : memref<1024x64x64xf32, #tpu.memory_space<hbm>> -> memref<1x64x64xf32, #tpu.memory_space<hbm>>
    %dma_wait3A_226 = tpu.memref_squeeze %dma_wait3A_225 : memref<1x64x64xf32, #tpu.memory_space<hbm>> -> memref<64x64xf32, #tpu.memory_space<hbm>>
    %dma_wait3A_227 = arith.constant 0 : i32
    %dma_wait3A_228 = arith.constant 0 : i32
    %dma_wait3A_229 = tpu.memref_slice %arg3[%add3A_222, %dma_wait3A_227, %dma_wait3A_228] : memref<1024x64x64xf32, #tpu.memory_space<hbm>> -> memref<1x64x64xf32, #tpu.memory_space<hbm>>
    %dma_wait3A_230 = tpu.memref_squeeze %dma_wait3A_229 : memref<1x64x64xf32, #tpu.memory_space<hbm>> -> memref<64x64xf32, #tpu.memory_space<hbm>>
    tpu.wait_dma2 semaphore(%arg32 : memref<!tpu.dma_semaphore, #tpu.memory_space<semaphore_mem>>) src(%arg16 : memref<64x64xf32, #tpu.memory_space<vmem>>) dst(%dma_wait3A_230 : memref<64x64xf32, #tpu.memory_space<hbm>>)
    %dma_wait3A_231 = arith.constant 0 : i32
    %dma_wait3A_232 = tpu.memref_slice %arg4[%add3A_222, %dma_wait3A_231] : memref<1024x128xf32, #tpu.memory_space<hbm>> -> memref<1x128xf32, #tpu.memory_space<hbm>>
    %dma_wait3A_233 = tpu.memref_squeeze %dma_wait3A_232 : memref<1x128xf32, #tpu.memory_space<hbm>> -> memref<128xf32, #tpu.memory_space<hbm>>
    %dma_wait3A_234 = arith.constant 0 : i32
    %dma_wait3A_235 = tpu.memref_slice %arg4[%add3A_222, %dma_wait3A_234] : memref<1024x128xf32, #tpu.memory_space<hbm>> -> memref<1x128xf32, #tpu.memory_space<hbm>>
    %dma_wait3A_236 = tpu.memref_squeeze %dma_wait3A_235 : memref<1x128xf32, #tpu.memory_space<hbm>> -> memref<128xf32, #tpu.memory_space<hbm>>
    tpu.wait_dma2 semaphore(%arg36 : memref<!tpu.dma_semaphore, #tpu.memory_space<semaphore_mem>>) src(%arg20 : memref<128xf32, #tpu.memory_space<vmem>>) dst(%dma_wait3A_236 : memref<128xf32, #tpu.memory_space<hbm>>)
    return
  }
}

#map = affine_map<(d0, d1) -> (0, 0, 0)>
#map1 = affine_map<(d0, d1) -> (0, 0)>
module attributes {stable_mosaic.version = 14 : i64} {
  func.func @_sc_hist_body(%arg0: i32, %arg1: i32, %arg2: memref<1024x2x1024xi32, #tpu.memory_space<hbm>>, %arg3: memref<1024x64x64xf32, #tpu.memory_space<hbm>>, %arg4: memref<1024x128xf32, #tpu.memory_space<hbm>>, %arg5: memref<2x1024xi32, #tpu.memory_space<vmem>>, %arg6: memref<2x1024xi32, #tpu.memory_space<vmem>>, %arg7: memref<2x1024xi32, #tpu.memory_space<vmem>>, %arg8: memref<2x1024xi32, #tpu.memory_space<vmem>>, %arg9: memref<2x1024xi32, #tpu.memory_space<vmem>>, %arg10: memref<2x1024xi32, #tpu.memory_space<vmem>>, %arg11: memref<2x1024xi32, #tpu.memory_space<vmem>>, %arg12: memref<2x1024xi32, #tpu.memory_space<vmem>>, %arg13: memref<64x64xf32, #tpu.memory_space<vmem>>, %arg14: memref<64x64xf32, #tpu.memory_space<vmem>>, %arg15: memref<64x64xf32, #tpu.memory_space<vmem>>, %arg16: memref<64x64xf32, #tpu.memory_space<vmem>>, %arg17: memref<128xf32, #tpu.memory_space<vmem>>, %arg18: memref<128xf32, #tpu.memory_space<vmem>>, %arg19: memref<128xf32, #tpu.memory_space<vmem>>, %arg20: memref<128xf32, #tpu.memory_space<vmem>>, %arg21: memref<!tpu.dma_semaphore, #tpu.memory_space<semaphore_mem>>, %arg22: memref<!tpu.dma_semaphore, #tpu.memory_space<semaphore_mem>>, %arg23: memref<!tpu.dma_semaphore, #tpu.memory_space<semaphore_mem>>, %arg24: memref<!tpu.dma_semaphore, #tpu.memory_space<semaphore_mem>>, %arg25: memref<!tpu.dma_semaphore, #tpu.memory_space<semaphore_mem>>, %arg26: memref<!tpu.dma_semaphore, #tpu.memory_space<semaphore_mem>>, %arg27: memref<!tpu.dma_semaphore, #tpu.memory_space<semaphore_mem>>, %arg28: memref<!tpu.dma_semaphore, #tpu.memory_space<semaphore_mem>>, %arg29: memref<!tpu.dma_semaphore, #tpu.memory_space<semaphore_mem>>, %arg30: memref<!tpu.dma_semaphore, #tpu.memory_space<semaphore_mem>>, %arg31: memref<!tpu.dma_semaphore, #tpu.memory_space<semaphore_mem>>, %arg32: memref<!tpu.dma_semaphore, #tpu.memory_space<semaphore_mem>>, %arg33: memref<!tpu.dma_semaphore, #tpu.memory_space<semaphore_mem>>, %arg34: memref<!tpu.dma_semaphore, #tpu.memory_space<semaphore_mem>>, %arg35: memref<!tpu.dma_semaphore, #tpu.memory_space<semaphore_mem>>, %arg36: memref<!tpu.dma_semaphore, #tpu.memory_space<semaphore_mem>>) attributes {dimension_semantics = [#tpu.dimension_semantics<core_parallel>, #tpu.dimension_semantics<subcore_parallel>], iteration_bounds = array<i64: 2, 16>, scalar_prefetch = 0 : i64, scratch_operands = 32 : i64, tpu.core_type = #tpu.core_type<sc_vector_subcore>, window_params = [{transform_indices = #map}, {transform_indices = #map}, {transform_indices = #map1}]} {
    %mul3A = arith.constant 2 : i32
    %mul3A_0 = arith.muli %arg1, %mul3A : i32
    %add3A = arith.addi %mul3A_0, %arg0 : i32
    %mul3A_1 = arith.constant 32 : i32
    %mul3A_2 = arith.muli %add3A, %mul3A_1 : i32
    %broadcast_in_dim3A = arith.constant 1.000000e+00 : f32
    %broadcast_in_dim3A_3 = vector.broadcast %broadcast_in_dim3A : f32 to vector<16xf32>
    %broadcast_in_dim3A_4 = arith.constant 0.000000e+00 : f32
    %broadcast_in_dim3A_5 = vector.broadcast %broadcast_in_dim3A_4 : f32 to vector<16xf32>
    %scan3A = arith.constant 0 : i32
    %scan3A_6 = arith.constant 0 : i32
    %scan3A_7 = arith.constant 64 : i32
    %scan3A_8 = arith.addi %scan3A_6, %scan3A_7 : i32
    %scan3A_9 = arith.constant 1 : i32
    scf.for %scan3A_237 = %scan3A_6 to %scan3A_8 step %scan3A_9  : i32 {
      %swap3A_238 = arith.index_cast %scan3A_237 : i32 to index
      %swap3A_239 = arith.constant 0 : index
      %swap3A_240 = tpu.vector_load %arg13[%swap3A_238, %swap3A_239] {strides = array<i32>} : memref<64x64xf32, #tpu.memory_space<vmem>>, vector<16xf32>,
      tpu.vector_store %arg13[%swap3A_238, %swap3A_239], %broadcast_in_dim3A_5 {strides = array<i32>} : memref<64x64xf32, #tpu.memory_space<vmem>>, vector<16xf32>,
      %swap3A_241 = arith.index_cast %scan3A_237 : i32 to index
      %swap3A_242 = arith.constant 16 : index
      %swap3A_243 = tpu.vector_load %arg13[%swap3A_241, %swap3A_242] {strides = array<i32>} : memref<64x64xf32, #tpu.memory_space<vmem>>, vector<16xf32>,
      tpu.vector_store %arg13[%swap3A_241, %swap3A_242], %broadcast_in_dim3A_5 {strides = array<i32>} : memref<64x64xf32, #tpu.memory_space<vmem>>, vector<16xf32>,
      %swap3A_244 = arith.index_cast %scan3A_237 : i32 to index
      %swap3A_245 = arith.constant 32 : index
      %swap3A_246 = tpu.vector_load %arg13[%swap3A_244, %swap3A_245] {strides = array<i32>} : memref<64x64xf32, #tpu.memory_space<vmem>>, vector<16xf32>,
      tpu.vector_store %arg13[%swap3A_244, %swap3A_245], %broadcast_in_dim3A_5 {strides = array<i32>} : memref<64x64xf32, #tpu.memory_space<vmem>>, vector<16xf32>,
      %swap3A_247 = arith.index_cast %scan3A_237 : i32 to index
      %swap3A_248 = arith.constant 48 : index
      %swap3A_249 = tpu.vector_load %arg13[%swap3A_247, %swap3A_248] {strides = array<i32>} : memref<64x64xf32, #tpu.memory_space<vmem>>, vector<16xf32>,
      tpu.vector_store %arg13[%swap3A_247, %swap3A_248], %broadcast_in_dim3A_5 {strides = array<i32>} : memref<64x64xf32, #tpu.memory_space<vmem>>, vector<16xf32>,
      %swap3A_250 = arith.index_cast %scan3A_237 : i32 to index
      %swap3A_251 = arith.constant 0 : index
      %swap3A_252 = tpu.vector_load %arg14[%swap3A_250, %swap3A_251] {strides = array<i32>} : memref<64x64xf32, #tpu.memory_space<vmem>>, vector<16xf32>,
      tpu.vector_store %arg14[%swap3A_250, %swap3A_251], %broadcast_in_dim3A_5 {strides = array<i32>} : memref<64x64xf32, #tpu.memory_space<vmem>>, vector<16xf32>,
      %swap3A_253 = arith.index_cast %scan3A_237 : i32 to index
      %swap3A_254 = arith.constant 16 : index
      %swap3A_255 = tpu.vector_load %arg14[%swap3A_253, %swap3A_254] {strides = array<i32>} : memref<64x64xf32, #tpu.memory_space<vmem>>, vector<16xf32>,
      tpu.vector_store %arg14[%swap3A_253, %swap3A_254], %broadcast_in_dim3A_5 {strides = array<i32>} : memref<64x64xf32, #tpu.memory_space<vmem>>, vector<16xf32>,
      %swap3A_256 = arith.index_cast %scan3A_237 : i32 to index
      %swap3A_257 = arith.constant 32 : index
      %swap3A_258 = tpu.vector_load %arg14[%swap3A_256, %swap3A_257] {strides = array<i32>} : memref<64x64xf32, #tpu.memory_space<vmem>>, vector<16xf32>,
      tpu.vector_store %arg14[%swap3A_256, %swap3A_257], %broadcast_in_dim3A_5 {strides = array<i32>} : memref<64x64xf32, #tpu.memory_space<vmem>>, vector<16xf32>,
      %swap3A_259 = arith.index_cast %scan3A_237 : i32 to index
      %swap3A_260 = arith.constant 48 : index
      %swap3A_261 = tpu.vector_load %arg14[%swap3A_259, %swap3A_260] {strides = array<i32>} : memref<64x64xf32, #tpu.memory_space<vmem>>, vector<16xf32>,
      tpu.vector_store %arg14[%swap3A_259, %swap3A_260], %broadcast_in_dim3A_5 {strides = array<i32>} : memref<64x64xf32, #tpu.memory_space<vmem>>, vector<16xf32>,
      %swap3A_262 = arith.index_cast %scan3A_237 : i32 to index
      %swap3A_263 = arith.constant 0 : index
      %swap3A_264 = tpu.vector_load %arg15[%swap3A_262, %swap3A_263] {strides = array<i32>} : memref<64x64xf32, #tpu.memory_space<vmem>>, vector<16xf32>,
      tpu.vector_store %arg15[%swap3A_262, %swap3A_263], %broadcast_in_dim3A_5 {strides = array<i32>} : memref<64x64xf32, #tpu.memory_space<vmem>>, vector<16xf32>,
      %swap3A_265 = arith.index_cast %scan3A_237 : i32 to index
      %swap3A_266 = arith.constant 16 : index
      %swap3A_267 = tpu.vector_load %arg15[%swap3A_265, %swap3A_266] {strides = array<i32>} : memref<64x64xf32, #tpu.memory_space<vmem>>, vector<16xf32>,
      tpu.vector_store %arg15[%swap3A_265, %swap3A_266], %broadcast_in_dim3A_5 {strides = array<i32>} : memref<64x64xf32, #tpu.memory_space<vmem>>, vector<16xf32>,
      %swap3A_268 = arith.index_cast %scan3A_237 : i32 to index
      %swap3A_269 = arith.constant 32 : index
      %swap3A_270 = tpu.vector_load %arg15[%swap3A_268, %swap3A_269] {strides = array<i32>} : memref<64x64xf32, #tpu.memory_space<vmem>>, vector<16xf32>,
      tpu.vector_store %arg15[%swap3A_268, %swap3A_269], %broadcast_in_dim3A_5 {strides = array<i32>} : memref<64x64xf32, #tpu.memory_space<vmem>>, vector<16xf32>,
      %swap3A_271 = arith.index_cast %scan3A_237 : i32 to index
      %swap3A_272 = arith.constant 48 : index
      %swap3A_273 = tpu.vector_load %arg15[%swap3A_271, %swap3A_272] {strides = array<i32>} : memref<64x64xf32, #tpu.memory_space<vmem>>, vector<16xf32>,
      tpu.vector_store %arg15[%swap3A_271, %swap3A_272], %broadcast_in_dim3A_5 {strides = array<i32>} : memref<64x64xf32, #tpu.memory_space<vmem>>, vector<16xf32>,
      %swap3A_274 = arith.index_cast %scan3A_237 : i32 to index
      %swap3A_275 = arith.constant 0 : index
      %swap3A_276 = tpu.vector_load %arg16[%swap3A_274, %swap3A_275] {strides = array<i32>} : memref<64x64xf32, #tpu.memory_space<vmem>>, vector<16xf32>,
      tpu.vector_store %arg16[%swap3A_274, %swap3A_275], %broadcast_in_dim3A_5 {strides = array<i32>} : memref<64x64xf32, #tpu.memory_space<vmem>>, vector<16xf32>,
      %swap3A_277 = arith.index_cast %scan3A_237 : i32 to index
      %swap3A_278 = arith.constant 16 : index
      %swap3A_279 = tpu.vector_load %arg16[%swap3A_277, %swap3A_278] {strides = array<i32>} : memref<64x64xf32, #tpu.memory_space<vmem>>, vector<16xf32>,
      tpu.vector_store %arg16[%swap3A_277, %swap3A_278], %broadcast_in_dim3A_5 {strides = array<i32>} : memref<64x64xf32, #tpu.memory_space<vmem>>, vector<16xf32>,
      %swap3A_280 = arith.index_cast %scan3A_237 : i32 to index
      %swap3A_281 = arith.constant 32 : index
      %swap3A_282 = tpu.vector_load %arg16[%swap3A_280, %swap3A_281] {strides = array<i32>} : memref<64x64xf32, #tpu.memory_space<vmem>>, vector<16xf32>,
      tpu.vector_store %arg16[%swap3A_280, %swap3A_281], %broadcast_in_dim3A_5 {strides = array<i32>} : memref<64x64xf32, #tpu.memory_space<vmem>>, vector<16xf32>,
      %swap3A_283 = arith.index_cast %scan3A_237 : i32 to index
      %swap3A_284 = arith.constant 48 : index
      %swap3A_285 = tpu.vector_load %arg16[%swap3A_283, %swap3A_284] {strides = array<i32>} : memref<64x64xf32, #tpu.memory_space<vmem>>, vector<16xf32>,
      tpu.vector_store %arg16[%swap3A_283, %swap3A_284], %broadcast_in_dim3A_5 {strides = array<i32>} : memref<64x64xf32, #tpu.memory_space<vmem>>, vector<16xf32>,
    }
    %scan3A_10 = arith.constant 64 : i32
    %swap3A = arith.constant 0 : index
    %swap3A_11 = tpu.vector_load %arg17[%swap3A] {strides = array<i32>} : memref<128xf32, #tpu.memory_space<vmem>>, vector<16xf32>,
    tpu.vector_store %arg17[%swap3A], %broadcast_in_dim3A_5 {strides = array<i32>} : memref<128xf32, #tpu.memory_space<vmem>>, vector<16xf32>,
    %swap3A_12 = arith.constant 16 : index
    %swap3A_13 = tpu.vector_load %arg17[%swap3A_12] {strides = array<i32>} : memref<128xf32, #tpu.memory_space<vmem>>, vector<16xf32>,
    tpu.vector_store %arg17[%swap3A_12], %broadcast_in_dim3A_5 {strides = array<i32>} : memref<128xf32, #tpu.memory_space<vmem>>, vector<16xf32>,
    %swap3A_14 = arith.constant 32 : index
    %swap3A_15 = tpu.vector_load %arg17[%swap3A_14] {strides = array<i32>} : memref<128xf32, #tpu.memory_space<vmem>>, vector<16xf32>,
    tpu.vector_store %arg17[%swap3A_14], %broadcast_in_dim3A_5 {strides = array<i32>} : memref<128xf32, #tpu.memory_space<vmem>>, vector<16xf32>,
    %swap3A_16 = arith.constant 48 : index
    %swap3A_17 = tpu.vector_load %arg17[%swap3A_16] {strides = array<i32>} : memref<128xf32, #tpu.memory_space<vmem>>, vector<16xf32>,
    tpu.vector_store %arg17[%swap3A_16], %broadcast_in_dim3A_5 {strides = array<i32>} : memref<128xf32, #tpu.memory_space<vmem>>, vector<16xf32>,
    %swap3A_18 = arith.constant 64 : index
    %swap3A_19 = tpu.vector_load %arg17[%swap3A_18] {strides = array<i32>} : memref<128xf32, #tpu.memory_space<vmem>>, vector<16xf32>,
    tpu.vector_store %arg17[%swap3A_18], %broadcast_in_dim3A_5 {strides = array<i32>} : memref<128xf32, #tpu.memory_space<vmem>>, vector<16xf32>,
    %swap3A_20 = arith.constant 80 : index
    %swap3A_21 = tpu.vector_load %arg17[%swap3A_20] {strides = array<i32>} : memref<128xf32, #tpu.memory_space<vmem>>, vector<16xf32>,
    tpu.vector_store %arg17[%swap3A_20], %broadcast_in_dim3A_5 {strides = array<i32>} : memref<128xf32, #tpu.memory_space<vmem>>, vector<16xf32>,
    %swap3A_22 = arith.constant 96 : index
    %swap3A_23 = tpu.vector_load %arg17[%swap3A_22] {strides = array<i32>} : memref<128xf32, #tpu.memory_space<vmem>>, vector<16xf32>,
    tpu.vector_store %arg17[%swap3A_22], %broadcast_in_dim3A_5 {strides = array<i32>} : memref<128xf32, #tpu.memory_space<vmem>>, vector<16xf32>,
    %swap3A_24 = arith.constant 112 : index
    %swap3A_25 = tpu.vector_load %arg17[%swap3A_24] {strides = array<i32>} : memref<128xf32, #tpu.memory_space<vmem>>, vector<16xf32>,
    tpu.vector_store %arg17[%swap3A_24], %broadcast_in_dim3A_5 {strides = array<i32>} : memref<128xf32, #tpu.memory_space<vmem>>, vector<16xf32>,
    %swap3A_26 = arith.constant 0 : index
    %swap3A_27 = tpu.vector_load %arg18[%swap3A_26] {strides = array<i32>} : memref<128xf32, #tpu.memory_space<vmem>>, vector<16xf32>,
    tpu.vector_store %arg18[%swap3A_26], %broadcast_in_dim3A_5 {strides = array<i32>} : memref<128xf32, #tpu.memory_space<vmem>>, vector<16xf32>,
    %swap3A_28 = arith.constant 16 : index
    %swap3A_29 = tpu.vector_load %arg18[%swap3A_28] {strides = array<i32>} : memref<128xf32, #tpu.memory_space<vmem>>, vector<16xf32>,
    tpu.vector_store %arg18[%swap3A_28], %broadcast_in_dim3A_5 {strides = array<i32>} : memref<128xf32, #tpu.memory_space<vmem>>, vector<16xf32>,
    %swap3A_30 = arith.constant 32 : index
    %swap3A_31 = tpu.vector_load %arg18[%swap3A_30] {strides = array<i32>} : memref<128xf32, #tpu.memory_space<vmem>>, vector<16xf32>,
    tpu.vector_store %arg18[%swap3A_30], %broadcast_in_dim3A_5 {strides = array<i32>} : memref<128xf32, #tpu.memory_space<vmem>>, vector<16xf32>,
    %swap3A_32 = arith.constant 48 : index
    %swap3A_33 = tpu.vector_load %arg18[%swap3A_32] {strides = array<i32>} : memref<128xf32, #tpu.memory_space<vmem>>, vector<16xf32>,
    tpu.vector_store %arg18[%swap3A_32], %broadcast_in_dim3A_5 {strides = array<i32>} : memref<128xf32, #tpu.memory_space<vmem>>, vector<16xf32>,
    %swap3A_34 = arith.constant 64 : index
    %swap3A_35 = tpu.vector_load %arg18[%swap3A_34] {strides = array<i32>} : memref<128xf32, #tpu.memory_space<vmem>>, vector<16xf32>,
    tpu.vector_store %arg18[%swap3A_34], %broadcast_in_dim3A_5 {strides = array<i32>} : memref<128xf32, #tpu.memory_space<vmem>>, vector<16xf32>,
    %swap3A_36 = arith.constant 80 : index
    %swap3A_37 = tpu.vector_load %arg18[%swap3A_36] {strides = array<i32>} : memref<128xf32, #tpu.memory_space<vmem>>, vector<16xf32>,
    tpu.vector_store %arg18[%swap3A_36], %broadcast_in_dim3A_5 {strides = array<i32>} : memref<128xf32, #tpu.memory_space<vmem>>, vector<16xf32>,
    %swap3A_38 = arith.constant 96 : index
    %swap3A_39 = tpu.vector_load %arg18[%swap3A_38] {strides = array<i32>} : memref<128xf32, #tpu.memory_space<vmem>>, vector<16xf32>,
    tpu.vector_store %arg18[%swap3A_38], %broadcast_in_dim3A_5 {strides = array<i32>} : memref<128xf32, #tpu.memory_space<vmem>>, vector<16xf32>,
    %swap3A_40 = arith.constant 112 : index
    %swap3A_41 = tpu.vector_load %arg18[%swap3A_40] {strides = array<i32>} : memref<128xf32, #tpu.memory_space<vmem>>, vector<16xf32>,
    tpu.vector_store %arg18[%swap3A_40], %broadcast_in_dim3A_5 {strides = array<i32>} : memref<128xf32, #tpu.memory_space<vmem>>, vector<16xf32>,
    %swap3A_42 = arith.constant 0 : index
    %swap3A_43 = tpu.vector_load %arg19[%swap3A_42] {strides = array<i32>} : memref<128xf32, #tpu.memory_space<vmem>>, vector<16xf32>,
    tpu.vector_store %arg19[%swap3A_42], %broadcast_in_dim3A_5 {strides = array<i32>} : memref<128xf32, #tpu.memory_space<vmem>>, vector<16xf32>,
    %swap3A_44 = arith.constant 16 : index
    %swap3A_45 = tpu.vector_load %arg19[%swap3A_44] {strides = array<i32>} : memref<128xf32, #tpu.memory_space<vmem>>, vector<16xf32>,
    tpu.vector_store %arg19[%swap3A_44], %broadcast_in_dim3A_5 {strides = array<i32>} : memref<128xf32, #tpu.memory_space<vmem>>, vector<16xf32>,
    %swap3A_46 = arith.constant 32 : index
    %swap3A_47 = tpu.vector_load %arg19[%swap3A_46] {strides = array<i32>} : memref<128xf32, #tpu.memory_space<vmem>>, vector<16xf32>,
    tpu.vector_store %arg19[%swap3A_46], %broadcast_in_dim3A_5 {strides = array<i32>} : memref<128xf32, #tpu.memory_space<vmem>>, vector<16xf32>,
    %swap3A_48 = arith.constant 48 : index
    %swap3A_49 = tpu.vector_load %arg19[%swap3A_48] {strides = array<i32>} : memref<128xf32, #tpu.memory_space<vmem>>, vector<16xf32>,
    tpu.vector_store %arg19[%swap3A_48], %broadcast_in_dim3A_5 {strides = array<i32>} : memref<128xf32, #tpu.memory_space<vmem>>, vector<16xf32>,
    %swap3A_50 = arith.constant 64 : index
    %swap3A_51 = tpu.vector_load %arg19[%swap3A_50] {strides = array<i32>} : memref<128xf32, #tpu.memory_space<vmem>>, vector<16xf32>,
    tpu.vector_store %arg19[%swap3A_50], %broadcast_in_dim3A_5 {strides = array<i32>} : memref<128xf32, #tpu.memory_space<vmem>>, vector<16xf32>,
    %swap3A_52 = arith.constant 80 : index
    %swap3A_53 = tpu.vector_load %arg19[%swap3A_52] {strides = array<i32>} : memref<128xf32, #tpu.memory_space<vmem>>, vector<16xf32>,
    tpu.vector_store %arg19[%swap3A_52], %broadcast_in_dim3A_5 {strides = array<i32>} : memref<128xf32, #tpu.memory_space<vmem>>, vector<16xf32>,
    %swap3A_54 = arith.constant 96 : index
    %swap3A_55 = tpu.vector_load %arg19[%swap3A_54] {strides = array<i32>} : memref<128xf32, #tpu.memory_space<vmem>>, vector<16xf32>,
    tpu.vector_store %arg19[%swap3A_54], %broadcast_in_dim3A_5 {strides = array<i32>} : memref<128xf32, #tpu.memory_space<vmem>>, vector<16xf32>,
    %swap3A_56 = arith.constant 112 : index
    %swap3A_57 = tpu.vector_load %arg19[%swap3A_56] {strides = array<i32>} : memref<128xf32, #tpu.memory_space<vmem>>, vector<16xf32>,
    tpu.vector_store %arg19[%swap3A_56], %broadcast_in_dim3A_5 {strides = array<i32>} : memref<128xf32, #tpu.memory_space<vmem>>, vector<16xf32>,
    %swap3A_58 = arith.constant 0 : index
    %swap3A_59 = tpu.vector_load %arg20[%swap3A_58] {strides = array<i32>} : memref<128xf32, #tpu.memory_space<vmem>>, vector<16xf32>,
    tpu.vector_store %arg20[%swap3A_58], %broadcast_in_dim3A_5 {strides = array<i32>} : memref<128xf32, #tpu.memory_space<vmem>>, vector<16xf32>,
    %swap3A_60 = arith.constant 16 : index
    %swap3A_61 = tpu.vector_load %arg20[%swap3A_60] {strides = array<i32>} : memref<128xf32, #tpu.memory_space<vmem>>, vector<16xf32>,
    tpu.vector_store %arg20[%swap3A_60], %broadcast_in_dim3A_5 {strides = array<i32>} : memref<128xf32, #tpu.memory_space<vmem>>, vector<16xf32>,
    %swap3A_62 = arith.constant 32 : index
    %swap3A_63 = tpu.vector_load %arg20[%swap3A_62] {strides = array<i32>} : memref<128xf32, #tpu.memory_space<vmem>>, vector<16xf32>,
    tpu.vector_store %arg20[%swap3A_62], %broadcast_in_dim3A_5 {strides = array<i32>} : memref<128xf32, #tpu.memory_space<vmem>>, vector<16xf32>,
    %swap3A_64 = arith.constant 48 : index
    %swap3A_65 = tpu.vector_load %arg20[%swap3A_64] {strides = array<i32>} : memref<128xf32, #tpu.memory_space<vmem>>, vector<16xf32>,
    tpu.vector_store %arg20[%swap3A_64], %broadcast_in_dim3A_5 {strides = array<i32>} : memref<128xf32, #tpu.memory_space<vmem>>, vector<16xf32>,
    %swap3A_66 = arith.constant 64 : index
    %swap3A_67 = tpu.vector_load %arg20[%swap3A_66] {strides = array<i32>} : memref<128xf32, #tpu.memory_space<vmem>>, vector<16xf32>,
    tpu.vector_store %arg20[%swap3A_66], %broadcast_in_dim3A_5 {strides = array<i32>} : memref<128xf32, #tpu.memory_space<vmem>>, vector<16xf32>,
    %swap3A_68 = arith.constant 80 : index
    %swap3A_69 = tpu.vector_load %arg20[%swap3A_68] {strides = array<i32>} : memref<128xf32, #tpu.memory_space<vmem>>, vector<16xf32>,
    tpu.vector_store %arg20[%swap3A_68], %broadcast_in_dim3A_5 {strides = array<i32>} : memref<128xf32, #tpu.memory_space<vmem>>, vector<16xf32>,
    %swap3A_70 = arith.constant 96 : index
    %swap3A_71 = tpu.vector_load %arg20[%swap3A_70] {strides = array<i32>} : memref<128xf32, #tpu.memory_space<vmem>>, vector<16xf32>,
    tpu.vector_store %arg20[%swap3A_70], %broadcast_in_dim3A_5 {strides = array<i32>} : memref<128xf32, #tpu.memory_space<vmem>>, vector<16xf32>,
    %swap3A_72 = arith.constant 112 : index
    %swap3A_73 = tpu.vector_load %arg20[%swap3A_72] {strides = array<i32>} : memref<128xf32, #tpu.memory_space<vmem>>, vector<16xf32>,
    tpu.vector_store %arg20[%swap3A_72], %broadcast_in_dim3A_5 {strides = array<i32>} : memref<128xf32, #tpu.memory_space<vmem>>, vector<16xf32>,
    %add3A_74 = arith.constant 0 : i32
    %add3A_75 = arith.addi %mul3A_2, %add3A_74 : i32
    %dma_start3A = arith.constant 0 : i32
    %dma_start3A_76 = arith.constant 0 : i32
    %dma_start3A_77 = tpu.memref_slice %arg2[%add3A_75, %dma_start3A, %dma_start3A_76] : memref<1024x2x1024xi32, #tpu.memory_space<hbm>> -> memref<1x2x1024xi32, #tpu.memory_space<hbm>>
    %dma_start3A_78 = tpu.memref_squeeze %dma_start3A_77 : memref<1x2x1024xi32, #tpu.memory_space<hbm>> -> memref<2x1024xi32, #tpu.memory_space<hbm>>
    %dma_start3A_79 = arith.constant 0 : i32
    %dma_start3A_80 = arith.constant 0 : i32
    %dma_start3A_81 = tpu.memref_slice %arg2[%add3A_75, %dma_start3A_79, %dma_start3A_80] : memref<1024x2x1024xi32, #tpu.memory_space<hbm>> -> memref<1x2x1024xi32, #tpu.memory_space<hbm>>
    %dma_start3A_82 = tpu.memref_squeeze %dma_start3A_81 : memref<1x2x1024xi32, #tpu.memory_space<hbm>> -> memref<2x1024xi32, #tpu.memory_space<hbm>>
    tpu.enqueue_dma source(%dma_start3A_82 : memref<2x1024xi32, #tpu.memory_space<hbm>>) target(%arg5 : memref<2x1024xi32, #tpu.memory_space<vmem>>) target_semaphore(%arg21 : memref<!tpu.dma_semaphore, #tpu.memory_space<semaphore_mem>>)
    %add3A_83 = arith.constant 1 : i32
    %add3A_84 = arith.addi %mul3A_2, %add3A_83 : i32
    %dma_start3A_85 = arith.constant 0 : i32
    %dma_start3A_86 = arith.constant 0 : i32
    %dma_start3A_87 = tpu.memref_slice %arg2[%add3A_84, %dma_start3A_85, %dma_start3A_86] : memref<1024x2x1024xi32, #tpu.memory_space<hbm>> -> memref<1x2x1024xi32, #tpu.memory_space<hbm>>
    %dma_start3A_88 = tpu.memref_squeeze %dma_start3A_87 : memref<1x2x1024xi32, #tpu.memory_space<hbm>> -> memref<2x1024xi32, #tpu.memory_space<hbm>>
    %dma_start3A_89 = arith.constant 0 : i32
    %dma_start3A_90 = arith.constant 0 : i32
    %dma_start3A_91 = tpu.memref_slice %arg2[%add3A_84, %dma_start3A_89, %dma_start3A_90] : memref<1024x2x1024xi32, #tpu.memory_space<hbm>> -> memref<1x2x1024xi32, #tpu.memory_space<hbm>>
    %dma_start3A_92 = tpu.memref_squeeze %dma_start3A_91 : memref<1x2x1024xi32, #tpu.memory_space<hbm>> -> memref<2x1024xi32, #tpu.memory_space<hbm>>
    tpu.enqueue_dma source(%dma_start3A_92 : memref<2x1024xi32, #tpu.memory_space<hbm>>) target(%arg6 : memref<2x1024xi32, #tpu.memory_space<vmem>>) target_semaphore(%arg22 : memref<!tpu.dma_semaphore, #tpu.memory_space<semaphore_mem>>)
    %add3A_93 = arith.constant 2 : i32
    %add3A_94 = arith.addi %mul3A_2, %add3A_93 : i32
    %dma_start3A_95 = arith.constant 0 : i32
    %dma_start3A_96 = arith.constant 0 : i32
    %dma_start3A_97 = tpu.memref_slice %arg2[%add3A_94, %dma_start3A_95, %dma_start3A_96] : memref<1024x2x1024xi32, #tpu.memory_space<hbm>> -> memref<1x2x1024xi32, #tpu.memory_space<hbm>>
    %dma_start3A_98 = tpu.memref_squeeze %dma_start3A_97 : memref<1x2x1024xi32, #tpu.memory_space<hbm>> -> memref<2x1024xi32, #tpu.memory_space<hbm>>
    %dma_start3A_99 = arith.constant 0 : i32
    %dma_start3A_100 = arith.constant 0 : i32
    %dma_start3A_101 = tpu.memref_slice %arg2[%add3A_94, %dma_start3A_99, %dma_start3A_100] : memref<1024x2x1024xi32, #tpu.memory_space<hbm>> -> memref<1x2x1024xi32, #tpu.memory_space<hbm>>
    %dma_start3A_102 = tpu.memref_squeeze %dma_start3A_101 : memref<1x2x1024xi32, #tpu.memory_space<hbm>> -> memref<2x1024xi32, #tpu.memory_space<hbm>>
    tpu.enqueue_dma source(%dma_start3A_102 : memref<2x1024xi32, #tpu.memory_space<hbm>>) target(%arg7 : memref<2x1024xi32, #tpu.memory_space<vmem>>) target_semaphore(%arg23 : memref<!tpu.dma_semaphore, #tpu.memory_space<semaphore_mem>>)
    %add3A_103 = arith.constant 3 : i32
    %add3A_104 = arith.addi %mul3A_2, %add3A_103 : i32
    %dma_start3A_105 = arith.constant 0 : i32
    %dma_start3A_106 = arith.constant 0 : i32
    %dma_start3A_107 = tpu.memref_slice %arg2[%add3A_104, %dma_start3A_105, %dma_start3A_106] : memref<1024x2x1024xi32, #tpu.memory_space<hbm>> -> memref<1x2x1024xi32, #tpu.memory_space<hbm>>
    %dma_start3A_108 = tpu.memref_squeeze %dma_start3A_107 : memref<1x2x1024xi32, #tpu.memory_space<hbm>> -> memref<2x1024xi32, #tpu.memory_space<hbm>>
    %dma_start3A_109 = arith.constant 0 : i32
    %dma_start3A_110 = arith.constant 0 : i32
    %dma_start3A_111 = tpu.memref_slice %arg2[%add3A_104, %dma_start3A_109, %dma_start3A_110] : memref<1024x2x1024xi32, #tpu.memory_space<hbm>> -> memref<1x2x1024xi32, #tpu.memory_space<hbm>>
    %dma_start3A_112 = tpu.memref_squeeze %dma_start3A_111 : memref<1x2x1024xi32, #tpu.memory_space<hbm>> -> memref<2x1024xi32, #tpu.memory_space<hbm>>
    tpu.enqueue_dma source(%dma_start3A_112 : memref<2x1024xi32, #tpu.memory_space<hbm>>) target(%arg8 : memref<2x1024xi32, #tpu.memory_space<vmem>>) target_semaphore(%arg24 : memref<!tpu.dma_semaphore, #tpu.memory_space<semaphore_mem>>)
    %add3A_113 = arith.constant 4 : i32
    %add3A_114 = arith.addi %mul3A_2, %add3A_113 : i32
    %dma_start3A_115 = arith.constant 0 : i32
    %dma_start3A_116 = arith.constant 0 : i32
    %dma_start3A_117 = tpu.memref_slice %arg2[%add3A_114, %dma_start3A_115, %dma_start3A_116] : memref<1024x2x1024xi32, #tpu.memory_space<hbm>> -> memref<1x2x1024xi32, #tpu.memory_space<hbm>>
    %dma_start3A_118 = tpu.memref_squeeze %dma_start3A_117 : memref<1x2x1024xi32, #tpu.memory_space<hbm>> -> memref<2x1024xi32, #tpu.memory_space<hbm>>
    %dma_start3A_119 = arith.constant 0 : i32
    %dma_start3A_120 = arith.constant 0 : i32
    %dma_start3A_121 = tpu.memref_slice %arg2[%add3A_114, %dma_start3A_119, %dma_start3A_120] : memref<1024x2x1024xi32, #tpu.memory_space<hbm>> -> memref<1x2x1024xi32, #tpu.memory_space<hbm>>
    %dma_start3A_122 = tpu.memref_squeeze %dma_start3A_121 : memref<1x2x1024xi32, #tpu.memory_space<hbm>> -> memref<2x1024xi32, #tpu.memory_space<hbm>>
    tpu.enqueue_dma source(%dma_start3A_122 : memref<2x1024xi32, #tpu.memory_space<hbm>>) target(%arg9 : memref<2x1024xi32, #tpu.memory_space<vmem>>) target_semaphore(%arg25 : memref<!tpu.dma_semaphore, #tpu.memory_space<semaphore_mem>>)
    %add3A_123 = arith.constant 5 : i32
    %add3A_124 = arith.addi %mul3A_2, %add3A_123 : i32
    %dma_start3A_125 = arith.constant 0 : i32
    %dma_start3A_126 = arith.constant 0 : i32
    %dma_start3A_127 = tpu.memref_slice %arg2[%add3A_124, %dma_start3A_125, %dma_start3A_126] : memref<1024x2x1024xi32, #tpu.memory_space<hbm>> -> memref<1x2x1024xi32, #tpu.memory_space<hbm>>
    %dma_start3A_128 = tpu.memref_squeeze %dma_start3A_127 : memref<1x2x1024xi32, #tpu.memory_space<hbm>> -> memref<2x1024xi32, #tpu.memory_space<hbm>>
    %dma_start3A_129 = arith.constant 0 : i32
    %dma_start3A_130 = arith.constant 0 : i32
    %dma_start3A_131 = tpu.memref_slice %arg2[%add3A_124, %dma_start3A_129, %dma_start3A_130] : memref<1024x2x1024xi32, #tpu.memory_space<hbm>> -> memref<1x2x1024xi32, #tpu.memory_space<hbm>>
    %dma_start3A_132 = tpu.memref_squeeze %dma_start3A_131 : memref<1x2x1024xi32, #tpu.memory_space<hbm>> -> memref<2x1024xi32, #tpu.memory_space<hbm>>
    tpu.enqueue_dma source(%dma_start3A_132 : memref<2x1024xi32, #tpu.memory_space<hbm>>) target(%arg10 : memref<2x1024xi32, #tpu.memory_space<vmem>>) target_semaphore(%arg26 : memref<!tpu.dma_semaphore, #tpu.memory_space<semaphore_mem>>)
    %add3A_133 = arith.constant 6 : i32
    %add3A_134 = arith.addi %mul3A_2, %add3A_133 : i32
    %dma_start3A_135 = arith.constant 0 : i32
    %dma_start3A_136 = arith.constant 0 : i32
    %dma_start3A_137 = tpu.memref_slice %arg2[%add3A_134, %dma_start3A_135, %dma_start3A_136] : memref<1024x2x1024xi32, #tpu.memory_space<hbm>> -> memref<1x2x1024xi32, #tpu.memory_space<hbm>>
    %dma_start3A_138 = tpu.memref_squeeze %dma_start3A_137 : memref<1x2x1024xi32, #tpu.memory_space<hbm>> -> memref<2x1024xi32, #tpu.memory_space<hbm>>
    %dma_start3A_139 = arith.constant 0 : i32
    %dma_start3A_140 = arith.constant 0 : i32
    %dma_start3A_141 = tpu.memref_slice %arg2[%add3A_134, %dma_start3A_139, %dma_start3A_140] : memref<1024x2x1024xi32, #tpu.memory_space<hbm>> -> memref<1x2x1024xi32, #tpu.memory_space<hbm>>
    %dma_start3A_142 = tpu.memref_squeeze %dma_start3A_141 : memref<1x2x1024xi32, #tpu.memory_space<hbm>> -> memref<2x1024xi32, #tpu.memory_space<hbm>>
    tpu.enqueue_dma source(%dma_start3A_142 : memref<2x1024xi32, #tpu.memory_space<hbm>>) target(%arg11 : memref<2x1024xi32, #tpu.memory_space<vmem>>) target_semaphore(%arg27 : memref<!tpu.dma_semaphore, #tpu.memory_space<semaphore_mem>>)
    %add3A_143 = arith.constant 7 : i32
    %add3A_144 = arith.addi %mul3A_2, %add3A_143 : i32
    %dma_start3A_145 = arith.constant 0 : i32
    %dma_start3A_146 = arith.constant 0 : i32
    %dma_start3A_147 = tpu.memref_slice %arg2[%add3A_144, %dma_start3A_145, %dma_start3A_146] : memref<1024x2x1024xi32, #tpu.memory_space<hbm>> -> memref<1x2x1024xi32, #tpu.memory_space<hbm>>
    %dma_start3A_148 = tpu.memref_squeeze %dma_start3A_147 : memref<1x2x1024xi32, #tpu.memory_space<hbm>> -> memref<2x1024xi32, #tpu.memory_space<hbm>>
    %dma_start3A_149 = arith.constant 0 : i32
    %dma_start3A_150 = arith.constant 0 : i32
    %dma_start3A_151 = tpu.memref_slice %arg2[%add3A_144, %dma_start3A_149, %dma_start3A_150] : memref<1024x2x1024xi32, #tpu.memory_space<hbm>> -> memref<1x2x1024xi32, #tpu.memory_space<hbm>>
    %dma_start3A_152 = tpu.memref_squeeze %dma_start3A_151 : memref<1x2x1024xi32, #tpu.memory_space<hbm>> -> memref<2x1024xi32, #tpu.memory_space<hbm>>
    tpu.enqueue_dma source(%dma_start3A_152 : memref<2x1024xi32, #tpu.memory_space<hbm>>) target(%arg12 : memref<2x1024xi32, #tpu.memory_space<vmem>>) target_semaphore(%arg28 : memref<!tpu.dma_semaphore, #tpu.memory_space<semaphore_mem>>)
    %scan3A_153 = arith.constant 0 : i32
    %scan3A_154 = arith.constant 0 : i32
    %scan3A_155 = arith.constant 4 : i32
    %scan3A_156 = arith.addi %scan3A_154, %scan3A_155 : i32
    %scan3A_157 = arith.constant 1 : i32
    scf.for %scan3A_237 = %scan3A_154 to %scan3A_156 step %scan3A_157  : i32 {
      %mul3A_238 = arith.constant 8 : i32
      %mul3A_239 = arith.muli %mul3A_238, %scan3A_237 : i32
      %add3A_240 = arith.addi %mul3A_2, %mul3A_239 : i32
      %add3A_241 = arith.constant 0 : i32
      %add3A_242 = arith.addi %add3A_240, %add3A_241 : i32
      %dma_wait3A_243 = arith.constant 0 : i32
      %dma_wait3A_244 = arith.constant 0 : i32
      %dma_wait3A_245 = tpu.memref_slice %arg2[%add3A_242, %dma_wait3A_243, %dma_wait3A_244] : memref<1024x2x1024xi32, #tpu.memory_space<hbm>> -> memref<1x2x1024xi32, #tpu.memory_space<hbm>>
      %dma_wait3A_246 = tpu.memref_squeeze %dma_wait3A_245 : memref<1x2x1024xi32, #tpu.memory_space<hbm>> -> memref<2x1024xi32, #tpu.memory_space<hbm>>
      %dma_wait3A_247 = arith.constant 0 : i32
      %dma_wait3A_248 = arith.constant 0 : i32
      %dma_wait3A_249 = tpu.memref_slice %arg2[%add3A_242, %dma_wait3A_247, %dma_wait3A_248] : memref<1024x2x1024xi32, #tpu.memory_space<hbm>> -> memref<1x2x1024xi32, #tpu.memory_space<hbm>>
      %dma_wait3A_250 = tpu.memref_squeeze %dma_wait3A_249 : memref<1x2x1024xi32, #tpu.memory_space<hbm>> -> memref<2x1024xi32, #tpu.memory_space<hbm>>
      tpu.wait_dma2 semaphore(%arg21 : memref<!tpu.dma_semaphore, #tpu.memory_space<semaphore_mem>>) src(%dma_wait3A_250 : memref<2x1024xi32, #tpu.memory_space<hbm>>) dst(%arg5 : memref<2x1024xi32, #tpu.memory_space<vmem>>)
      %gt3A = arith.constant 0 : i32
      %gt3A_251 = arith.cmpi sgt, %scan3A_237, %gt3A : i32
      %convert_element_type3A = arith.extui %gt3A_251 : i1 to i32
      %cond3A = arith.constant 0 : i32
      %cond3A_252 = arith.cmpi ne, %convert_element_type3A, %cond3A : i32
      scf.if %cond3A_252 {
        %sub3A_632 = arith.constant 4 : i32
        %sub3A_633 = arith.subi %add3A_242, %sub3A_632 : i32
        %dma_wait3A_634 = arith.constant 0 : i32
        %dma_wait3A_635 = arith.constant 0 : i32
        %dma_wait3A_636 = tpu.memref_slice %arg3[%sub3A_633, %dma_wait3A_634, %dma_wait3A_635] : memref<1024x64x64xf32, #tpu.memory_space<hbm>> -> memref<1x64x64xf32, #tpu.memory_space<hbm>>
        %dma_wait3A_637 = tpu.memref_squeeze %dma_wait3A_636 : memref<1x64x64xf32, #tpu.memory_space<hbm>> -> memref<64x64xf32, #tpu.memory_space<hbm>>
        %dma_wait3A_638 = arith.constant 0 : i32
        %dma_wait3A_639 = arith.constant 0 : i32
        %dma_wait3A_640 = tpu.memref_slice %arg3[%sub3A_633, %dma_wait3A_638, %dma_wait3A_639] : memref<1024x64x64xf32, #tpu.memory_space<hbm>> -> memref<1x64x64xf32, #tpu.memory_space<hbm>>
        %dma_wait3A_641 = tpu.memref_squeeze %dma_wait3A_640 : memref<1x64x64xf32, #tpu.memory_space<hbm>> -> memref<64x64xf32, #tpu.memory_space<hbm>>
        tpu.wait_dma2 semaphore(%arg29 : memref<!tpu.dma_semaphore, #tpu.memory_space<semaphore_mem>>) src(%arg13 : memref<64x64xf32, #tpu.memory_space<vmem>>) dst(%dma_wait3A_641 : memref<64x64xf32, #tpu.memory_space<hbm>>)
        %sub3A_642 = arith.constant 4 : i32
        %sub3A_643 = arith.subi %add3A_242, %sub3A_642 : i32
        %dma_wait3A_644 = arith.constant 0 : i32
        %dma_wait3A_645 = tpu.memref_slice %arg4[%sub3A_643, %dma_wait3A_644] : memref<1024x128xf32, #tpu.memory_space<hbm>> -> memref<1x128xf32, #tpu.memory_space<hbm>>
        %dma_wait3A_646 = tpu.memref_squeeze %dma_wait3A_645 : memref<1x128xf32, #tpu.memory_space<hbm>> -> memref<128xf32, #tpu.memory_space<hbm>>
        %dma_wait3A_647 = arith.constant 0 : i32
        %dma_wait3A_648 = tpu.memref_slice %arg4[%sub3A_643, %dma_wait3A_647] : memref<1024x128xf32, #tpu.memory_space<hbm>> -> memref<1x128xf32, #tpu.memory_space<hbm>>
        %dma_wait3A_649 = tpu.memref_squeeze %dma_wait3A_648 : memref<1x128xf32, #tpu.memory_space<hbm>> -> memref<128xf32, #tpu.memory_space<hbm>>
        tpu.wait_dma2 semaphore(%arg33 : memref<!tpu.dma_semaphore, #tpu.memory_space<semaphore_mem>>) src(%arg17 : memref<128xf32, #tpu.memory_space<vmem>>) dst(%dma_wait3A_649 : memref<128xf32, #tpu.memory_space<hbm>>)
      } else {
      }
      %parallel_loop3A = arith.constant 0 : i32
      %parallel_loop3A_253 = arith.constant 64 : i32
      %parallel_loop3A_254 = arith.constant 1 : i32
      scf.for %parallel_loop3A_632 = %parallel_loop3A to %parallel_loop3A_253 step %parallel_loop3A_254  : i32 {
        %parallel_loop3A_633 = arith.constant 16 : i32
        %parallel_loop3A_634 = arith.muli %parallel_loop3A_632, %parallel_loop3A_633 : i32
        %parallel_loop3A_635 = arith.constant 0 : i32
        %parallel_loop3A_636 = arith.index_cast %parallel_loop3A_635 : i32 to index
        %parallel_loop3A_637 = arith.index_cast %parallel_loop3A_634 : i32 to index
        %parallel_loop3A_638 = tpu.vector_load %arg5[%parallel_loop3A_636, %parallel_loop3A_637] {strides = array<i32>} : memref<2x1024xi32, #tpu.memory_space<vmem>>, vector<16xi32>,
        %parallel_loop3A_639 = arith.constant 16 : i32
        %parallel_loop3A_640 = arith.muli %parallel_loop3A_632, %parallel_loop3A_639 : i32
        %parallel_loop3A_641 = arith.constant 1 : i32
        %parallel_loop3A_642 = arith.index_cast %parallel_loop3A_641 : i32 to index
        %parallel_loop3A_643 = arith.index_cast %parallel_loop3A_640 : i32 to index
        %parallel_loop3A_644 = tpu.vector_load %arg5[%parallel_loop3A_642, %parallel_loop3A_643] {strides = array<i32>} : memref<2x1024xi32, #tpu.memory_space<vmem>>, vector<16xi32>,
        tpu.vector_store_idx %arg13[%parallel_loop3A_638, %parallel_loop3A_644], %broadcast_in_dim3A_3 {add = true} : memref<64x64xf32, #tpu.memory_space<vmem>>[vector<16xi32>, vector<16xi32>], vector<16xf32>,
        tpu.vector_store_idx %arg17[%parallel_loop3A_644], %broadcast_in_dim3A_3 {add = true} : memref<128xf32, #tpu.memory_space<vmem>>[vector<16xi32>], vector<16xf32>,
        %parallel_loop3A_645 = arith.constant 64 : i32
        %parallel_loop3A_646 = vector.broadcast %parallel_loop3A_645 : i32 to vector<16xi32>
        %parallel_loop3A_647 = arith.addi %parallel_loop3A_638, %parallel_loop3A_646 : vector<16xi32>
        tpu.vector_store_idx %arg17[%parallel_loop3A_647], %broadcast_in_dim3A_3 {add = true} : memref<128xf32, #tpu.memory_space<vmem>>[vector<16xi32>], vector<16xf32>,
      } {sc.loop_unroll_factor = 8 : i64, sc.parallel_access}
      %dma_start3A_255 = arith.constant 0 : i32
      %dma_start3A_256 = arith.constant 0 : i32
      %dma_start3A_257 = tpu.memref_slice %arg3[%add3A_242, %dma_start3A_255, %dma_start3A_256] : memref<1024x64x64xf32, #tpu.memory_space<hbm>> -> memref<1x64x64xf32, #tpu.memory_space<hbm>>
      %dma_start3A_258 = tpu.memref_squeeze %dma_start3A_257 : memref<1x64x64xf32, #tpu.memory_space<hbm>> -> memref<64x64xf32, #tpu.memory_space<hbm>>
      %dma_start3A_259 = arith.constant 0 : i32
      %dma_start3A_260 = arith.constant 0 : i32
      %dma_start3A_261 = tpu.memref_slice %arg3[%add3A_242, %dma_start3A_259, %dma_start3A_260] : memref<1024x64x64xf32, #tpu.memory_space<hbm>> -> memref<1x64x64xf32, #tpu.memory_space<hbm>>
      %dma_start3A_262 = tpu.memref_squeeze %dma_start3A_261 : memref<1x64x64xf32, #tpu.memory_space<hbm>> -> memref<64x64xf32, #tpu.memory_space<hbm>>
      tpu.enqueue_dma source(%arg13 : memref<64x64xf32, #tpu.memory_space<vmem>>) target(%dma_start3A_262 : memref<64x64xf32, #tpu.memory_space<hbm>>) target_semaphore(%arg29 : memref<!tpu.dma_semaphore, #tpu.memory_space<semaphore_mem>>)
      %dma_start3A_263 = arith.constant 0 : i32
      %dma_start3A_264 = tpu.memref_slice %arg4[%add3A_242, %dma_start3A_263] : memref<1024x128xf32, #tpu.memory_space<hbm>> -> memref<1x128xf32, #tpu.memory_space<hbm>>
      %dma_start3A_265 = tpu.memref_squeeze %dma_start3A_264 : memref<1x128xf32, #tpu.memory_space<hbm>> -> memref<128xf32, #tpu.memory_space<hbm>>
      %dma_start3A_266 = arith.constant 0 : i32
      %dma_start3A_267 = tpu.memref_slice %arg4[%add3A_242, %dma_start3A_266] : memref<1024x128xf32, #tpu.memory_space<hbm>> -> memref<1x128xf32, #tpu.memory_space<hbm>>
      %dma_start3A_268 = tpu.memref_squeeze %dma_start3A_267 : memref<1x128xf32, #tpu.memory_space<hbm>> -> memref<128xf32, #tpu.memory_space<hbm>>
      tpu.enqueue_dma source(%arg17 : memref<128xf32, #tpu.memory_space<vmem>>) target(%dma_start3A_268 : memref<128xf32, #tpu.memory_space<hbm>>) target_semaphore(%arg33 : memref<!tpu.dma_semaphore, #tpu.memory_space<semaphore_mem>>)
      %mul3A_269 = arith.constant 8 : i32
      %mul3A_270 = arith.muli %mul3A_269, %scan3A_237 : i32
      %add3A_271 = arith.constant 0 : i32
      %add3A_272 = arith.addi %mul3A_270, %add3A_271 : i32
      %add3A_273 = arith.constant 8 : i32
      %add3A_274 = arith.addi %add3A_272, %add3A_273 : i32
      %lt3A = arith.constant 32 : i32
      %lt3A_275 = arith.cmpi slt, %add3A_274, %lt3A : i32
      %convert_element_type3A_276 = arith.extui %lt3A_275 : i1 to i32
      %cond3A_277 = arith.constant 0 : i32
      %cond3A_278 = arith.cmpi ne, %convert_element_type3A_276, %cond3A_277 : i32
      scf.if %cond3A_278 {
        %add3A_632 = arith.constant 8 : i32
        %add3A_633 = arith.addi %add3A_242, %add3A_632 : i32
        %dma_start3A_634 = arith.constant 0 : i32
        %dma_start3A_635 = arith.constant 0 : i32
        %dma_start3A_636 = tpu.memref_slice %arg2[%add3A_633, %dma_start3A_634, %dma_start3A_635] : memref<1024x2x1024xi32, #tpu.memory_space<hbm>> -> memref<1x2x1024xi32, #tpu.memory_space<hbm>>
        %dma_start3A_637 = tpu.memref_squeeze %dma_start3A_636 : memref<1x2x1024xi32, #tpu.memory_space<hbm>> -> memref<2x1024xi32, #tpu.memory_space<hbm>>
        %dma_start3A_638 = arith.constant 0 : i32
        %dma_start3A_639 = arith.constant 0 : i32
        %dma_start3A_640 = tpu.memref_slice %arg2[%add3A_633, %dma_start3A_638, %dma_start3A_639] : memref<1024x2x1024xi32, #tpu.memory_space<hbm>> -> memref<1x2x1024xi32, #tpu.memory_space<hbm>>
        %dma_start3A_641 = tpu.memref_squeeze %dma_start3A_640 : memref<1x2x1024xi32, #tpu.memory_space<hbm>> -> memref<2x1024xi32, #tpu.memory_space<hbm>>
        tpu.enqueue_dma source(%dma_start3A_641 : memref<2x1024xi32, #tpu.memory_space<hbm>>) target(%arg5 : memref<2x1024xi32, #tpu.memory_space<vmem>>) target_semaphore(%arg21 : memref<!tpu.dma_semaphore, #tpu.memory_space<semaphore_mem>>)
      } else {
      }
      %add3A_279 = arith.constant 1 : i32
      %add3A_280 = arith.addi %add3A_240, %add3A_279 : i32
      %dma_wait3A_281 = arith.constant 0 : i32
      %dma_wait3A_282 = arith.constant 0 : i32
      %dma_wait3A_283 = tpu.memref_slice %arg2[%add3A_280, %dma_wait3A_281, %dma_wait3A_282] : memref<1024x2x1024xi32, #tpu.memory_space<hbm>> -> memref<1x2x1024xi32, #tpu.memory_space<hbm>>
      %dma_wait3A_284 = tpu.memref_squeeze %dma_wait3A_283 : memref<1x2x1024xi32, #tpu.memory_space<hbm>> -> memref<2x1024xi32, #tpu.memory_space<hbm>>
      %dma_wait3A_285 = arith.constant 0 : i32
      %dma_wait3A_286 = arith.constant 0 : i32
      %dma_wait3A_287 = tpu.memref_slice %arg2[%add3A_280, %dma_wait3A_285, %dma_wait3A_286] : memref<1024x2x1024xi32, #tpu.memory_space<hbm>> -> memref<1x2x1024xi32, #tpu.memory_space<hbm>>
      %dma_wait3A_288 = tpu.memref_squeeze %dma_wait3A_287 : memref<1x2x1024xi32, #tpu.memory_space<hbm>> -> memref<2x1024xi32, #tpu.memory_space<hbm>>
      tpu.wait_dma2 semaphore(%arg22 : memref<!tpu.dma_semaphore, #tpu.memory_space<semaphore_mem>>) src(%dma_wait3A_288 : memref<2x1024xi32, #tpu.memory_space<hbm>>) dst(%arg6 : memref<2x1024xi32, #tpu.memory_space<vmem>>)
      %gt3A_289 = arith.constant 0 : i32
      %gt3A_290 = arith.cmpi sgt, %scan3A_237, %gt3A_289 : i32
      %convert_element_type3A_291 = arith.extui %gt3A_290 : i1 to i32
      %cond3A_292 = arith.constant 0 : i32
      %cond3A_293 = arith.cmpi ne, %convert_element_type3A_291, %cond3A_292 : i32
      scf.if %cond3A_293 {
        %sub3A_632 = arith.constant 4 : i32
        %sub3A_633 = arith.subi %add3A_280, %sub3A_632 : i32
        %dma_wait3A_634 = arith.constant 0 : i32
        %dma_wait3A_635 = arith.constant 0 : i32
        %dma_wait3A_636 = tpu.memref_slice %arg3[%sub3A_633, %dma_wait3A_634, %dma_wait3A_635] : memref<1024x64x64xf32, #tpu.memory_space<hbm>> -> memref<1x64x64xf32, #tpu.memory_space<hbm>>
        %dma_wait3A_637 = tpu.memref_squeeze %dma_wait3A_636 : memref<1x64x64xf32, #tpu.memory_space<hbm>> -> memref<64x64xf32, #tpu.memory_space<hbm>>
        %dma_wait3A_638 = arith.constant 0 : i32
        %dma_wait3A_639 = arith.constant 0 : i32
        %dma_wait3A_640 = tpu.memref_slice %arg3[%sub3A_633, %dma_wait3A_638, %dma_wait3A_639] : memref<1024x64x64xf32, #tpu.memory_space<hbm>> -> memref<1x64x64xf32, #tpu.memory_space<hbm>>
        %dma_wait3A_641 = tpu.memref_squeeze %dma_wait3A_640 : memref<1x64x64xf32, #tpu.memory_space<hbm>> -> memref<64x64xf32, #tpu.memory_space<hbm>>
        tpu.wait_dma2 semaphore(%arg30 : memref<!tpu.dma_semaphore, #tpu.memory_space<semaphore_mem>>) src(%arg14 : memref<64x64xf32, #tpu.memory_space<vmem>>) dst(%dma_wait3A_641 : memref<64x64xf32, #tpu.memory_space<hbm>>)
        %sub3A_642 = arith.constant 4 : i32
        %sub3A_643 = arith.subi %add3A_280, %sub3A_642 : i32
        %dma_wait3A_644 = arith.constant 0 : i32
        %dma_wait3A_645 = tpu.memref_slice %arg4[%sub3A_643, %dma_wait3A_644] : memref<1024x128xf32, #tpu.memory_space<hbm>> -> memref<1x128xf32, #tpu.memory_space<hbm>>
        %dma_wait3A_646 = tpu.memref_squeeze %dma_wait3A_645 : memref<1x128xf32, #tpu.memory_space<hbm>> -> memref<128xf32, #tpu.memory_space<hbm>>
        %dma_wait3A_647 = arith.constant 0 : i32
        %dma_wait3A_648 = tpu.memref_slice %arg4[%sub3A_643, %dma_wait3A_647] : memref<1024x128xf32, #tpu.memory_space<hbm>> -> memref<1x128xf32, #tpu.memory_space<hbm>>
        %dma_wait3A_649 = tpu.memref_squeeze %dma_wait3A_648 : memref<1x128xf32, #tpu.memory_space<hbm>> -> memref<128xf32, #tpu.memory_space<hbm>>
        tpu.wait_dma2 semaphore(%arg34 : memref<!tpu.dma_semaphore, #tpu.memory_space<semaphore_mem>>) src(%arg18 : memref<128xf32, #tpu.memory_space<vmem>>) dst(%dma_wait3A_649 : memref<128xf32, #tpu.memory_space<hbm>>)
      } else {
      }
      %parallel_loop3A_294 = arith.constant 0 : i32
      %parallel_loop3A_295 = arith.constant 64 : i32
      %parallel_loop3A_296 = arith.constant 1 : i32
      scf.for %parallel_loop3A_632 = %parallel_loop3A_294 to %parallel_loop3A_295 step %parallel_loop3A_296  : i32 {
        %parallel_loop3A_633 = arith.constant 16 : i32
        %parallel_loop3A_634 = arith.muli %parallel_loop3A_632, %parallel_loop3A_633 : i32
        %parallel_loop3A_635 = arith.constant 0 : i32
        %parallel_loop3A_636 = arith.index_cast %parallel_loop3A_635 : i32 to index
        %parallel_loop3A_637 = arith.index_cast %parallel_loop3A_634 : i32 to index
        %parallel_loop3A_638 = tpu.vector_load %arg6[%parallel_loop3A_636, %parallel_loop3A_637] {strides = array<i32>} : memref<2x1024xi32, #tpu.memory_space<vmem>>, vector<16xi32>,
        %parallel_loop3A_639 = arith.constant 16 : i32
        %parallel_loop3A_640 = arith.muli %parallel_loop3A_632, %parallel_loop3A_639 : i32
        %parallel_loop3A_641 = arith.constant 1 : i32
        %parallel_loop3A_642 = arith.index_cast %parallel_loop3A_641 : i32 to index
        %parallel_loop3A_643 = arith.index_cast %parallel_loop3A_640 : i32 to index
        %parallel_loop3A_644 = tpu.vector_load %arg6[%parallel_loop3A_642, %parallel_loop3A_643] {strides = array<i32>} : memref<2x1024xi32, #tpu.memory_space<vmem>>, vector<16xi32>,
        tpu.vector_store_idx %arg14[%parallel_loop3A_638, %parallel_loop3A_644], %broadcast_in_dim3A_3 {add = true} : memref<64x64xf32, #tpu.memory_space<vmem>>[vector<16xi32>, vector<16xi32>], vector<16xf32>,
        tpu.vector_store_idx %arg18[%parallel_loop3A_644], %broadcast_in_dim3A_3 {add = true} : memref<128xf32, #tpu.memory_space<vmem>>[vector<16xi32>], vector<16xf32>,
        %parallel_loop3A_645 = arith.constant 64 : i32
        %parallel_loop3A_646 = vector.broadcast %parallel_loop3A_645 : i32 to vector<16xi32>
        %parallel_loop3A_647 = arith.addi %parallel_loop3A_638, %parallel_loop3A_646 : vector<16xi32>
        tpu.vector_store_idx %arg18[%parallel_loop3A_647], %broadcast_in_dim3A_3 {add = true} : memref<128xf32, #tpu.memory_space<vmem>>[vector<16xi32>], vector<16xf32>,
      } {sc.loop_unroll_factor = 8 : i64, sc.parallel_access}
      %dma_start3A_297 = arith.constant 0 : i32
      %dma_start3A_298 = arith.constant 0 : i32
      %dma_start3A_299 = tpu.memref_slice %arg3[%add3A_280, %dma_start3A_297, %dma_start3A_298] : memref<1024x64x64xf32, #tpu.memory_space<hbm>> -> memref<1x64x64xf32, #tpu.memory_space<hbm>>
      %dma_start3A_300 = tpu.memref_squeeze %dma_start3A_299 : memref<1x64x64xf32, #tpu.memory_space<hbm>> -> memref<64x64xf32, #tpu.memory_space<hbm>>
      %dma_start3A_301 = arith.constant 0 : i32
      %dma_start3A_302 = arith.constant 0 : i32
      %dma_start3A_303 = tpu.memref_slice %arg3[%add3A_280, %dma_start3A_301, %dma_start3A_302] : memref<1024x64x64xf32, #tpu.memory_space<hbm>> -> memref<1x64x64xf32, #tpu.memory_space<hbm>>
      %dma_start3A_304 = tpu.memref_squeeze %dma_start3A_303 : memref<1x64x64xf32, #tpu.memory_space<hbm>> -> memref<64x64xf32, #tpu.memory_space<hbm>>
      tpu.enqueue_dma source(%arg14 : memref<64x64xf32, #tpu.memory_space<vmem>>) target(%dma_start3A_304 : memref<64x64xf32, #tpu.memory_space<hbm>>) target_semaphore(%arg30 : memref<!tpu.dma_semaphore, #tpu.memory_space<semaphore_mem>>)
      %dma_start3A_305 = arith.constant 0 : i32
      %dma_start3A_306 = tpu.memref_slice %arg4[%add3A_280, %dma_start3A_305] : memref<1024x128xf32, #tpu.memory_space<hbm>> -> memref<1x128xf32, #tpu.memory_space<hbm>>
      %dma_start3A_307 = tpu.memref_squeeze %dma_start3A_306 : memref<1x128xf32, #tpu.memory_space<hbm>> -> memref<128xf32, #tpu.memory_space<hbm>>
      %dma_start3A_308 = arith.constant 0 : i32
      %dma_start3A_309 = tpu.memref_slice %arg4[%add3A_280, %dma_start3A_308] : memref<1024x128xf32, #tpu.memory_space<hbm>> -> memref<1x128xf32, #tpu.memory_space<hbm>>
      %dma_start3A_310 = tpu.memref_squeeze %dma_start3A_309 : memref<1x128xf32, #tpu.memory_space<hbm>> -> memref<128xf32, #tpu.memory_space<hbm>>
      tpu.enqueue_dma source(%arg18 : memref<128xf32, #tpu.memory_space<vmem>>) target(%dma_start3A_310 : memref<128xf32, #tpu.memory_space<hbm>>) target_semaphore(%arg34 : memref<!tpu.dma_semaphore, #tpu.memory_space<semaphore_mem>>)
      %mul3A_311 = arith.constant 8 : i32
      %mul3A_312 = arith.muli %mul3A_311, %scan3A_237 : i32
      %add3A_313 = arith.constant 1 : i32
      %add3A_314 = arith.addi %mul3A_312, %add3A_313 : i32
      %add3A_315 = arith.constant 8 : i32
      %add3A_316 = arith.addi %add3A_314, %add3A_315 : i32
      %lt3A_317 = arith.constant 32 : i32
      %lt3A_318 = arith.cmpi slt, %add3A_316, %lt3A_317 : i32
      %convert_element_type3A_319 = arith.extui %lt3A_318 : i1 to i32
      %cond3A_320 = arith.constant 0 : i32
      %cond3A_321 = arith.cmpi ne, %convert_element_type3A_319, %cond3A_320 : i32
      scf.if %cond3A_321 {
        %add3A_632 = arith.constant 8 : i32
        %add3A_633 = arith.addi %add3A_280, %add3A_632 : i32
        %dma_start3A_634 = arith.constant 0 : i32
        %dma_start3A_635 = arith.constant 0 : i32
        %dma_start3A_636 = tpu.memref_slice %arg2[%add3A_633, %dma_start3A_634, %dma_start3A_635] : memref<1024x2x1024xi32, #tpu.memory_space<hbm>> -> memref<1x2x1024xi32, #tpu.memory_space<hbm>>
        %dma_start3A_637 = tpu.memref_squeeze %dma_start3A_636 : memref<1x2x1024xi32, #tpu.memory_space<hbm>> -> memref<2x1024xi32, #tpu.memory_space<hbm>>
        %dma_start3A_638 = arith.constant 0 : i32
        %dma_start3A_639 = arith.constant 0 : i32
        %dma_start3A_640 = tpu.memref_slice %arg2[%add3A_633, %dma_start3A_638, %dma_start3A_639] : memref<1024x2x1024xi32, #tpu.memory_space<hbm>> -> memref<1x2x1024xi32, #tpu.memory_space<hbm>>
        %dma_start3A_641 = tpu.memref_squeeze %dma_start3A_640 : memref<1x2x1024xi32, #tpu.memory_space<hbm>> -> memref<2x1024xi32, #tpu.memory_space<hbm>>
        tpu.enqueue_dma source(%dma_start3A_641 : memref<2x1024xi32, #tpu.memory_space<hbm>>) target(%arg6 : memref<2x1024xi32, #tpu.memory_space<vmem>>) target_semaphore(%arg22 : memref<!tpu.dma_semaphore, #tpu.memory_space<semaphore_mem>>)
      } else {
      }
      %add3A_322 = arith.constant 2 : i32
      %add3A_323 = arith.addi %add3A_240, %add3A_322 : i32
      %dma_wait3A_324 = arith.constant 0 : i32
      %dma_wait3A_325 = arith.constant 0 : i32
      %dma_wait3A_326 = tpu.memref_slice %arg2[%add3A_323, %dma_wait3A_324, %dma_wait3A_325] : memref<1024x2x1024xi32, #tpu.memory_space<hbm>> -> memref<1x2x1024xi32, #tpu.memory_space<hbm>>
      %dma_wait3A_327 = tpu.memref_squeeze %dma_wait3A_326 : memref<1x2x1024xi32, #tpu.memory_space<hbm>> -> memref<2x1024xi32, #tpu.memory_space<hbm>>
      %dma_wait3A_328 = arith.constant 0 : i32
      %dma_wait3A_329 = arith.constant 0 : i32
      %dma_wait3A_330 = tpu.memref_slice %arg2[%add3A_323, %dma_wait3A_328, %dma_wait3A_329] : memref<1024x2x1024xi32, #tpu.memory_space<hbm>> -> memref<1x2x1024xi32, #tpu.memory_space<hbm>>
      %dma_wait3A_331 = tpu.memref_squeeze %dma_wait3A_330 : memref<1x2x1024xi32, #tpu.memory_space<hbm>> -> memref<2x1024xi32, #tpu.memory_space<hbm>>
      tpu.wait_dma2 semaphore(%arg23 : memref<!tpu.dma_semaphore, #tpu.memory_space<semaphore_mem>>) src(%dma_wait3A_331 : memref<2x1024xi32, #tpu.memory_space<hbm>>) dst(%arg7 : memref<2x1024xi32, #tpu.memory_space<vmem>>)
      %gt3A_332 = arith.constant 0 : i32
      %gt3A_333 = arith.cmpi sgt, %scan3A_237, %gt3A_332 : i32
      %convert_element_type3A_334 = arith.extui %gt3A_333 : i1 to i32
      %cond3A_335 = arith.constant 0 : i32
      %cond3A_336 = arith.cmpi ne, %convert_element_type3A_334, %cond3A_335 : i32
      scf.if %cond3A_336 {
        %sub3A_632 = arith.constant 4 : i32
        %sub3A_633 = arith.subi %add3A_323, %sub3A_632 : i32
        %dma_wait3A_634 = arith.constant 0 : i32
        %dma_wait3A_635 = arith.constant 0 : i32
        %dma_wait3A_636 = tpu.memref_slice %arg3[%sub3A_633, %dma_wait3A_634, %dma_wait3A_635] : memref<1024x64x64xf32, #tpu.memory_space<hbm>> -> memref<1x64x64xf32, #tpu.memory_space<hbm>>
        %dma_wait3A_637 = tpu.memref_squeeze %dma_wait3A_636 : memref<1x64x64xf32, #tpu.memory_space<hbm>> -> memref<64x64xf32, #tpu.memory_space<hbm>>
        %dma_wait3A_638 = arith.constant 0 : i32
        %dma_wait3A_639 = arith.constant 0 : i32
        %dma_wait3A_640 = tpu.memref_slice %arg3[%sub3A_633, %dma_wait3A_638, %dma_wait3A_639] : memref<1024x64x64xf32, #tpu.memory_space<hbm>> -> memref<1x64x64xf32, #tpu.memory_space<hbm>>
        %dma_wait3A_641 = tpu.memref_squeeze %dma_wait3A_640 : memref<1x64x64xf32, #tpu.memory_space<hbm>> -> memref<64x64xf32, #tpu.memory_space<hbm>>
        tpu.wait_dma2 semaphore(%arg31 : memref<!tpu.dma_semaphore, #tpu.memory_space<semaphore_mem>>) src(%arg15 : memref<64x64xf32, #tpu.memory_space<vmem>>) dst(%dma_wait3A_641 : memref<64x64xf32, #tpu.memory_space<hbm>>)
        %sub3A_642 = arith.constant 4 : i32
        %sub3A_643 = arith.subi %add3A_323, %sub3A_642 : i32
        %dma_wait3A_644 = arith.constant 0 : i32
        %dma_wait3A_645 = tpu.memref_slice %arg4[%sub3A_643, %dma_wait3A_644] : memref<1024x128xf32, #tpu.memory_space<hbm>> -> memref<1x128xf32, #tpu.memory_space<hbm>>
        %dma_wait3A_646 = tpu.memref_squeeze %dma_wait3A_645 : memref<1x128xf32, #tpu.memory_space<hbm>> -> memref<128xf32, #tpu.memory_space<hbm>>
        %dma_wait3A_647 = arith.constant 0 : i32
        %dma_wait3A_648 = tpu.memref_slice %arg4[%sub3A_643, %dma_wait3A_647] : memref<1024x128xf32, #tpu.memory_space<hbm>> -> memref<1x128xf32, #tpu.memory_space<hbm>>
        %dma_wait3A_649 = tpu.memref_squeeze %dma_wait3A_648 : memref<1x128xf32, #tpu.memory_space<hbm>> -> memref<128xf32, #tpu.memory_space<hbm>>
        tpu.wait_dma2 semaphore(%arg35 : memref<!tpu.dma_semaphore, #tpu.memory_space<semaphore_mem>>) src(%arg19 : memref<128xf32, #tpu.memory_space<vmem>>) dst(%dma_wait3A_649 : memref<128xf32, #tpu.memory_space<hbm>>)
      } else {
      }
      %parallel_loop3A_337 = arith.constant 0 : i32
      %parallel_loop3A_338 = arith.constant 64 : i32
      %parallel_loop3A_339 = arith.constant 1 : i32
      scf.for %parallel_loop3A_632 = %parallel_loop3A_337 to %parallel_loop3A_338 step %parallel_loop3A_339  : i32 {
        %parallel_loop3A_633 = arith.constant 16 : i32
        %parallel_loop3A_634 = arith.muli %parallel_loop3A_632, %parallel_loop3A_633 : i32
        %parallel_loop3A_635 = arith.constant 0 : i32
        %parallel_loop3A_636 = arith.index_cast %parallel_loop3A_635 : i32 to index
        %parallel_loop3A_637 = arith.index_cast %parallel_loop3A_634 : i32 to index
        %parallel_loop3A_638 = tpu.vector_load %arg7[%parallel_loop3A_636, %parallel_loop3A_637] {strides = array<i32>} : memref<2x1024xi32, #tpu.memory_space<vmem>>, vector<16xi32>,
        %parallel_loop3A_639 = arith.constant 16 : i32
        %parallel_loop3A_640 = arith.muli %parallel_loop3A_632, %parallel_loop3A_639 : i32
        %parallel_loop3A_641 = arith.constant 1 : i32
        %parallel_loop3A_642 = arith.index_cast %parallel_loop3A_641 : i32 to index
        %parallel_loop3A_643 = arith.index_cast %parallel_loop3A_640 : i32 to index
        %parallel_loop3A_644 = tpu.vector_load %arg7[%parallel_loop3A_642, %parallel_loop3A_643] {strides = array<i32>} : memref<2x1024xi32, #tpu.memory_space<vmem>>, vector<16xi32>,
        tpu.vector_store_idx %arg15[%parallel_loop3A_638, %parallel_loop3A_644], %broadcast_in_dim3A_3 {add = true} : memref<64x64xf32, #tpu.memory_space<vmem>>[vector<16xi32>, vector<16xi32>], vector<16xf32>,
        tpu.vector_store_idx %arg19[%parallel_loop3A_644], %broadcast_in_dim3A_3 {add = true} : memref<128xf32, #tpu.memory_space<vmem>>[vector<16xi32>], vector<16xf32>,
        %parallel_loop3A_645 = arith.constant 64 : i32
        %parallel_loop3A_646 = vector.broadcast %parallel_loop3A_645 : i32 to vector<16xi32>
        %parallel_loop3A_647 = arith.addi %parallel_loop3A_638, %parallel_loop3A_646 : vector<16xi32>
        tpu.vector_store_idx %arg19[%parallel_loop3A_647], %broadcast_in_dim3A_3 {add = true} : memref<128xf32, #tpu.memory_space<vmem>>[vector<16xi32>], vector<16xf32>,
      } {sc.loop_unroll_factor = 8 : i64, sc.parallel_access}
      %dma_start3A_340 = arith.constant 0 : i32
      %dma_start3A_341 = arith.constant 0 : i32
      %dma_start3A_342 = tpu.memref_slice %arg3[%add3A_323, %dma_start3A_340, %dma_start3A_341] : memref<1024x64x64xf32, #tpu.memory_space<hbm>> -> memref<1x64x64xf32, #tpu.memory_space<hbm>>
      %dma_start3A_343 = tpu.memref_squeeze %dma_start3A_342 : memref<1x64x64xf32, #tpu.memory_space<hbm>> -> memref<64x64xf32, #tpu.memory_space<hbm>>
      %dma_start3A_344 = arith.constant 0 : i32
      %dma_start3A_345 = arith.constant 0 : i32
      %dma_start3A_346 = tpu.memref_slice %arg3[%add3A_323, %dma_start3A_344, %dma_start3A_345] : memref<1024x64x64xf32, #tpu.memory_space<hbm>> -> memref<1x64x64xf32, #tpu.memory_space<hbm>>
      %dma_start3A_347 = tpu.memref_squeeze %dma_start3A_346 : memref<1x64x64xf32, #tpu.memory_space<hbm>> -> memref<64x64xf32, #tpu.memory_space<hbm>>
      tpu.enqueue_dma source(%arg15 : memref<64x64xf32, #tpu.memory_space<vmem>>) target(%dma_start3A_347 : memref<64x64xf32, #tpu.memory_space<hbm>>) target_semaphore(%arg31 : memref<!tpu.dma_semaphore, #tpu.memory_space<semaphore_mem>>)
      %dma_start3A_348 = arith.constant 0 : i32
      %dma_start3A_349 = tpu.memref_slice %arg4[%add3A_323, %dma_start3A_348] : memref<1024x128xf32, #tpu.memory_space<hbm>> -> memref<1x128xf32, #tpu.memory_space<hbm>>
      %dma_start3A_350 = tpu.memref_squeeze %dma_start3A_349 : memref<1x128xf32, #tpu.memory_space<hbm>> -> memref<128xf32, #tpu.memory_space<hbm>>
      %dma_start3A_351 = arith.constant 0 : i32
      %dma_start3A_352 = tpu.memref_slice %arg4[%add3A_323, %dma_start3A_351] : memref<1024x128xf32, #tpu.memory_space<hbm>> -> memref<1x128xf32, #tpu.memory_space<hbm>>
      %dma_start3A_353 = tpu.memref_squeeze %dma_start3A_352 : memref<1x128xf32, #tpu.memory_space<hbm>> -> memref<128xf32, #tpu.memory_space<hbm>>
      tpu.enqueue_dma source(%arg19 : memref<128xf32, #tpu.memory_space<vmem>>) target(%dma_start3A_353 : memref<128xf32, #tpu.memory_space<hbm>>) target_semaphore(%arg35 : memref<!tpu.dma_semaphore, #tpu.memory_space<semaphore_mem>>)
      %mul3A_354 = arith.constant 8 : i32
      %mul3A_355 = arith.muli %mul3A_354, %scan3A_237 : i32
      %add3A_356 = arith.constant 2 : i32
      %add3A_357 = arith.addi %mul3A_355, %add3A_356 : i32
      %add3A_358 = arith.constant 8 : i32
      %add3A_359 = arith.addi %add3A_357, %add3A_358 : i32
      %lt3A_360 = arith.constant 32 : i32
      %lt3A_361 = arith.cmpi slt, %add3A_359, %lt3A_360 : i32
      %convert_element_type3A_362 = arith.extui %lt3A_361 : i1 to i32
      %cond3A_363 = arith.constant 0 : i32
      %cond3A_364 = arith.cmpi ne, %convert_element_type3A_362, %cond3A_363 : i32
      scf.if %cond3A_364 {
        %add3A_632 = arith.constant 8 : i32
        %add3A_633 = arith.addi %add3A_323, %add3A_632 : i32
        %dma_start3A_634 = arith.constant 0 : i32
        %dma_start3A_635 = arith.constant 0 : i32
        %dma_start3A_636 = tpu.memref_slice %arg2[%add3A_633, %dma_start3A_634, %dma_start3A_635] : memref<1024x2x1024xi32, #tpu.memory_space<hbm>> -> memref<1x2x1024xi32, #tpu.memory_space<hbm>>
        %dma_start3A_637 = tpu.memref_squeeze %dma_start3A_636 : memref<1x2x1024xi32, #tpu.memory_space<hbm>> -> memref<2x1024xi32, #tpu.memory_space<hbm>>
        %dma_start3A_638 = arith.constant 0 : i32
        %dma_start3A_639 = arith.constant 0 : i32
        %dma_start3A_640 = tpu.memref_slice %arg2[%add3A_633, %dma_start3A_638, %dma_start3A_639] : memref<1024x2x1024xi32, #tpu.memory_space<hbm>> -> memref<1x2x1024xi32, #tpu.memory_space<hbm>>
        %dma_start3A_641 = tpu.memref_squeeze %dma_start3A_640 : memref<1x2x1024xi32, #tpu.memory_space<hbm>> -> memref<2x1024xi32, #tpu.memory_space<hbm>>
        tpu.enqueue_dma source(%dma_start3A_641 : memref<2x1024xi32, #tpu.memory_space<hbm>>) target(%arg7 : memref<2x1024xi32, #tpu.memory_space<vmem>>) target_semaphore(%arg23 : memref<!tpu.dma_semaphore, #tpu.memory_space<semaphore_mem>>)
      } else {
      }
      %add3A_365 = arith.constant 3 : i32
      %add3A_366 = arith.addi %add3A_240, %add3A_365 : i32
      %dma_wait3A_367 = arith.constant 0 : i32
      %dma_wait3A_368 = arith.constant 0 : i32
      %dma_wait3A_369 = tpu.memref_slice %arg2[%add3A_366, %dma_wait3A_367, %dma_wait3A_368] : memref<1024x2x1024xi32, #tpu.memory_space<hbm>> -> memref<1x2x1024xi32, #tpu.memory_space<hbm>>
      %dma_wait3A_370 = tpu.memref_squeeze %dma_wait3A_369 : memref<1x2x1024xi32, #tpu.memory_space<hbm>> -> memref<2x1024xi32, #tpu.memory_space<hbm>>
      %dma_wait3A_371 = arith.constant 0 : i32
      %dma_wait3A_372 = arith.constant 0 : i32
      %dma_wait3A_373 = tpu.memref_slice %arg2[%add3A_366, %dma_wait3A_371, %dma_wait3A_372] : memref<1024x2x1024xi32, #tpu.memory_space<hbm>> -> memref<1x2x1024xi32, #tpu.memory_space<hbm>>
      %dma_wait3A_374 = tpu.memref_squeeze %dma_wait3A_373 : memref<1x2x1024xi32, #tpu.memory_space<hbm>> -> memref<2x1024xi32, #tpu.memory_space<hbm>>
      tpu.wait_dma2 semaphore(%arg24 : memref<!tpu.dma_semaphore, #tpu.memory_space<semaphore_mem>>) src(%dma_wait3A_374 : memref<2x1024xi32, #tpu.memory_space<hbm>>) dst(%arg8 : memref<2x1024xi32, #tpu.memory_space<vmem>>)
      %gt3A_375 = arith.constant 0 : i32
      %gt3A_376 = arith.cmpi sgt, %scan3A_237, %gt3A_375 : i32
      %convert_element_type3A_377 = arith.extui %gt3A_376 : i1 to i32
      %cond3A_378 = arith.constant 0 : i32
      %cond3A_379 = arith.cmpi ne, %convert_element_type3A_377, %cond3A_378 : i32
      scf.if %cond3A_379 {
        %sub3A_632 = arith.constant 4 : i32
        %sub3A_633 = arith.subi %add3A_366, %sub3A_632 : i32
        %dma_wait3A_634 = arith.constant 0 : i32
        %dma_wait3A_635 = arith.constant 0 : i32
        %dma_wait3A_636 = tpu.memref_slice %arg3[%sub3A_633, %dma_wait3A_634, %dma_wait3A_635] : memref<1024x64x64xf32, #tpu.memory_space<hbm>> -> memref<1x64x64xf32, #tpu.memory_space<hbm>>
        %dma_wait3A_637 = tpu.memref_squeeze %dma_wait3A_636 : memref<1x64x64xf32, #tpu.memory_space<hbm>> -> memref<64x64xf32, #tpu.memory_space<hbm>>
        %dma_wait3A_638 = arith.constant 0 : i32
        %dma_wait3A_639 = arith.constant 0 : i32
        %dma_wait3A_640 = tpu.memref_slice %arg3[%sub3A_633, %dma_wait3A_638, %dma_wait3A_639] : memref<1024x64x64xf32, #tpu.memory_space<hbm>> -> memref<1x64x64xf32, #tpu.memory_space<hbm>>
        %dma_wait3A_641 = tpu.memref_squeeze %dma_wait3A_640 : memref<1x64x64xf32, #tpu.memory_space<hbm>> -> memref<64x64xf32, #tpu.memory_space<hbm>>
        tpu.wait_dma2 semaphore(%arg32 : memref<!tpu.dma_semaphore, #tpu.memory_space<semaphore_mem>>) src(%arg16 : memref<64x64xf32, #tpu.memory_space<vmem>>) dst(%dma_wait3A_641 : memref<64x64xf32, #tpu.memory_space<hbm>>)
        %sub3A_642 = arith.constant 4 : i32
        %sub3A_643 = arith.subi %add3A_366, %sub3A_642 : i32
        %dma_wait3A_644 = arith.constant 0 : i32
        %dma_wait3A_645 = tpu.memref_slice %arg4[%sub3A_643, %dma_wait3A_644] : memref<1024x128xf32, #tpu.memory_space<hbm>> -> memref<1x128xf32, #tpu.memory_space<hbm>>
        %dma_wait3A_646 = tpu.memref_squeeze %dma_wait3A_645 : memref<1x128xf32, #tpu.memory_space<hbm>> -> memref<128xf32, #tpu.memory_space<hbm>>
        %dma_wait3A_647 = arith.constant 0 : i32
        %dma_wait3A_648 = tpu.memref_slice %arg4[%sub3A_643, %dma_wait3A_647] : memref<1024x128xf32, #tpu.memory_space<hbm>> -> memref<1x128xf32, #tpu.memory_space<hbm>>
        %dma_wait3A_649 = tpu.memref_squeeze %dma_wait3A_648 : memref<1x128xf32, #tpu.memory_space<hbm>> -> memref<128xf32, #tpu.memory_space<hbm>>
        tpu.wait_dma2 semaphore(%arg36 : memref<!tpu.dma_semaphore, #tpu.memory_space<semaphore_mem>>) src(%arg20 : memref<128xf32, #tpu.memory_space<vmem>>) dst(%dma_wait3A_649 : memref<128xf32, #tpu.memory_space<hbm>>)
      } else {
      }
      %parallel_loop3A_380 = arith.constant 0 : i32
      %parallel_loop3A_381 = arith.constant 64 : i32
      %parallel_loop3A_382 = arith.constant 1 : i32
      scf.for %parallel_loop3A_632 = %parallel_loop3A_380 to %parallel_loop3A_381 step %parallel_loop3A_382  : i32 {
        %parallel_loop3A_633 = arith.constant 16 : i32
        %parallel_loop3A_634 = arith.muli %parallel_loop3A_632, %parallel_loop3A_633 : i32
        %parallel_loop3A_635 = arith.constant 0 : i32
        %parallel_loop3A_636 = arith.index_cast %parallel_loop3A_635 : i32 to index
        %parallel_loop3A_637 = arith.index_cast %parallel_loop3A_634 : i32 to index
        %parallel_loop3A_638 = tpu.vector_load %arg8[%parallel_loop3A_636, %parallel_loop3A_637] {strides = array<i32>} : memref<2x1024xi32, #tpu.memory_space<vmem>>, vector<16xi32>,
        %parallel_loop3A_639 = arith.constant 16 : i32
        %parallel_loop3A_640 = arith.muli %parallel_loop3A_632, %parallel_loop3A_639 : i32
        %parallel_loop3A_641 = arith.constant 1 : i32
        %parallel_loop3A_642 = arith.index_cast %parallel_loop3A_641 : i32 to index
        %parallel_loop3A_643 = arith.index_cast %parallel_loop3A_640 : i32 to index
        %parallel_loop3A_644 = tpu.vector_load %arg8[%parallel_loop3A_642, %parallel_loop3A_643] {strides = array<i32>} : memref<2x1024xi32, #tpu.memory_space<vmem>>, vector<16xi32>,
        tpu.vector_store_idx %arg16[%parallel_loop3A_638, %parallel_loop3A_644], %broadcast_in_dim3A_3 {add = true} : memref<64x64xf32, #tpu.memory_space<vmem>>[vector<16xi32>, vector<16xi32>], vector<16xf32>,
        tpu.vector_store_idx %arg20[%parallel_loop3A_644], %broadcast_in_dim3A_3 {add = true} : memref<128xf32, #tpu.memory_space<vmem>>[vector<16xi32>], vector<16xf32>,
        %parallel_loop3A_645 = arith.constant 64 : i32
        %parallel_loop3A_646 = vector.broadcast %parallel_loop3A_645 : i32 to vector<16xi32>
        %parallel_loop3A_647 = arith.addi %parallel_loop3A_638, %parallel_loop3A_646 : vector<16xi32>
        tpu.vector_store_idx %arg20[%parallel_loop3A_647], %broadcast_in_dim3A_3 {add = true} : memref<128xf32, #tpu.memory_space<vmem>>[vector<16xi32>], vector<16xf32>,
      } {sc.loop_unroll_factor = 8 : i64, sc.parallel_access}
      %dma_start3A_383 = arith.constant 0 : i32
      %dma_start3A_384 = arith.constant 0 : i32
      %dma_start3A_385 = tpu.memref_slice %arg3[%add3A_366, %dma_start3A_383, %dma_start3A_384] : memref<1024x64x64xf32, #tpu.memory_space<hbm>> -> memref<1x64x64xf32, #tpu.memory_space<hbm>>
      %dma_start3A_386 = tpu.memref_squeeze %dma_start3A_385 : memref<1x64x64xf32, #tpu.memory_space<hbm>> -> memref<64x64xf32, #tpu.memory_space<hbm>>
      %dma_start3A_387 = arith.constant 0 : i32
      %dma_start3A_388 = arith.constant 0 : i32
      %dma_start3A_389 = tpu.memref_slice %arg3[%add3A_366, %dma_start3A_387, %dma_start3A_388] : memref<1024x64x64xf32, #tpu.memory_space<hbm>> -> memref<1x64x64xf32, #tpu.memory_space<hbm>>
      %dma_start3A_390 = tpu.memref_squeeze %dma_start3A_389 : memref<1x64x64xf32, #tpu.memory_space<hbm>> -> memref<64x64xf32, #tpu.memory_space<hbm>>
      tpu.enqueue_dma source(%arg16 : memref<64x64xf32, #tpu.memory_space<vmem>>) target(%dma_start3A_390 : memref<64x64xf32, #tpu.memory_space<hbm>>) target_semaphore(%arg32 : memref<!tpu.dma_semaphore, #tpu.memory_space<semaphore_mem>>)
      %dma_start3A_391 = arith.constant 0 : i32
      %dma_start3A_392 = tpu.memref_slice %arg4[%add3A_366, %dma_start3A_391] : memref<1024x128xf32, #tpu.memory_space<hbm>> -> memref<1x128xf32, #tpu.memory_space<hbm>>
      %dma_start3A_393 = tpu.memref_squeeze %dma_start3A_392 : memref<1x128xf32, #tpu.memory_space<hbm>> -> memref<128xf32, #tpu.memory_space<hbm>>
      %dma_start3A_394 = arith.constant 0 : i32
      %dma_start3A_395 = tpu.memref_slice %arg4[%add3A_366, %dma_start3A_394] : memref<1024x128xf32, #tpu.memory_space<hbm>> -> memref<1x128xf32, #tpu.memory_space<hbm>>
      %dma_start3A_396 = tpu.memref_squeeze %dma_start3A_395 : memref<1x128xf32, #tpu.memory_space<hbm>> -> memref<128xf32, #tpu.memory_space<hbm>>
      tpu.enqueue_dma source(%arg20 : memref<128xf32, #tpu.memory_space<vmem>>) target(%dma_start3A_396 : memref<128xf32, #tpu.memory_space<hbm>>) target_semaphore(%arg36 : memref<!tpu.dma_semaphore, #tpu.memory_space<semaphore_mem>>)
      %mul3A_397 = arith.constant 8 : i32
      %mul3A_398 = arith.muli %mul3A_397, %scan3A_237 : i32
      %add3A_399 = arith.constant 3 : i32
      %add3A_400 = arith.addi %mul3A_398, %add3A_399 : i32
      %add3A_401 = arith.constant 8 : i32
      %add3A_402 = arith.addi %add3A_400, %add3A_401 : i32
      %lt3A_403 = arith.constant 32 : i32
      %lt3A_404 = arith.cmpi slt, %add3A_402, %lt3A_403 : i32
      %convert_element_type3A_405 = arith.extui %lt3A_404 : i1 to i32
      %cond3A_406 = arith.constant 0 : i32
      %cond3A_407 = arith.cmpi ne, %convert_element_type3A_405, %cond3A_406 : i32
      scf.if %cond3A_407 {
        %add3A_632 = arith.constant 8 : i32
        %add3A_633 = arith.addi %add3A_366, %add3A_632 : i32
        %dma_start3A_634 = arith.constant 0 : i32
        %dma_start3A_635 = arith.constant 0 : i32
        %dma_start3A_636 = tpu.memref_slice %arg2[%add3A_633, %dma_start3A_634, %dma_start3A_635] : memref<1024x2x1024xi32, #tpu.memory_space<hbm>> -> memref<1x2x1024xi32, #tpu.memory_space<hbm>>
        %dma_start3A_637 = tpu.memref_squeeze %dma_start3A_636 : memref<1x2x1024xi32, #tpu.memory_space<hbm>> -> memref<2x1024xi32, #tpu.memory_space<hbm>>
        %dma_start3A_638 = arith.constant 0 : i32
        %dma_start3A_639 = arith.constant 0 : i32
        %dma_start3A_640 = tpu.memref_slice %arg2[%add3A_633, %dma_start3A_638, %dma_start3A_639] : memref<1024x2x1024xi32, #tpu.memory_space<hbm>> -> memref<1x2x1024xi32, #tpu.memory_space<hbm>>
        %dma_start3A_641 = tpu.memref_squeeze %dma_start3A_640 : memref<1x2x1024xi32, #tpu.memory_space<hbm>> -> memref<2x1024xi32, #tpu.memory_space<hbm>>
        tpu.enqueue_dma source(%dma_start3A_641 : memref<2x1024xi32, #tpu.memory_space<hbm>>) target(%arg8 : memref<2x1024xi32, #tpu.memory_space<vmem>>) target_semaphore(%arg24 : memref<!tpu.dma_semaphore, #tpu.memory_space<semaphore_mem>>)
      } else {
      }
      %add3A_408 = arith.constant 4 : i32
      %add3A_409 = arith.addi %add3A_240, %add3A_408 : i32
      %dma_wait3A_410 = arith.constant 0 : i32
      %dma_wait3A_411 = arith.constant 0 : i32
      %dma_wait3A_412 = tpu.memref_slice %arg2[%add3A_409, %dma_wait3A_410, %dma_wait3A_411] : memref<1024x2x1024xi32, #tpu.memory_space<hbm>> -> memref<1x2x1024xi32, #tpu.memory_space<hbm>>
      %dma_wait3A_413 = tpu.memref_squeeze %dma_wait3A_412 : memref<1x2x1024xi32, #tpu.memory_space<hbm>> -> memref<2x1024xi32, #tpu.memory_space<hbm>>
      %dma_wait3A_414 = arith.constant 0 : i32
      %dma_wait3A_415 = arith.constant 0 : i32
      %dma_wait3A_416 = tpu.memref_slice %arg2[%add3A_409, %dma_wait3A_414, %dma_wait3A_415] : memref<1024x2x1024xi32, #tpu.memory_space<hbm>> -> memref<1x2x1024xi32, #tpu.memory_space<hbm>>
      %dma_wait3A_417 = tpu.memref_squeeze %dma_wait3A_416 : memref<1x2x1024xi32, #tpu.memory_space<hbm>> -> memref<2x1024xi32, #tpu.memory_space<hbm>>
      tpu.wait_dma2 semaphore(%arg25 : memref<!tpu.dma_semaphore, #tpu.memory_space<semaphore_mem>>) src(%dma_wait3A_417 : memref<2x1024xi32, #tpu.memory_space<hbm>>) dst(%arg9 : memref<2x1024xi32, #tpu.memory_space<vmem>>)
      %sub3A_418 = arith.constant 4 : i32
      %sub3A_419 = arith.subi %add3A_409, %sub3A_418 : i32
      %dma_wait3A_420 = arith.constant 0 : i32
      %dma_wait3A_421 = arith.constant 0 : i32
      %dma_wait3A_422 = tpu.memref_slice %arg3[%sub3A_419, %dma_wait3A_420, %dma_wait3A_421] : memref<1024x64x64xf32, #tpu.memory_space<hbm>> -> memref<1x64x64xf32, #tpu.memory_space<hbm>>
      %dma_wait3A_423 = tpu.memref_squeeze %dma_wait3A_422 : memref<1x64x64xf32, #tpu.memory_space<hbm>> -> memref<64x64xf32, #tpu.memory_space<hbm>>
      %dma_wait3A_424 = arith.constant 0 : i32
      %dma_wait3A_425 = arith.constant 0 : i32
      %dma_wait3A_426 = tpu.memref_slice %arg3[%sub3A_419, %dma_wait3A_424, %dma_wait3A_425] : memref<1024x64x64xf32, #tpu.memory_space<hbm>> -> memref<1x64x64xf32, #tpu.memory_space<hbm>>
      %dma_wait3A_427 = tpu.memref_squeeze %dma_wait3A_426 : memref<1x64x64xf32, #tpu.memory_space<hbm>> -> memref<64x64xf32, #tpu.memory_space<hbm>>
      tpu.wait_dma2 semaphore(%arg29 : memref<!tpu.dma_semaphore, #tpu.memory_space<semaphore_mem>>) src(%arg13 : memref<64x64xf32, #tpu.memory_space<vmem>>) dst(%dma_wait3A_427 : memref<64x64xf32, #tpu.memory_space<hbm>>)
      %sub3A_428 = arith.constant 4 : i32
      %sub3A_429 = arith.subi %add3A_409, %sub3A_428 : i32
      %dma_wait3A_430 = arith.constant 0 : i32
      %dma_wait3A_431 = tpu.memref_slice %arg4[%sub3A_429, %dma_wait3A_430] : memref<1024x128xf32, #tpu.memory_space<hbm>> -> memref<1x128xf32, #tpu.memory_space<hbm>>
      %dma_wait3A_432 = tpu.memref_squeeze %dma_wait3A_431 : memref<1x128xf32, #tpu.memory_space<hbm>> -> memref<128xf32, #tpu.memory_space<hbm>>
      %dma_wait3A_433 = arith.constant 0 : i32
      %dma_wait3A_434 = tpu.memref_slice %arg4[%sub3A_429, %dma_wait3A_433] : memref<1024x128xf32, #tpu.memory_space<hbm>> -> memref<1x128xf32, #tpu.memory_space<hbm>>
      %dma_wait3A_435 = tpu.memref_squeeze %dma_wait3A_434 : memref<1x128xf32, #tpu.memory_space<hbm>> -> memref<128xf32, #tpu.memory_space<hbm>>
      tpu.wait_dma2 semaphore(%arg33 : memref<!tpu.dma_semaphore, #tpu.memory_space<semaphore_mem>>) src(%arg17 : memref<128xf32, #tpu.memory_space<vmem>>) dst(%dma_wait3A_435 : memref<128xf32, #tpu.memory_space<hbm>>)
      %parallel_loop3A_436 = arith.constant 0 : i32
      %parallel_loop3A_437 = arith.constant 64 : i32
      %parallel_loop3A_438 = arith.constant 1 : i32
      scf.for %parallel_loop3A_632 = %parallel_loop3A_436 to %parallel_loop3A_437 step %parallel_loop3A_438  : i32 {
        %parallel_loop3A_633 = arith.constant 16 : i32
        %parallel_loop3A_634 = arith.muli %parallel_loop3A_632, %parallel_loop3A_633 : i32
        %parallel_loop3A_635 = arith.constant 0 : i32
        %parallel_loop3A_636 = arith.index_cast %parallel_loop3A_635 : i32 to index
        %parallel_loop3A_637 = arith.index_cast %parallel_loop3A_634 : i32 to index
        %parallel_loop3A_638 = tpu.vector_load %arg9[%parallel_loop3A_636, %parallel_loop3A_637] {strides = array<i32>} : memref<2x1024xi32, #tpu.memory_space<vmem>>, vector<16xi32>,
        %parallel_loop3A_639 = arith.constant 16 : i32
        %parallel_loop3A_640 = arith.muli %parallel_loop3A_632, %parallel_loop3A_639 : i32
        %parallel_loop3A_641 = arith.constant 1 : i32
        %parallel_loop3A_642 = arith.index_cast %parallel_loop3A_641 : i32 to index
        %parallel_loop3A_643 = arith.index_cast %parallel_loop3A_640 : i32 to index
        %parallel_loop3A_644 = tpu.vector_load %arg9[%parallel_loop3A_642, %parallel_loop3A_643] {strides = array<i32>} : memref<2x1024xi32, #tpu.memory_space<vmem>>, vector<16xi32>,
        tpu.vector_store_idx %arg13[%parallel_loop3A_638, %parallel_loop3A_644], %broadcast_in_dim3A_3 {add = true} : memref<64x64xf32, #tpu.memory_space<vmem>>[vector<16xi32>, vector<16xi32>], vector<16xf32>,
        tpu.vector_store_idx %arg17[%parallel_loop3A_644], %broadcast_in_dim3A_3 {add = true} : memref<128xf32, #tpu.memory_space<vmem>>[vector<16xi32>], vector<16xf32>,
        %parallel_loop3A_645 = arith.constant 64 : i32
        %parallel_loop3A_646 = vector.broadcast %parallel_loop3A_645 : i32 to vector<16xi32>
        %parallel_loop3A_647 = arith.addi %parallel_loop3A_638, %parallel_loop3A_646 : vector<16xi32>
        tpu.vector_store_idx %arg17[%parallel_loop3A_647], %broadcast_in_dim3A_3 {add = true} : memref<128xf32, #tpu.memory_space<vmem>>[vector<16xi32>], vector<16xf32>,
      } {sc.loop_unroll_factor = 8 : i64, sc.parallel_access}
      %dma_start3A_439 = arith.constant 0 : i32
      %dma_start3A_440 = arith.constant 0 : i32
      %dma_start3A_441 = tpu.memref_slice %arg3[%add3A_409, %dma_start3A_439, %dma_start3A_440] : memref<1024x64x64xf32, #tpu.memory_space<hbm>> -> memref<1x64x64xf32, #tpu.memory_space<hbm>>
      %dma_start3A_442 = tpu.memref_squeeze %dma_start3A_441 : memref<1x64x64xf32, #tpu.memory_space<hbm>> -> memref<64x64xf32, #tpu.memory_space<hbm>>
      %dma_start3A_443 = arith.constant 0 : i32
      %dma_start3A_444 = arith.constant 0 : i32
      %dma_start3A_445 = tpu.memref_slice %arg3[%add3A_409, %dma_start3A_443, %dma_start3A_444] : memref<1024x64x64xf32, #tpu.memory_space<hbm>> -> memref<1x64x64xf32, #tpu.memory_space<hbm>>
      %dma_start3A_446 = tpu.memref_squeeze %dma_start3A_445 : memref<1x64x64xf32, #tpu.memory_space<hbm>> -> memref<64x64xf32, #tpu.memory_space<hbm>>
      tpu.enqueue_dma source(%arg13 : memref<64x64xf32, #tpu.memory_space<vmem>>) target(%dma_start3A_446 : memref<64x64xf32, #tpu.memory_space<hbm>>) target_semaphore(%arg29 : memref<!tpu.dma_semaphore, #tpu.memory_space<semaphore_mem>>)
      %dma_start3A_447 = arith.constant 0 : i32
      %dma_start3A_448 = tpu.memref_slice %arg4[%add3A_409, %dma_start3A_447] : memref<1024x128xf32, #tpu.memory_space<hbm>> -> memref<1x128xf32, #tpu.memory_space<hbm>>
      %dma_start3A_449 = tpu.memref_squeeze %dma_start3A_448 : memref<1x128xf32, #tpu.memory_space<hbm>> -> memref<128xf32, #tpu.memory_space<hbm>>
      %dma_start3A_450 = arith.constant 0 : i32
      %dma_start3A_451 = tpu.memref_slice %arg4[%add3A_409, %dma_start3A_450] : memref<1024x128xf32, #tpu.memory_space<hbm>> -> memref<1x128xf32, #tpu.memory_space<hbm>>
      %dma_start3A_452 = tpu.memref_squeeze %dma_start3A_451 : memref<1x128xf32, #tpu.memory_space<hbm>> -> memref<128xf32, #tpu.memory_space<hbm>>
      tpu.enqueue_dma source(%arg17 : memref<128xf32, #tpu.memory_space<vmem>>) target(%dma_start3A_452 : memref<128xf32, #tpu.memory_space<hbm>>) target_semaphore(%arg33 : memref<!tpu.dma_semaphore, #tpu.memory_space<semaphore_mem>>)
      %mul3A_453 = arith.constant 8 : i32
      %mul3A_454 = arith.muli %mul3A_453, %scan3A_237 : i32
      %add3A_455 = arith.constant 4 : i32
      %add3A_456 = arith.addi %mul3A_454, %add3A_455 : i32
      %add3A_457 = arith.constant 8 : i32
      %add3A_458 = arith.addi %add3A_456, %add3A_457 : i32
      %lt3A_459 = arith.constant 32 : i32
      %lt3A_460 = arith.cmpi slt, %add3A_458, %lt3A_459 : i32
      %convert_element_type3A_461 = arith.extui %lt3A_460 : i1 to i32
      %cond3A_462 = arith.constant 0 : i32
      %cond3A_463 = arith.cmpi ne, %convert_element_type3A_461, %cond3A_462 : i32
      scf.if %cond3A_463 {
        %add3A_632 = arith.constant 8 : i32
        %add3A_633 = arith.addi %add3A_409, %add3A_632 : i32
        %dma_start3A_634 = arith.constant 0 : i32
        %dma_start3A_635 = arith.constant 0 : i32
        %dma_start3A_636 = tpu.memref_slice %arg2[%add3A_633, %dma_start3A_634, %dma_start3A_635] : memref<1024x2x1024xi32, #tpu.memory_space<hbm>> -> memref<1x2x1024xi32, #tpu.memory_space<hbm>>
        %dma_start3A_637 = tpu.memref_squeeze %dma_start3A_636 : memref<1x2x1024xi32, #tpu.memory_space<hbm>> -> memref<2x1024xi32, #tpu.memory_space<hbm>>
        %dma_start3A_638 = arith.constant 0 : i32
        %dma_start3A_639 = arith.constant 0 : i32
        %dma_start3A_640 = tpu.memref_slice %arg2[%add3A_633, %dma_start3A_638, %dma_start3A_639] : memref<1024x2x1024xi32, #tpu.memory_space<hbm>> -> memref<1x2x1024xi32, #tpu.memory_space<hbm>>
        %dma_start3A_641 = tpu.memref_squeeze %dma_start3A_640 : memref<1x2x1024xi32, #tpu.memory_space<hbm>> -> memref<2x1024xi32, #tpu.memory_space<hbm>>
        tpu.enqueue_dma source(%dma_start3A_641 : memref<2x1024xi32, #tpu.memory_space<hbm>>) target(%arg9 : memref<2x1024xi32, #tpu.memory_space<vmem>>) target_semaphore(%arg25 : memref<!tpu.dma_semaphore, #tpu.memory_space<semaphore_mem>>)
      } else {
      }
      %add3A_464 = arith.constant 5 : i32
      %add3A_465 = arith.addi %add3A_240, %add3A_464 : i32
      %dma_wait3A_466 = arith.constant 0 : i32
      %dma_wait3A_467 = arith.constant 0 : i32
      %dma_wait3A_468 = tpu.memref_slice %arg2[%add3A_465, %dma_wait3A_466, %dma_wait3A_467] : memref<1024x2x1024xi32, #tpu.memory_space<hbm>> -> memref<1x2x1024xi32, #tpu.memory_space<hbm>>
      %dma_wait3A_469 = tpu.memref_squeeze %dma_wait3A_468 : memref<1x2x1024xi32, #tpu.memory_space<hbm>> -> memref<2x1024xi32, #tpu.memory_space<hbm>>
      %dma_wait3A_470 = arith.constant 0 : i32
      %dma_wait3A_471 = arith.constant 0 : i32
      %dma_wait3A_472 = tpu.memref_slice %arg2[%add3A_465, %dma_wait3A_470, %dma_wait3A_471] : memref<1024x2x1024xi32, #tpu.memory_space<hbm>> -> memref<1x2x1024xi32, #tpu.memory_space<hbm>>
      %dma_wait3A_473 = tpu.memref_squeeze %dma_wait3A_472 : memref<1x2x1024xi32, #tpu.memory_space<hbm>> -> memref<2x1024xi32, #tpu.memory_space<hbm>>
      tpu.wait_dma2 semaphore(%arg26 : memref<!tpu.dma_semaphore, #tpu.memory_space<semaphore_mem>>) src(%dma_wait3A_473 : memref<2x1024xi32, #tpu.memory_space<hbm>>) dst(%arg10 : memref<2x1024xi32, #tpu.memory_space<vmem>>)
      %sub3A_474 = arith.constant 4 : i32
      %sub3A_475 = arith.subi %add3A_465, %sub3A_474 : i32
      %dma_wait3A_476 = arith.constant 0 : i32
      %dma_wait3A_477 = arith.constant 0 : i32
      %dma_wait3A_478 = tpu.memref_slice %arg3[%sub3A_475, %dma_wait3A_476, %dma_wait3A_477] : memref<1024x64x64xf32, #tpu.memory_space<hbm>> -> memref<1x64x64xf32, #tpu.memory_space<hbm>>
      %dma_wait3A_479 = tpu.memref_squeeze %dma_wait3A_478 : memref<1x64x64xf32, #tpu.memory_space<hbm>> -> memref<64x64xf32, #tpu.memory_space<hbm>>
      %dma_wait3A_480 = arith.constant 0 : i32
      %dma_wait3A_481 = arith.constant 0 : i32
      %dma_wait3A_482 = tpu.memref_slice %arg3[%sub3A_475, %dma_wait3A_480, %dma_wait3A_481] : memref<1024x64x64xf32, #tpu.memory_space<hbm>> -> memref<1x64x64xf32, #tpu.memory_space<hbm>>
      %dma_wait3A_483 = tpu.memref_squeeze %dma_wait3A_482 : memref<1x64x64xf32, #tpu.memory_space<hbm>> -> memref<64x64xf32, #tpu.memory_space<hbm>>
      tpu.wait_dma2 semaphore(%arg30 : memref<!tpu.dma_semaphore, #tpu.memory_space<semaphore_mem>>) src(%arg14 : memref<64x64xf32, #tpu.memory_space<vmem>>) dst(%dma_wait3A_483 : memref<64x64xf32, #tpu.memory_space<hbm>>)
      %sub3A_484 = arith.constant 4 : i32
      %sub3A_485 = arith.subi %add3A_465, %sub3A_484 : i32
      %dma_wait3A_486 = arith.constant 0 : i32
      %dma_wait3A_487 = tpu.memref_slice %arg4[%sub3A_485, %dma_wait3A_486] : memref<1024x128xf32, #tpu.memory_space<hbm>> -> memref<1x128xf32, #tpu.memory_space<hbm>>
      %dma_wait3A_488 = tpu.memref_squeeze %dma_wait3A_487 : memref<1x128xf32, #tpu.memory_space<hbm>> -> memref<128xf32, #tpu.memory_space<hbm>>
      %dma_wait3A_489 = arith.constant 0 : i32
      %dma_wait3A_490 = tpu.memref_slice %arg4[%sub3A_485, %dma_wait3A_489] : memref<1024x128xf32, #tpu.memory_space<hbm>> -> memref<1x128xf32, #tpu.memory_space<hbm>>
      %dma_wait3A_491 = tpu.memref_squeeze %dma_wait3A_490 : memref<1x128xf32, #tpu.memory_space<hbm>> -> memref<128xf32, #tpu.memory_space<hbm>>
      tpu.wait_dma2 semaphore(%arg34 : memref<!tpu.dma_semaphore, #tpu.memory_space<semaphore_mem>>) src(%arg18 : memref<128xf32, #tpu.memory_space<vmem>>) dst(%dma_wait3A_491 : memref<128xf32, #tpu.memory_space<hbm>>)
      %parallel_loop3A_492 = arith.constant 0 : i32
      %parallel_loop3A_493 = arith.constant 64 : i32
      %parallel_loop3A_494 = arith.constant 1 : i32
      scf.for %parallel_loop3A_632 = %parallel_loop3A_492 to %parallel_loop3A_493 step %parallel_loop3A_494  : i32 {
        %parallel_loop3A_633 = arith.constant 16 : i32
        %parallel_loop3A_634 = arith.muli %parallel_loop3A_632, %parallel_loop3A_633 : i32
        %parallel_loop3A_635 = arith.constant 0 : i32
        %parallel_loop3A_636 = arith.index_cast %parallel_loop3A_635 : i32 to index
        %parallel_loop3A_637 = arith.index_cast %parallel_loop3A_634 : i32 to index
        %parallel_loop3A_638 = tpu.vector_load %arg10[%parallel_loop3A_636, %parallel_loop3A_637] {strides = array<i32>} : memref<2x1024xi32, #tpu.memory_space<vmem>>, vector<16xi32>,
        %parallel_loop3A_639 = arith.constant 16 : i32
        %parallel_loop3A_640 = arith.muli %parallel_loop3A_632, %parallel_loop3A_639 : i32
        %parallel_loop3A_641 = arith.constant 1 : i32
        %parallel_loop3A_642 = arith.index_cast %parallel_loop3A_641 : i32 to index
        %parallel_loop3A_643 = arith.index_cast %parallel_loop3A_640 : i32 to index
        %parallel_loop3A_644 = tpu.vector_load %arg10[%parallel_loop3A_642, %parallel_loop3A_643] {strides = array<i32>} : memref<2x1024xi32, #tpu.memory_space<vmem>>, vector<16xi32>,
        tpu.vector_store_idx %arg14[%parallel_loop3A_638, %parallel_loop3A_644], %broadcast_in_dim3A_3 {add = true} : memref<64x64xf32, #tpu.memory_space<vmem>>[vector<16xi32>, vector<16xi32>], vector<16xf32>,
        tpu.vector_store_idx %arg18[%parallel_loop3A_644], %broadcast_in_dim3A_3 {add = true} : memref<128xf32, #tpu.memory_space<vmem>>[vector<16xi32>], vector<16xf32>,
        %parallel_loop3A_645 = arith.constant 64 : i32
        %parallel_loop3A_646 = vector.broadcast %parallel_loop3A_645 : i32 to vector<16xi32>
        %parallel_loop3A_647 = arith.addi %parallel_loop3A_638, %parallel_loop3A_646 : vector<16xi32>
        tpu.vector_store_idx %arg18[%parallel_loop3A_647], %broadcast_in_dim3A_3 {add = true} : memref<128xf32, #tpu.memory_space<vmem>>[vector<16xi32>], vector<16xf32>,
      } {sc.loop_unroll_factor = 8 : i64, sc.parallel_access}
      %dma_start3A_495 = arith.constant 0 : i32
      %dma_start3A_496 = arith.constant 0 : i32
      %dma_start3A_497 = tpu.memref_slice %arg3[%add3A_465, %dma_start3A_495, %dma_start3A_496] : memref<1024x64x64xf32, #tpu.memory_space<hbm>> -> memref<1x64x64xf32, #tpu.memory_space<hbm>>
      %dma_start3A_498 = tpu.memref_squeeze %dma_start3A_497 : memref<1x64x64xf32, #tpu.memory_space<hbm>> -> memref<64x64xf32, #tpu.memory_space<hbm>>
      %dma_start3A_499 = arith.constant 0 : i32
      %dma_start3A_500 = arith.constant 0 : i32
      %dma_start3A_501 = tpu.memref_slice %arg3[%add3A_465, %dma_start3A_499, %dma_start3A_500] : memref<1024x64x64xf32, #tpu.memory_space<hbm>> -> memref<1x64x64xf32, #tpu.memory_space<hbm>>
      %dma_start3A_502 = tpu.memref_squeeze %dma_start3A_501 : memref<1x64x64xf32, #tpu.memory_space<hbm>> -> memref<64x64xf32, #tpu.memory_space<hbm>>
      tpu.enqueue_dma source(%arg14 : memref<64x64xf32, #tpu.memory_space<vmem>>) target(%dma_start3A_502 : memref<64x64xf32, #tpu.memory_space<hbm>>) target_semaphore(%arg30 : memref<!tpu.dma_semaphore, #tpu.memory_space<semaphore_mem>>)
      %dma_start3A_503 = arith.constant 0 : i32
      %dma_start3A_504 = tpu.memref_slice %arg4[%add3A_465, %dma_start3A_503] : memref<1024x128xf32, #tpu.memory_space<hbm>> -> memref<1x128xf32, #tpu.memory_space<hbm>>
      %dma_start3A_505 = tpu.memref_squeeze %dma_start3A_504 : memref<1x128xf32, #tpu.memory_space<hbm>> -> memref<128xf32, #tpu.memory_space<hbm>>
      %dma_start3A_506 = arith.constant 0 : i32
      %dma_start3A_507 = tpu.memref_slice %arg4[%add3A_465, %dma_start3A_506] : memref<1024x128xf32, #tpu.memory_space<hbm>> -> memref<1x128xf32, #tpu.memory_space<hbm>>
      %dma_start3A_508 = tpu.memref_squeeze %dma_start3A_507 : memref<1x128xf32, #tpu.memory_space<hbm>> -> memref<128xf32, #tpu.memory_space<hbm>>
      tpu.enqueue_dma source(%arg18 : memref<128xf32, #tpu.memory_space<vmem>>) target(%dma_start3A_508 : memref<128xf32, #tpu.memory_space<hbm>>) target_semaphore(%arg34 : memref<!tpu.dma_semaphore, #tpu.memory_space<semaphore_mem>>)
      %mul3A_509 = arith.constant 8 : i32
      %mul3A_510 = arith.muli %mul3A_509, %scan3A_237 : i32
      %add3A_511 = arith.constant 5 : i32
      %add3A_512 = arith.addi %mul3A_510, %add3A_511 : i32
      %add3A_513 = arith.constant 8 : i32
      %add3A_514 = arith.addi %add3A_512, %add3A_513 : i32
      %lt3A_515 = arith.constant 32 : i32
      %lt3A_516 = arith.cmpi slt, %add3A_514, %lt3A_515 : i32
      %convert_element_type3A_517 = arith.extui %lt3A_516 : i1 to i32
      %cond3A_518 = arith.constant 0 : i32
      %cond3A_519 = arith.cmpi ne, %convert_element_type3A_517, %cond3A_518 : i32
      scf.if %cond3A_519 {
        %add3A_632 = arith.constant 8 : i32
        %add3A_633 = arith.addi %add3A_465, %add3A_632 : i32
        %dma_start3A_634 = arith.constant 0 : i32
        %dma_start3A_635 = arith.constant 0 : i32
        %dma_start3A_636 = tpu.memref_slice %arg2[%add3A_633, %dma_start3A_634, %dma_start3A_635] : memref<1024x2x1024xi32, #tpu.memory_space<hbm>> -> memref<1x2x1024xi32, #tpu.memory_space<hbm>>
        %dma_start3A_637 = tpu.memref_squeeze %dma_start3A_636 : memref<1x2x1024xi32, #tpu.memory_space<hbm>> -> memref<2x1024xi32, #tpu.memory_space<hbm>>
        %dma_start3A_638 = arith.constant 0 : i32
        %dma_start3A_639 = arith.constant 0 : i32
        %dma_start3A_640 = tpu.memref_slice %arg2[%add3A_633, %dma_start3A_638, %dma_start3A_639] : memref<1024x2x1024xi32, #tpu.memory_space<hbm>> -> memref<1x2x1024xi32, #tpu.memory_space<hbm>>
        %dma_start3A_641 = tpu.memref_squeeze %dma_start3A_640 : memref<1x2x1024xi32, #tpu.memory_space<hbm>> -> memref<2x1024xi32, #tpu.memory_space<hbm>>
        tpu.enqueue_dma source(%dma_start3A_641 : memref<2x1024xi32, #tpu.memory_space<hbm>>) target(%arg10 : memref<2x1024xi32, #tpu.memory_space<vmem>>) target_semaphore(%arg26 : memref<!tpu.dma_semaphore, #tpu.memory_space<semaphore_mem>>)
      } else {
      }
      %add3A_520 = arith.constant 6 : i32
      %add3A_521 = arith.addi %add3A_240, %add3A_520 : i32
      %dma_wait3A_522 = arith.constant 0 : i32
      %dma_wait3A_523 = arith.constant 0 : i32
      %dma_wait3A_524 = tpu.memref_slice %arg2[%add3A_521, %dma_wait3A_522, %dma_wait3A_523] : memref<1024x2x1024xi32, #tpu.memory_space<hbm>> -> memref<1x2x1024xi32, #tpu.memory_space<hbm>>
      %dma_wait3A_525 = tpu.memref_squeeze %dma_wait3A_524 : memref<1x2x1024xi32, #tpu.memory_space<hbm>> -> memref<2x1024xi32, #tpu.memory_space<hbm>>
      %dma_wait3A_526 = arith.constant 0 : i32
      %dma_wait3A_527 = arith.constant 0 : i32
      %dma_wait3A_528 = tpu.memref_slice %arg2[%add3A_521, %dma_wait3A_526, %dma_wait3A_527] : memref<1024x2x1024xi32, #tpu.memory_space<hbm>> -> memref<1x2x1024xi32, #tpu.memory_space<hbm>>
      %dma_wait3A_529 = tpu.memref_squeeze %dma_wait3A_528 : memref<1x2x1024xi32, #tpu.memory_space<hbm>> -> memref<2x1024xi32, #tpu.memory_space<hbm>>
      tpu.wait_dma2 semaphore(%arg27 : memref<!tpu.dma_semaphore, #tpu.memory_space<semaphore_mem>>) src(%dma_wait3A_529 : memref<2x1024xi32, #tpu.memory_space<hbm>>) dst(%arg11 : memref<2x1024xi32, #tpu.memory_space<vmem>>)
      %sub3A_530 = arith.constant 4 : i32
      %sub3A_531 = arith.subi %add3A_521, %sub3A_530 : i32
      %dma_wait3A_532 = arith.constant 0 : i32
      %dma_wait3A_533 = arith.constant 0 : i32
      %dma_wait3A_534 = tpu.memref_slice %arg3[%sub3A_531, %dma_wait3A_532, %dma_wait3A_533] : memref<1024x64x64xf32, #tpu.memory_space<hbm>> -> memref<1x64x64xf32, #tpu.memory_space<hbm>>
      %dma_wait3A_535 = tpu.memref_squeeze %dma_wait3A_534 : memref<1x64x64xf32, #tpu.memory_space<hbm>> -> memref<64x64xf32, #tpu.memory_space<hbm>>
      %dma_wait3A_536 = arith.constant 0 : i32
      %dma_wait3A_537 = arith.constant 0 : i32
      %dma_wait3A_538 = tpu.memref_slice %arg3[%sub3A_531, %dma_wait3A_536, %dma_wait3A_537] : memref<1024x64x64xf32, #tpu.memory_space<hbm>> -> memref<1x64x64xf32, #tpu.memory_space<hbm>>
      %dma_wait3A_539 = tpu.memref_squeeze %dma_wait3A_538 : memref<1x64x64xf32, #tpu.memory_space<hbm>> -> memref<64x64xf32, #tpu.memory_space<hbm>>
      tpu.wait_dma2 semaphore(%arg31 : memref<!tpu.dma_semaphore, #tpu.memory_space<semaphore_mem>>) src(%arg15 : memref<64x64xf32, #tpu.memory_space<vmem>>) dst(%dma_wait3A_539 : memref<64x64xf32, #tpu.memory_space<hbm>>)
      %sub3A_540 = arith.constant 4 : i32
      %sub3A_541 = arith.subi %add3A_521, %sub3A_540 : i32
      %dma_wait3A_542 = arith.constant 0 : i32
      %dma_wait3A_543 = tpu.memref_slice %arg4[%sub3A_541, %dma_wait3A_542] : memref<1024x128xf32, #tpu.memory_space<hbm>> -> memref<1x128xf32, #tpu.memory_space<hbm>>
      %dma_wait3A_544 = tpu.memref_squeeze %dma_wait3A_543 : memref<1x128xf32, #tpu.memory_space<hbm>> -> memref<128xf32, #tpu.memory_space<hbm>>
      %dma_wait3A_545 = arith.constant 0 : i32
      %dma_wait3A_546 = tpu.memref_slice %arg4[%sub3A_541, %dma_wait3A_545] : memref<1024x128xf32, #tpu.memory_space<hbm>> -> memref<1x128xf32, #tpu.memory_space<hbm>>
      %dma_wait3A_547 = tpu.memref_squeeze %dma_wait3A_546 : memref<1x128xf32, #tpu.memory_space<hbm>> -> memref<128xf32, #tpu.memory_space<hbm>>
      tpu.wait_dma2 semaphore(%arg35 : memref<!tpu.dma_semaphore, #tpu.memory_space<semaphore_mem>>) src(%arg19 : memref<128xf32, #tpu.memory_space<vmem>>) dst(%dma_wait3A_547 : memref<128xf32, #tpu.memory_space<hbm>>)
      %parallel_loop3A_548 = arith.constant 0 : i32
      %parallel_loop3A_549 = arith.constant 64 : i32
      %parallel_loop3A_550 = arith.constant 1 : i32
      scf.for %parallel_loop3A_632 = %parallel_loop3A_548 to %parallel_loop3A_549 step %parallel_loop3A_550  : i32 {
        %parallel_loop3A_633 = arith.constant 16 : i32
        %parallel_loop3A_634 = arith.muli %parallel_loop3A_632, %parallel_loop3A_633 : i32
        %parallel_loop3A_635 = arith.constant 0 : i32
        %parallel_loop3A_636 = arith.index_cast %parallel_loop3A_635 : i32 to index
        %parallel_loop3A_637 = arith.index_cast %parallel_loop3A_634 : i32 to index
        %parallel_loop3A_638 = tpu.vector_load %arg11[%parallel_loop3A_636, %parallel_loop3A_637] {strides = array<i32>} : memref<2x1024xi32, #tpu.memory_space<vmem>>, vector<16xi32>,
        %parallel_loop3A_639 = arith.constant 16 : i32
        %parallel_loop3A_640 = arith.muli %parallel_loop3A_632, %parallel_loop3A_639 : i32
        %parallel_loop3A_641 = arith.constant 1 : i32
        %parallel_loop3A_642 = arith.index_cast %parallel_loop3A_641 : i32 to index
        %parallel_loop3A_643 = arith.index_cast %parallel_loop3A_640 : i32 to index
        %parallel_loop3A_644 = tpu.vector_load %arg11[%parallel_loop3A_642, %parallel_loop3A_643] {strides = array<i32>} : memref<2x1024xi32, #tpu.memory_space<vmem>>, vector<16xi32>,
        tpu.vector_store_idx %arg15[%parallel_loop3A_638, %parallel_loop3A_644], %broadcast_in_dim3A_3 {add = true} : memref<64x64xf32, #tpu.memory_space<vmem>>[vector<16xi32>, vector<16xi32>], vector<16xf32>,
        tpu.vector_store_idx %arg19[%parallel_loop3A_644], %broadcast_in_dim3A_3 {add = true} : memref<128xf32, #tpu.memory_space<vmem>>[vector<16xi32>], vector<16xf32>,
        %parallel_loop3A_645 = arith.constant 64 : i32
        %parallel_loop3A_646 = vector.broadcast %parallel_loop3A_645 : i32 to vector<16xi32>
        %parallel_loop3A_647 = arith.addi %parallel_loop3A_638, %parallel_loop3A_646 : vector<16xi32>
        tpu.vector_store_idx %arg19[%parallel_loop3A_647], %broadcast_in_dim3A_3 {add = true} : memref<128xf32, #tpu.memory_space<vmem>>[vector<16xi32>], vector<16xf32>,
      } {sc.loop_unroll_factor = 8 : i64, sc.parallel_access}
      %dma_start3A_551 = arith.constant 0 : i32
      %dma_start3A_552 = arith.constant 0 : i32
      %dma_start3A_553 = tpu.memref_slice %arg3[%add3A_521, %dma_start3A_551, %dma_start3A_552] : memref<1024x64x64xf32, #tpu.memory_space<hbm>> -> memref<1x64x64xf32, #tpu.memory_space<hbm>>
      %dma_start3A_554 = tpu.memref_squeeze %dma_start3A_553 : memref<1x64x64xf32, #tpu.memory_space<hbm>> -> memref<64x64xf32, #tpu.memory_space<hbm>>
      %dma_start3A_555 = arith.constant 0 : i32
      %dma_start3A_556 = arith.constant 0 : i32
      %dma_start3A_557 = tpu.memref_slice %arg3[%add3A_521, %dma_start3A_555, %dma_start3A_556] : memref<1024x64x64xf32, #tpu.memory_space<hbm>> -> memref<1x64x64xf32, #tpu.memory_space<hbm>>
      %dma_start3A_558 = tpu.memref_squeeze %dma_start3A_557 : memref<1x64x64xf32, #tpu.memory_space<hbm>> -> memref<64x64xf32, #tpu.memory_space<hbm>>
      tpu.enqueue_dma source(%arg15 : memref<64x64xf32, #tpu.memory_space<vmem>>) target(%dma_start3A_558 : memref<64x64xf32, #tpu.memory_space<hbm>>) target_semaphore(%arg31 : memref<!tpu.dma_semaphore, #tpu.memory_space<semaphore_mem>>)
      %dma_start3A_559 = arith.constant 0 : i32
      %dma_start3A_560 = tpu.memref_slice %arg4[%add3A_521, %dma_start3A_559] : memref<1024x128xf32, #tpu.memory_space<hbm>> -> memref<1x128xf32, #tpu.memory_space<hbm>>
      %dma_start3A_561 = tpu.memref_squeeze %dma_start3A_560 : memref<1x128xf32, #tpu.memory_space<hbm>> -> memref<128xf32, #tpu.memory_space<hbm>>
      %dma_start3A_562 = arith.constant 0 : i32
      %dma_start3A_563 = tpu.memref_slice %arg4[%add3A_521, %dma_start3A_562] : memref<1024x128xf32, #tpu.memory_space<hbm>> -> memref<1x128xf32, #tpu.memory_space<hbm>>
      %dma_start3A_564 = tpu.memref_squeeze %dma_start3A_563 : memref<1x128xf32, #tpu.memory_space<hbm>> -> memref<128xf32, #tpu.memory_space<hbm>>
      tpu.enqueue_dma source(%arg19 : memref<128xf32, #tpu.memory_space<vmem>>) target(%dma_start3A_564 : memref<128xf32, #tpu.memory_space<hbm>>) target_semaphore(%arg35 : memref<!tpu.dma_semaphore, #tpu.memory_space<semaphore_mem>>)
      %mul3A_565 = arith.constant 8 : i32
      %mul3A_566 = arith.muli %mul3A_565, %scan3A_237 : i32
      %add3A_567 = arith.constant 6 : i32
      %add3A_568 = arith.addi %mul3A_566, %add3A_567 : i32
      %add3A_569 = arith.constant 8 : i32
      %add3A_570 = arith.addi %add3A_568, %add3A_569 : i32
      %lt3A_571 = arith.constant 32 : i32
      %lt3A_572 = arith.cmpi slt, %add3A_570, %lt3A_571 : i32
      %convert_element_type3A_573 = arith.extui %lt3A_572 : i1 to i32
      %cond3A_574 = arith.constant 0 : i32
      %cond3A_575 = arith.cmpi ne, %convert_element_type3A_573, %cond3A_574 : i32
      scf.if %cond3A_575 {
        %add3A_632 = arith.constant 8 : i32
        %add3A_633 = arith.addi %add3A_521, %add3A_632 : i32
        %dma_start3A_634 = arith.constant 0 : i32
        %dma_start3A_635 = arith.constant 0 : i32
        %dma_start3A_636 = tpu.memref_slice %arg2[%add3A_633, %dma_start3A_634, %dma_start3A_635] : memref<1024x2x1024xi32, #tpu.memory_space<hbm>> -> memref<1x2x1024xi32, #tpu.memory_space<hbm>>
        %dma_start3A_637 = tpu.memref_squeeze %dma_start3A_636 : memref<1x2x1024xi32, #tpu.memory_space<hbm>> -> memref<2x1024xi32, #tpu.memory_space<hbm>>
        %dma_start3A_638 = arith.constant 0 : i32
        %dma_start3A_639 = arith.constant 0 : i32
        %dma_start3A_640 = tpu.memref_slice %arg2[%add3A_633, %dma_start3A_638, %dma_start3A_639] : memref<1024x2x1024xi32, #tpu.memory_space<hbm>> -> memref<1x2x1024xi32, #tpu.memory_space<hbm>>
        %dma_start3A_641 = tpu.memref_squeeze %dma_start3A_640 : memref<1x2x1024xi32, #tpu.memory_space<hbm>> -> memref<2x1024xi32, #tpu.memory_space<hbm>>
        tpu.enqueue_dma source(%dma_start3A_641 : memref<2x1024xi32, #tpu.memory_space<hbm>>) target(%arg11 : memref<2x1024xi32, #tpu.memory_space<vmem>>) target_semaphore(%arg27 : memref<!tpu.dma_semaphore, #tpu.memory_space<semaphore_mem>>)
      } else {
      }
      %add3A_576 = arith.constant 7 : i32
      %add3A_577 = arith.addi %add3A_240, %add3A_576 : i32
      %dma_wait3A_578 = arith.constant 0 : i32
      %dma_wait3A_579 = arith.constant 0 : i32
      %dma_wait3A_580 = tpu.memref_slice %arg2[%add3A_577, %dma_wait3A_578, %dma_wait3A_579] : memref<1024x2x1024xi32, #tpu.memory_space<hbm>> -> memref<1x2x1024xi32, #tpu.memory_space<hbm>>
      %dma_wait3A_581 = tpu.memref_squeeze %dma_wait3A_580 : memref<1x2x1024xi32, #tpu.memory_space<hbm>> -> memref<2x1024xi32, #tpu.memory_space<hbm>>
      %dma_wait3A_582 = arith.constant 0 : i32
      %dma_wait3A_583 = arith.constant 0 : i32
      %dma_wait3A_584 = tpu.memref_slice %arg2[%add3A_577, %dma_wait3A_582, %dma_wait3A_583] : memref<1024x2x1024xi32, #tpu.memory_space<hbm>> -> memref<1x2x1024xi32, #tpu.memory_space<hbm>>
      %dma_wait3A_585 = tpu.memref_squeeze %dma_wait3A_584 : memref<1x2x1024xi32, #tpu.memory_space<hbm>> -> memref<2x1024xi32, #tpu.memory_space<hbm>>
      tpu.wait_dma2 semaphore(%arg28 : memref<!tpu.dma_semaphore, #tpu.memory_space<semaphore_mem>>) src(%dma_wait3A_585 : memref<2x1024xi32, #tpu.memory_space<hbm>>) dst(%arg12 : memref<2x1024xi32, #tpu.memory_space<vmem>>)
      %sub3A_586 = arith.constant 4 : i32
      %sub3A_587 = arith.subi %add3A_577, %sub3A_586 : i32
      %dma_wait3A_588 = arith.constant 0 : i32
      %dma_wait3A_589 = arith.constant 0 : i32
      %dma_wait3A_590 = tpu.memref_slice %arg3[%sub3A_587, %dma_wait3A_588, %dma_wait3A_589] : memref<1024x64x64xf32, #tpu.memory_space<hbm>> -> memref<1x64x64xf32, #tpu.memory_space<hbm>>
      %dma_wait3A_591 = tpu.memref_squeeze %dma_wait3A_590 : memref<1x64x64xf32, #tpu.memory_space<hbm>> -> memref<64x64xf32, #tpu.memory_space<hbm>>
      %dma_wait3A_592 = arith.constant 0 : i32
      %dma_wait3A_593 = arith.constant 0 : i32
      %dma_wait3A_594 = tpu.memref_slice %arg3[%sub3A_587, %dma_wait3A_592, %dma_wait3A_593] : memref<1024x64x64xf32, #tpu.memory_space<hbm>> -> memref<1x64x64xf32, #tpu.memory_space<hbm>>
      %dma_wait3A_595 = tpu.memref_squeeze %dma_wait3A_594 : memref<1x64x64xf32, #tpu.memory_space<hbm>> -> memref<64x64xf32, #tpu.memory_space<hbm>>
      tpu.wait_dma2 semaphore(%arg32 : memref<!tpu.dma_semaphore, #tpu.memory_space<semaphore_mem>>) src(%arg16 : memref<64x64xf32, #tpu.memory_space<vmem>>) dst(%dma_wait3A_595 : memref<64x64xf32, #tpu.memory_space<hbm>>)
      %sub3A_596 = arith.constant 4 : i32
      %sub3A_597 = arith.subi %add3A_577, %sub3A_596 : i32
      %dma_wait3A_598 = arith.constant 0 : i32
      %dma_wait3A_599 = tpu.memref_slice %arg4[%sub3A_597, %dma_wait3A_598] : memref<1024x128xf32, #tpu.memory_space<hbm>> -> memref<1x128xf32, #tpu.memory_space<hbm>>
      %dma_wait3A_600 = tpu.memref_squeeze %dma_wait3A_599 : memref<1x128xf32, #tpu.memory_space<hbm>> -> memref<128xf32, #tpu.memory_space<hbm>>
      %dma_wait3A_601 = arith.constant 0 : i32
      %dma_wait3A_602 = tpu.memref_slice %arg4[%sub3A_597, %dma_wait3A_601] : memref<1024x128xf32, #tpu.memory_space<hbm>> -> memref<1x128xf32, #tpu.memory_space<hbm>>
      %dma_wait3A_603 = tpu.memref_squeeze %dma_wait3A_602 : memref<1x128xf32, #tpu.memory_space<hbm>> -> memref<128xf32, #tpu.memory_space<hbm>>
      tpu.wait_dma2 semaphore(%arg36 : memref<!tpu.dma_semaphore, #tpu.memory_space<semaphore_mem>>) src(%arg20 : memref<128xf32, #tpu.memory_space<vmem>>) dst(%dma_wait3A_603 : memref<128xf32, #tpu.memory_space<hbm>>)
      %parallel_loop3A_604 = arith.constant 0 : i32
      %parallel_loop3A_605 = arith.constant 64 : i32
      %parallel_loop3A_606 = arith.constant 1 : i32
      scf.for %parallel_loop3A_632 = %parallel_loop3A_604 to %parallel_loop3A_605 step %parallel_loop3A_606  : i32 {
        %parallel_loop3A_633 = arith.constant 16 : i32
        %parallel_loop3A_634 = arith.muli %parallel_loop3A_632, %parallel_loop3A_633 : i32
        %parallel_loop3A_635 = arith.constant 0 : i32
        %parallel_loop3A_636 = arith.index_cast %parallel_loop3A_635 : i32 to index
        %parallel_loop3A_637 = arith.index_cast %parallel_loop3A_634 : i32 to index
        %parallel_loop3A_638 = tpu.vector_load %arg12[%parallel_loop3A_636, %parallel_loop3A_637] {strides = array<i32>} : memref<2x1024xi32, #tpu.memory_space<vmem>>, vector<16xi32>,
        %parallel_loop3A_639 = arith.constant 16 : i32
        %parallel_loop3A_640 = arith.muli %parallel_loop3A_632, %parallel_loop3A_639 : i32
        %parallel_loop3A_641 = arith.constant 1 : i32
        %parallel_loop3A_642 = arith.index_cast %parallel_loop3A_641 : i32 to index
        %parallel_loop3A_643 = arith.index_cast %parallel_loop3A_640 : i32 to index
        %parallel_loop3A_644 = tpu.vector_load %arg12[%parallel_loop3A_642, %parallel_loop3A_643] {strides = array<i32>} : memref<2x1024xi32, #tpu.memory_space<vmem>>, vector<16xi32>,
        tpu.vector_store_idx %arg16[%parallel_loop3A_638, %parallel_loop3A_644], %broadcast_in_dim3A_3 {add = true} : memref<64x64xf32, #tpu.memory_space<vmem>>[vector<16xi32>, vector<16xi32>], vector<16xf32>,
        tpu.vector_store_idx %arg20[%parallel_loop3A_644], %broadcast_in_dim3A_3 {add = true} : memref<128xf32, #tpu.memory_space<vmem>>[vector<16xi32>], vector<16xf32>,
        %parallel_loop3A_645 = arith.constant 64 : i32
        %parallel_loop3A_646 = vector.broadcast %parallel_loop3A_645 : i32 to vector<16xi32>
        %parallel_loop3A_647 = arith.addi %parallel_loop3A_638, %parallel_loop3A_646 : vector<16xi32>
        tpu.vector_store_idx %arg20[%parallel_loop3A_647], %broadcast_in_dim3A_3 {add = true} : memref<128xf32, #tpu.memory_space<vmem>>[vector<16xi32>], vector<16xf32>,
      } {sc.loop_unroll_factor = 8 : i64, sc.parallel_access}
      %dma_start3A_607 = arith.constant 0 : i32
      %dma_start3A_608 = arith.constant 0 : i32
      %dma_start3A_609 = tpu.memref_slice %arg3[%add3A_577, %dma_start3A_607, %dma_start3A_608] : memref<1024x64x64xf32, #tpu.memory_space<hbm>> -> memref<1x64x64xf32, #tpu.memory_space<hbm>>
      %dma_start3A_610 = tpu.memref_squeeze %dma_start3A_609 : memref<1x64x64xf32, #tpu.memory_space<hbm>> -> memref<64x64xf32, #tpu.memory_space<hbm>>
      %dma_start3A_611 = arith.constant 0 : i32
      %dma_start3A_612 = arith.constant 0 : i32
      %dma_start3A_613 = tpu.memref_slice %arg3[%add3A_577, %dma_start3A_611, %dma_start3A_612] : memref<1024x64x64xf32, #tpu.memory_space<hbm>> -> memref<1x64x64xf32, #tpu.memory_space<hbm>>
      %dma_start3A_614 = tpu.memref_squeeze %dma_start3A_613 : memref<1x64x64xf32, #tpu.memory_space<hbm>> -> memref<64x64xf32, #tpu.memory_space<hbm>>
      tpu.enqueue_dma source(%arg16 : memref<64x64xf32, #tpu.memory_space<vmem>>) target(%dma_start3A_614 : memref<64x64xf32, #tpu.memory_space<hbm>>) target_semaphore(%arg32 : memref<!tpu.dma_semaphore, #tpu.memory_space<semaphore_mem>>)
      %dma_start3A_615 = arith.constant 0 : i32
      %dma_start3A_616 = tpu.memref_slice %arg4[%add3A_577, %dma_start3A_615] : memref<1024x128xf32, #tpu.memory_space<hbm>> -> memref<1x128xf32, #tpu.memory_space<hbm>>
      %dma_start3A_617 = tpu.memref_squeeze %dma_start3A_616 : memref<1x128xf32, #tpu.memory_space<hbm>> -> memref<128xf32, #tpu.memory_space<hbm>>
      %dma_start3A_618 = arith.constant 0 : i32
      %dma_start3A_619 = tpu.memref_slice %arg4[%add3A_577, %dma_start3A_618] : memref<1024x128xf32, #tpu.memory_space<hbm>> -> memref<1x128xf32, #tpu.memory_space<hbm>>
      %dma_start3A_620 = tpu.memref_squeeze %dma_start3A_619 : memref<1x128xf32, #tpu.memory_space<hbm>> -> memref<128xf32, #tpu.memory_space<hbm>>
      tpu.enqueue_dma source(%arg20 : memref<128xf32, #tpu.memory_space<vmem>>) target(%dma_start3A_620 : memref<128xf32, #tpu.memory_space<hbm>>) target_semaphore(%arg36 : memref<!tpu.dma_semaphore, #tpu.memory_space<semaphore_mem>>)
      %mul3A_621 = arith.constant 8 : i32
      %mul3A_622 = arith.muli %mul3A_621, %scan3A_237 : i32
      %add3A_623 = arith.constant 7 : i32
      %add3A_624 = arith.addi %mul3A_622, %add3A_623 : i32
      %add3A_625 = arith.constant 8 : i32
      %add3A_626 = arith.addi %add3A_624, %add3A_625 : i32
      %lt3A_627 = arith.constant 32 : i32
      %lt3A_628 = arith.cmpi slt, %add3A_626, %lt3A_627 : i32
      %convert_element_type3A_629 = arith.extui %lt3A_628 : i1 to i32
      %cond3A_630 = arith.constant 0 : i32
      %cond3A_631 = arith.cmpi ne, %convert_element_type3A_629, %cond3A_630 : i32
      scf.if %cond3A_631 {
        %add3A_632 = arith.constant 8 : i32
        %add3A_633 = arith.addi %add3A_577, %add3A_632 : i32
        %dma_start3A_634 = arith.constant 0 : i32
        %dma_start3A_635 = arith.constant 0 : i32
        %dma_start3A_636 = tpu.memref_slice %arg2[%add3A_633, %dma_start3A_634, %dma_start3A_635] : memref<1024x2x1024xi32, #tpu.memory_space<hbm>> -> memref<1x2x1024xi32, #tpu.memory_space<hbm>>
        %dma_start3A_637 = tpu.memref_squeeze %dma_start3A_636 : memref<1x2x1024xi32, #tpu.memory_space<hbm>> -> memref<2x1024xi32, #tpu.memory_space<hbm>>
        %dma_start3A_638 = arith.constant 0 : i32
        %dma_start3A_639 = arith.constant 0 : i32
        %dma_start3A_640 = tpu.memref_slice %arg2[%add3A_633, %dma_start3A_638, %dma_start3A_639] : memref<1024x2x1024xi32, #tpu.memory_space<hbm>> -> memref<1x2x1024xi32, #tpu.memory_space<hbm>>
        %dma_start3A_641 = tpu.memref_squeeze %dma_start3A_640 : memref<1x2x1024xi32, #tpu.memory_space<hbm>> -> memref<2x1024xi32, #tpu.memory_space<hbm>>
        tpu.enqueue_dma source(%dma_start3A_641 : memref<2x1024xi32, #tpu.memory_space<hbm>>) target(%arg12 : memref<2x1024xi32, #tpu.memory_space<vmem>>) target_semaphore(%arg28 : memref<!tpu.dma_semaphore, #tpu.memory_space<semaphore_mem>>)
      } else {
      }
    }
    %scan3A_158 = arith.constant 4 : i32
    %add3A_159 = arith.constant 32 : i32
    %add3A_160 = arith.addi %mul3A_2, %add3A_159 : i32
    %sub3A = arith.constant 4 : i32
    %sub3A_161 = arith.subi %add3A_160, %sub3A : i32
    %add3A_162 = arith.constant 0 : i32
    %add3A_163 = arith.addi %sub3A_161, %add3A_162 : i32
    %dma_wait3A = arith.constant 0 : i32
    %dma_wait3A_164 = arith.constant 0 : i32
    %dma_wait3A_165 = tpu.memref_slice %arg3[%add3A_163, %dma_wait3A, %dma_wait3A_164] : memref<1024x64x64xf32, #tpu.memory_space<hbm>> -> memref<1x64x64xf32, #tpu.memory_space<hbm>>
    %dma_wait3A_166 = tpu.memref_squeeze %dma_wait3A_165 : memref<1x64x64xf32, #tpu.memory_space<hbm>> -> memref<64x64xf32, #tpu.memory_space<hbm>>
    %dma_wait3A_167 = arith.constant 0 : i32
    %dma_wait3A_168 = arith.constant 0 : i32
    %dma_wait3A_169 = tpu.memref_slice %arg3[%add3A_163, %dma_wait3A_167, %dma_wait3A_168] : memref<1024x64x64xf32, #tpu.memory_space<hbm>> -> memref<1x64x64xf32, #tpu.memory_space<hbm>>
    %dma_wait3A_170 = tpu.memref_squeeze %dma_wait3A_169 : memref<1x64x64xf32, #tpu.memory_space<hbm>> -> memref<64x64xf32, #tpu.memory_space<hbm>>
    tpu.wait_dma2 semaphore(%arg29 : memref<!tpu.dma_semaphore, #tpu.memory_space<semaphore_mem>>) src(%arg13 : memref<64x64xf32, #tpu.memory_space<vmem>>) dst(%dma_wait3A_170 : memref<64x64xf32, #tpu.memory_space<hbm>>)
    %dma_wait3A_171 = arith.constant 0 : i32
    %dma_wait3A_172 = tpu.memref_slice %arg4[%add3A_163, %dma_wait3A_171] : memref<1024x128xf32, #tpu.memory_space<hbm>> -> memref<1x128xf32, #tpu.memory_space<hbm>>
    %dma_wait3A_173 = tpu.memref_squeeze %dma_wait3A_172 : memref<1x128xf32, #tpu.memory_space<hbm>> -> memref<128xf32, #tpu.memory_space<hbm>>
    %dma_wait3A_174 = arith.constant 0 : i32
    %dma_wait3A_175 = tpu.memref_slice %arg4[%add3A_163, %dma_wait3A_174] : memref<1024x128xf32, #tpu.memory_space<hbm>> -> memref<1x128xf32, #tpu.memory_space<hbm>>
    %dma_wait3A_176 = tpu.memref_squeeze %dma_wait3A_175 : memref<1x128xf32, #tpu.memory_space<hbm>> -> memref<128xf32, #tpu.memory_space<hbm>>
    tpu.wait_dma2 semaphore(%arg33 : memref<!tpu.dma_semaphore, #tpu.memory_space<semaphore_mem>>) src(%arg17 : memref<128xf32, #tpu.memory_space<vmem>>) dst(%dma_wait3A_176 : memref<128xf32, #tpu.memory_space<hbm>>)
    %add3A_177 = arith.constant 32 : i32
    %add3A_178 = arith.addi %mul3A_2, %add3A_177 : i32
    %sub3A_179 = arith.constant 4 : i32
    %sub3A_180 = arith.subi %add3A_178, %sub3A_179 : i32
    %add3A_181 = arith.constant 1 : i32
    %add3A_182 = arith.addi %sub3A_180, %add3A_181 : i32
    %dma_wait3A_183 = arith.constant 0 : i32
    %dma_wait3A_184 = arith.constant 0 : i32
    %dma_wait3A_185 = tpu.memref_slice %arg3[%add3A_182, %dma_wait3A_183, %dma_wait3A_184] : memref<1024x64x64xf32, #tpu.memory_space<hbm>> -> memref<1x64x64xf32, #tpu.memory_space<hbm>>
    %dma_wait3A_186 = tpu.memref_squeeze %dma_wait3A_185 : memref<1x64x64xf32, #tpu.memory_space<hbm>> -> memref<64x64xf32, #tpu.memory_space<hbm>>
    %dma_wait3A_187 = arith.constant 0 : i32
    %dma_wait3A_188 = arith.constant 0 : i32
    %dma_wait3A_189 = tpu.memref_slice %arg3[%add3A_182, %dma_wait3A_187, %dma_wait3A_188] : memref<1024x64x64xf32, #tpu.memory_space<hbm>> -> memref<1x64x64xf32, #tpu.memory_space<hbm>>
    %dma_wait3A_190 = tpu.memref_squeeze %dma_wait3A_189 : memref<1x64x64xf32, #tpu.memory_space<hbm>> -> memref<64x64xf32, #tpu.memory_space<hbm>>
    tpu.wait_dma2 semaphore(%arg30 : memref<!tpu.dma_semaphore, #tpu.memory_space<semaphore_mem>>) src(%arg14 : memref<64x64xf32, #tpu.memory_space<vmem>>) dst(%dma_wait3A_190 : memref<64x64xf32, #tpu.memory_space<hbm>>)
    %dma_wait3A_191 = arith.constant 0 : i32
    %dma_wait3A_192 = tpu.memref_slice %arg4[%add3A_182, %dma_wait3A_191] : memref<1024x128xf32, #tpu.memory_space<hbm>> -> memref<1x128xf32, #tpu.memory_space<hbm>>
    %dma_wait3A_193 = tpu.memref_squeeze %dma_wait3A_192 : memref<1x128xf32, #tpu.memory_space<hbm>> -> memref<128xf32, #tpu.memory_space<hbm>>
    %dma_wait3A_194 = arith.constant 0 : i32
    %dma_wait3A_195 = tpu.memref_slice %arg4[%add3A_182, %dma_wait3A_194] : memref<1024x128xf32, #tpu.memory_space<hbm>> -> memref<1x128xf32, #tpu.memory_space<hbm>>
    %dma_wait3A_196 = tpu.memref_squeeze %dma_wait3A_195 : memref<1x128xf32, #tpu.memory_space<hbm>> -> memref<128xf32, #tpu.memory_space<hbm>>
    tpu.wait_dma2 semaphore(%arg34 : memref<!tpu.dma_semaphore, #tpu.memory_space<semaphore_mem>>) src(%arg18 : memref<128xf32, #tpu.memory_space<vmem>>) dst(%dma_wait3A_196 : memref<128xf32, #tpu.memory_space<hbm>>)
    %add3A_197 = arith.constant 32 : i32
    %add3A_198 = arith.addi %mul3A_2, %add3A_197 : i32
    %sub3A_199 = arith.constant 4 : i32
    %sub3A_200 = arith.subi %add3A_198, %sub3A_199 : i32
    %add3A_201 = arith.constant 2 : i32
    %add3A_202 = arith.addi %sub3A_200, %add3A_201 : i32
    %dma_wait3A_203 = arith.constant 0 : i32
    %dma_wait3A_204 = arith.constant 0 : i32
    %dma_wait3A_205 = tpu.memref_slice %arg3[%add3A_202, %dma_wait3A_203, %dma_wait3A_204] : memref<1024x64x64xf32, #tpu.memory_space<hbm>> -> memref<1x64x64xf32, #tpu.memory_space<hbm>>
    %dma_wait3A_206 = tpu.memref_squeeze %dma_wait3A_205 : memref<1x64x64xf32, #tpu.memory_space<hbm>> -> memref<64x64xf32, #tpu.memory_space<hbm>>
    %dma_wait3A_207 = arith.constant 0 : i32
    %dma_wait3A_208 = arith.constant 0 : i32
    %dma_wait3A_209 = tpu.memref_slice %arg3[%add3A_202, %dma_wait3A_207, %dma_wait3A_208] : memref<1024x64x64xf32, #tpu.memory_space<hbm>> -> memref<1x64x64xf32, #tpu.memory_space<hbm>>
    %dma_wait3A_210 = tpu.memref_squeeze %dma_wait3A_209 : memref<1x64x64xf32, #tpu.memory_space<hbm>> -> memref<64x64xf32, #tpu.memory_space<hbm>>
    tpu.wait_dma2 semaphore(%arg31 : memref<!tpu.dma_semaphore, #tpu.memory_space<semaphore_mem>>) src(%arg15 : memref<64x64xf32, #tpu.memory_space<vmem>>) dst(%dma_wait3A_210 : memref<64x64xf32, #tpu.memory_space<hbm>>)
    %dma_wait3A_211 = arith.constant 0 : i32
    %dma_wait3A_212 = tpu.memref_slice %arg4[%add3A_202, %dma_wait3A_211] : memref<1024x128xf32, #tpu.memory_space<hbm>> -> memref<1x128xf32, #tpu.memory_space<hbm>>
    %dma_wait3A_213 = tpu.memref_squeeze %dma_wait3A_212 : memref<1x128xf32, #tpu.memory_space<hbm>> -> memref<128xf32, #tpu.memory_space<hbm>>
    %dma_wait3A_214 = arith.constant 0 : i32
    %dma_wait3A_215 = tpu.memref_slice %arg4[%add3A_202, %dma_wait3A_214] : memref<1024x128xf32, #tpu.memory_space<hbm>> -> memref<1x128xf32, #tpu.memory_space<hbm>>
    %dma_wait3A_216 = tpu.memref_squeeze %dma_wait3A_215 : memref<1x128xf32, #tpu.memory_space<hbm>> -> memref<128xf32, #tpu.memory_space<hbm>>
    tpu.wait_dma2 semaphore(%arg35 : memref<!tpu.dma_semaphore, #tpu.memory_space<semaphore_mem>>) src(%arg19 : memref<128xf32, #tpu.memory_space<vmem>>) dst(%dma_wait3A_216 : memref<128xf32, #tpu.memory_space<hbm>>)
    %add3A_217 = arith.constant 32 : i32
    %add3A_218 = arith.addi %mul3A_2, %add3A_217 : i32
    %sub3A_219 = arith.constant 4 : i32
    %sub3A_220 = arith.subi %add3A_218, %sub3A_219 : i32
    %add3A_221 = arith.constant 3 : i32
    %add3A_222 = arith.addi %sub3A_220, %add3A_221 : i32
    %dma_wait3A_223 = arith.constant 0 : i32
    %dma_wait3A_224 = arith.constant 0 : i32
    %dma_wait3A_225 = tpu.memref_slice %arg3[%add3A_222, %dma_wait3A_223, %dma_wait3A_224] : memref<1024x64x64xf32, #tpu.memory_space<hbm>> -> memref<1x64x64xf32, #tpu.memory_space<hbm>>
    %dma_wait3A_226 = tpu.memref_squeeze %dma_wait3A_225 : memref<1x64x64xf32, #tpu.memory_space<hbm>> -> memref<64x64xf32, #tpu.memory_space<hbm>>
    %dma_wait3A_227 = arith.constant 0 : i32
    %dma_wait3A_228 = arith.constant 0 : i32
    %dma_wait3A_229 = tpu.memref_slice %arg3[%add3A_222, %dma_wait3A_227, %dma_wait3A_228] : memref<1024x64x64xf32, #tpu.memory_space<hbm>> -> memref<1x64x64xf32, #tpu.memory_space<hbm>>
    %dma_wait3A_230 = tpu.memref_squeeze %dma_wait3A_229 : memref<1x64x64xf32, #tpu.memory_space<hbm>> -> memref<64x64xf32, #tpu.memory_space<hbm>>
    tpu.wait_dma2 semaphore(%arg32 : memref<!tpu.dma_semaphore, #tpu.memory_space<semaphore_mem>>) src(%arg16 : memref<64x64xf32, #tpu.memory_space<vmem>>) dst(%dma_wait3A_230 : memref<64x64xf32, #tpu.memory_space<hbm>>)
    %dma_wait3A_231 = arith.constant 0 : i32
    %dma_wait3A_232 = tpu.memref_slice %arg4[%add3A_222, %dma_wait3A_231] : memref<1024x128xf32, #tpu.memory_space<hbm>> -> memref<1x128xf32, #tpu.memory_space<hbm>>
    %dma_wait3A_233 = tpu.memref_squeeze %dma_wait3A_232 : memref<1x128xf32, #tpu.memory_space<hbm>> -> memref<128xf32, #tpu.memory_space<hbm>>
    %dma_wait3A_234 = arith.constant 0 : i32
    %dma_wait3A_235 = tpu.memref_slice %arg4[%add3A_222, %dma_wait3A_234] : memref<1024x128xf32, #tpu.memory_space<hbm>> -> memref<1x128xf32, #tpu.memory_space<hbm>>
    %dma_wait3A_236 = tpu.memref_squeeze %dma_wait3A_235 : memref<1x128xf32, #tpu.memory_space<hbm>> -> memref<128xf32, #tpu.memory_space<hbm>>
    tpu.wait_dma2 semaphore(%arg36 : memref<!tpu.dma_semaphore, #tpu.memory_space<semaphore_mem>>) src(%arg20 : memref<128xf32, #tpu.memory_space<vmem>>) dst(%dma_wait3A_236 : memref<128xf32, #tpu.memory_space<hbm>>)
    return
  }
}

module attributes {stable_mosaic.version = 14 : i64} {
  func.func @_tc_body(%arg0: i32, %arg1: memref<256x64x64xf32, #tpu.memory_space<vmem>>, %arg2: memref<256x128xf32, #tpu.memory_space<vmem>>, %arg3: memref<256x64xf32, #tpu.memory_space<vmem>>, %arg4: memref<64x64xf32, #tpu.memory_space<vmem>>, %arg5: memref<1x64xf32, #tpu.memory_space<vmem>>, %arg6: memref<64x64xf32, #tpu.memory_space<vmem>>, %arg7: memref<1x64xf32, #tpu.memory_space<vmem>>, %arg8: memref<64x64xf32, #tpu.memory_space<vmem>>, %arg9: memref<1x64xf32, #tpu.memory_space<vmem>>, %arg10: memref<1x1x256xf32, #tpu.memory_space<vmem>>) attributes {dimension_semantics = [#tpu.dimension_semantics<arbitrary>], iteration_bounds = array<i64: 4>, scalar_prefetch = 0 : i64, scratch_operands = 0 : i64, tpu.core_type = #tpu.core_type<tc>, window_params = [{transform_indices = @transform_0, window_bounds = array<i64: 256, 64, 64>}, {transform_indices = @transform_1, window_bounds = array<i64: 256, 128>}, {transform_indices = @transform_2, window_bounds = array<i64: 256, 64>}, {pipeline_mode = #tpu.pipeline_mode<synchronous>, transform_indices = @transform_3, window_bounds = array<i64: 64, 64>}, {pipeline_mode = #tpu.pipeline_mode<synchronous>, transform_indices = @transform_4, window_bounds = array<i64: 1, 64>}, {pipeline_mode = #tpu.pipeline_mode<synchronous>, transform_indices = @transform_5, window_bounds = array<i64: 64, 64>}, {pipeline_mode = #tpu.pipeline_mode<synchronous>, transform_indices = @transform_6, window_bounds = array<i64: 1, 64>}, {pipeline_mode = #tpu.pipeline_mode<synchronous>, transform_indices = @transform_7, window_bounds = array<i64: 64, 64>}, {pipeline_mode = #tpu.pipeline_mode<synchronous>, transform_indices = @transform_8, window_bounds = array<i64: 1, 64>}, {transform_indices = @transform_9, window_bounds = array<i64: 1, 1, 256>}]} {
    %get3A = arith.constant 0 : index
    %get3A_0 = arith.constant 0 : index
    %get3A_1 = arith.constant 0 : index
    %get3A_2 = vector.load %arg1[%get3A, %get3A_0, %get3A_1] : memref<256x64x64xf32, #tpu.memory_space<vmem>>, vector<256x64x64xf32>
    %get3A_3 = arith.constant 0 : index
    %get3A_4 = arith.constant 0 : index
    %get3A_5 = vector.load %arg2[%get3A_3, %get3A_4] : memref<256x128xf32, #tpu.memory_space<vmem>>, vector<256x128xf32>
    %broadcast_in_dim3A = arith.constant 0.000000e+00 : f32
    %broadcast_in_dim3A_6 = vector.broadcast %broadcast_in_dim3A : f32 to vector<4x64x64xf32>
    %slice3A = vector.extract_strided_slice %get3A_2 {offsets = [0, 0, 0], sizes = [28, 64, 64], strides = [1, 1, 1]} : vector<256x64x64xf32> to vector<28x64x64xf32>
    %broadcast_in_dim3A_7 = arith.constant 0.000000e+00 : f32
    %broadcast_in_dim3A_8 = vector.broadcast %broadcast_in_dim3A_7 : f32 to vector<4x128xf32>
    %slice3A_9 = vector.extract_strided_slice %get3A_5 {offsets = [0, 0], sizes = [28, 128], strides = [1, 1]} : vector<256x128xf32> to vector<28x128xf32>
    %broadcast_in_dim3A_10 = arith.constant 0.000000e+00 : f32
    %broadcast_in_dim3A_11 = vector.broadcast %broadcast_in_dim3A_10 : f32 to vector<4x64x64xf32>
    %slice3A_12 = vector.extract_strided_slice %get3A_2 {offsets = [32, 0, 0], sizes = [28, 64, 64], strides = [1, 1, 1]} : vector<256x64x64xf32> to vector<28x64x64xf32>
    %broadcast_in_dim3A_13 = arith.constant 0.000000e+00 : f32
    %broadcast_in_dim3A_14 = vector.broadcast %broadcast_in_dim3A_13 : f32 to vector<4x128xf32>
    %slice3A_15 = vector.extract_strided_slice %get3A_5 {offsets = [32, 0], sizes = [28, 128], strides = [1, 1]} : vector<256x128xf32> to vector<28x128xf32>
    %broadcast_in_dim3A_16 = arith.constant 0.000000e+00 : f32
    %broadcast_in_dim3A_17 = vector.broadcast %broadcast_in_dim3A_16 : f32 to vector<4x64x64xf32>
    %slice3A_18 = vector.extract_strided_slice %get3A_2 {offsets = [64, 0, 0], sizes = [28, 64, 64], strides = [1, 1, 1]} : vector<256x64x64xf32> to vector<28x64x64xf32>
    %broadcast_in_dim3A_19 = arith.constant 0.000000e+00 : f32
    %broadcast_in_dim3A_20 = vector.broadcast %broadcast_in_dim3A_19 : f32 to vector<4x128xf32>
    %slice3A_21 = vector.extract_strided_slice %get3A_5 {offsets = [64, 0], sizes = [28, 128], strides = [1, 1]} : vector<256x128xf32> to vector<28x128xf32>
    %broadcast_in_dim3A_22 = arith.constant 0.000000e+00 : f32
    %broadcast_in_dim3A_23 = vector.broadcast %broadcast_in_dim3A_22 : f32 to vector<4x64x64xf32>
    %slice3A_24 = vector.extract_strided_slice %get3A_2 {offsets = [96, 0, 0], sizes = [28, 64, 64], strides = [1, 1, 1]} : vector<256x64x64xf32> to vector<28x64x64xf32>
    %broadcast_in_dim3A_25 = arith.constant 0.000000e+00 : f32
    %broadcast_in_dim3A_26 = vector.broadcast %broadcast_in_dim3A_25 : f32 to vector<4x128xf32>
    %slice3A_27 = vector.extract_strided_slice %get3A_5 {offsets = [96, 0], sizes = [28, 128], strides = [1, 1]} : vector<256x128xf32> to vector<28x128xf32>
    %broadcast_in_dim3A_28 = arith.constant 0.000000e+00 : f32
    %broadcast_in_dim3A_29 = vector.broadcast %broadcast_in_dim3A_28 : f32 to vector<4x64x64xf32>
    %slice3A_30 = vector.extract_strided_slice %get3A_2 {offsets = [128, 0, 0], sizes = [28, 64, 64], strides = [1, 1, 1]} : vector<256x64x64xf32> to vector<28x64x64xf32>
    %broadcast_in_dim3A_31 = arith.constant 0.000000e+00 : f32
    %broadcast_in_dim3A_32 = vector.broadcast %broadcast_in_dim3A_31 : f32 to vector<4x128xf32>
    %slice3A_33 = vector.extract_strided_slice %get3A_5 {offsets = [128, 0], sizes = [28, 128], strides = [1, 1]} : vector<256x128xf32> to vector<28x128xf32>
    %broadcast_in_dim3A_34 = arith.constant 0.000000e+00 : f32
    %broadcast_in_dim3A_35 = vector.broadcast %broadcast_in_dim3A_34 : f32 to vector<4x64x64xf32>
    %slice3A_36 = vector.extract_strided_slice %get3A_2 {offsets = [160, 0, 0], sizes = [28, 64, 64], strides = [1, 1, 1]} : vector<256x64x64xf32> to vector<28x64x64xf32>
    %broadcast_in_dim3A_37 = arith.constant 0.000000e+00 : f32
    %broadcast_in_dim3A_38 = vector.broadcast %broadcast_in_dim3A_37 : f32 to vector<4x128xf32>
    %slice3A_39 = vector.extract_strided_slice %get3A_5 {offsets = [160, 0], sizes = [28, 128], strides = [1, 1]} : vector<256x128xf32> to vector<28x128xf32>
    %broadcast_in_dim3A_40 = arith.constant 0.000000e+00 : f32
    %broadcast_in_dim3A_41 = vector.broadcast %broadcast_in_dim3A_40 : f32 to vector<4x64x64xf32>
    %slice3A_42 = vector.extract_strided_slice %get3A_2 {offsets = [192, 0, 0], sizes = [28, 64, 64], strides = [1, 1, 1]} : vector<256x64x64xf32> to vector<28x64x64xf32>
    %broadcast_in_dim3A_43 = arith.constant 0.000000e+00 : f32
    %broadcast_in_dim3A_44 = vector.broadcast %broadcast_in_dim3A_43 : f32 to vector<4x128xf32>
    %slice3A_45 = vector.extract_strided_slice %get3A_5 {offsets = [192, 0], sizes = [28, 128], strides = [1, 1]} : vector<256x128xf32> to vector<28x128xf32>
    %broadcast_in_dim3A_46 = arith.constant 0.000000e+00 : f32
    %broadcast_in_dim3A_47 = vector.broadcast %broadcast_in_dim3A_46 : f32 to vector<4x64x64xf32>
    %slice3A_48 = vector.extract_strided_slice %get3A_2 {offsets = [224, 0, 0], sizes = [28, 64, 64], strides = [1, 1, 1]} : vector<256x64x64xf32> to vector<28x64x64xf32>
    %broadcast_in_dim3A_49 = arith.constant 0.000000e+00 : f32
    %broadcast_in_dim3A_50 = vector.broadcast %broadcast_in_dim3A_49 : f32 to vector<4x128xf32>
    %slice3A_51 = vector.extract_strided_slice %get3A_5 {offsets = [224, 0], sizes = [28, 128], strides = [1, 1]} : vector<256x128xf32> to vector<28x128xf32>
    %concatenate3A = tpu.concatenate %broadcast_in_dim3A_6, %slice3A, %broadcast_in_dim3A_11, %slice3A_12, %broadcast_in_dim3A_17, %slice3A_18, %broadcast_in_dim3A_23, %slice3A_24, %broadcast_in_dim3A_29, %slice3A_30, %broadcast_in_dim3A_35, %slice3A_36, %broadcast_in_dim3A_41, %slice3A_42, %broadcast_in_dim3A_47, %slice3A_48 in 0 : vector<4x64x64xf32>, vector<28x64x64xf32>, vector<4x64x64xf32>, vector<28x64x64xf32>, vector<4x64x64xf32>, vector<28x64x64xf32>, vector<4x64x64xf32>, vector<28x64x64xf32>, vector<4x64x64xf32>, vector<28x64x64xf32>, vector<4x64x64xf32>, vector<28x64x64xf32>, vector<4x64x64xf32>, vector<28x64x64xf32>, vector<4x64x64xf32>, vector<28x64x64xf32> -> vector<256x64x64xf32>
    %sub3A = arith.subf %get3A_2, %concatenate3A : vector<256x64x64xf32>
    %concatenate3A_52 = tpu.concatenate %broadcast_in_dim3A_8, %slice3A_9, %broadcast_in_dim3A_14, %slice3A_15, %broadcast_in_dim3A_20, %slice3A_21, %broadcast_in_dim3A_26, %slice3A_27, %broadcast_in_dim3A_32, %slice3A_33, %broadcast_in_dim3A_38, %slice3A_39, %broadcast_in_dim3A_44, %slice3A_45, %broadcast_in_dim3A_50, %slice3A_51 in 0 : vector<4x128xf32>, vector<28x128xf32>, vector<4x128xf32>, vector<28x128xf32>, vector<4x128xf32>, vector<28x128xf32>, vector<4x128xf32>, vector<28x128xf32>, vector<4x128xf32>, vector<28x128xf32>, vector<4x128xf32>, vector<28x128xf32>, vector<4x128xf32>, vector<28x128xf32>, vector<4x128xf32>, vector<28x128xf32> -> vector<256x128xf32>
    %sub3A_53 = arith.subf %get3A_5, %concatenate3A_52 : vector<256x128xf32>
    %slice3A_54 = vector.extract_strided_slice %sub3A_53 {offsets = [0, 0], sizes = [256, 64], strides = [1, 1]} : vector<256x128xf32> to vector<256x64xf32>
    %add3A = arith.constant 1.000000e+00 : f32
    %add3A_55 = vector.broadcast %add3A : f32 to vector<256x64xf32>
    %add3A_56 = arith.addf %slice3A_54, %add3A_55 : vector<256x64xf32>
    %slice3A_57 = vector.extract_strided_slice %sub3A_53 {offsets = [0, 64], sizes = [256, 64], strides = [1, 1]} : vector<256x128xf32> to vector<256x64xf32>
    %add3A_58 = arith.constant 1.000000e+00 : f32
    %add3A_59 = vector.broadcast %add3A_58 : f32 to vector<256x64xf32>
    %add3A_60 = arith.addf %slice3A_57, %add3A_59 : vector<256x64xf32>
    %rsqrt3A = math.rsqrt %add3A_56 : vector<256x64xf32>
    %broadcast_in_dim3A_61 = vector.shape_cast %rsqrt3A : vector<256x64xf32> to vector<256x64x1xf32>
    %mul3A = vector.broadcast %broadcast_in_dim3A_61 : vector<256x64x1xf32> to vector<256x64x64xf32>
    %mul3A_62 = arith.mulf %sub3A, %mul3A : vector<256x64x64xf32>
    %reduce_sum3A = arith.constant dense<0.000000e+00> : vector<256x64xf32>
    %reduce_sum3A_63 = vector.multi_reduction <add>, %mul3A_62, %reduce_sum3A [1] : vector<256x64x64xf32> to vector<256x64xf32>
    %add3A_64 = arith.addf %reduce_sum3A_63, %rsqrt3A : vector<256x64xf32>
    %mul3A_65 = arith.mulf %rsqrt3A, %add3A_64 : vector<256x64xf32>
    %reduce_sum3A_66 = arith.constant dense<0.000000e+00> : vector<256xf32>
    %reduce_sum3A_67 = vector.multi_reduction <add>, %mul3A_65, %reduce_sum3A_66 [1] : vector<256x64xf32> to vector<256xf32>
    %get3A_68 = arith.constant 0 : index
    %get3A_69 = arith.constant 0 : index
    %get3A_70 = vector.load %arg3[%get3A_68, %get3A_69] : memref<256x64xf32, #tpu.memory_space<vmem>>, vector<256x64xf32>
    %get3A_71 = arith.constant 0 : index
    %get3A_72 = arith.constant 0 : index
    %get3A_73 = vector.load %arg4[%get3A_71, %get3A_72] : memref<64x64xf32, #tpu.memory_space<vmem>>, vector<64x64xf32>
    %dot_general3A = arith.constant dense<0.000000e+00> : vector<256x64xf32>
    %dot_general3A_74 = tpu.matmul %get3A_70, %get3A_73, %dot_general3A {dimension_numbers = #tpu.dot_dimension_numbers<[1], [1], [0], [0], [0, 0, 1, 0], [], []>, transpose_lhs_hint = false} : vector<256x64xf32>, vector<64x64xf32>, vector<256x64xf32> -> vector<256x64xf32>
    %broadcast_in_dim3A_75 = vector.shape_cast %dot_general3A_74 : vector<256x64xf32> to vector<256x64x1xf32>
    %mul3A_76 = vector.broadcast %broadcast_in_dim3A_75 : vector<256x64x1xf32> to vector<256x64x64xf32>
    %mul3A_77 = arith.mulf %sub3A, %mul3A_76 : vector<256x64x64xf32>
    %reduce_sum3A_78 = arith.constant dense<0.000000e+00> : vector<256x64xf32>
    %reduce_sum3A_79 = vector.multi_reduction <add>, %mul3A_77, %reduce_sum3A_78 [1] : vector<256x64x64xf32> to vector<256x64xf32>
    %add3A_80 = arith.addf %reduce_sum3A_79, %dot_general3A_74 : vector<256x64xf32>
    %broadcast_in_dim3A_81 = vector.shape_cast %reduce_sum3A_67 : vector<256xf32> to vector<256x1xf32>
    %mul3A_82 = vector.broadcast %broadcast_in_dim3A_81 : vector<256x1xf32> to vector<256x64xf32>
    %mul3A_83 = arith.mulf %mul3A_82, %add3A_80 : vector<256x64xf32>
    %get3A_84 = arith.constant 0 : index
    %get3A_85 = arith.constant 0 : index
    %get3A_86 = vector.load %arg5[%get3A_84, %get3A_85] : memref<1x64xf32, #tpu.memory_space<vmem>>, vector<1x64xf32>
    %mul3A_87 = arith.constant 1.088000e+03 : f32
    %mul3A_88 = vector.broadcast %mul3A_87 : f32 to vector<1x64xf32>
    %mul3A_89 = arith.mulf %mul3A_88, %get3A_86 : vector<1x64xf32>
    %add3A_90 = vector.broadcast %mul3A_89 : vector<1x64xf32> to vector<256x64xf32>
    %add3A_91 = arith.addf %mul3A_83, %add3A_90 : vector<256x64xf32>
    %get3A_92 = arith.constant 0 : index
    %get3A_93 = arith.constant 0 : index
    %get3A_94 = vector.load %arg6[%get3A_92, %get3A_93] : memref<64x64xf32, #tpu.memory_space<vmem>>, vector<64x64xf32>
    %dot_general3A_95 = arith.constant dense<0.000000e+00> : vector<256x64xf32>
    %dot_general3A_96 = tpu.matmul %add3A_91, %get3A_94, %dot_general3A_95 {dimension_numbers = #tpu.dot_dimension_numbers<[1], [1], [0], [0], [0, 0, 1, 0], [], []>, transpose_lhs_hint = false} : vector<256x64xf32>, vector<64x64xf32>, vector<256x64xf32> -> vector<256x64xf32>
    %broadcast_in_dim3A_97 = vector.shape_cast %dot_general3A_96 : vector<256x64xf32> to vector<256x64x1xf32>
    %mul3A_98 = vector.broadcast %broadcast_in_dim3A_97 : vector<256x64x1xf32> to vector<256x64x64xf32>
    %mul3A_99 = arith.mulf %sub3A, %mul3A_98 : vector<256x64x64xf32>
    %reduce_sum3A_100 = arith.constant dense<0.000000e+00> : vector<256x64xf32>
    %reduce_sum3A_101 = vector.multi_reduction <add>, %mul3A_99, %reduce_sum3A_100 [1] : vector<256x64x64xf32> to vector<256x64xf32>
    %add3A_102 = arith.addf %reduce_sum3A_101, %dot_general3A_96 : vector<256x64xf32>
    %broadcast_in_dim3A_103 = vector.shape_cast %reduce_sum3A_67 : vector<256xf32> to vector<256x1xf32>
    %mul3A_104 = vector.broadcast %broadcast_in_dim3A_103 : vector<256x1xf32> to vector<256x64xf32>
    %mul3A_105 = arith.mulf %mul3A_104, %add3A_102 : vector<256x64xf32>
    %get3A_106 = arith.constant 0 : index
    %get3A_107 = arith.constant 0 : index
    %get3A_108 = vector.load %arg7[%get3A_106, %get3A_107] : memref<1x64xf32, #tpu.memory_space<vmem>>, vector<1x64xf32>
    %mul3A_109 = arith.constant 1.088000e+03 : f32
    %mul3A_110 = vector.broadcast %mul3A_109 : f32 to vector<1x64xf32>
    %mul3A_111 = arith.mulf %mul3A_110, %get3A_108 : vector<1x64xf32>
    %add3A_112 = vector.broadcast %mul3A_111 : vector<1x64xf32> to vector<256x64xf32>
    %add3A_113 = arith.addf %mul3A_105, %add3A_112 : vector<256x64xf32>
    %get3A_114 = arith.constant 0 : index
    %get3A_115 = arith.constant 0 : index
    %get3A_116 = vector.load %arg8[%get3A_114, %get3A_115] : memref<64x64xf32, #tpu.memory_space<vmem>>, vector<64x64xf32>
    %dot_general3A_117 = arith.constant dense<0.000000e+00> : vector<256x64xf32>
    %dot_general3A_118 = tpu.matmul %add3A_113, %get3A_116, %dot_general3A_117 {dimension_numbers = #tpu.dot_dimension_numbers<[1], [1], [0], [0], [0, 0, 1, 0], [], []>, transpose_lhs_hint = false} : vector<256x64xf32>, vector<64x64xf32>, vector<256x64xf32> -> vector<256x64xf32>
    %mul3A_119 = arith.mulf %add3A_60, %dot_general3A_118 : vector<256x64xf32>
    %reduce_sum3A_120 = arith.constant dense<0.000000e+00> : vector<256xf32>
    %reduce_sum3A_121 = vector.multi_reduction <add>, %mul3A_119, %reduce_sum3A_120 [1] : vector<256x64xf32> to vector<256xf32>
    %mul3A_122 = arith.mulf %reduce_sum3A_67, %reduce_sum3A_121 : vector<256xf32>
    %get3A_123 = arith.constant 0 : index
    %get3A_124 = arith.constant 0 : index
    %get3A_125 = vector.load %arg9[%get3A_123, %get3A_124] : memref<1x64xf32, #tpu.memory_space<vmem>>, vector<1x64xf32>
    %reduce_sum3A_126 = vector.shape_cast %get3A_125 : vector<1x64xf32> to vector<1x1x64xf32>
    %reduce_sum3A_127 = arith.constant dense<0.000000e+00> : vector<1xf32>
    %reduce_sum3A_128 = vector.multi_reduction <add>, %reduce_sum3A_126, %reduce_sum3A_127 [1, 2] : vector<1x1x64xf32> to vector<1xf32>
    %reduce_sum3A_129 = vector.shape_cast %reduce_sum3A_128 : vector<1xf32> to vector<1x1x1xf32>
    %reduce_sum3A_130 = vector.extract %reduce_sum3A_129[0, 0, 0] : f32 from vector<1x1x1xf32>
    %mul3A_131 = arith.constant 1.088000e+03 : f32
    %mul3A_132 = arith.mulf %mul3A_131, %reduce_sum3A_130 : f32
    %add3A_133 = vector.broadcast %mul3A_132 : f32 to vector<256xf32>
    %add3A_134 = arith.addf %mul3A_122, %add3A_133 : vector<256xf32>
    %mul3A_135 = arith.constant 1.562500e-02 : f32
    %mul3A_136 = vector.broadcast %mul3A_135 : f32 to vector<256xf32>
    %mul3A_137 = arith.mulf %add3A_134, %mul3A_136 : vector<256xf32>
    %reshape3A = vector.shape_cast %mul3A_137 : vector<256xf32> to vector<1x1x256xf32>
    %swap3A = arith.constant 0 : index
    %swap3A_138 = arith.constant 0 : index
    %swap3A_139 = arith.constant 0 : index
    %swap3A_140 = vector.load %arg10[%swap3A, %swap3A_138, %swap3A_139] : memref<1x1x256xf32, #tpu.memory_space<vmem>>, vector<1x1x256xf32>
    tpu.vector_store %arg10[%swap3A, %swap3A_138, %swap3A_139], %reshape3A {strides = array<i32>} : memref<1x1x256xf32, #tpu.memory_space<vmem>>, vector<1x1x256xf32>,
    return
  }
  func.func @transform_0(%arg0: i32) -> (i32, i32, i32) {
    %c0_i32 = arith.constant 0 : i32
    %c0_i32_0 = arith.constant 0 : i32
    %c0_i32_1 = arith.constant 0 : i32
    return %arg0, %c0_i32, %c0_i32_0 : i32, i32, i32
  }
  func.func @transform_1(%arg0: i32) -> (i32, i32) {
    %c0_i32 = arith.constant 0 : i32
    %c0_i32_0 = arith.constant 0 : i32
    return %arg0, %c0_i32 : i32, i32
  }
  func.func @transform_2(%arg0: i32) -> (i32, i32) {
    %c0_i32 = arith.constant 0 : i32
    %c0_i32_0 = arith.constant 0 : i32
    return %arg0, %c0_i32 : i32, i32
  }
  func.func @transform_3(%arg0: i32) -> (i32, i32) {
    %c0_i32 = arith.constant 0 : i32
    %c0_i32_0 = arith.constant 0 : i32
    %c0_i32_1 = arith.constant 0 : i32
    return %c0_i32, %c0_i32_0 : i32, i32
  }
  func.func @transform_4(%arg0: i32) -> (i32, i32) {
    %c0_i32 = arith.constant 0 : i32
    %c0_i32_0 = arith.constant 0 : i32
    %c0_i32_1 = arith.constant 0 : i32
    return %c0_i32, %c0_i32_0 : i32, i32
  }
  func.func @transform_5(%arg0: i32) -> (i32, i32) {
    %c0_i32 = arith.constant 0 : i32
    %c0_i32_0 = arith.constant 0 : i32
    %c0_i32_1 = arith.constant 0 : i32
    return %c0_i32, %c0_i32_0 : i32, i32
  }
  func.func @transform_6(%arg0: i32) -> (i32, i32) {
    %c0_i32 = arith.constant 0 : i32
    %c0_i32_0 = arith.constant 0 : i32
    %c0_i32_1 = arith.constant 0 : i32
    return %c0_i32, %c0_i32_0 : i32, i32
  }
  func.func @transform_7(%arg0: i32) -> (i32, i32) {
    %c0_i32 = arith.constant 0 : i32
    %c0_i32_0 = arith.constant 0 : i32
    %c0_i32_1 = arith.constant 0 : i32
    return %c0_i32, %c0_i32_0 : i32, i32
  }
  func.func @transform_8(%arg0: i32) -> (i32, i32) {
    %c0_i32 = arith.constant 0 : i32
    %c0_i32_0 = arith.constant 0 : i32
    %c0_i32_1 = arith.constant 0 : i32
    return %c0_i32, %c0_i32_0 : i32, i32
  }
  func.func @transform_9(%arg0: i32) -> (i32, i32, i32) {
    %c0_i32 = arith.constant 0 : i32
    %c0_i32_0 = arith.constant 0 : i32
    %c0_i32_1 = arith.constant 0 : i32
    return %arg0, %c0_i32, %c0_i32_0 : i32, i32, i32
  }
}

</mosaic_0001>

<sc_bundles>
// kernel: kernel.6.cloned.1.call-start
scs
__scs_entry_jumppad:
0x0: {  	(pc) =	sbr.rel $0x88, $3  }
0x1: {  	(tag) =	ssettag $0x0;
	lr =	simm.s32 $0x1  }
0x2: {  	[smem:$0x3F99] =	sst lr;
	_ =	strace $0xD0000000  }
0x3: {  	_ = 	snop  }
0x4: {  	_ = 	snop  }
0x5: {  	_ = 	snop  }
0x6: {  	_ = 	snop  }
0x7: {  	_ = 	snop  }
__scs_overlays_trampoline_lowered:
0x8: {  	[smem:$0x3FA8] =	sst s0  }
0x9: {  	[smem:$0x3FA9] =	sst s1  }
0xa: {  	[smem:$0x3FAA] =	sst s2  }
0xb: {  	[smem:$0x3FAB] =	sst s3  }
0xc: {  	[smem:$0x3FAC] =	sst s4  }
0xd: {  	[smem:$0x3FAD] =	sst s5  }
0xe: {  	[smem:$0x3FAE] =	sst s6  }
0xf: {  	[smem:$0x3FAF] =	sst s7  }
0x10: {  	[smem:$0x3FB0] =	sst s8  }
0x11: {  	[smem:$0x3FB1] =	sst s9;
	s0 =	simm.s32 @!p0 $0x0  }
0x12: {  	s1 =	sld [smem:$0x3F97];
	s0 =	simm.s32 @p0 $0x1  }
0x13: {  	[smem:$0x3FB2] =	sst s0;
	s0 =	simm.s32 @!p1 $0x0  }
0x14: {  	s2 =	sld [smem:$0x3F96];
	s0 =	simm.s32 @p1 $0x1  }
0x15: {  	[smem:$0x3FB3] =	sst s0;
	s0 =	simm.s32 @!p2 $0x0  }
0x16: {  	s3 =	sld [smem:$0x3FDB];
	s0 =	simm.s32 @p2 $0x1  }
0x17: {  	s4 =	simm.s32 $0x1BF5;
	[smem:$0x3FB5] =	sst s0  }
0x18: {  	s0 =	sld [smem:$0x3F98];
	_ =	swait.ge [sflag:s4], $0x0  }
0x19: {  	s7 =	sld [smem:$0x3F99]  }
0x1a: {  	s8 =	sadd.s32 $0xFFFFE003, lr  }
0x1b: {  	s9 =	sadd.s32 $0xFFFFFEF7, lr;
	s5 =	simm.s32 $0xFFFFFFFF;
	p2 =	slt.u32 s8, $0xFFFFF086  }
0x1c: {  	p1 =	slt.u32 s9, $0xF7A;
	s5 =	simm.s32 @!p2 $0x0  }
0x1d: {  	s5 =	simm.s32 @p1 $0x1;
	p0 =	seq.s32 s7, s2  }
0x1e: {  	s7 =	smul.u32 @!p0 $0xF7A, s2;
	p2 =	seq.s32 @!p0 s5, $0x0  }
0x1f: {  	s9 =	smul.u32 $0xF7A, s1;
	s8 =	simm.s32 @!p0 $0x1BF5;
	p2 =	por !p2, p0  }
0x20: {  	[sflag:s8] =	ssyncset.s32 @!p0 $0xFFFFF086;
	s6 =	sadd.s32 @!p0 s3, s7;
	s7 =	simm.s32 @!p0 $0x108  }
0x21: {  	s3 =	sadd.s32 s3, s9;
	s6 =	sadd.s32 @!p0 $0x88, s6;
	s7 =	simm.s32 @p2 $0x1082  }
0x22: {  	[simem:s7], [sflag:s8] =	dma.local @!p0 [hbm:s6], $0xF7A  }
0x23: {  	s9 =	sor.u32 $0xD0000000, s2;
	s6 =	simm.s32 $0x108;
	_ =	swait.ge @!p0 [sflag:s8], $0x0  }
0x24: {  	s3 =	sadd.s32 $0x88, s3;
	s6 =	simm.s32 @!p1 $0x1082;
	[sflag:s4] =	ssyncset.s32 $0xFFFFF086  }
0x25: {  	[simem:s6], [sflag:s4] =	dma.local [hbm:s3], $0xF7A  }
0x26: {  	[smem:$0x3F99] =	sst s1;
	(tag) =	ssettag s2;
	_ =	strace s9  }
0x27: {  	s1 =	sld [smem:$0x3FA9]  }
0x28: {  	s2 =	sld [smem:$0x3FAA]  }
0x29: {  	s4 =	sld [smem:$0x3FAC]  }
0x2a: {  	p0 =	seq.s32 s5, $0x0;
	s5 =	sld [smem:$0x3FAD]  }
0x2b: {  	s6 =	sld [smem:$0x3FAE]  }
0x2c: {  	s7 =	sld [smem:$0x3FAF]  }
0x2d: {  	s3 =	simm.s32 $0x108;
	s8 =	sld [smem:$0x3FB0]  }
0x2e: {  	s3 =	simm.s32 @!p0 $0x1082;
	s9 =	sld [smem:$0x3FB1]  }
0x2f: {  	lr =	sadd.s32 s0, s3;
	s0 =	sld [smem:$0x3FA8]  }
0x30: {  	s3 =	sld [smem:$0x3FAB]  }
0x31: {  	[smem:$0x3FB4] =	sst s10  }
0x32: {  	s10 =	sld [smem:$0x3FB2];
	_ =	sdelay $0x3  }
0x33: {  	p0 =	seq.s32 s10, $0x1;
	s10 =	sld [smem:$0x3FB4];
	_ =	sdelay $0x3  }
0x34: {  	[smem:$0x3FB4] =	sst s10  }
0x35: {  	s10 =	sld [smem:$0x3FB3];
	_ =	sdelay $0x3  }
0x36: {  	p1 =	seq.s32 s10, $0x1;
	s10 =	sld [smem:$0x3FB4];
	_ =	sdelay $0x3  }
0x37: {  	[smem:$0x3FB4] =	sst s10  }
0x38: {  	s10 =	sld [smem:$0x3FB5]  }
0x39: {  	_ = 	snop;
	(pc) =	sbr.ind lr, $3  }
0x3a: {  	_ = 	snop  }
0x3b: {  	_ = 	snop  }
0x3c: {  	p2 =	seq.s32 s10, $0x1;
	s10 =	sld [smem:$0x3FB4]  }
0x3d: {  	_ =	shalt  }
0x3e: {  	_ =	shalt  }
0x3f: {  	_ =	shalt  }
0x40: {  	_ =	shalt  }
0x41: {  	_ =	shalt  }
0x42: {  	_ =	shalt  }
0x43: {  	_ =	shalt  }
0x44: {  	_ =	shalt  }
0x45: {  	_ =	shalt  }
0x46: {  	_ =	shalt  }
0x47: {  	_ =	shalt  }
0x48: {  	_ =	shalt  }
0x49: {  	_ =	shalt  }
0x4a: {  	_ =	shalt  }
0x4b: {  	_ =	shalt  }
0x4c: {  	_ =	shalt  }
0x4d: {  	_ =	shalt  }
0x4e: {  	_ =	shalt  }
0x4f: {  	_ =	shalt  }
0x50: {  	_ =	shalt  }
0x51: {  	_ =	shalt  }
0x52: {  	_ =	shalt  }
0x53: {  	_ =	shalt  }
0x54: {  	_ =	shalt  }
0x55: {  	_ =	shalt  }
0x56: {  	_ =	shalt  }
0x57: {  	_ =	shalt  }
0x58: {  	_ =	shalt  }
0x59: {  	_ =	shalt  }
0x5a: {  	_ =	shalt  }
0x5b: {  	_ =	shalt  }
0x5c: {  	_ =	shalt  }
0x5d: {  	_ =	shalt  }
0x5e: {  	_ =	shalt  }
0x5f: {  	_ =	shalt  }
0x60: {  	_ =	shalt  }
0x61: {  	_ =	shalt  }
0x62: {  	_ =	shalt  }
0x63: {  	_ =	shalt  }
0x64: {  	_ =	shalt  }
0x65: {  	_ =	shalt  }
0x66: {  	_ =	shalt  }
0x67: {  	_ =	shalt  }
0x68: {  	_ =	shalt  }
0x69: {  	_ =	shalt  }
0x6a: {  	_ =	shalt  }
0x6b: {  	_ =	shalt  }
0x6c: {  	_ =	shalt  }
0x6d: {  	_ =	shalt  }
0x6e: {  	_ =	shalt  }
0x6f: {  	_ =	shalt  }
0x70: {  	_ =	shalt  }
0x71: {  	_ =	shalt  }
0x72: {  	_ =	shalt  }
0x73: {  	_ =	shalt  }
0x74: {  	_ =	shalt  }
0x75: {  	_ =	shalt  }
0x76: {  	_ =	shalt  }
0x77: {  	_ =	shalt  }
0x78: {  	_ =	shalt  }
0x79: {  	_ =	shalt  }
0x7a: {  	_ =	shalt  }
0x7b: {  	_ =	shalt  }
0x7c: {  	_ =	shalt  }
0x7d: {  	_ =	shalt  }
0x7e: {  	_ =	shalt  }
0x7f: {  	_ =	shalt  }
0x80: {  	_ =	shalt  }
0x81: {  	_ =	shalt  }
0x82: {  	_ =	shalt  }
0x83: {  	_ =	shalt  }
0x84: {  	_ =	shalt  }
0x85: {  	_ =	shalt  }
0x86: {  	_ =	shalt  }
0x87: {  	_ =	shalt  }
.Lfunc_end0:
.L_simem_size_0:
called_computation_lowered:
.L_overlay_start_0:
0x88: {  	s2 =	sld [smem:$0x3FD9]  }
0x89: {  	s3 =	sld [smem:$0x3FFE];
	_ =	sdelay $0x1  }
0x8a: {  	s1 =	srdreg.scid  }
0x8b: {  	s0 =	sand.u32 $0x1, s1  }
0x8c: {  	s16 =	sshll.u32 s0, $0xA;
	s2 =	sadd.s32 s3, s2  }
0x8d: {  	s2 =	sadd.s32 s2, s16  }
0x8e: {  	[smem:$0x3FC0] =	sst s2  }
0x8f: {  	_ = 	snop  }
0x90: {  	(tm) =	ssettm $0x1  }
0x91: {  	s17 =	sld [smem:$0x3FFB];
	_ =	sdelay $0x3  }
0x92: {  	_ =	strace s17  }
0x93: {  	s2 =	sld [smem:$0x3FFC];
	_ =	sdelay $0x3  }
0x94: {  	_ =	strace s2  }
0x95: {  	s2 =	sld [smem:$0x3FFD];
	_ =	sdelay $0x3  }
0x96: {  	_ =	strace s2  }
0x97: {  	_ =	strace $0x8FFFFFFF  }
0x98: {  	s18 =	sld [smem:$0x3FDB];
	_ =	sdelay $0x1  }
0x99: {  	s19 =	simm.s32 $_scs_section_size  }
0x9a: {  	s4 =	simm.s32 $_size__tile_overlayer_lowered;
	s5 =	simm.s32 $_tile_overlayer_lowered  }
0x9b: {  	s22 =	simm.s32 $0x1BFF;
	s21 =	sshll.u32 s5, $0x1;
	s2 =	sadd.s32 s19, s18  }
0x9c: {  	s6 =	simm.s32 $0x0;
	s20 =	sshll.u32 s4, $0x1;
	s4 =	sadd.s32 s21, s2  }
0x9d: {  	[timem:s6], [sflag:s22] =	dma.local [hbm:s4], s20  }
0x9e: {  	_ =	swait.ge [sflag:s22], s20  }
0x9f: {  	s3 =	ssub.s32 $0x0, s20;
	[sflag:s22] =	ssyncset.done $0x0  }
0xa0: {  	[sflag:s22] =	ssyncadd.s32 s3;
	_ =	sdelay $0x1  }
0xa1: {  	s23 =	simm.s32 $0x1B8B  }
0xa2: {  	_ =	swait.ge [sflag:s23], $0x1  }
0xa3: {  	[sflag:s23] =	ssyncset.done $0x0  }
0xa4: {  	s25 =	simm.s32 $0x1B8E;
	s24 =	sld [smem:$0x3FFE];
	[sflag:s23] =	ssyncadd.s32 $0xFFFFFFFF  }
0xa5: {  	s26 =	simm.s32 $execute0_lowered;
	[smem:$0x3FD2] =	sst s25  }
0xa6: {  	s4 =	sshll.u32 s26, $0x1;
	_ =	strace $0x80000046;
	[dreg:$0x1] =	wrdreg $0xFFFFFFFF  }
0xa7: {  	s28 =	simm.s32 $_size_execute0_lowered;
	s2 =	sadd.s32 s2, s4;
	[dreg:$0x0] =	wrdreg $0x0  }
0xa8: {  	s4 =	sshll.u32 s28, $0x1;
	[dreg:$0x2] =	wrdreg s2  }
0xa9: {  	[dreg:$0x3] =	wrdreg s4  }
0xaa: {  	[dreg:$0x4] =	wrdreg $0xC0  }
0xab: {  	_ =	task [dreg:s6], $0x5FFFF  }
0xac: {  	[dreg:$0x1] =	wrdreg $0xFFFFFFFF  }
0xad: {  	[dreg:$0x0] =	wrdreg $0x60  }
0xae: {  	[dreg:$0x2] =	wrdreg s24  }
0xaf: {  	[dreg:$0x3] =	wrdreg $0x9  }
0xb0: {  	_ =	task.clear_ibuf [dreg:s6], $0x4FFFF;
	_ =	strace $0x90000046  }
0xb1: {  	s29 =	simm.s32 $0x9;
	_ =	strace $0x80000048  }
0xb2: {  	_ =	swait.ge [sflag:s29], $0x1  }
0xb3: {  	[sflag:s29] =	ssyncadd.s32 $0xFFFFFFFF  }
0xb4: {  	_ =	strace $0x90000048  }
0xb5: {  	_ =	sfence  }
0xb6: {  	s30 =	sld [smem:$0x0];
	_ =	sdelay $0x2  }
0xb7: {  	s31 =	sshll.u32 s1, $0xD;
	s1 =	sshrl.u32 s1, $0x2  }
0xb8: {  	s3 =	sand.u32 $0x4000, s31;
	s1 =	sadd.s32 s1, s30  }
0xb9: {  	s0 =	sor.u32 s3, s0;
	s1 =	sshll.u32 s1, $0x11  }
0xba: {  	s0 =	sor.u32 s1, s0  }
0xbb: {  	s0 =	sadd.s32 $0x8F2B, s0  }
0xbc: {  	[sflag:s0] =	ssyncadd.remote.s32 $0x1  }
0xbd: {  	_ =	sfence.sel $0xFFFF  }
0xbe: {  	[dreg:$0x0] =	wrdreg $0xFFFFFFFF;
	(pc) =	sbr.abs _section_cstart, $3  }
0xbf: {  	[dreg:$0x1] =	wrdreg $0xFFFFFFFF  }
0xc0: {  	_ =	task.clear_ibuf [dreg:s6], $0x2FFFF;
	_ =	strace $0x9FFFFFFF  }
0xc1: {  	(tm) =	ssettm $0x7FFFFFFF  }
tec
execute0_lowered:
.L_overlay_start_1:
0x0: {  	(tag) =	ssettag $0x1  }
0x1: {  	s0 =	srdreg.scid  }
0x2: {  	s2 =	stileid.u32;
	s1 =	rddreg [dreg:$0x0];
	s0 =	sand.u32 $0x1, s0  }
0x3: {  	s3 =	sshll.u32 s2, $0x6;
	s2 =	simm.s32 $0x0;
	s4 =	sshll.u32 s0, $0x5  }
0x4: {  	[smem:$0x7FF] =	sst s2;
	s3 =	sor.u32 s4, s3  }
0x5: {  	s5 =	sadd.s32 $0x86600, s1;
	[dreg:$0x2] =	wrdreg s3  }
0x6: {  	s24 =	sadd.s32 $0x82600, s1;
	_ =	strace $0x80000047;
	[dreg:$0x3] =	wrdreg s5  }
0x7: {  	s8 =	sadd.s32 $0x2E00, s1;
	[dreg:$0x4] =	wrdreg s24  }
0x8: {  	s9 =	sadd.s32 $0x86A00, s1;
	[dreg:$0xd] =	wrdreg s8  }
0x9: {  	s10 =	sadd.s32 $0x82610, s1;
	[dreg:$0xe] =	wrdreg s9  }
0xa: {  	s11 =	sadd.s32 $0x2F00, s1;
	[dreg:$0xf] =	wrdreg s10  }
0xb: {  	s12 =	sadd.s32 $0x86E00, s1;
	[dreg:$0x10] =	wrdreg s11  }
0xc: {  	s13 =	sadd.s32 $0x82620, s1;
	[dreg:$0x11] =	wrdreg s12  }
0xd: {  	s14 =	sadd.s32 $0x3000, s1;
	[dreg:$0x12] =	wrdreg s13  }
0xe: {  	s15 =	sadd.s32 $0x87200, s1;
	[dreg:$0x13] =	wrdreg s14  }
0xf: {  	s16 =	sadd.s32 $0x82630, s1;
	[dreg:$0x14] =	wrdreg s15  }
0x10: {  	s17 =	sadd.s32 $0x3100, s1;
	[dreg:$0x15] =	wrdreg s16  }
0x11: {  	s28 =	simm.s32 $0x7;
	s18 =	sadd.s32 $0x87600, s1;
	[dreg:$0x16] =	wrdreg s17  }
0x12: {  	s29 =	simm.s32 $0x8;
	s19 =	sadd.s32 $0x82640, s1;
	[dreg:$0x17] =	wrdreg s18  }
0x13: {  	s20 =	sadd.s32 $0x3200, s1;
	s21 =	sadd.s32 $0x87A00, s1;
	[dreg:$0x18] =	wrdreg s19  }
0x14: {  	s22 =	sadd.s32 $0x82650, s1;
	s0 =	ssub.s32 $0x2, s0;
	[dreg:$0x19] =	wrdreg s20  }
0x15: {  	s23 =	sshrl.u32 s0, $0x1;
	s3 =	sshll.u32 s3, $0x8;
	[dreg:$0x1a] =	wrdreg s21  }
0x16: {  	s0 =	ssub.s32 s0, s23;
	s23 =	sadd.s32 $0x3300, s1;
	[dreg:$0x1b] =	wrdreg s22  }
0x17: {  	s4 =	simm.s32 $0xF;
	s3 =	sadd.s32 s3, s1;
	[dreg:$0x1c] =	wrdreg s23  }
0x18: {  	s24 =	sadd.s32 $0x87E00, s1;
	s0 =	smax.u32 s0, $0x1;
	s9 =	simm.s32 $0x4000  }
0x19: {  	s10 =	simm.s32 $0xC000;
	s14 =	simm.s32 $0xA;
	[dreg:$0x1d] =	wrdreg s24  }
0x1a: {  	s17 =	simm.s32 $0xE;
	s25 =	sadd.s32 $0x2600, s3;
	[smem:$0x7FD] =	sst s0  }
0x1b: {  	s20 =	simm.s32 $0x6000;
	s26 =	sadd.s32 $0x2700, s3;
	[dreg:$0x5] =	wrdreg s25  }
0x1c: {  	s12 =	simm.s32 $0xC080;
	s30 =	sadd.s32 $0x2800, s3;
	[dreg:$0x6] =	wrdreg s26  }
0x1d: {  	s8 =	simm.s32 $0x3;
	s31 =	sadd.s32 $0x2900, s3;
	[dreg:$0x7] =	wrdreg s30  }
0x1e: {  	s15 =	simm.s32 $0xC100;
	s5 =	sadd.s32 $0x2A00, s3;
	[dreg:$0x8] =	wrdreg s31  }
0x1f: {  	s16 =	simm.s32 $0x4;
	s6 =	sadd.s32 $0x2B00, s3;
	[dreg:$0x9] =	wrdreg s5  }
0x20: {  	s18 =	simm.s32 $0xC;
	s7 =	sadd.s32 $0x2C00, s3;
	[dreg:$0xa] =	wrdreg s6  }
0x21: {  	s19 =	simm.s32 $0x10;
	s3 =	sadd.s32 $0x2D00, s3;
	[dreg:$0xb] =	wrdreg s7  }
0x22: {  	s21 =	simm.s32 $0xA000;
	[dreg:$0xc] =	wrdreg s3;
	s25 =	sadd.s32 $0x82660, s1  }
0x23: {  	s22 =	simm.s32 $0xC180;
	s26 =	sadd.s32 $0x3400, s1;
	[dreg:$0x1e] =	wrdreg s25  }
.Ltmp0:
0x24: {  	s30 =	sadd.s32 $0x88200, s1;
	[dreg:$0x1f] =	wrdreg s26;
	(pc) =	sbr.rel .LBB2_1-.Ltmp0, $4  }
0x25: {  	s23 =	simm.s32 $0x5;
	s31 =	sadd.s32 $0x82670, s1;
	[smem:$0x7FA] =	sst s30  }
0x26: {  	s24 =	simm.s32 $0x9;
	s1 =	sadd.s32 $0x3500, s1;
	[smem:$0x7FB] =	sst s31  }
0x27: {  	s3 =	simm.s32 $0xB;
	s5 =	simm.s32 $0x8000;
	[smem:$0x7FC] =	sst s1  }
0x28: {  	v0 =	vimm.f32 $0.0e+00;
	v1 =	vimm.f32 $1.000000000e+00;
	s25 =	simm.s32 $0xD;
	s26 =	simm.s32 $0x6;
	s1 =	simm.s32 $0x0  }
.LBB2_34:
0x29: {  	_ =	swait.ge [sflag:s24], $0x2000  }
0x2a: {  	[sflag:s24] =	ssyncset.done $0x0  }
0x2b: {  	[sflag:s24] =	ssyncadd.s32 $0xFFFFE000  }
0x2c: {  	_ =	swait.ge [sflag:s25], $0x80  }
0x2d: {  	[sflag:s25] =	ssyncset.done $0x0  }
0x2e: {  	[sflag:s25] =	ssyncadd.s32 $0xFFFFFF80  }
0x2f: {  	_ =	swait.ge [sflag:s14], $0x2000  }
0x30: {  	[sflag:s14] =	ssyncset.done $0x0  }
0x31: {  	[sflag:s14] =	ssyncadd.s32 $0xFFFFE000  }
0x32: {  	_ =	swait.ge [sflag:s17], $0x80  }
0x33: {  	[sflag:s17] =	ssyncset.done $0x0  }
0x34: {  	[sflag:s17] =	ssyncadd.s32 $0xFFFFFF80  }
0x35: {  	_ =	swait.ge [sflag:s3], $0x2000  }
0x36: {  	[sflag:s3] =	ssyncset.done $0x0  }
0x37: {  	[sflag:s3] =	ssyncadd.s32 $0xFFFFE000  }
0x38: {  	_ =	swait.ge [sflag:s4], $0x80  }
0x39: {  	[sflag:s4] =	ssyncset.done $0x0  }
0x3a: {  	[sflag:s4] =	ssyncadd.s32 $0xFFFFFF80  }
0x3b: {  	_ =	swait.ge [sflag:s18], $0x2000  }
0x3c: {  	[sflag:s18] =	ssyncset.done $0x0  }
0x3d: {  	[sflag:s18] =	ssyncadd.s32 $0xFFFFE000  }
0x3e: {  	_ =	swait.ge [sflag:s19], $0x80  }
0x3f: {  	s1 =	sld [smem:$0x7F9]  }
0x40: {  	s0 =	sld [smem:$0x7FD];
	_ =	sdelay $0x1  }
0x41: {  	s1 =	sadd.s32 $0x1, s1  }
0x42: {  	p0 =	sne.s32 s1, s0  }
.Ltmp1:
0x43: {  	_ = 	snop;
	(pc) =	sbr.rel @!p0 .LBB2_35-.Ltmp1, $3  }
0x44: {  	_ =	sdelay $0x1  }
0x45: {  	[sflag:s19] =	ssyncset.done $0x0  }
0x46: {  	[sflag:s19] =	ssyncadd.s32 $0xFFFFFF80  }
.LBB2_1:
0x47: {  	[smem:$0x7F9] =	sst s1;
	s0 =	simm.s32 $0x0;
	s1 =	simm.s32 $0x200  }
.LBB2_2:
0x48: {  	p0 =	sne.s32 s1, $0x7E00;
	[tilespmem:s0+$0xA030] =	vst v0  }
0x49: {  	[tilespmem:s0+$0x4000] =	vst v0  }
0x4a: {  	[tilespmem:s0+$0x4010] =	vst v0  }
0x4b: {  	[tilespmem:s0+$0x4020] =	vst v0  }
0x4c: {  	[tilespmem:s0+$0x4030] =	vst v0  }
0x4d: {  	[tilespmem:s0+$0x6000] =	vst v0  }
0x4e: {  	[tilespmem:s0+$0x6010] =	vst v0  }
0x4f: {  	[tilespmem:s0+$0x6020] =	vst v0  }
0x50: {  	[tilespmem:s0+$0x6030] =	vst v0  }
0x51: {  	[tilespmem:s0+$0x8000] =	vst v0  }
0x52: {  	[tilespmem:s0+$0x8010] =	vst v0  }
.Ltmp2:
0x53: {  	[tilespmem:s0+$0x8020] =	vst v0;
	(pc) =	sbr.rel @p0 .LBB2_2-.Ltmp2, $4  }
0x54: {  	[tilespmem:s0+$0x8030] =	vst v0  }
0x55: {  	[tilespmem:s0+$0xA000] =	vst v0  }
0x56: {  	[tilespmem:s0+$0xA010] =	vst v0  }
0x57: {  	[tilespmem:s0+$0xA020] =	vst v0;
	s0 =	sshra.s32 s1, $0x2;
	s1 =	sadd.s32 $0x200, s1  }
0x58: {  	[tilespmem:s0+$0xA030] =	vst v0  }
0x59: {  	[tilespmem:s0+$0x4000] =	vst v0  }
0x5a: {  	[tilespmem:s0+$0x4010] =	vst v0  }
0x5b: {  	[tilespmem:s0+$0x4020] =	vst v0  }
0x5c: {  	[tilespmem:s0+$0x4030] =	vst v0  }
0x5d: {  	[tilespmem:s0+$0x6000] =	vst v0  }
0x5e: {  	[tilespmem:s0+$0x6010] =	vst v0  }
0x5f: {  	[tilespmem:s0+$0x6020] =	vst v0  }
0x60: {  	[tilespmem:s0+$0x6030] =	vst v0  }
0x61: {  	[tilespmem:s0+$0x8000] =	vst v0  }
0x62: {  	[tilespmem:s0+$0x8010] =	vst v0  }
0x63: {  	[tilespmem:s0+$0x8020] =	vst v0  }
0x64: {  	[tilespmem:s0+$0x8030] =	vst v0  }
0x65: {  	[tilespmem:s0+$0xA000] =	vst v0  }
0x66: {  	[tilespmem:s0+$0xA010] =	vst v0  }
0x67: {  	[tilespmem:s0+$0xA020] =	vst v0  }
0x68: {  	[tilespmem:$0xC000] =	vst v0  }
0x69: {  	[tilespmem:$0xC010] =	vst v0  }
0x6a: {  	[tilespmem:$0xC020] =	vst v0  }
0x6b: {  	[tilespmem:$0xC030] =	vst v0  }
0x6c: {  	[tilespmem:$0xC040] =	vst v0  }
0x6d: {  	[tilespmem:$0xC050] =	vst v0  }
0x6e: {  	[tilespmem:$0xC060] =	vst v0  }
0x6f: {  	[tilespmem:$0xC070] =	vst v0  }
0x70: {  	[tilespmem:$0xC080] =	vst v0  }
0x71: {  	[tilespmem:$0xC090] =	vst v0  }
0x72: {  	[tilespmem:$0xC0A0] =	vst v0  }
0x73: {  	[tilespmem:$0xC0B0] =	vst v0  }
0x74: {  	[tilespmem:$0xC0C0] =	vst v0  }
0x75: {  	[tilespmem:$0xC0D0] =	vst v0  }
0x76: {  	[tilespmem:$0xC0E0] =	vst v0  }
0x77: {  	[tilespmem:$0xC0F0] =	vst v0  }
0x78: {  	[tilespmem:$0xC100] =	vst v0  }
0x79: {  	[tilespmem:$0xC110] =	vst v0  }
0x7a: {  	[tilespmem:$0xC120] =	vst v0  }
0x7b: {  	[tilespmem:$0xC130] =	vst v0  }
0x7c: {  	[tilespmem:$0xC140] =	vst v0  }
0x7d: {  	[tilespmem:$0xC150] =	vst v0  }
0x7e: {  	[tilespmem:$0xC160] =	vst v0  }
0x7f: {  	[tilespmem:$0xC170] =	vst v0  }
0x80: {  	[tilespmem:$0xC180] =	vst v0  }
0x81: {  	[tilespmem:$0xC190] =	vst v0  }
0x82: {  	[tilespmem:$0xC1A0] =	vst v0  }
0x83: {  	[tilespmem:$0xC1B0] =	vst v0  }
0x84: {  	[tilespmem:$0xC1C0] =	vst v0  }
0x85: {  	[tilespmem:$0xC1D0] =	vst v0  }
0x86: {  	[tilespmem:$0xC1E0] =	vst v0  }
0x87: {  	s30 =	simm.s32 $0x0;
	s13 =	rddreg [dreg:$0x5];
	[tilespmem:$0xC1F0] =	vst v0  }
0x88: {  	[tilespmem:s30], [sflag:$0x1] =	stream.linear.gather [hbm4b:s13+s30], $0x800, $0x38;
	[tilespmem:$0xC200] =	vst v63  }
0x89: {  	s31 =	rddreg [dreg:$0x6];
	s1 =	simm.s32 $0x800  }
0x8a: {  	[tilespmem:s1], [sflag:$0x2] =	stream.linear.gather [hbm4b:s31+s30], $0x800, $0x38;
	[tilespmem:$0xC200] =	vst v63  }
0x8b: {  	s6 =	simm.s32 $0x1000;
	s1 =	rddreg [dreg:$0x7]  }
0x8c: {  	[tilespmem:s6], [sflag:$0x3] =	stream.linear.gather [hbm4b:s1+s30], $0x800, $0x38;
	[tilespmem:$0xC200] =	vst v63  }
0x8d: {  	s7 =	rddreg [dreg:$0x8];
	s11 =	simm.s32 $0x1800  }
0x8e: {  	[tilespmem:s11], [sflag:$0x4] =	stream.linear.gather [hbm4b:s7+s30], $0x800, $0x38;
	[tilespmem:$0xC200] =	vst v63  }
0x8f: {  	s13 =	rddreg [dreg:$0x9];
	s31 =	simm.s32 $0x2000  }
0x90: {  	[tilespmem:s31], [sflag:$0x5] =	stream.linear.gather [hbm4b:s13+s30], $0x800, $0x38;
	[tilespmem:$0xC200] =	vst v63  }
0x91: {  	s1 =	rddreg [dreg:$0xa];
	s6 =	simm.s32 $0x2800  }
0x92: {  	[tilespmem:s6], [sflag:$0x6] =	stream.linear.gather [hbm4b:s1+s30], $0x800, $0x38;
	[tilespmem:$0xC200] =	vst v63  }
0x93: {  	s7 =	rddreg [dreg:$0xb];
	s11 =	simm.s32 $0x3000  }
0x94: {  	[tilespmem:s11], [sflag:$0x7] =	stream.linear.gather [hbm4b:s7+s30], $0x800, $0x38;
	[tilespmem:$0xC200] =	vst v63  }
0x95: {  	s13 =	rddreg [dreg:$0xc];
	s31 =	simm.s32 $0x3800  }
0x96: {  	[tilespmem:s31], [sflag:$0x8] =	stream.linear.gather [hbm4b:s13+s30], $0x800, $0x38;
	[tilespmem:$0xC200] =	vst v63  }
.LBB2_4:
0x97: {  	s0 =	simm.s32 $0x1  }
0x98: {  	_ =	swait.ge [sflag:s0], $0x800  }
0x99: {  	p0 =	seq.s32 s30, $0x0;
	[sflag:s0] =	ssyncset.done $0x0  }
0x9a: {  	[sflag:s0] =	ssyncadd.s32 $0xFFFFF800;
	s0 =	simm.s32 @!p0 $0x9  }
0x9b: {  	_ =	swait.ge @!p0 [sflag:s0], $0x2000  }
0x9c: {  	[sflag:s0] =	ssyncset.done @!p0 $0x0  }
0x9d: {  	[sflag:s0] =	ssyncadd.s32 @!p0 $0xFFFFE000;
	s0 =	simm.s32 @!p0 $0xD  }
0x9e: {  	_ =	swait.ge @!p0 [sflag:s0], $0x80  }
0x9f: {  	[sflag:s0] =	ssyncset.done @!p0 $0x0  }
0xa0: {  	[sflag:s0] =	ssyncadd.s32 @!p0 $0xFFFFFF80;
	s0 =	simm.s32 $0x80  }
0xa1: {  	v3 =	vld [tilespmem:s0+$0xFFFFFF80]  }
0xa2: {  	v6 =	vld [tilespmem:s0+$0x70]  }
0xa3: {  	v5 =	vld [tilespmem:s0+$0xFFFFFFF0]  }
0xa4: {  	v7 =	vld [tilespmem:s0+$0x60]  }
0xa5: {  	v8 =	vld [tilespmem:s0+$0xFFFFFFE0]  }
0xa6: {  	v9 =	vld [tilespmem:s0+$0x50]  }
0xa7: {  	v11 =	vld [tilespmem:s0+$0xFFFFFFD0]  }
0xa8: {  	v10 =	vld [tilespmem:s0+$0xFFFFFF90]  }
0xa9: {  	v2 =	vld [tilespmem:s0+$0x0];
	v4 =	vand.u32 $0xFFFFFF80, v6;
	v13 =	vshll.u32 v5, $0x7  }
0xaa: {  	v12 =	vld [tilespmem:s0+$0x40];
	v15 =	vand.u32 $0x7F, v6;
	v16 =	vand.u32 $0xFFFFFF80, v7;
	v17 =	vshll.u32 v8, $0x7  }
0xab: {  	v14 =	vld [tilespmem:s0+$0xFFFFFFC0];
	v19 =	vand.u32 $0x7F, v7;
	v53 =	vand.u32 $0xFFFFFF80, v9;
	v4 =	vadd.s32 v13, v4  }
0xac: {  	v52 =	vld [tilespmem:s0+$0x30];
	v54 =	vshll.u32 v11, $0x7;
	v16 =	vadd.s32 v17, v16;
	v15 =	vor.u32 v15, v4  }
0xad: {  	v18 =	vld [tilespmem:s0+$0xFFFFFFB0];
	v22 =	vand.u32 $0x7F, v9;
	v17 =	vadd.s32 v54, v53;
	v16 =	vor.u32 v19, v16  }
0xae: {  	v20 =	vld [tilespmem:s0+$0xFFFFFFA0];
	v17 =	vor.u32 v22, v17  }
0xaf: {  	v21 =	vadd.s32 $0x40, v5;
	v5 =	vld [tilespmem:s0+$0x10]  }
0xb0: {  	v4 =	vld [tilespmem:s0+$0x20]  }
0xb1: {  	[tilespmem:v15+s9+$0x0] =	vst.idx.add.f32.msk $0xffff, v1  }
0xb2: {  	v8 =	vadd.s32 $0x40, v8;
	v55 =	vand.u32 $0xFFFFFF80, v12;
	[tilespmem:v16+s9+$0x0] =	vst.idx.add.f32.msk $0xffff, v1  }
0xb3: {  	v56 =	vshll.u32 v14, $0x7;
	v57 =	vand.u32 $0xFFFFFF80, v52;
	v58 =	vshll.u32 v18, $0x7;
	[tilespmem:v17+s9+$0x0] =	vst.idx.add.f32.msk $0xffff, v1  }
0xb4: {  	v11 =	vadd.s32 $0x40, v11;
	v15 =	vadd.s32 v56, v55;
	[tilespmem:v6+s10+$0x0] =	vst.idx.add.f32.msk $0xffff, v1;
	v6 =	vand.u32 $0x7F, v12  }
0xb5: {  	v59 =	vand.u32 $0x7F, v52;
	v60 =	vadd.s32 v58, v57;
	[tilespmem:v7+s10+$0x0] =	vst.idx.add.f32.msk $0xffff, v1;
	v6 =	vor.u32 v6, v15  }
0xb6: {  	v7 =	vor.u32 v59, v60;
	[tilespmem:v9+s10+$0x0] =	vst.idx.add.f32.msk $0xffff, v1  }
0xb7: {  	[tilespmem:v21+s10+$0x0] =	vst.idx.add.f32.msk $0xffff, v1  }
0xb8: {  	v9 =	vadd.s32 $0x40, v14;
	[tilespmem:v8+s10+$0x0] =	vst.idx.add.f32.msk $0xffff, v1  }
0xb9: {  	[tilespmem:v11+s10+$0x0] =	vst.idx.add.f32.msk $0xffff, v1  }
0xba: {  	v8 =	vshll.u32 v20, $0x7;
	[tilespmem:v6+s9+$0x0] =	vst.idx.add.f32.msk $0xffff, v1;
	v6 =	vand.u32 $0xFFFFFF80, v4  }
0xbb: {  	v61 =	vadd.s32 $0x40, v18;
	[tilespmem:v7+s9+$0x0] =	vst.idx.add.f32.msk $0xffff, v1;
	v7 =	vand.u32 $0x7F, v4;
	v6 =	vadd.s32 v8, v6  }
0xbc: {  	v62 =	vshll.u32 v10, $0x7;
	v8 =	vand.u32 $0xFFFFFF80, v5;
	[tilespmem:v12+s10+$0x0] =	vst.idx.add.f32.msk $0xffff, v1;
	v6 =	vor.u32 v7, v6  }
0xbd: {  	[tilespmem:v9+s10+$0x0] =	vst.idx.add.f32.msk $0xffff, v1;
	v9 =	vand.u32 $0x7F, v5;
	v8 =	vadd.s32 v62, v8  }
0xbe: {  	v11 =	vshll.u32 v3, $0x7;
	[tilespmem:v52+s10+$0x0] =	vst.idx.add.f32.msk $0xffff, v1;
	v7 =	vand.u32 $0xFFFFFF80, v2;
	v8 =	vor.u32 v9, v8  }
0xbf: {  	s1 =	sshll.u32 s30, $0x3;
	v63 =	vand.u32 $0x7F, v2;
	v7 =	vadd.s32 v11, v7;
	s6 =	rddreg [dreg:$0x2];
	v9 =	vadd.s32 $0x40, v20  }
0xc0: {  	v10 =	vadd.s32 $0x40, v10;
	[tilespmem:v61+s10+$0x0] =	vst.idx.add.f32.msk $0xffff, v1;
	v7 =	vor.u32 v63, v7;
	s31 =	sadd.s32 s6, s1;
	s1 =	simm.s32 $0x0  }
.LBB2_5:
0xc1: {  	s1 =	sadd.s32 $0x8, s1;
	[tilespmem:v6+s9+$0x0] =	vst.idx.add.f32.msk $0xffff, v1;
	s0 =	sadd.s32 $0x100, s0  }
0xc2: {  	p1 =	slt.u32 s1, $0x38;
	[tilespmem:v4+s10+$0x0] =	vst.idx.add.f32.msk $0xffff, v1  }
0xc3: {  	v3 =	vadd.s32 $0x40, v3;
	[tilespmem:v8+s9+$0x0] =	vst.idx.add.f32.msk $0xffff, v1  }
0xc4: {  	[tilespmem:v9+s10+$0x0] =	vst.idx.add.f32.msk $0xffff, v1  }
0xc5: {  	[tilespmem:v5+s10+$0x0] =	vst.idx.add.f32.msk $0xffff, v1  }
0xc6: {  	[tilespmem:v10+s10+$0x0] =	vst.idx.add.f32.msk $0xffff, v1  }
0xc7: {  	[tilespmem:v7+s9+$0x0] =	vst.idx.add.f32.msk $0xffff, v1  }
0xc8: {  	[tilespmem:v2+s10+$0x0] =	vst.idx.add.f32.msk $0xffff, v1  }
0xc9: {  	[tilespmem:v3+s10+$0x0] =	vst.idx.add.f32.msk $0xffff, v1  }
0xca: {  	v3 =	vld [tilespmem:s0+$0xFFFFFF80]  }
0xcb: {  	v10 =	vld [tilespmem:s0+$0xFFFFFF90]  }
0xcc: {  	v2 =	vld [tilespmem:s0+$0x0]  }
0xcd: {  	v6 =	vld [tilespmem:s0+$0x70]  }
0xce: {  	v4 =	vld [tilespmem:s0+$0xFFFFFFF0]  }
0xcf: {  	v7 =	vld [tilespmem:s0+$0x60]  }
0xd0: {  	v5 =	vld [tilespmem:s0+$0xFFFFFFE0]  }
0xd1: {  	v8 =	vld [tilespmem:s0+$0x50]  }
0xd2: {  	v9 =	vld [tilespmem:s0+$0xFFFFFFD0]  }
0xd3: {  	v12 =	vand.u32 $0xFFFFFF80, v6;
	v11 =	vld [tilespmem:s0+$0x40];
	v13 =	vshll.u32 v4, $0x7  }
0xd4: {  	v15 =	vand.u32 $0x7F, v6;
	v14 =	vld [tilespmem:s0+$0xFFFFFFC0];
	v12 =	vadd.s32 v13, v12  }
0xd5: {  	v16 =	vand.u32 $0xFFFFFF80, v7;
	v13 =	vld [tilespmem:s0+$0x30];
	v17 =	vshll.u32 v5, $0x7;
	v12 =	vor.u32 v15, v12  }
0xd6: {  	v18 =	vand.u32 $0x7F, v7;
	v15 =	vld [tilespmem:s0+$0xFFFFFFB0];
	v16 =	vadd.s32 v17, v16;
	v17 =	vadd.s32 $0x40, v4  }
0xd7: {  	v19 =	vand.u32 $0xFFFFFF80, v8;
	v4 =	vld [tilespmem:s0+$0x20];
	v20 =	vshll.u32 v9, $0x7;
	v16 =	vor.u32 v18, v16  }
0xd8: {  	v21 =	vand.u32 $0x7F, v8;
	v18 =	vld [tilespmem:s0+$0xFFFFFFA0];
	v19 =	vadd.s32 v20, v19;
	v20 =	vadd.s32 $0x40, v5  }
0xd9: {  	v22 =	vand.u32 $0xFFFFFF80, v11;
	v5 =	vld [tilespmem:s0+$0x10];
	v23 =	vshll.u32 v14, $0x7;
	v19 =	vor.u32 v21, v19  }
0xda: {  	v24 =	vand.u32 $0x7F, v11;
	v21 =	vand.u32 $0xFFFFFF80, v13;
	v22 =	vadd.s32 v23, v22;
	[tilespmem:v12+s9+$0x0] =	vst.idx.add.f32.msk $0xffff, v1  }
0xdb: {  	v12 =	vshll.u32 v15, $0x7;
	v15 =	vadd.s32 $0x40, v15;
	v22 =	vor.u32 v24, v22;
	[tilespmem:v6+s10+$0x0] =	vst.idx.add.f32.msk $0xffff, v1  }
0xdc: {  	v23 =	vand.u32 $0x7F, v13;
	v6 =	vand.u32 $0xFFFFFF80, v4;
	v12 =	vadd.s32 v12, v21;
	[tilespmem:v16+s9+$0x0] =	vst.idx.add.f32.msk $0xffff, v1  }
0xdd: {  	v21 =	vadd.s32 $0x40, v9;
	v16 =	vshll.u32 v18, $0x7;
	v12 =	vor.u32 v23, v12;
	[tilespmem:v7+s10+$0x0] =	vst.idx.add.f32.msk $0xffff, v1  }
0xde: {  	v14 =	vadd.s32 $0x40, v14;
	v7 =	vand.u32 $0x7F, v4;
	v6 =	vadd.s32 v16, v6;
	[tilespmem:v17+s10+$0x0] =	vst.idx.add.f32.msk $0xffff, v1  }
0xdf: {  	v9 =	vand.u32 $0xFFFFFF80, v5;
	v16 =	vand.u32 $0x7F, v5;
	v6 =	vor.u32 v7, v6;
	[tilespmem:v19+s9+$0x0] =	vst.idx.add.f32.msk $0xffff, v1  }
0xe0: {  	v17 =	vshll.u32 v3, $0x7;
	v7 =	vand.u32 $0xFFFFFF80, v2;
	v19 =	vshll.u32 v10, $0x7;
	[tilespmem:v8+s10+$0x0] =	vst.idx.add.f32.msk $0xffff, v1  }
0xe1: {  	v8 =	vand.u32 $0x7F, v2;
	v7 =	vadd.s32 v17, v7;
	v9 =	vadd.s32 v19, v9;
	[tilespmem:v20+s10+$0x0] =	vst.idx.add.f32.msk $0xffff, v1  }
0xe2: {  	v7 =	vor.u32 v8, v7;
	v8 =	vor.u32 v16, v9;
	[tilespmem:v22+s9+$0x0] =	vst.idx.add.f32.msk $0xffff, v1  }
0xe3: {  	[tilespmem:v12+s9+$0x0] =	vst.idx.add.f32.msk $0xffff, v1  }
.Ltmp3:
0xe4: {  	v9 =	vadd.s32 $0x40, v18;
	[tilespmem:v21+s10+$0x0] =	vst.idx.add.f32.msk $0xffff, v1;
	(pc) =	sbr.rel @p1 .LBB2_5-.Ltmp3, $4  }
0xe5: {  	[tilespmem:v11+s10+$0x0] =	vst.idx.add.f32.msk $0xffff, v1  }
0xe6: {  	v10 =	vadd.s32 $0x40, v10;
	[tilespmem:v14+s10+$0x0] =	vst.idx.add.f32.msk $0xffff, v1  }
0xe7: {  	[tilespmem:v13+s10+$0x0] =	vst.idx.add.f32.msk $0xffff, v1  }
0xe8: {  	[tilespmem:v15+s10+$0x0] =	vst.idx.add.f32.msk $0xffff, v1  }
0xe9: {  	_ =	sdelay $0x3  }
0xea: {  	[tilespmem:v6+s9+$0x0] =	vst.idx.add.f32.msk $0xffff, v1  }
0xeb: {  	[tilespmem:v8+s9+$0x0] =	vst.idx.add.f32.msk $0xffff, v1  }
0xec: {  	[tilespmem:v7+s9+$0x0] =	vst.idx.add.f32.msk $0xffff, v1  }
0xed: {  	v3 =	vadd.s32 $0x40, v3;
	[tilespmem:v4+s10+$0x0] =	vst.idx.add.f32.msk $0xffff, v1  }
0xee: {  	[tilespmem:v5+s10+$0x0] =	vst.idx.add.f32.msk $0xffff, v1  }
0xef: {  	[tilespmem:v2+s10+$0x0] =	vst.idx.add.f32.msk $0xffff, v1  }
0xf0: {  	[tilespmem:v9+s10+$0x0] =	vst.idx.add.f32.msk $0xffff, v1  }
0xf1: {  	[tilespmem:v10+s10+$0x0] =	vst.idx.add.f32.msk $0xffff, v1  }
0xf2: {  	[tilespmem:v3+s10+$0x0] =	vst.idx.add.f32.msk $0xffff, v1  }
0xf3: {  	s1 =	sshll.u32 s31, $0xA;
	p1 =	sne.s32 s30, $0x3;
	s0 =	rddreg [dreg:$0x3]  }
.Ltmp4:
0xf4: {  	s0 =	sadd.s32 s0, s1;
	(pc) =	sbr.rel @p1 .LBB2_8-.Ltmp4, $4  }
0xf5: {  	[hbm4b:s0+s2] =	stream.linear.scatter [tilespmem:s9], [sflag:$0x9], $0x2000, $0x38;
	[tilespmem:$0xC200] =	vst v63  }
0xf6: {  	s6 =	rddreg [dreg:$0x4];
	s0 =	sshll.u32 s31, $0x4  }
0xf7: {  	s6 =	sadd.s32 s6, s0  }
0xf8: {  	[hbm4b:s6+s2] =	stream.linear.scatter [tilespmem:s10], [sflag:$0xD], $0x80, $0x38;
	[tilespmem:$0xC200] =	vst v63  }
.Ltmp5:
0xf9: {  	(pc) =	sbr.rel .LBB2_9-.Ltmp5, $4  }
0xfa: {  	s6 =	simm.s32 $0x2  }
0xfb: {  	_ =	swait.ge [sflag:s6], $0x800  }
0xfc: {  	[sflag:s6] =	ssyncset.done $0x0  }
0xfd: {  	[sflag:s6] =	ssyncadd.s32 $0xFFFFF800  }
.LBB2_8:
0xfe: {  	s6 =	sshll.u32 s31, $0x8;
	s7 =	rddreg [dreg:$0xd]  }
.Ltmp6:
0xff: {  	s13 =	simm.s32 $0x2;
	s6 =	sadd.s32 s6, s7;
	(pc) =	sbr.rel @p0 .LBB2_10-.Ltmp6, $4  }
0x100: {  	[tilespmem:s2], [sflag:$0x1] =	stream.linear.gather [hbm4b:s6+s2], $0x800, $0x38;
	[tilespmem:$0xC200] =	vst v63  }
0x101: {  	_ =	swait.ge [sflag:s13], $0x800  }
0x102: {  	[sflag:s13] =	ssyncset.done $0x0  }
0x103: {  	[sflag:s13] =	ssyncadd.s32 $0xFFFFF800  }
.LBB2_9:
0x104: {  	_ =	swait.ge [sflag:s14], $0x2000  }
0x105: {  	[sflag:s14] =	ssyncset.done $0x0  }
0x106: {  	[sflag:s14] =	ssyncadd.s32 $0xFFFFE000  }
0x107: {  	_ =	swait.ge [sflag:s17], $0x80  }
0x108: {  	[sflag:s17] =	ssyncset.done $0x0  }
0x109: {  	[sflag:s17] =	ssyncadd.s32 $0xFFFFFF80  }
.LBB2_10:
0x10a: {  	s6 =	simm.s32 $0x880  }
0x10b: {  	v3 =	vld [tilespmem:s6+$0xFFFFFF80]  }
0x10c: {  	v10 =	vld [tilespmem:s6+$0xFFFFFF90]  }
0x10d: {  	v6 =	vld [tilespmem:s6+$0x70]  }
0x10e: {  	v5 =	vld [tilespmem:s6+$0xFFFFFFF0]  }
0x10f: {  	v7 =	vld [tilespmem:s6+$0x60]  }
0x110: {  	v8 =	vld [tilespmem:s6+$0xFFFFFFE0]  }
0x111: {  	v9 =	vld [tilespmem:s6+$0x50]  }
0x112: {  	v11 =	vld [tilespmem:s6+$0xFFFFFFD0]  }
0x113: {  	v2 =	vld [tilespmem:s6+$0x0]  }
0x114: {  	v12 =	vld [tilespmem:s6+$0x40];
	v4 =	vand.u32 $0xFFFFFF80, v6;
	v13 =	vshll.u32 v5, $0x7;
	v15 =	vand.u32 $0x7F, v6  }
0x115: {  	v14 =	vld [tilespmem:s6+$0xFFFFFFC0];
	v16 =	vand.u32 $0xFFFFFF80, v7;
	v17 =	vshll.u32 v8, $0x7;
	v4 =	vadd.s32 v13, v4  }
0x116: {  	v52 =	vld [tilespmem:s6+$0x30];
	v19 =	vand.u32 $0x7F, v7;
	v16 =	vadd.s32 v17, v16;
	v15 =	vor.u32 v15, v4  }
0x117: {  	v18 =	vld [tilespmem:s6+$0xFFFFFFB0];
	v53 =	vand.u32 $0xFFFFFF80, v9;
	v54 =	vshll.u32 v11, $0x7;
	v16 =	vor.u32 v19, v16  }
0x118: {  	v20 =	vld [tilespmem:s6+$0xFFFFFFA0];
	v22 =	vand.u32 $0x7F, v9;
	v17 =	vadd.s32 v54, v53  }
0x119: {  	v21 =	vadd.s32 $0x40, v5;
	v5 =	vld [tilespmem:s6+$0x10];
	v17 =	vor.u32 v22, v17  }
0x11a: {  	v4 =	vld [tilespmem:s6+$0x20]  }
0x11b: {  	v8 =	vadd.s32 $0x40, v8;
	[tilespmem:v15+s20+$0x0] =	vst.idx.add.f32.msk $0xffff, v1  }
0x11c: {  	v55 =	vand.u32 $0xFFFFFF80, v12;
	v56 =	vshll.u32 v14, $0x7;
	v57 =	vand.u32 $0xFFFFFF80, v52;
	[tilespmem:v16+s20+$0x0] =	vst.idx.add.f32.msk $0xffff, v1  }
0x11d: {  	v58 =	vshll.u32 v18, $0x7;
	v15 =	vadd.s32 v56, v55;
	[tilespmem:v6+s12+$0x0] =	vst.idx.add.f32.msk $0xffff, v1;
	v6 =	vand.u32 $0x7F, v12  }
0x11e: {  	v59 =	vand.u32 $0x7F, v52;
	v60 =	vadd.s32 v58, v57;
	[tilespmem:v17+s20+$0x0] =	vst.idx.add.f32.msk $0xffff, v1;
	v6 =	vor.u32 v6, v15  }
0x11f: {  	[tilespmem:v7+s12+$0x0] =	vst.idx.add.f32.msk $0xffff, v1;
	v7 =	vor.u32 v59, v60  }
0x120: {  	[tilespmem:v9+s12+$0x0] =	vst.idx.add.f32.msk $0xffff, v1  }
0x121: {  	v9 =	vadd.s32 $0x40, v14;
	[tilespmem:v21+s12+$0x0] =	vst.idx.add.f32.msk $0xffff, v1  }
0x122: {  	v11 =	vadd.s32 $0x40, v11;
	[tilespmem:v8+s12+$0x0] =	vst.idx.add.f32.msk $0xffff, v1  }
0x123: {  	v8 =	vshll.u32 v20, $0x7;
	[tilespmem:v6+s20+$0x0] =	vst.idx.add.f32.msk $0xffff, v1;
	v6 =	vand.u32 $0xFFFFFF80, v4  }
0x124: {  	v61 =	vadd.s32 $0x40, v18;
	[tilespmem:v7+s20+$0x0] =	vst.idx.add.f32.msk $0xffff, v1;
	v7 =	vand.u32 $0x7F, v4;
	v6 =	vadd.s32 v8, v6  }
0x125: {  	v62 =	vshll.u32 v10, $0x7;
	v8 =	vand.u32 $0xFFFFFF80, v5;
	[tilespmem:v12+s12+$0x0] =	vst.idx.add.f32.msk $0xffff, v1;
	v6 =	vor.u32 v7, v6  }
0x126: {  	[tilespmem:v9+s12+$0x0] =	vst.idx.add.f32.msk $0xffff, v1;
	v9 =	vand.u32 $0x7F, v5;
	v8 =	vadd.s32 v62, v8  }
0x127: {  	[tilespmem:v11+s12+$0x0] =	vst.idx.add.f32.msk $0xffff, v1;
	v11 =	vshll.u32 v3, $0x7;
	v7 =	vand.u32 $0xFFFFFF80, v2;
	v8 =	vor.u32 v9, v8  }
0x128: {  	v63 =	vand.u32 $0x7F, v2;
	[tilespmem:v52+s12+$0x0] =	vst.idx.add.f32.msk $0xffff, v1;
	v7 =	vadd.s32 v11, v7;
	v9 =	vadd.s32 $0x40, v20  }
0x129: {  	s7 =	simm.s32 $0x0;
	v10 =	vadd.s32 $0x40, v10;
	[tilespmem:v61+s12+$0x0] =	vst.idx.add.f32.msk $0xffff, v1;
	v7 =	vor.u32 v63, v7  }
.LBB2_11:
0x12a: {  	s7 =	sadd.s32 $0x8, s7;
	[tilespmem:v6+s20+$0x0] =	vst.idx.add.f32.msk $0xffff, v1;
	s6 =	sadd.s32 $0x100, s6  }
0x12b: {  	p2 =	slt.u32 s7, $0x38;
	[tilespmem:v4+s12+$0x0] =	vst.idx.add.f32.msk $0xffff, v1  }
0x12c: {  	v3 =	vadd.s32 $0x40, v3;
	[tilespmem:v8+s20+$0x0] =	vst.idx.add.f32.msk $0xffff, v1  }
0x12d: {  	[tilespmem:v9+s12+$0x0] =	vst.idx.add.f32.msk $0xffff, v1  }
0x12e: {  	[tilespmem:v5+s12+$0x0] =	vst.idx.add.f32.msk $0xffff, v1  }
0x12f: {  	[tilespmem:v10+s12+$0x0] =	vst.idx.add.f32.msk $0xffff, v1  }
0x130: {  	[tilespmem:v7+s20+$0x0] =	vst.idx.add.f32.msk $0xffff, v1  }
0x131: {  	[tilespmem:v2+s12+$0x0] =	vst.idx.add.f32.msk $0xffff, v1  }
0x132: {  	[tilespmem:v3+s12+$0x0] =	vst.idx.add.f32.msk $0xffff, v1  }
0x133: {  	v3 =	vld [tilespmem:s6+$0xFFFFFF80]  }
0x134: {  	v10 =	vld [tilespmem:s6+$0xFFFFFF90]  }
0x135: {  	v2 =	vld [tilespmem:s6+$0x0]  }
0x136: {  	v6 =	vld [tilespmem:s6+$0x70]  }
0x137: {  	v4 =	vld [tilespmem:s6+$0xFFFFFFF0]  }
0x138: {  	v7 =	vld [tilespmem:s6+$0x60]  }
0x139: {  	v5 =	vld [tilespmem:s6+$0xFFFFFFE0]  }
0x13a: {  	v8 =	vld [tilespmem:s6+$0x50]  }
0x13b: {  	v9 =	vld [tilespmem:s6+$0xFFFFFFD0]  }
0x13c: {  	v12 =	vand.u32 $0xFFFFFF80, v6;
	v11 =	vld [tilespmem:s6+$0x40];
	v13 =	vshll.u32 v4, $0x7  }
0x13d: {  	v15 =	vand.u32 $0x7F, v6;
	v14 =	vld [tilespmem:s6+$0xFFFFFFC0];
	v12 =	vadd.s32 v13, v12  }
0x13e: {  	v16 =	vand.u32 $0xFFFFFF80, v7;
	v13 =	vld [tilespmem:s6+$0x30];
	v17 =	vshll.u32 v5, $0x7;
	v12 =	vor.u32 v15, v12  }
0x13f: {  	v18 =	vand.u32 $0x7F, v7;
	v15 =	vld [tilespmem:s6+$0xFFFFFFB0];
	v16 =	vadd.s32 v17, v16;
	v17 =	vadd.s32 $0x40, v4  }
0x140: {  	v19 =	vand.u32 $0xFFFFFF80, v8;
	v4 =	vld [tilespmem:s6+$0x20];
	v20 =	vshll.u32 v9, $0x7;
	v16 =	vor.u32 v18, v16  }
0x141: {  	v21 =	vand.u32 $0x7F, v8;
	v18 =	vld [tilespmem:s6+$0xFFFFFFA0];
	v19 =	vadd.s32 v20, v19;
	v20 =	vadd.s32 $0x40, v5  }
0x142: {  	v22 =	vand.u32 $0xFFFFFF80, v11;
	v5 =	vld [tilespmem:s6+$0x10];
	v23 =	vshll.u32 v14, $0x7;
	v19 =	vor.u32 v21, v19  }
0x143: {  	v24 =	vand.u32 $0x7F, v11;
	v21 =	vand.u32 $0xFFFFFF80, v13;
	v22 =	vadd.s32 v23, v22;
	[tilespmem:v12+s20+$0x0] =	vst.idx.add.f32.msk $0xffff, v1  }
0x144: {  	v12 =	vshll.u32 v15, $0x7;
	v15 =	vadd.s32 $0x40, v15;
	v22 =	vor.u32 v24, v22;
	[tilespmem:v6+s12+$0x0] =	vst.idx.add.f32.msk $0xffff, v1  }
0x145: {  	v23 =	vand.u32 $0x7F, v13;
	v6 =	vand.u32 $0xFFFFFF80, v4;
	v12 =	vadd.s32 v12, v21;
	[tilespmem:v16+s20+$0x0] =	vst.idx.add.f32.msk $0xffff, v1  }
0x146: {  	v21 =	vadd.s32 $0x40, v9;
	v16 =	vshll.u32 v18, $0x7;
	v12 =	vor.u32 v23, v12;
	[tilespmem:v7+s12+$0x0] =	vst.idx.add.f32.msk $0xffff, v1  }
0x147: {  	v14 =	vadd.s32 $0x40, v14;
	v7 =	vand.u32 $0x7F, v4;
	v6 =	vadd.s32 v16, v6;
	[tilespmem:v17+s12+$0x0] =	vst.idx.add.f32.msk $0xffff, v1  }
0x148: {  	v9 =	vand.u32 $0xFFFFFF80, v5;
	v16 =	vand.u32 $0x7F, v5;
	v6 =	vor.u32 v7, v6;
	[tilespmem:v19+s20+$0x0] =	vst.idx.add.f32.msk $0xffff, v1  }
0x149: {  	v17 =	vshll.u32 v3, $0x7;
	v7 =	vand.u32 $0xFFFFFF80, v2;
	v19 =	vshll.u32 v10, $0x7;
	[tilespmem:v8+s12+$0x0] =	vst.idx.add.f32.msk $0xffff, v1  }
0x14a: {  	v8 =	vand.u32 $0x7F, v2;
	v7 =	vadd.s32 v17, v7;
	v9 =	vadd.s32 v19, v9;
	[tilespmem:v20+s12+$0x0] =	vst.idx.add.f32.msk $0xffff, v1  }
0x14b: {  	v7 =	vor.u32 v8, v7;
	v8 =	vor.u32 v16, v9;
	[tilespmem:v22+s20+$0x0] =	vst.idx.add.f32.msk $0xffff, v1  }
0x14c: {  	[tilespmem:v12+s20+$0x0] =	vst.idx.add.f32.msk $0xffff, v1  }
.Ltmp7:
0x14d: {  	v9 =	vadd.s32 $0x40, v18;
	[tilespmem:v21+s12+$0x0] =	vst.idx.add.f32.msk $0xffff, v1;
	(pc) =	sbr.rel @p2 .LBB2_11-.Ltmp7, $4  }
0x14e: {  	[tilespmem:v11+s12+$0x0] =	vst.idx.add.f32.msk $0xffff, v1  }
0x14f: {  	v10 =	vadd.s32 $0x40, v10;
	[tilespmem:v14+s12+$0x0] =	vst.idx.add.f32.msk $0xffff, v1  }
0x150: {  	[tilespmem:v13+s12+$0x0] =	vst.idx.add.f32.msk $0xffff, v1  }
0x151: {  	[tilespmem:v15+s12+$0x0] =	vst.idx.add.f32.msk $0xffff, v1  }
0x152: {  	_ =	sdelay $0x3  }
0x153: {  	[tilespmem:v6+s20+$0x0] =	vst.idx.add.f32.msk $0xffff, v1  }
0x154: {  	[tilespmem:v8+s20+$0x0] =	vst.idx.add.f32.msk $0xffff, v1  }
0x155: {  	[tilespmem:v7+s20+$0x0] =	vst.idx.add.f32.msk $0xffff, v1  }
0x156: {  	v3 =	vadd.s32 $0x40, v3;
	[tilespmem:v4+s12+$0x0] =	vst.idx.add.f32.msk $0xffff, v1  }
0x157: {  	[tilespmem:v5+s12+$0x0] =	vst.idx.add.f32.msk $0xffff, v1  }
0x158: {  	[tilespmem:v2+s12+$0x0] =	vst.idx.add.f32.msk $0xffff, v1  }
0x159: {  	[tilespmem:v9+s12+$0x0] =	vst.idx.add.f32.msk $0xffff, v1  }
0x15a: {  	[tilespmem:v10+s12+$0x0] =	vst.idx.add.f32.msk $0xffff, v1  }
0x15b: {  	[tilespmem:v3+s12+$0x0] =	vst.idx.add.f32.msk $0xffff, v1  }
.Ltmp8:
0x15c: {  	s6 =	rddreg [dreg:$0xe];
	(pc) =	sbr.rel @p1 .LBB2_14-.Ltmp8, $4  }
0x15d: {  	s13 =	rddreg [dreg:$0xf];
	s6 =	sadd.s32 s1, s6  }
0x15e: {  	[hbm4b:s6+s2] =	stream.linear.scatter [tilespmem:s20], [sflag:$0xA], $0x2000, $0x38;
	[tilespmem:$0xC200] =	vst v63  }
0x15f: {  	s6 =	sadd.s32 s0, s13  }
0x160: {  	[hbm4b:s6+s2] =	stream.linear.scatter [tilespmem:s12], [sflag:$0xE], $0x80, $0x38;
	[tilespmem:$0xC200] =	vst v63  }
.Ltmp9:
0x161: {  	(pc) =	sbr.rel .LBB2_15-.Ltmp9, $4  }
0x162: {  	_ = 	snop  }
0x163: {  	_ =	swait.ge [sflag:s8], $0x800  }
0x164: {  	[sflag:s8] =	ssyncset.done $0x0  }
0x165: {  	[sflag:s8] =	ssyncadd.s32 $0xFFFFF800  }
.LBB2_14:
0x166: {  	s6 =	sshll.u32 s31, $0x8;
	s7 =	rddreg [dreg:$0x10]  }
.Ltmp10:
0x167: {  	s13 =	simm.s32 $0x800;
	s6 =	sadd.s32 s6, s7;
	(pc) =	sbr.rel @p0 .LBB2_16-.Ltmp10, $4  }
0x168: {  	[tilespmem:s13], [sflag:$0x2] =	stream.linear.gather [hbm4b:s6+s2], $0x800, $0x38;
	[tilespmem:$0xC200] =	vst v63  }
0x169: {  	_ =	swait.ge [sflag:s8], $0x800  }
0x16a: {  	[sflag:s8] =	ssyncset.done $0x0  }
0x16b: {  	[sflag:s8] =	ssyncadd.s32 $0xFFFFF800  }
.LBB2_15:
0x16c: {  	_ =	swait.ge [sflag:s3], $0x2000  }
0x16d: {  	[sflag:s3] =	ssyncset.done $0x0  }
0x16e: {  	[sflag:s3] =	ssyncadd.s32 $0xFFFFE000  }
0x16f: {  	_ =	swait.ge [sflag:s4], $0x80  }
0x170: {  	[sflag:s4] =	ssyncset.done $0x0  }
0x171: {  	[sflag:s4] =	ssyncadd.s32 $0xFFFFFF80  }
.LBB2_16:
0x172: {  	s6 =	simm.s32 $0x1080  }
0x173: {  	v3 =	vld [tilespmem:s6+$0xFFFFFF80]  }
0x174: {  	v10 =	vld [tilespmem:s6+$0xFFFFFF90]  }
0x175: {  	v6 =	vld [tilespmem:s6+$0x70]  }
0x176: {  	v5 =	vld [tilespmem:s6+$0xFFFFFFF0]  }
0x177: {  	v7 =	vld [tilespmem:s6+$0x60]  }
0x178: {  	v8 =	vld [tilespmem:s6+$0xFFFFFFE0]  }
0x179: {  	v9 =	vld [tilespmem:s6+$0x50]  }
0x17a: {  	v11 =	vld [tilespmem:s6+$0xFFFFFFD0]  }
0x17b: {  	v2 =	vld [tilespmem:s6+$0x0]  }
0x17c: {  	v12 =	vld [tilespmem:s6+$0x40];
	v4 =	vand.u32 $0xFFFFFF80, v6;
	v13 =	vshll.u32 v5, $0x7;
	v15 =	vand.u32 $0x7F, v6  }
0x17d: {  	v14 =	vld [tilespmem:s6+$0xFFFFFFC0];
	v16 =	vand.u32 $0xFFFFFF80, v7;
	v17 =	vshll.u32 v8, $0x7;
	v4 =	vadd.s32 v13, v4  }
0x17e: {  	v52 =	vld [tilespmem:s6+$0x30];
	v19 =	vand.u32 $0x7F, v7;
	v16 =	vadd.s32 v17, v16;
	v15 =	vor.u32 v15, v4  }
0x17f: {  	v18 =	vld [tilespmem:s6+$0xFFFFFFB0];
	v53 =	vand.u32 $0xFFFFFF80, v9;
	v54 =	vshll.u32 v11, $0x7;
	v16 =	vor.u32 v19, v16  }
0x180: {  	v20 =	vld [tilespmem:s6+$0xFFFFFFA0];
	v22 =	vand.u32 $0x7F, v9;
	v17 =	vadd.s32 v54, v53  }
0x181: {  	v21 =	vadd.s32 $0x40, v5;
	v5 =	vld [tilespmem:s6+$0x10];
	v17 =	vor.u32 v22, v17  }
0x182: {  	v4 =	vld [tilespmem:s6+$0x20]  }
0x183: {  	v8 =	vadd.s32 $0x40, v8;
	[tilespmem:v15+s5+$0x0] =	vst.idx.add.f32.msk $0xffff, v1  }
0x184: {  	v55 =	vand.u32 $0xFFFFFF80, v12;
	v56 =	vshll.u32 v14, $0x7;
	v57 =	vand.u32 $0xFFFFFF80, v52;
	[tilespmem:v16+s5+$0x0] =	vst.idx.add.f32.msk $0xffff, v1  }
0x185: {  	v58 =	vshll.u32 v18, $0x7;
	v15 =	vadd.s32 v56, v55;
	[tilespmem:v6+s15+$0x0] =	vst.idx.add.f32.msk $0xffff, v1;
	v6 =	vand.u32 $0x7F, v12  }
0x186: {  	v59 =	vand.u32 $0x7F, v52;
	v60 =	vadd.s32 v58, v57;
	[tilespmem:v17+s5+$0x0] =	vst.idx.add.f32.msk $0xffff, v1;
	v6 =	vor.u32 v6, v15  }
0x187: {  	[tilespmem:v7+s15+$0x0] =	vst.idx.add.f32.msk $0xffff, v1;
	v7 =	vor.u32 v59, v60  }
0x188: {  	[tilespmem:v9+s15+$0x0] =	vst.idx.add.f32.msk $0xffff, v1  }
0x189: {  	v9 =	vadd.s32 $0x40, v14;
	[tilespmem:v21+s15+$0x0] =	vst.idx.add.f32.msk $0xffff, v1  }
0x18a: {  	v11 =	vadd.s32 $0x40, v11;
	[tilespmem:v8+s15+$0x0] =	vst.idx.add.f32.msk $0xffff, v1  }
0x18b: {  	v8 =	vshll.u32 v20, $0x7;
	[tilespmem:v6+s5+$0x0] =	vst.idx.add.f32.msk $0xffff, v1;
	v6 =	vand.u32 $0xFFFFFF80, v4  }
0x18c: {  	v61 =	vadd.s32 $0x40, v18;
	[tilespmem:v7+s5+$0x0] =	vst.idx.add.f32.msk $0xffff, v1;
	v7 =	vand.u32 $0x7F, v4;
	v6 =	vadd.s32 v8, v6  }
0x18d: {  	v62 =	vshll.u32 v10, $0x7;
	v8 =	vand.u32 $0xFFFFFF80, v5;
	[tilespmem:v12+s15+$0x0] =	vst.idx.add.f32.msk $0xffff, v1;
	v6 =	vor.u32 v7, v6  }
0x18e: {  	[tilespmem:v9+s15+$0x0] =	vst.idx.add.f32.msk $0xffff, v1;
	v9 =	vand.u32 $0x7F, v5;
	v8 =	vadd.s32 v62, v8  }
0x18f: {  	[tilespmem:v11+s15+$0x0] =	vst.idx.add.f32.msk $0xffff, v1;
	v11 =	vshll.u32 v3, $0x7;
	v7 =	vand.u32 $0xFFFFFF80, v2;
	v8 =	vor.u32 v9, v8  }
0x190: {  	v63 =	vand.u32 $0x7F, v2;
	[tilespmem:v52+s15+$0x0] =	vst.idx.add.f32.msk $0xffff, v1;
	v7 =	vadd.s32 v11, v7;
	v9 =	vadd.s32 $0x40, v20  }
0x191: {  	s7 =	simm.s32 $0x0;
	v10 =	vadd.s32 $0x40, v10;
	[tilespmem:v61+s15+$0x0] =	vst.idx.add.f32.msk $0xffff, v1;
	v7 =	vor.u32 v63, v7  }
.LBB2_17:
0x192: {  	s7 =	sadd.s32 $0x8, s7;
	[tilespmem:v6+s5+$0x0] =	vst.idx.add.f32.msk $0xffff, v1;
	s6 =	sadd.s32 $0x100, s6  }
0x193: {  	p2 =	slt.u32 s7, $0x38;
	[tilespmem:v4+s15+$0x0] =	vst.idx.add.f32.msk $0xffff, v1  }
0x194: {  	v3 =	vadd.s32 $0x40, v3;
	[tilespmem:v8+s5+$0x0] =	vst.idx.add.f32.msk $0xffff, v1  }
0x195: {  	[tilespmem:v9+s15+$0x0] =	vst.idx.add.f32.msk $0xffff, v1  }
0x196: {  	[tilespmem:v5+s15+$0x0] =	vst.idx.add.f32.msk $0xffff, v1  }
0x197: {  	[tilespmem:v10+s15+$0x0] =	vst.idx.add.f32.msk $0xffff, v1  }
0x198: {  	[tilespmem:v7+s5+$0x0] =	vst.idx.add.f32.msk $0xffff, v1  }
0x199: {  	[tilespmem:v2+s15+$0x0] =	vst.idx.add.f32.msk $0xffff, v1  }
0x19a: {  	[tilespmem:v3+s15+$0x0] =	vst.idx.add.f32.msk $0xffff, v1  }
0x19b: {  	v3 =	vld [tilespmem:s6+$0xFFFFFF80]  }
0x19c: {  	v10 =	vld [tilespmem:s6+$0xFFFFFF90]  }
0x19d: {  	v2 =	vld [tilespmem:s6+$0x0]  }
0x19e: {  	v6 =	vld [tilespmem:s6+$0x70]  }
0x19f: {  	v4 =	vld [tilespmem:s6+$0xFFFFFFF0]  }
0x1a0: {  	v7 =	vld [tilespmem:s6+$0x60]  }
0x1a1: {  	v5 =	vld [tilespmem:s6+$0xFFFFFFE0]  }
0x1a2: {  	v8 =	vld [tilespmem:s6+$0x50]  }
0x1a3: {  	v9 =	vld [tilespmem:s6+$0xFFFFFFD0]  }
0x1a4: {  	v12 =	vand.u32 $0xFFFFFF80, v6;
	v11 =	vld [tilespmem:s6+$0x40];
	v13 =	vshll.u32 v4, $0x7  }
0x1a5: {  	v15 =	vand.u32 $0x7F, v6;
	v14 =	vld [tilespmem:s6+$0xFFFFFFC0];
	v12 =	vadd.s32 v13, v12  }
0x1a6: {  	v16 =	vand.u32 $0xFFFFFF80, v7;
	v13 =	vld [tilespmem:s6+$0x30];
	v17 =	vshll.u32 v5, $0x7;
	v12 =	vor.u32 v15, v12  }
0x1a7: {  	v18 =	vand.u32 $0x7F, v7;
	v15 =	vld [tilespmem:s6+$0xFFFFFFB0];
	v16 =	vadd.s32 v17, v16;
	v17 =	vadd.s32 $0x40, v4  }
0x1a8: {  	v19 =	vand.u32 $0xFFFFFF80, v8;
	v4 =	vld [tilespmem:s6+$0x20];
	v20 =	vshll.u32 v9, $0x7;
	v16 =	vor.u32 v18, v16  }
0x1a9: {  	v21 =	vand.u32 $0x7F, v8;
	v18 =	vld [tilespmem:s6+$0xFFFFFFA0];
	v19 =	vadd.s32 v20, v19;
	v20 =	vadd.s32 $0x40, v5  }
0x1aa: {  	v22 =	vand.u32 $0xFFFFFF80, v11;
	v5 =	vld [tilespmem:s6+$0x10];
	v23 =	vshll.u32 v14, $0x7;
	v19 =	vor.u32 v21, v19  }
0x1ab: {  	v24 =	vand.u32 $0x7F, v11;
	v21 =	vand.u32 $0xFFFFFF80, v13;
	v22 =	vadd.s32 v23, v22;
	[tilespmem:v12+s5+$0x0] =	vst.idx.add.f32.msk $0xffff, v1  }
0x1ac: {  	v12 =	vshll.u32 v15, $0x7;
	v15 =	vadd.s32 $0x40, v15;
	v22 =	vor.u32 v24, v22;
	[tilespmem:v6+s15+$0x0] =	vst.idx.add.f32.msk $0xffff, v1  }
0x1ad: {  	v23 =	vand.u32 $0x7F, v13;
	v6 =	vand.u32 $0xFFFFFF80, v4;
	v12 =	vadd.s32 v12, v21;
	[tilespmem:v16+s5+$0x0] =	vst.idx.add.f32.msk $0xffff, v1  }
0x1ae: {  	v21 =	vadd.s32 $0x40, v9;
	v16 =	vshll.u32 v18, $0x7;
	v12 =	vor.u32 v23, v12;
	[tilespmem:v7+s15+$0x0] =	vst.idx.add.f32.msk $0xffff, v1  }
0x1af: {  	v14 =	vadd.s32 $0x40, v14;
	v7 =	vand.u32 $0x7F, v4;
	v6 =	vadd.s32 v16, v6;
	[tilespmem:v17+s15+$0x0] =	vst.idx.add.f32.msk $0xffff, v1  }
0x1b0: {  	v9 =	vand.u32 $0xFFFFFF80, v5;
	v16 =	vand.u32 $0x7F, v5;
	v6 =	vor.u32 v7, v6;
	[tilespmem:v19+s5+$0x0] =	vst.idx.add.f32.msk $0xffff, v1  }
0x1b1: {  	v17 =	vshll.u32 v3, $0x7;
	v7 =	vand.u32 $0xFFFFFF80, v2;
	v19 =	vshll.u32 v10, $0x7;
	[tilespmem:v8+s15+$0x0] =	vst.idx.add.f32.msk $0xffff, v1  }
0x1b2: {  	v8 =	vand.u32 $0x7F, v2;
	v7 =	vadd.s32 v17, v7;
	v9 =	vadd.s32 v19, v9;
	[tilespmem:v20+s15+$0x0] =	vst.idx.add.f32.msk $0xffff, v1  }
0x1b3: {  	v7 =	vor.u32 v8, v7;
	v8 =	vor.u32 v16, v9;
	[tilespmem:v22+s5+$0x0] =	vst.idx.add.f32.msk $0xffff, v1  }
0x1b4: {  	[tilespmem:v12+s5+$0x0] =	vst.idx.add.f32.msk $0xffff, v1  }
.Ltmp11:
0x1b5: {  	v9 =	vadd.s32 $0x40, v18;
	[tilespmem:v21+s15+$0x0] =	vst.idx.add.f32.msk $0xffff, v1;
	(pc) =	sbr.rel @p2 .LBB2_17-.Ltmp11, $4  }
0x1b6: {  	[tilespmem:v11+s15+$0x0] =	vst.idx.add.f32.msk $0xffff, v1  }
0x1b7: {  	v10 =	vadd.s32 $0x40, v10;
	[tilespmem:v14+s15+$0x0] =	vst.idx.add.f32.msk $0xffff, v1  }
0x1b8: {  	[tilespmem:v13+s15+$0x0] =	vst.idx.add.f32.msk $0xffff, v1  }
0x1b9: {  	[tilespmem:v15+s15+$0x0] =	vst.idx.add.f32.msk $0xffff, v1  }
0x1ba: {  	_ =	sdelay $0x3  }
0x1bb: {  	[tilespmem:v6+s5+$0x0] =	vst.idx.add.f32.msk $0xffff, v1  }
0x1bc: {  	[tilespmem:v8+s5+$0x0] =	vst.idx.add.f32.msk $0xffff, v1  }
0x1bd: {  	[tilespmem:v7+s5+$0x0] =	vst.idx.add.f32.msk $0xffff, v1  }
0x1be: {  	v3 =	vadd.s32 $0x40, v3;
	[tilespmem:v4+s15+$0x0] =	vst.idx.add.f32.msk $0xffff, v1  }
0x1bf: {  	[tilespmem:v5+s15+$0x0] =	vst.idx.add.f32.msk $0xffff, v1  }
0x1c0: {  	[tilespmem:v2+s15+$0x0] =	vst.idx.add.f32.msk $0xffff, v1  }
0x1c1: {  	[tilespmem:v9+s15+$0x0] =	vst.idx.add.f32.msk $0xffff, v1  }
0x1c2: {  	[tilespmem:v10+s15+$0x0] =	vst.idx.add.f32.msk $0xffff, v1  }
0x1c3: {  	[tilespmem:v3+s15+$0x0] =	vst.idx.add.f32.msk $0xffff, v1  }
.Ltmp12:
0x1c4: {  	s6 =	rddreg [dreg:$0x11];
	(pc) =	sbr.rel @p1 .LBB2_20-.Ltmp12, $4  }
0x1c5: {  	s13 =	rddreg [dreg:$0x12];
	s6 =	sadd.s32 s1, s6  }
0x1c6: {  	[hbm4b:s6+s2] =	stream.linear.scatter [tilespmem:s5], [sflag:$0xB], $0x2000, $0x38;
	[tilespmem:$0xC200] =	vst v63  }
0x1c7: {  	s6 =	sadd.s32 s0, s13  }
0x1c8: {  	[hbm4b:s6+s2] =	stream.linear.scatter [tilespmem:s15], [sflag:$0xF], $0x80, $0x38;
	[tilespmem:$0xC200] =	vst v63  }
.Ltmp13:
0x1c9: {  	(pc) =	sbr.rel .LBB2_21-.Ltmp13, $4  }
0x1ca: {  	_ = 	snop  }
0x1cb: {  	_ =	swait.ge [sflag:s16], $0x800  }
0x1cc: {  	[sflag:s16] =	ssyncset.done $0x0  }
0x1cd: {  	[sflag:s16] =	ssyncadd.s32 $0xFFFFF800  }
.LBB2_20:
0x1ce: {  	s6 =	sshll.u32 s31, $0x8;
	s7 =	rddreg [dreg:$0x13]  }
.Ltmp14:
0x1cf: {  	s13 =	simm.s32 $0x1000;
	s6 =	sadd.s32 s6, s7;
	(pc) =	sbr.rel @p0 .LBB2_22-.Ltmp14, $4  }
0x1d0: {  	[tilespmem:s13], [sflag:$0x3] =	stream.linear.gather [hbm4b:s6+s2], $0x800, $0x38;
	[tilespmem:$0xC200] =	vst v63  }
0x1d1: {  	_ =	swait.ge [sflag:s16], $0x800  }
0x1d2: {  	[sflag:s16] =	ssyncset.done $0x0  }
0x1d3: {  	[sflag:s16] =	ssyncadd.s32 $0xFFFFF800  }
.LBB2_21:
0x1d4: {  	_ =	swait.ge [sflag:s18], $0x2000  }
0x1d5: {  	[sflag:s18] =	ssyncset.done $0x0  }
0x1d6: {  	[sflag:s18] =	ssyncadd.s32 $0xFFFFE000  }
0x1d7: {  	_ =	swait.ge [sflag:s19], $0x80  }
0x1d8: {  	[sflag:s19] =	ssyncset.done $0x0  }
0x1d9: {  	[sflag:s19] =	ssyncadd.s32 $0xFFFFFF80  }
.LBB2_22:
0x1da: {  	s6 =	simm.s32 $0x1880  }
0x1db: {  	v3 =	vld [tilespmem:s6+$0xFFFFFF80]  }
0x1dc: {  	v10 =	vld [tilespmem:s6+$0xFFFFFF90]  }
0x1dd: {  	v6 =	vld [tilespmem:s6+$0x70]  }
0x1de: {  	v5 =	vld [tilespmem:s6+$0xFFFFFFF0]  }
0x1df: {  	v7 =	vld [tilespmem:s6+$0x60]  }
0x1e0: {  	v8 =	vld [tilespmem:s6+$0xFFFFFFE0]  }
0x1e1: {  	v9 =	vld [tilespmem:s6+$0x50]  }
0x1e2: {  	v11 =	vld [tilespmem:s6+$0xFFFFFFD0]  }
0x1e3: {  	v2 =	vld [tilespmem:s6+$0x0]  }
0x1e4: {  	v12 =	vld [tilespmem:s6+$0x40];
	v4 =	vand.u32 $0xFFFFFF80, v6;
	v13 =	vshll.u32 v5, $0x7;
	v15 =	vand.u32 $0x7F, v6  }
0x1e5: {  	v14 =	vld [tilespmem:s6+$0xFFFFFFC0];
	v16 =	vand.u32 $0xFFFFFF80, v7;
	v17 =	vshll.u32 v8, $0x7;
	v4 =	vadd.s32 v13, v4  }
0x1e6: {  	v52 =	vld [tilespmem:s6+$0x30];
	v19 =	vand.u32 $0x7F, v7;
	v16 =	vadd.s32 v17, v16;
	v15 =	vor.u32 v15, v4  }
0x1e7: {  	v18 =	vld [tilespmem:s6+$0xFFFFFFB0];
	v53 =	vand.u32 $0xFFFFFF80, v9;
	v54 =	vshll.u32 v11, $0x7;
	v16 =	vor.u32 v19, v16  }
0x1e8: {  	v20 =	vld [tilespmem:s6+$0xFFFFFFA0];
	v22 =	vand.u32 $0x7F, v9;
	v17 =	vadd.s32 v54, v53  }
0x1e9: {  	v21 =	vadd.s32 $0x40, v5;
	v5 =	vld [tilespmem:s6+$0x10];
	v17 =	vor.u32 v22, v17  }
0x1ea: {  	v4 =	vld [tilespmem:s6+$0x20]  }
0x1eb: {  	v8 =	vadd.s32 $0x40, v8;
	[tilespmem:v15+s21+$0x0] =	vst.idx.add.f32.msk $0xffff, v1  }
0x1ec: {  	v55 =	vand.u32 $0xFFFFFF80, v12;
	v56 =	vshll.u32 v14, $0x7;
	v57 =	vand.u32 $0xFFFFFF80, v52;
	[tilespmem:v16+s21+$0x0] =	vst.idx.add.f32.msk $0xffff, v1  }
0x1ed: {  	v58 =	vshll.u32 v18, $0x7;
	v15 =	vadd.s32 v56, v55;
	[tilespmem:v6+s22+$0x0] =	vst.idx.add.f32.msk $0xffff, v1;
	v6 =	vand.u32 $0x7F, v12  }
0x1ee: {  	v59 =	vand.u32 $0x7F, v52;
	v60 =	vadd.s32 v58, v57;
	[tilespmem:v17+s21+$0x0] =	vst.idx.add.f32.msk $0xffff, v1;
	v6 =	vor.u32 v6, v15  }
0x1ef: {  	[tilespmem:v7+s22+$0x0] =	vst.idx.add.f32.msk $0xffff, v1;
	v7 =	vor.u32 v59, v60  }
0x1f0: {  	[tilespmem:v9+s22+$0x0] =	vst.idx.add.f32.msk $0xffff, v1  }
0x1f1: {  	v9 =	vadd.s32 $0x40, v14;
	[tilespmem:v21+s22+$0x0] =	vst.idx.add.f32.msk $0xffff, v1  }
0x1f2: {  	v11 =	vadd.s32 $0x40, v11;
	[tilespmem:v8+s22+$0x0] =	vst.idx.add.f32.msk $0xffff, v1  }
0x1f3: {  	v8 =	vshll.u32 v20, $0x7;
	[tilespmem:v6+s21+$0x0] =	vst.idx.add.f32.msk $0xffff, v1;
	v6 =	vand.u32 $0xFFFFFF80, v4  }
0x1f4: {  	v61 =	vadd.s32 $0x40, v18;
	[tilespmem:v7+s21+$0x0] =	vst.idx.add.f32.msk $0xffff, v1;
	v7 =	vand.u32 $0x7F, v4;
	v6 =	vadd.s32 v8, v6  }
0x1f5: {  	v62 =	vshll.u32 v10, $0x7;
	v8 =	vand.u32 $0xFFFFFF80, v5;
	[tilespmem:v12+s22+$0x0] =	vst.idx.add.f32.msk $0xffff, v1;
	v6 =	vor.u32 v7, v6  }
0x1f6: {  	[tilespmem:v9+s22+$0x0] =	vst.idx.add.f32.msk $0xffff, v1;
	v9 =	vand.u32 $0x7F, v5;
	v8 =	vadd.s32 v62, v8  }
0x1f7: {  	[tilespmem:v11+s22+$0x0] =	vst.idx.add.f32.msk $0xffff, v1;
	v11 =	vshll.u32 v3, $0x7;
	v7 =	vand.u32 $0xFFFFFF80, v2;
	v8 =	vor.u32 v9, v8  }
0x1f8: {  	v63 =	vand.u32 $0x7F, v2;
	[tilespmem:v52+s22+$0x0] =	vst.idx.add.f32.msk $0xffff, v1;
	v7 =	vadd.s32 v11, v7;
	v9 =	vadd.s32 $0x40, v20  }
0x1f9: {  	s7 =	simm.s32 $0x0;
	v10 =	vadd.s32 $0x40, v10;
	[tilespmem:v61+s22+$0x0] =	vst.idx.add.f32.msk $0xffff, v1;
	v7 =	vor.u32 v63, v7  }
.LBB2_23:
0x1fa: {  	s7 =	sadd.s32 $0x8, s7;
	[tilespmem:v6+s21+$0x0] =	vst.idx.add.f32.msk $0xffff, v1;
	s6 =	sadd.s32 $0x100, s6  }
0x1fb: {  	p0 =	slt.u32 s7, $0x38;
	[tilespmem:v4+s22+$0x0] =	vst.idx.add.f32.msk $0xffff, v1  }
0x1fc: {  	v3 =	vadd.s32 $0x40, v3;
	[tilespmem:v8+s21+$0x0] =	vst.idx.add.f32.msk $0xffff, v1  }
0x1fd: {  	[tilespmem:v9+s22+$0x0] =	vst.idx.add.f32.msk $0xffff, v1  }
0x1fe: {  	[tilespmem:v5+s22+$0x0] =	vst.idx.add.f32.msk $0xffff, v1  }
0x1ff: {  	[tilespmem:v10+s22+$0x0] =	vst.idx.add.f32.msk $0xffff, v1  }
0x200: {  	[tilespmem:v7+s21+$0x0] =	vst.idx.add.f32.msk $0xffff, v1  }
0x201: {  	[tilespmem:v2+s22+$0x0] =	vst.idx.add.f32.msk $0xffff, v1  }
0x202: {  	[tilespmem:v3+s22+$0x0] =	vst.idx.add.f32.msk $0xffff, v1  }
0x203: {  	v3 =	vld [tilespmem:s6+$0xFFFFFF80]  }
0x204: {  	v10 =	vld [tilespmem:s6+$0xFFFFFF90]  }
0x205: {  	v2 =	vld [tilespmem:s6+$0x0]  }
0x206: {  	v6 =	vld [tilespmem:s6+$0x70]  }
0x207: {  	v4 =	vld [tilespmem:s6+$0xFFFFFFF0]  }
0x208: {  	v7 =	vld [tilespmem:s6+$0x60]  }
0x209: {  	v5 =	vld [tilespmem:s6+$0xFFFFFFE0]  }
0x20a: {  	v8 =	vld [tilespmem:s6+$0x50]  }
0x20b: {  	v9 =	vld [tilespmem:s6+$0xFFFFFFD0]  }
0x20c: {  	v12 =	vand.u32 $0xFFFFFF80, v6;
	v11 =	vld [tilespmem:s6+$0x40];
	v13 =	vshll.u32 v4, $0x7  }
0x20d: {  	v15 =	vand.u32 $0x7F, v6;
	v14 =	vld [tilespmem:s6+$0xFFFFFFC0];
	v12 =	vadd.s32 v13, v12  }
0x20e: {  	v16 =	vand.u32 $0xFFFFFF80, v7;
	v13 =	vld [tilespmem:s6+$0x30];
	v17 =	vshll.u32 v5, $0x7;
	v12 =	vor.u32 v15, v12  }
0x20f: {  	v18 =	vand.u32 $0x7F, v7;
	v15 =	vld [tilespmem:s6+$0xFFFFFFB0];
	v16 =	vadd.s32 v17, v16;
	v17 =	vadd.s32 $0x40, v4  }
0x210: {  	v19 =	vand.u32 $0xFFFFFF80, v8;
	v4 =	vld [tilespmem:s6+$0x20];
	v20 =	vshll.u32 v9, $0x7;
	v16 =	vor.u32 v18, v16  }
0x211: {  	v21 =	vand.u32 $0x7F, v8;
	v18 =	vld [tilespmem:s6+$0xFFFFFFA0];
	v19 =	vadd.s32 v20, v19;
	v20 =	vadd.s32 $0x40, v5  }
0x212: {  	v22 =	vand.u32 $0xFFFFFF80, v11;
	v5 =	vld [tilespmem:s6+$0x10];
	v23 =	vshll.u32 v14, $0x7;
	v19 =	vor.u32 v21, v19  }
0x213: {  	v24 =	vand.u32 $0x7F, v11;
	v21 =	vand.u32 $0xFFFFFF80, v13;
	v22 =	vadd.s32 v23, v22;
	[tilespmem:v12+s21+$0x0] =	vst.idx.add.f32.msk $0xffff, v1  }
0x214: {  	v12 =	vshll.u32 v15, $0x7;
	v15 =	vadd.s32 $0x40, v15;
	v22 =	vor.u32 v24, v22;
	[tilespmem:v6+s22+$0x0] =	vst.idx.add.f32.msk $0xffff, v1  }
0x215: {  	v23 =	vand.u32 $0x7F, v13;
	v6 =	vand.u32 $0xFFFFFF80, v4;
	v12 =	vadd.s32 v12, v21;
	[tilespmem:v16+s21+$0x0] =	vst.idx.add.f32.msk $0xffff, v1  }
0x216: {  	v21 =	vadd.s32 $0x40, v9;
	v16 =	vshll.u32 v18, $0x7;
	v12 =	vor.u32 v23, v12;
	[tilespmem:v7+s22+$0x0] =	vst.idx.add.f32.msk $0xffff, v1  }
0x217: {  	v14 =	vadd.s32 $0x40, v14;
	v7 =	vand.u32 $0x7F, v4;
	v6 =	vadd.s32 v16, v6;
	[tilespmem:v17+s22+$0x0] =	vst.idx.add.f32.msk $0xffff, v1  }
0x218: {  	v9 =	vand.u32 $0xFFFFFF80, v5;
	v16 =	vand.u32 $0x7F, v5;
	v6 =	vor.u32 v7, v6;
	[tilespmem:v19+s21+$0x0] =	vst.idx.add.f32.msk $0xffff, v1  }
0x219: {  	v17 =	vshll.u32 v3, $0x7;
	v7 =	vand.u32 $0xFFFFFF80, v2;
	v19 =	vshll.u32 v10, $0x7;
	[tilespmem:v8+s22+$0x0] =	vst.idx.add.f32.msk $0xffff, v1  }
0x21a: {  	v8 =	vand.u32 $0x7F, v2;
	v7 =	vadd.s32 v17, v7;
	v9 =	vadd.s32 v19, v9;
	[tilespmem:v20+s22+$0x0] =	vst.idx.add.f32.msk $0xffff, v1  }
0x21b: {  	v7 =	vor.u32 v8, v7;
	v8 =	vor.u32 v16, v9;
	[tilespmem:v22+s21+$0x0] =	vst.idx.add.f32.msk $0xffff, v1  }
0x21c: {  	[tilespmem:v12+s21+$0x0] =	vst.idx.add.f32.msk $0xffff, v1  }
.Ltmp15:
0x21d: {  	v9 =	vadd.s32 $0x40, v18;
	[tilespmem:v21+s22+$0x0] =	vst.idx.add.f32.msk $0xffff, v1;
	(pc) =	sbr.rel @p0 .LBB2_23-.Ltmp15, $4  }
0x21e: {  	[tilespmem:v11+s22+$0x0] =	vst.idx.add.f32.msk $0xffff, v1  }
0x21f: {  	v10 =	vadd.s32 $0x40, v10;
	[tilespmem:v14+s22+$0x0] =	vst.idx.add.f32.msk $0xffff, v1  }
0x220: {  	[tilespmem:v13+s22+$0x0] =	vst.idx.add.f32.msk $0xffff, v1  }
0x221: {  	[tilespmem:v15+s22+$0x0] =	vst.idx.add.f32.msk $0xffff, v1  }
0x222: {  	_ =	sdelay $0x3  }
0x223: {  	[tilespmem:v6+s21+$0x0] =	vst.idx.add.f32.msk $0xffff, v1  }
0x224: {  	[tilespmem:v8+s21+$0x0] =	vst.idx.add.f32.msk $0xffff, v1  }
0x225: {  	[tilespmem:v7+s21+$0x0] =	vst.idx.add.f32.msk $0xffff, v1  }
0x226: {  	v3 =	vadd.s32 $0x40, v3;
	[tilespmem:v4+s22+$0x0] =	vst.idx.add.f32.msk $0xffff, v1  }
0x227: {  	[tilespmem:v5+s22+$0x0] =	vst.idx.add.f32.msk $0xffff, v1  }
0x228: {  	[tilespmem:v2+s22+$0x0] =	vst.idx.add.f32.msk $0xffff, v1  }
0x229: {  	[tilespmem:v9+s22+$0x0] =	vst.idx.add.f32.msk $0xffff, v1  }
0x22a: {  	[tilespmem:v10+s22+$0x0] =	vst.idx.add.f32.msk $0xffff, v1  }
0x22b: {  	[tilespmem:v3+s22+$0x0] =	vst.idx.add.f32.msk $0xffff, v1  }
0x22c: {  	s6 =	rddreg [dreg:$0x14]  }
0x22d: {  	s13 =	rddreg [dreg:$0x15];
	s6 =	sadd.s32 s1, s6  }
0x22e: {  	[hbm4b:s6+s2] =	stream.linear.scatter [tilespmem:s21], [sflag:$0xC], $0x2000, $0x38;
	[tilespmem:$0xC200] =	vst v63  }
0x22f: {  	p0 =	seq.s32 s30, $0x3;
	s6 =	sadd.s32 s0, s13  }
0x230: {  	[hbm4b:s6+s2] =	stream.linear.scatter [tilespmem:s22], [sflag:$0x10], $0x80, $0x38;
	[tilespmem:$0xC200] =	vst v63  }
0x231: {  	s7 =	rddreg [dreg:$0x16];
	s6 =	sshll.u32 @!p0 s31, $0x8  }
0x232: {  	s11 =	simm.s32 @!p0 $0x1800;
	s13 =	simm.s32 @!p0 $0x0;
	s7 =	sadd.s32 @!p0 s6, s7  }
0x233: {  	[tilespmem:s11], [sflag:$0x4] =	stream.linear.gather @!p0 [hbm4b:s7+s13], $0x800, $0x38;
	[tilespmem:$0xC200] =	vst v63  }
0x234: {  	_ =	swait.ge [sflag:s23], $0x800  }
0x235: {  	[sflag:s23] =	ssyncset.done $0x0  }
0x236: {  	[sflag:s23] =	ssyncadd.s32 $0xFFFFF800  }
0x237: {  	_ =	swait.ge [sflag:s24], $0x2000  }
0x238: {  	[sflag:s24] =	ssyncset.done $0x0  }
0x239: {  	[sflag:s24] =	ssyncadd.s32 $0xFFFFE000  }
0x23a: {  	_ =	swait.ge [sflag:s25], $0x80  }
0x23b: {  	[sflag:s25] =	ssyncset.done $0x0  }
0x23c: {  	s7 =	simm.s32 $0x2080;
	[sflag:s25] =	ssyncadd.s32 $0xFFFFFF80  }
0x23d: {  	v3 =	vld [tilespmem:s7+$0xFFFFFF80]  }
0x23e: {  	v10 =	vld [tilespmem:s7+$0xFFFFFF90]  }
0x23f: {  	v6 =	vld [tilespmem:s7+$0x70]  }
0x240: {  	v5 =	vld [tilespmem:s7+$0xFFFFFFF0]  }
0x241: {  	v7 =	vld [tilespmem:s7+$0x60]  }
0x242: {  	v8 =	vld [tilespmem:s7+$0xFFFFFFE0]  }
0x243: {  	v9 =	vld [tilespmem:s7+$0x50]  }
0x244: {  	v11 =	vld [tilespmem:s7+$0xFFFFFFD0]  }
0x245: {  	v2 =	vld [tilespmem:s7+$0x0]  }
0x246: {  	v12 =	vld [tilespmem:s7+$0x40];
	v4 =	vand.u32 $0xFFFFFF80, v6;
	v13 =	vshll.u32 v5, $0x7;
	v15 =	vand.u32 $0x7F, v6  }
0x247: {  	v14 =	vld [tilespmem:s7+$0xFFFFFFC0];
	v16 =	vand.u32 $0xFFFFFF80, v7;
	v17 =	vshll.u32 v8, $0x7;
	v4 =	vadd.s32 v13, v4  }
0x248: {  	v52 =	vld [tilespmem:s7+$0x30];
	v19 =	vand.u32 $0x7F, v7;
	v16 =	vadd.s32 v17, v16;
	v15 =	vor.u32 v15, v4  }
0x249: {  	v18 =	vld [tilespmem:s7+$0xFFFFFFB0];
	v53 =	vand.u32 $0xFFFFFF80, v9;
	v54 =	vshll.u32 v11, $0x7;
	v16 =	vor.u32 v19, v16  }
0x24a: {  	v20 =	vld [tilespmem:s7+$0xFFFFFFA0];
	v22 =	vand.u32 $0x7F, v9;
	v17 =	vadd.s32 v54, v53  }
0x24b: {  	v21 =	vadd.s32 $0x40, v5;
	v5 =	vld [tilespmem:s7+$0x10];
	v17 =	vor.u32 v22, v17  }
0x24c: {  	v4 =	vld [tilespmem:s7+$0x20]  }
0x24d: {  	v8 =	vadd.s32 $0x40, v8;
	[tilespmem:v15+s9+$0x0] =	vst.idx.add.f32.msk $0xffff, v1  }
0x24e: {  	v55 =	vand.u32 $0xFFFFFF80, v12;
	v56 =	vshll.u32 v14, $0x7;
	v57 =	vand.u32 $0xFFFFFF80, v52;
	[tilespmem:v16+s9+$0x0] =	vst.idx.add.f32.msk $0xffff, v1  }
0x24f: {  	v58 =	vshll.u32 v18, $0x7;
	v15 =	vadd.s32 v56, v55;
	[tilespmem:v6+s10+$0x0] =	vst.idx.add.f32.msk $0xffff, v1;
	v6 =	vand.u32 $0x7F, v12  }
0x250: {  	v59 =	vand.u32 $0x7F, v52;
	v60 =	vadd.s32 v58, v57;
	[tilespmem:v17+s9+$0x0] =	vst.idx.add.f32.msk $0xffff, v1;
	v6 =	vor.u32 v6, v15  }
0x251: {  	[tilespmem:v7+s10+$0x0] =	vst.idx.add.f32.msk $0xffff, v1;
	v7 =	vor.u32 v59, v60  }
0x252: {  	[tilespmem:v9+s10+$0x0] =	vst.idx.add.f32.msk $0xffff, v1  }
0x253: {  	v9 =	vadd.s32 $0x40, v14;
	[tilespmem:v21+s10+$0x0] =	vst.idx.add.f32.msk $0xffff, v1  }
0x254: {  	v11 =	vadd.s32 $0x40, v11;
	[tilespmem:v8+s10+$0x0] =	vst.idx.add.f32.msk $0xffff, v1  }
0x255: {  	v8 =	vshll.u32 v20, $0x7;
	[tilespmem:v6+s9+$0x0] =	vst.idx.add.f32.msk $0xffff, v1;
	v6 =	vand.u32 $0xFFFFFF80, v4  }
0x256: {  	v61 =	vadd.s32 $0x40, v18;
	[tilespmem:v7+s9+$0x0] =	vst.idx.add.f32.msk $0xffff, v1;
	v7 =	vand.u32 $0x7F, v4;
	v6 =	vadd.s32 v8, v6  }
0x257: {  	v62 =	vshll.u32 v10, $0x7;
	v8 =	vand.u32 $0xFFFFFF80, v5;
	[tilespmem:v12+s10+$0x0] =	vst.idx.add.f32.msk $0xffff, v1;
	v6 =	vor.u32 v7, v6  }
0x258: {  	[tilespmem:v9+s10+$0x0] =	vst.idx.add.f32.msk $0xffff, v1;
	v9 =	vand.u32 $0x7F, v5;
	v8 =	vadd.s32 v62, v8  }
0x259: {  	[tilespmem:v11+s10+$0x0] =	vst.idx.add.f32.msk $0xffff, v1;
	v11 =	vshll.u32 v3, $0x7;
	v7 =	vand.u32 $0xFFFFFF80, v2;
	v8 =	vor.u32 v9, v8  }
0x25a: {  	v63 =	vand.u32 $0x7F, v2;
	[tilespmem:v52+s10+$0x0] =	vst.idx.add.f32.msk $0xffff, v1;
	v7 =	vadd.s32 v11, v7;
	v9 =	vadd.s32 $0x40, v20  }
0x25b: {  	s13 =	simm.s32 $0x0;
	v10 =	vadd.s32 $0x40, v10;
	[tilespmem:v61+s10+$0x0] =	vst.idx.add.f32.msk $0xffff, v1;
	v7 =	vor.u32 v63, v7  }
.LBB2_25:
0x25c: {  	s13 =	sadd.s32 $0x8, s13;
	[tilespmem:v6+s9+$0x0] =	vst.idx.add.f32.msk $0xffff, v1;
	s7 =	sadd.s32 $0x100, s7  }
0x25d: {  	p1 =	slt.u32 s13, $0x38;
	[tilespmem:v4+s10+$0x0] =	vst.idx.add.f32.msk $0xffff, v1  }
0x25e: {  	v3 =	vadd.s32 $0x40, v3;
	[tilespmem:v8+s9+$0x0] =	vst.idx.add.f32.msk $0xffff, v1  }
0x25f: {  	[tilespmem:v9+s10+$0x0] =	vst.idx.add.f32.msk $0xffff, v1  }
0x260: {  	[tilespmem:v5+s10+$0x0] =	vst.idx.add.f32.msk $0xffff, v1  }
0x261: {  	[tilespmem:v10+s10+$0x0] =	vst.idx.add.f32.msk $0xffff, v1  }
0x262: {  	[tilespmem:v7+s9+$0x0] =	vst.idx.add.f32.msk $0xffff, v1  }
0x263: {  	[tilespmem:v2+s10+$0x0] =	vst.idx.add.f32.msk $0xffff, v1  }
0x264: {  	[tilespmem:v3+s10+$0x0] =	vst.idx.add.f32.msk $0xffff, v1  }
0x265: {  	v3 =	vld [tilespmem:s7+$0xFFFFFF80]  }
0x266: {  	v10 =	vld [tilespmem:s7+$0xFFFFFF90]  }
0x267: {  	v2 =	vld [tilespmem:s7+$0x0]  }
0x268: {  	v6 =	vld [tilespmem:s7+$0x70]  }
0x269: {  	v4 =	vld [tilespmem:s7+$0xFFFFFFF0]  }
0x26a: {  	v7 =	vld [tilespmem:s7+$0x60]  }
0x26b: {  	v5 =	vld [tilespmem:s7+$0xFFFFFFE0]  }
0x26c: {  	v8 =	vld [tilespmem:s7+$0x50]  }
0x26d: {  	v9 =	vld [tilespmem:s7+$0xFFFFFFD0]  }
0x26e: {  	v12 =	vand.u32 $0xFFFFFF80, v6;
	v11 =	vld [tilespmem:s7+$0x40];
	v13 =	vshll.u32 v4, $0x7  }
0x26f: {  	v15 =	vand.u32 $0x7F, v6;
	v14 =	vld [tilespmem:s7+$0xFFFFFFC0];
	v12 =	vadd.s32 v13, v12  }
0x270: {  	v16 =	vand.u32 $0xFFFFFF80, v7;
	v13 =	vld [tilespmem:s7+$0x30];
	v17 =	vshll.u32 v5, $0x7;
	v12 =	vor.u32 v15, v12  }
0x271: {  	v18 =	vand.u32 $0x7F, v7;
	v15 =	vld [tilespmem:s7+$0xFFFFFFB0];
	v16 =	vadd.s32 v17, v16;
	v17 =	vadd.s32 $0x40, v4  }
0x272: {  	v19 =	vand.u32 $0xFFFFFF80, v8;
	v4 =	vld [tilespmem:s7+$0x20];
	v20 =	vshll.u32 v9, $0x7;
	v16 =	vor.u32 v18, v16  }
0x273: {  	v21 =	vand.u32 $0x7F, v8;
	v18 =	vld [tilespmem:s7+$0xFFFFFFA0];
	v19 =	vadd.s32 v20, v19;
	v20 =	vadd.s32 $0x40, v5  }
0x274: {  	v22 =	vand.u32 $0xFFFFFF80, v11;
	v5 =	vld [tilespmem:s7+$0x10];
	v23 =	vshll.u32 v14, $0x7;
	v19 =	vor.u32 v21, v19  }
0x275: {  	v24 =	vand.u32 $0x7F, v11;
	v21 =	vand.u32 $0xFFFFFF80, v13;
	v22 =	vadd.s32 v23, v22;
	[tilespmem:v12+s9+$0x0] =	vst.idx.add.f32.msk $0xffff, v1  }
0x276: {  	v12 =	vshll.u32 v15, $0x7;
	v15 =	vadd.s32 $0x40, v15;
	v22 =	vor.u32 v24, v22;
	[tilespmem:v6+s10+$0x0] =	vst.idx.add.f32.msk $0xffff, v1  }
0x277: {  	v23 =	vand.u32 $0x7F, v13;
	v6 =	vand.u32 $0xFFFFFF80, v4;
	v12 =	vadd.s32 v12, v21;
	[tilespmem:v16+s9+$0x0] =	vst.idx.add.f32.msk $0xffff, v1  }
0x278: {  	v21 =	vadd.s32 $0x40, v9;
	v16 =	vshll.u32 v18, $0x7;
	v12 =	vor.u32 v23, v12;
	[tilespmem:v7+s10+$0x0] =	vst.idx.add.f32.msk $0xffff, v1  }
0x279: {  	v14 =	vadd.s32 $0x40, v14;
	v7 =	vand.u32 $0x7F, v4;
	v6 =	vadd.s32 v16, v6;
	[tilespmem:v17+s10+$0x0] =	vst.idx.add.f32.msk $0xffff, v1  }
0x27a: {  	v9 =	vand.u32 $0xFFFFFF80, v5;
	v16 =	vand.u32 $0x7F, v5;
	v6 =	vor.u32 v7, v6;
	[tilespmem:v19+s9+$0x0] =	vst.idx.add.f32.msk $0xffff, v1  }
0x27b: {  	v17 =	vshll.u32 v3, $0x7;
	v7 =	vand.u32 $0xFFFFFF80, v2;
	v19 =	vshll.u32 v10, $0x7;
	[tilespmem:v8+s10+$0x0] =	vst.idx.add.f32.msk $0xffff, v1  }
0x27c: {  	v8 =	vand.u32 $0x7F, v2;
	v7 =	vadd.s32 v17, v7;
	v9 =	vadd.s32 v19, v9;
	[tilespmem:v20+s10+$0x0] =	vst.idx.add.f32.msk $0xffff, v1  }
0x27d: {  	v7 =	vor.u32 v8, v7;
	v8 =	vor.u32 v16, v9;
	[tilespmem:v22+s9+$0x0] =	vst.idx.add.f32.msk $0xffff, v1  }
0x27e: {  	[tilespmem:v12+s9+$0x0] =	vst.idx.add.f32.msk $0xffff, v1  }
.Ltmp16:
0x27f: {  	v9 =	vadd.s32 $0x40, v18;
	[tilespmem:v21+s10+$0x0] =	vst.idx.add.f32.msk $0xffff, v1;
	(pc) =	sbr.rel @p1 .LBB2_25-.Ltmp16, $4  }
0x280: {  	[tilespmem:v11+s10+$0x0] =	vst.idx.add.f32.msk $0xffff, v1  }
0x281: {  	v10 =	vadd.s32 $0x40, v10;
	[tilespmem:v14+s10+$0x0] =	vst.idx.add.f32.msk $0xffff, v1  }
0x282: {  	[tilespmem:v13+s10+$0x0] =	vst.idx.add.f32.msk $0xffff, v1  }
0x283: {  	[tilespmem:v15+s10+$0x0] =	vst.idx.add.f32.msk $0xffff, v1  }
0x284: {  	_ =	sdelay $0x3  }
0x285: {  	[tilespmem:v6+s9+$0x0] =	vst.idx.add.f32.msk $0xffff, v1  }
0x286: {  	[tilespmem:v8+s9+$0x0] =	vst.idx.add.f32.msk $0xffff, v1  }
0x287: {  	[tilespmem:v7+s9+$0x0] =	vst.idx.add.f32.msk $0xffff, v1  }
0x288: {  	v3 =	vadd.s32 $0x40, v3;
	[tilespmem:v4+s10+$0x0] =	vst.idx.add.f32.msk $0xffff, v1  }
0x289: {  	[tilespmem:v5+s10+$0x0] =	vst.idx.add.f32.msk $0xffff, v1  }
0x28a: {  	[tilespmem:v2+s10+$0x0] =	vst.idx.add.f32.msk $0xffff, v1  }
0x28b: {  	[tilespmem:v9+s10+$0x0] =	vst.idx.add.f32.msk $0xffff, v1  }
0x28c: {  	[tilespmem:v10+s10+$0x0] =	vst.idx.add.f32.msk $0xffff, v1  }
0x28d: {  	[tilespmem:v3+s10+$0x0] =	vst.idx.add.f32.msk $0xffff, v1  }
0x28e: {  	s7 =	rddreg [dreg:$0x17]  }
0x28f: {  	s13 =	rddreg [dreg:$0x18];
	s7 =	sadd.s32 s1, s7  }
0x290: {  	[hbm4b:s7+s2] =	stream.linear.scatter [tilespmem:s9], [sflag:$0x9], $0x2000, $0x38;
	[tilespmem:$0xC200] =	vst v63  }
0x291: {  	s7 =	sadd.s32 s0, s13  }
0x292: {  	[hbm4b:s7+s2] =	stream.linear.scatter [tilespmem:s10], [sflag:$0xD], $0x80, $0x38;
	[tilespmem:$0xC200] =	vst v63  }
0x293: {  	s7 =	rddreg [dreg:$0x19]  }
0x294: {  	s11 =	simm.s32 @!p0 $0x0;
	s13 =	simm.s32 @!p0 $0x2000;
	s7 =	sadd.s32 @!p0 s6, s7  }
0x295: {  	[tilespmem:s13], [sflag:$0x5] =	stream.linear.gather @!p0 [hbm4b:s7+s11], $0x800, $0x38;
	[tilespmem:$0xC200] =	vst v63  }
0x296: {  	_ =	swait.ge [sflag:s26], $0x800  }
0x297: {  	[sflag:s26] =	ssyncset.done $0x0  }
0x298: {  	[sflag:s26] =	ssyncadd.s32 $0xFFFFF800  }
0x299: {  	_ =	swait.ge [sflag:s14], $0x2000  }
0x29a: {  	[sflag:s14] =	ssyncset.done $0x0  }
0x29b: {  	[sflag:s14] =	ssyncadd.s32 $0xFFFFE000  }
0x29c: {  	_ =	swait.ge [sflag:s17], $0x80  }
0x29d: {  	[sflag:s17] =	ssyncset.done $0x0  }
0x29e: {  	s7 =	simm.s32 $0x2880;
	[sflag:s17] =	ssyncadd.s32 $0xFFFFFF80  }
0x29f: {  	v3 =	vld [tilespmem:s7+$0xFFFFFF80]  }
0x2a0: {  	v10 =	vld [tilespmem:s7+$0xFFFFFF90]  }
0x2a1: {  	v6 =	vld [tilespmem:s7+$0x70]  }
0x2a2: {  	v5 =	vld [tilespmem:s7+$0xFFFFFFF0]  }
0x2a3: {  	v7 =	vld [tilespmem:s7+$0x60]  }
0x2a4: {  	v8 =	vld [tilespmem:s7+$0xFFFFFFE0]  }
0x2a5: {  	v9 =	vld [tilespmem:s7+$0x50]  }
0x2a6: {  	v11 =	vld [tilespmem:s7+$0xFFFFFFD0]  }
0x2a7: {  	v2 =	vld [tilespmem:s7+$0x0]  }
0x2a8: {  	v12 =	vld [tilespmem:s7+$0x40];
	v4 =	vand.u32 $0xFFFFFF80, v6;
	v13 =	vshll.u32 v5, $0x7;
	v15 =	vand.u32 $0x7F, v6  }
0x2a9: {  	v14 =	vld [tilespmem:s7+$0xFFFFFFC0];
	v16 =	vand.u32 $0xFFFFFF80, v7;
	v17 =	vshll.u32 v8, $0x7;
	v4 =	vadd.s32 v13, v4  }
0x2aa: {  	v52 =	vld [tilespmem:s7+$0x30];
	v19 =	vand.u32 $0x7F, v7;
	v16 =	vadd.s32 v17, v16;
	v15 =	vor.u32 v15, v4  }
0x2ab: {  	v18 =	vld [tilespmem:s7+$0xFFFFFFB0];
	v53 =	vand.u32 $0xFFFFFF80, v9;
	v54 =	vshll.u32 v11, $0x7;
	v16 =	vor.u32 v19, v16  }
0x2ac: {  	v20 =	vld [tilespmem:s7+$0xFFFFFFA0];
	v22 =	vand.u32 $0x7F, v9;
	v17 =	vadd.s32 v54, v53  }
0x2ad: {  	v21 =	vadd.s32 $0x40, v5;
	v5 =	vld [tilespmem:s7+$0x10];
	v17 =	vor.u32 v22, v17  }
0x2ae: {  	v4 =	vld [tilespmem:s7+$0x20]  }
0x2af: {  	v8 =	vadd.s32 $0x40, v8;
	[tilespmem:v15+s20+$0x0] =	vst.idx.add.f32.msk $0xffff, v1  }
0x2b0: {  	v55 =	vand.u32 $0xFFFFFF80, v12;
	v56 =	vshll.u32 v14, $0x7;
	v57 =	vand.u32 $0xFFFFFF80, v52;
	[tilespmem:v16+s20+$0x0] =	vst.idx.add.f32.msk $0xffff, v1  }
0x2b1: {  	v58 =	vshll.u32 v18, $0x7;
	v15 =	vadd.s32 v56, v55;
	[tilespmem:v6+s12+$0x0] =	vst.idx.add.f32.msk $0xffff, v1;
	v6 =	vand.u32 $0x7F, v12  }
0x2b2: {  	v59 =	vand.u32 $0x7F, v52;
	v60 =	vadd.s32 v58, v57;
	[tilespmem:v17+s20+$0x0] =	vst.idx.add.f32.msk $0xffff, v1;
	v6 =	vor.u32 v6, v15  }
0x2b3: {  	[tilespmem:v7+s12+$0x0] =	vst.idx.add.f32.msk $0xffff, v1;
	v7 =	vor.u32 v59, v60  }
0x2b4: {  	[tilespmem:v9+s12+$0x0] =	vst.idx.add.f32.msk $0xffff, v1  }
0x2b5: {  	v9 =	vadd.s32 $0x40, v14;
	[tilespmem:v21+s12+$0x0] =	vst.idx.add.f32.msk $0xffff, v1  }
0x2b6: {  	v11 =	vadd.s32 $0x40, v11;
	[tilespmem:v8+s12+$0x0] =	vst.idx.add.f32.msk $0xffff, v1  }
0x2b7: {  	v8 =	vshll.u32 v20, $0x7;
	[tilespmem:v6+s20+$0x0] =	vst.idx.add.f32.msk $0xffff, v1;
	v6 =	vand.u32 $0xFFFFFF80, v4  }
0x2b8: {  	v61 =	vadd.s32 $0x40, v18;
	[tilespmem:v7+s20+$0x0] =	vst.idx.add.f32.msk $0xffff, v1;
	v7 =	vand.u32 $0x7F, v4;
	v6 =	vadd.s32 v8, v6  }
0x2b9: {  	v62 =	vshll.u32 v10, $0x7;
	v8 =	vand.u32 $0xFFFFFF80, v5;
	[tilespmem:v12+s12+$0x0] =	vst.idx.add.f32.msk $0xffff, v1;
	v6 =	vor.u32 v7, v6  }
0x2ba: {  	[tilespmem:v9+s12+$0x0] =	vst.idx.add.f32.msk $0xffff, v1;
	v9 =	vand.u32 $0x7F, v5;
	v8 =	vadd.s32 v62, v8  }
0x2bb: {  	[tilespmem:v11+s12+$0x0] =	vst.idx.add.f32.msk $0xffff, v1;
	v11 =	vshll.u32 v3, $0x7;
	v7 =	vand.u32 $0xFFFFFF80, v2;
	v8 =	vor.u32 v9, v8  }
0x2bc: {  	v63 =	vand.u32 $0x7F, v2;
	[tilespmem:v52+s12+$0x0] =	vst.idx.add.f32.msk $0xffff, v1;
	v7 =	vadd.s32 v11, v7;
	v9 =	vadd.s32 $0x40, v20  }
0x2bd: {  	s13 =	simm.s32 $0x0;
	v10 =	vadd.s32 $0x40, v10;
	[tilespmem:v61+s12+$0x0] =	vst.idx.add.f32.msk $0xffff, v1;
	v7 =	vor.u32 v63, v7  }
.LBB2_27:
0x2be: {  	s13 =	sadd.s32 $0x8, s13;
	[tilespmem:v6+s20+$0x0] =	vst.idx.add.f32.msk $0xffff, v1;
	s7 =	sadd.s32 $0x100, s7  }
0x2bf: {  	p1 =	slt.u32 s13, $0x38;
	[tilespmem:v4+s12+$0x0] =	vst.idx.add.f32.msk $0xffff, v1  }
0x2c0: {  	v3 =	vadd.s32 $0x40, v3;
	[tilespmem:v8+s20+$0x0] =	vst.idx.add.f32.msk $0xffff, v1  }
0x2c1: {  	[tilespmem:v9+s12+$0x0] =	vst.idx.add.f32.msk $0xffff, v1  }
0x2c2: {  	[tilespmem:v5+s12+$0x0] =	vst.idx.add.f32.msk $0xffff, v1  }
0x2c3: {  	[tilespmem:v10+s12+$0x0] =	vst.idx.add.f32.msk $0xffff, v1  }
0x2c4: {  	[tilespmem:v7+s20+$0x0] =	vst.idx.add.f32.msk $0xffff, v1  }
0x2c5: {  	[tilespmem:v2+s12+$0x0] =	vst.idx.add.f32.msk $0xffff, v1  }
0x2c6: {  	[tilespmem:v3+s12+$0x0] =	vst.idx.add.f32.msk $0xffff, v1  }
0x2c7: {  	v3 =	vld [tilespmem:s7+$0xFFFFFF80]  }
0x2c8: {  	v10 =	vld [tilespmem:s7+$0xFFFFFF90]  }
0x2c9: {  	v2 =	vld [tilespmem:s7+$0x0]  }
0x2ca: {  	v6 =	vld [tilespmem:s7+$0x70]  }
0x2cb: {  	v4 =	vld [tilespmem:s7+$0xFFFFFFF0]  }
0x2cc: {  	v7 =	vld [tilespmem:s7+$0x60]  }
0x2cd: {  	v5 =	vld [tilespmem:s7+$0xFFFFFFE0]  }
0x2ce: {  	v8 =	vld [tilespmem:s7+$0x50]  }
0x2cf: {  	v9 =	vld [tilespmem:s7+$0xFFFFFFD0]  }
0x2d0: {  	v12 =	vand.u32 $0xFFFFFF80, v6;
	v11 =	vld [tilespmem:s7+$0x40];
	v13 =	vshll.u32 v4, $0x7  }
0x2d1: {  	v15 =	vand.u32 $0x7F, v6;
	v14 =	vld [tilespmem:s7+$0xFFFFFFC0];
	v12 =	vadd.s32 v13, v12  }
0x2d2: {  	v16 =	vand.u32 $0xFFFFFF80, v7;
	v13 =	vld [tilespmem:s7+$0x30];
	v17 =	vshll.u32 v5, $0x7;
	v12 =	vor.u32 v15, v12  }
0x2d3: {  	v18 =	vand.u32 $0x7F, v7;
	v15 =	vld [tilespmem:s7+$0xFFFFFFB0];
	v16 =	vadd.s32 v17, v16;
	v17 =	vadd.s32 $0x40, v4  }
0x2d4: {  	v19 =	vand.u32 $0xFFFFFF80, v8;
	v4 =	vld [tilespmem:s7+$0x20];
	v20 =	vshll.u32 v9, $0x7;
	v16 =	vor.u32 v18, v16  }
0x2d5: {  	v21 =	vand.u32 $0x7F, v8;
	v18 =	vld [tilespmem:s7+$0xFFFFFFA0];
	v19 =	vadd.s32 v20, v19;
	v20 =	vadd.s32 $0x40, v5  }
0x2d6: {  	v22 =	vand.u32 $0xFFFFFF80, v11;
	v5 =	vld [tilespmem:s7+$0x10];
	v23 =	vshll.u32 v14, $0x7;
	v19 =	vor.u32 v21, v19  }
0x2d7: {  	v24 =	vand.u32 $0x7F, v11;
	v21 =	vand.u32 $0xFFFFFF80, v13;
	v22 =	vadd.s32 v23, v22;
	[tilespmem:v12+s20+$0x0] =	vst.idx.add.f32.msk $0xffff, v1  }
0x2d8: {  	v12 =	vshll.u32 v15, $0x7;
	v15 =	vadd.s32 $0x40, v15;
	v22 =	vor.u32 v24, v22;
	[tilespmem:v6+s12+$0x0] =	vst.idx.add.f32.msk $0xffff, v1  }
0x2d9: {  	v23 =	vand.u32 $0x7F, v13;
	v6 =	vand.u32 $0xFFFFFF80, v4;
	v12 =	vadd.s32 v12, v21;
	[tilespmem:v16+s20+$0x0] =	vst.idx.add.f32.msk $0xffff, v1  }
0x2da: {  	v21 =	vadd.s32 $0x40, v9;
	v16 =	vshll.u32 v18, $0x7;
	v12 =	vor.u32 v23, v12;
	[tilespmem:v7+s12+$0x0] =	vst.idx.add.f32.msk $0xffff, v1  }
0x2db: {  	v14 =	vadd.s32 $0x40, v14;
	v7 =	vand.u32 $0x7F, v4;
	v6 =	vadd.s32 v16, v6;
	[tilespmem:v17+s12+$0x0] =	vst.idx.add.f32.msk $0xffff, v1  }
0x2dc: {  	v9 =	vand.u32 $0xFFFFFF80, v5;
	v16 =	vand.u32 $0x7F, v5;
	v6 =	vor.u32 v7, v6;
	[tilespmem:v19+s20+$0x0] =	vst.idx.add.f32.msk $0xffff, v1  }
0x2dd: {  	v17 =	vshll.u32 v3, $0x7;
	v7 =	vand.u32 $0xFFFFFF80, v2;
	v19 =	vshll.u32 v10, $0x7;
	[tilespmem:v8+s12+$0x0] =	vst.idx.add.f32.msk $0xffff, v1  }
0x2de: {  	v8 =	vand.u32 $0x7F, v2;
	v7 =	vadd.s32 v17, v7;
	v9 =	vadd.s32 v19, v9;
	[tilespmem:v20+s12+$0x0] =	vst.idx.add.f32.msk $0xffff, v1  }
0x2df: {  	v7 =	vor.u32 v8, v7;
	v8 =	vor.u32 v16, v9;
	[tilespmem:v22+s20+$0x0] =	vst.idx.add.f32.msk $0xffff, v1  }
0x2e0: {  	[tilespmem:v12+s20+$0x0] =	vst.idx.add.f32.msk $0xffff, v1  }
.Ltmp17:
0x2e1: {  	v9 =	vadd.s32 $0x40, v18;
	[tilespmem:v21+s12+$0x0] =	vst.idx.add.f32.msk $0xffff, v1;
	(pc) =	sbr.rel @p1 .LBB2_27-.Ltmp17, $4  }
0x2e2: {  	[tilespmem:v11+s12+$0x0] =	vst.idx.add.f32.msk $0xffff, v1  }
0x2e3: {  	v10 =	vadd.s32 $0x40, v10;
	[tilespmem:v14+s12+$0x0] =	vst.idx.add.f32.msk $0xffff, v1  }
0x2e4: {  	[tilespmem:v13+s12+$0x0] =	vst.idx.add.f32.msk $0xffff, v1  }
0x2e5: {  	[tilespmem:v15+s12+$0x0] =	vst.idx.add.f32.msk $0xffff, v1  }
0x2e6: {  	_ =	sdelay $0x3  }
0x2e7: {  	[tilespmem:v6+s20+$0x0] =	vst.idx.add.f32.msk $0xffff, v1  }
0x2e8: {  	[tilespmem:v8+s20+$0x0] =	vst.idx.add.f32.msk $0xffff, v1  }
0x2e9: {  	[tilespmem:v7+s20+$0x0] =	vst.idx.add.f32.msk $0xffff, v1  }
0x2ea: {  	v3 =	vadd.s32 $0x40, v3;
	[tilespmem:v4+s12+$0x0] =	vst.idx.add.f32.msk $0xffff, v1  }
0x2eb: {  	[tilespmem:v5+s12+$0x0] =	vst.idx.add.f32.msk $0xffff, v1  }
0x2ec: {  	[tilespmem:v2+s12+$0x0] =	vst.idx.add.f32.msk $0xffff, v1  }
0x2ed: {  	[tilespmem:v9+s12+$0x0] =	vst.idx.add.f32.msk $0xffff, v1  }
0x2ee: {  	[tilespmem:v10+s12+$0x0] =	vst.idx.add.f32.msk $0xffff, v1  }
0x2ef: {  	[tilespmem:v3+s12+$0x0] =	vst.idx.add.f32.msk $0xffff, v1  }
0x2f0: {  	s7 =	rddreg [dreg:$0x1a]  }
0x2f1: {  	s13 =	rddreg [dreg:$0x1b];
	s7 =	sadd.s32 s1, s7  }
0x2f2: {  	[hbm4b:s7+s2] =	stream.linear.scatter [tilespmem:s20], [sflag:$0xA], $0x2000, $0x38;
	[tilespmem:$0xC200] =	vst v63  }
0x2f3: {  	s7 =	sadd.s32 s0, s13  }
0x2f4: {  	[hbm4b:s7+s2] =	stream.linear.scatter [tilespmem:s12], [sflag:$0xE], $0x80, $0x38;
	[tilespmem:$0xC200] =	vst v63  }
0x2f5: {  	s7 =	rddreg [dreg:$0x1c]  }
0x2f6: {  	s11 =	simm.s32 @!p0 $0x0;
	s13 =	simm.s32 @!p0 $0x2800;
	s7 =	sadd.s32 @!p0 s6, s7  }
0x2f7: {  	[tilespmem:s13], [sflag:$0x6] =	stream.linear.gather @!p0 [hbm4b:s7+s11], $0x800, $0x38;
	[tilespmem:$0xC200] =	vst v63  }
0x2f8: {  	_ =	swait.ge [sflag:s28], $0x800  }
0x2f9: {  	[sflag:s28] =	ssyncset.done $0x0  }
0x2fa: {  	[sflag:s28] =	ssyncadd.s32 $0xFFFFF800  }
0x2fb: {  	_ =	swait.ge [sflag:s3], $0x2000  }
0x2fc: {  	[sflag:s3] =	ssyncset.done $0x0  }
0x2fd: {  	[sflag:s3] =	ssyncadd.s32 $0xFFFFE000  }
0x2fe: {  	_ =	swait.ge [sflag:s4], $0x80  }
0x2ff: {  	[sflag:s4] =	ssyncset.done $0x0  }
0x300: {  	s7 =	simm.s32 $0x3080;
	[sflag:s4] =	ssyncadd.s32 $0xFFFFFF80  }
0x301: {  	v3 =	vld [tilespmem:s7+$0xFFFFFF80]  }
0x302: {  	v10 =	vld [tilespmem:s7+$0xFFFFFF90]  }
0x303: {  	v6 =	vld [tilespmem:s7+$0x70]  }
0x304: {  	v5 =	vld [tilespmem:s7+$0xFFFFFFF0]  }
0x305: {  	v7 =	vld [tilespmem:s7+$0x60]  }
0x306: {  	v8 =	vld [tilespmem:s7+$0xFFFFFFE0]  }
0x307: {  	v9 =	vld [tilespmem:s7+$0x50]  }
0x308: {  	v11 =	vld [tilespmem:s7+$0xFFFFFFD0]  }
0x309: {  	v2 =	vld [tilespmem:s7+$0x0]  }
0x30a: {  	v12 =	vld [tilespmem:s7+$0x40];
	v4 =	vand.u32 $0xFFFFFF80, v6;
	v13 =	vshll.u32 v5, $0x7;
	v15 =	vand.u32 $0x7F, v6  }
0x30b: {  	v14 =	vld [tilespmem:s7+$0xFFFFFFC0];
	v16 =	vand.u32 $0xFFFFFF80, v7;
	v17 =	vshll.u32 v8, $0x7;
	v4 =	vadd.s32 v13, v4  }
0x30c: {  	v52 =	vld [tilespmem:s7+$0x30];
	v19 =	vand.u32 $0x7F, v7;
	v16 =	vadd.s32 v17, v16;
	v15 =	vor.u32 v15, v4  }
0x30d: {  	v18 =	vld [tilespmem:s7+$0xFFFFFFB0];
	v53 =	vand.u32 $0xFFFFFF80, v9;
	v54 =	vshll.u32 v11, $0x7;
	v16 =	vor.u32 v19, v16  }
0x30e: {  	v20 =	vld [tilespmem:s7+$0xFFFFFFA0];
	v22 =	vand.u32 $0x7F, v9;
	v17 =	vadd.s32 v54, v53  }
0x30f: {  	v21 =	vadd.s32 $0x40, v5;
	v5 =	vld [tilespmem:s7+$0x10];
	v17 =	vor.u32 v22, v17  }
0x310: {  	v4 =	vld [tilespmem:s7+$0x20]  }
0x311: {  	v8 =	vadd.s32 $0x40, v8;
	[tilespmem:v15+s5+$0x0] =	vst.idx.add.f32.msk $0xffff, v1  }
0x312: {  	v55 =	vand.u32 $0xFFFFFF80, v12;
	v56 =	vshll.u32 v14, $0x7;
	v57 =	vand.u32 $0xFFFFFF80, v52;
	[tilespmem:v16+s5+$0x0] =	vst.idx.add.f32.msk $0xffff, v1  }
0x313: {  	v58 =	vshll.u32 v18, $0x7;
	v15 =	vadd.s32 v56, v55;
	[tilespmem:v6+s15+$0x0] =	vst.idx.add.f32.msk $0xffff, v1;
	v6 =	vand.u32 $0x7F, v12  }
0x314: {  	v59 =	vand.u32 $0x7F, v52;
	v60 =	vadd.s32 v58, v57;
	[tilespmem:v17+s5+$0x0] =	vst.idx.add.f32.msk $0xffff, v1;
	v6 =	vor.u32 v6, v15  }
0x315: {  	[tilespmem:v7+s15+$0x0] =	vst.idx.add.f32.msk $0xffff, v1;
	v7 =	vor.u32 v59, v60  }
0x316: {  	[tilespmem:v9+s15+$0x0] =	vst.idx.add.f32.msk $0xffff, v1  }
0x317: {  	v9 =	vadd.s32 $0x40, v14;
	[tilespmem:v21+s15+$0x0] =	vst.idx.add.f32.msk $0xffff, v1  }
0x318: {  	v11 =	vadd.s32 $0x40, v11;
	[tilespmem:v8+s15+$0x0] =	vst.idx.add.f32.msk $0xffff, v1  }
0x319: {  	v8 =	vshll.u32 v20, $0x7;
	[tilespmem:v6+s5+$0x0] =	vst.idx.add.f32.msk $0xffff, v1;
	v6 =	vand.u32 $0xFFFFFF80, v4  }
0x31a: {  	v61 =	vadd.s32 $0x40, v18;
	[tilespmem:v7+s5+$0x0] =	vst.idx.add.f32.msk $0xffff, v1;
	v7 =	vand.u32 $0x7F, v4;
	v6 =	vadd.s32 v8, v6  }
0x31b: {  	v62 =	vshll.u32 v10, $0x7;
	v8 =	vand.u32 $0xFFFFFF80, v5;
	[tilespmem:v12+s15+$0x0] =	vst.idx.add.f32.msk $0xffff, v1;
	v6 =	vor.u32 v7, v6  }
0x31c: {  	[tilespmem:v9+s15+$0x0] =	vst.idx.add.f32.msk $0xffff, v1;
	v9 =	vand.u32 $0x7F, v5;
	v8 =	vadd.s32 v62, v8  }
0x31d: {  	[tilespmem:v11+s15+$0x0] =	vst.idx.add.f32.msk $0xffff, v1;
	v11 =	vshll.u32 v3, $0x7;
	v7 =	vand.u32 $0xFFFFFF80, v2;
	v8 =	vor.u32 v9, v8  }
0x31e: {  	v63 =	vand.u32 $0x7F, v2;
	[tilespmem:v52+s15+$0x0] =	vst.idx.add.f32.msk $0xffff, v1;
	v7 =	vadd.s32 v11, v7;
	v9 =	vadd.s32 $0x40, v20  }
0x31f: {  	s13 =	simm.s32 $0x0;
	v10 =	vadd.s32 $0x40, v10;
	[tilespmem:v61+s15+$0x0] =	vst.idx.add.f32.msk $0xffff, v1;
	v7 =	vor.u32 v63, v7  }
.LBB2_29:
0x320: {  	s13 =	sadd.s32 $0x8, s13;
	[tilespmem:v6+s5+$0x0] =	vst.idx.add.f32.msk $0xffff, v1;
	s7 =	sadd.s32 $0x100, s7  }
0x321: {  	p1 =	slt.u32 s13, $0x38;
	[tilespmem:v4+s15+$0x0] =	vst.idx.add.f32.msk $0xffff, v1  }
0x322: {  	v3 =	vadd.s32 $0x40, v3;
	[tilespmem:v8+s5+$0x0] =	vst.idx.add.f32.msk $0xffff, v1  }
0x323: {  	[tilespmem:v9+s15+$0x0] =	vst.idx.add.f32.msk $0xffff, v1  }
0x324: {  	[tilespmem:v5+s15+$0x0] =	vst.idx.add.f32.msk $0xffff, v1  }
0x325: {  	[tilespmem:v10+s15+$0x0] =	vst.idx.add.f32.msk $0xffff, v1  }
0x326: {  	[tilespmem:v7+s5+$0x0] =	vst.idx.add.f32.msk $0xffff, v1  }
0x327: {  	[tilespmem:v2+s15+$0x0] =	vst.idx.add.f32.msk $0xffff, v1  }
0x328: {  	[tilespmem:v3+s15+$0x0] =	vst.idx.add.f32.msk $0xffff, v1  }
0x329: {  	v3 =	vld [tilespmem:s7+$0xFFFFFF80]  }
0x32a: {  	v10 =	vld [tilespmem:s7+$0xFFFFFF90]  }
0x32b: {  	v2 =	vld [tilespmem:s7+$0x0]  }
0x32c: {  	v6 =	vld [tilespmem:s7+$0x70]  }
0x32d: {  	v4 =	vld [tilespmem:s7+$0xFFFFFFF0]  }
0x32e: {  	v7 =	vld [tilespmem:s7+$0x60]  }
0x32f: {  	v5 =	vld [tilespmem:s7+$0xFFFFFFE0]  }
0x330: {  	v8 =	vld [tilespmem:s7+$0x50]  }
0x331: {  	v9 =	vld [tilespmem:s7+$0xFFFFFFD0]  }
0x332: {  	v12 =	vand.u32 $0xFFFFFF80, v6;
	v11 =	vld [tilespmem:s7+$0x40];
	v13 =	vshll.u32 v4, $0x7  }
0x333: {  	v15 =	vand.u32 $0x7F, v6;
	v14 =	vld [tilespmem:s7+$0xFFFFFFC0];
	v12 =	vadd.s32 v13, v12  }
0x334: {  	v16 =	vand.u32 $0xFFFFFF80, v7;
	v13 =	vld [tilespmem:s7+$0x30];
	v17 =	vshll.u32 v5, $0x7;
	v12 =	vor.u32 v15, v12  }
0x335: {  	v18 =	vand.u32 $0x7F, v7;
	v15 =	vld [tilespmem:s7+$0xFFFFFFB0];
	v16 =	vadd.s32 v17, v16;
	v17 =	vadd.s32 $0x40, v4  }
0x336: {  	v19 =	vand.u32 $0xFFFFFF80, v8;
	v4 =	vld [tilespmem:s7+$0x20];
	v20 =	vshll.u32 v9, $0x7;
	v16 =	vor.u32 v18, v16  }
0x337: {  	v21 =	vand.u32 $0x7F, v8;
	v18 =	vld [tilespmem:s7+$0xFFFFFFA0];
	v19 =	vadd.s32 v20, v19;
	v20 =	vadd.s32 $0x40, v5  }
0x338: {  	v22 =	vand.u32 $0xFFFFFF80, v11;
	v5 =	vld [tilespmem:s7+$0x10];
	v23 =	vshll.u32 v14, $0x7;
	v19 =	vor.u32 v21, v19  }
0x339: {  	v24 =	vand.u32 $0x7F, v11;
	v21 =	vand.u32 $0xFFFFFF80, v13;
	v22 =	vadd.s32 v23, v22;
	[tilespmem:v12+s5+$0x0] =	vst.idx.add.f32.msk $0xffff, v1  }
0x33a: {  	v12 =	vshll.u32 v15, $0x7;
	v15 =	vadd.s32 $0x40, v15;
	v22 =	vor.u32 v24, v22;
	[tilespmem:v6+s15+$0x0] =	vst.idx.add.f32.msk $0xffff, v1  }
0x33b: {  	v23 =	vand.u32 $0x7F, v13;
	v6 =	vand.u32 $0xFFFFFF80, v4;
	v12 =	vadd.s32 v12, v21;
	[tilespmem:v16+s5+$0x0] =	vst.idx.add.f32.msk $0xffff, v1  }
0x33c: {  	v21 =	vadd.s32 $0x40, v9;
	v16 =	vshll.u32 v18, $0x7;
	v12 =	vor.u32 v23, v12;
	[tilespmem:v7+s15+$0x0] =	vst.idx.add.f32.msk $0xffff, v1  }
0x33d: {  	v14 =	vadd.s32 $0x40, v14;
	v7 =	vand.u32 $0x7F, v4;
	v6 =	vadd.s32 v16, v6;
	[tilespmem:v17+s15+$0x0] =	vst.idx.add.f32.msk $0xffff, v1  }
0x33e: {  	v9 =	vand.u32 $0xFFFFFF80, v5;
	v16 =	vand.u32 $0x7F, v5;
	v6 =	vor.u32 v7, v6;
	[tilespmem:v19+s5+$0x0] =	vst.idx.add.f32.msk $0xffff, v1  }
0x33f: {  	v17 =	vshll.u32 v3, $0x7;
	v7 =	vand.u32 $0xFFFFFF80, v2;
	v19 =	vshll.u32 v10, $0x7;
	[tilespmem:v8+s15+$0x0] =	vst.idx.add.f32.msk $0xffff, v1  }
0x340: {  	v8 =	vand.u32 $0x7F, v2;
	v7 =	vadd.s32 v17, v7;
	v9 =	vadd.s32 v19, v9;
	[tilespmem:v20+s15+$0x0] =	vst.idx.add.f32.msk $0xffff, v1  }
0x341: {  	v7 =	vor.u32 v8, v7;
	v8 =	vor.u32 v16, v9;
	[tilespmem:v22+s5+$0x0] =	vst.idx.add.f32.msk $0xffff, v1  }
0x342: {  	[tilespmem:v12+s5+$0x0] =	vst.idx.add.f32.msk $0xffff, v1  }
.Ltmp18:
0x343: {  	v9 =	vadd.s32 $0x40, v18;
	[tilespmem:v21+s15+$0x0] =	vst.idx.add.f32.msk $0xffff, v1;
	(pc) =	sbr.rel @p1 .LBB2_29-.Ltmp18, $4  }
0x344: {  	[tilespmem:v11+s15+$0x0] =	vst.idx.add.f32.msk $0xffff, v1  }
0x345: {  	v10 =	vadd.s32 $0x40, v10;
	[tilespmem:v14+s15+$0x0] =	vst.idx.add.f32.msk $0xffff, v1  }
0x346: {  	[tilespmem:v13+s15+$0x0] =	vst.idx.add.f32.msk $0xffff, v1  }
0x347: {  	[tilespmem:v15+s15+$0x0] =	vst.idx.add.f32.msk $0xffff, v1  }
0x348: {  	_ =	sdelay $0x3  }
0x349: {  	[tilespmem:v6+s5+$0x0] =	vst.idx.add.f32.msk $0xffff, v1  }
0x34a: {  	[tilespmem:v8+s5+$0x0] =	vst.idx.add.f32.msk $0xffff, v1  }
0x34b: {  	[tilespmem:v7+s5+$0x0] =	vst.idx.add.f32.msk $0xffff, v1  }
0x34c: {  	v3 =	vadd.s32 $0x40, v3;
	[tilespmem:v4+s15+$0x0] =	vst.idx.add.f32.msk $0xffff, v1  }
0x34d: {  	[tilespmem:v5+s15+$0x0] =	vst.idx.add.f32.msk $0xffff, v1  }
0x34e: {  	[tilespmem:v2+s15+$0x0] =	vst.idx.add.f32.msk $0xffff, v1  }
0x34f: {  	[tilespmem:v9+s15+$0x0] =	vst.idx.add.f32.msk $0xffff, v1  }
0x350: {  	[tilespmem:v10+s15+$0x0] =	vst.idx.add.f32.msk $0xffff, v1  }
0x351: {  	[tilespmem:v3+s15+$0x0] =	vst.idx.add.f32.msk $0xffff, v1  }
0x352: {  	s7 =	rddreg [dreg:$0x1d]  }
0x353: {  	s13 =	rddreg [dreg:$0x1e];
	s7 =	sadd.s32 s1, s7  }
0x354: {  	[hbm4b:s7+s2] =	stream.linear.scatter [tilespmem:s5], [sflag:$0xB], $0x2000, $0x38;
	[tilespmem:$0xC200] =	vst v63  }
0x355: {  	s7 =	sadd.s32 s0, s13  }
0x356: {  	[hbm4b:s7+s2] =	stream.linear.scatter [tilespmem:s15], [sflag:$0xF], $0x80, $0x38;
	[tilespmem:$0xC200] =	vst v63  }
0x357: {  	s7 =	rddreg [dreg:$0x1f]  }
0x358: {  	s11 =	simm.s32 @!p0 $0x3000;
	s6 =	sadd.s32 @!p0 s6, s7;
	s7 =	simm.s32 @!p0 $0x0  }
0x359: {  	[tilespmem:s11], [sflag:$0x7] =	stream.linear.gather @!p0 [hbm4b:s6+s7], $0x800, $0x38;
	[tilespmem:$0xC200] =	vst v63  }
0x35a: {  	_ =	swait.ge [sflag:s29], $0x800  }
0x35b: {  	[sflag:s29] =	ssyncset.done $0x0  }
0x35c: {  	[sflag:s29] =	ssyncadd.s32 $0xFFFFF800  }
0x35d: {  	_ =	swait.ge [sflag:s18], $0x2000  }
0x35e: {  	[sflag:s18] =	ssyncset.done $0x0  }
0x35f: {  	[sflag:s18] =	ssyncadd.s32 $0xFFFFE000  }
0x360: {  	_ =	swait.ge [sflag:s19], $0x80  }
0x361: {  	[sflag:s19] =	ssyncset.done $0x0  }
0x362: {  	s6 =	simm.s32 $0x3880;
	[sflag:s19] =	ssyncadd.s32 $0xFFFFFF80  }
0x363: {  	v3 =	vld [tilespmem:s6+$0xFFFFFF80]  }
0x364: {  	v10 =	vld [tilespmem:s6+$0xFFFFFF90]  }
0x365: {  	v6 =	vld [tilespmem:s6+$0x70]  }
0x366: {  	v5 =	vld [tilespmem:s6+$0xFFFFFFF0]  }
0x367: {  	v7 =	vld [tilespmem:s6+$0x60]  }
0x368: {  	v8 =	vld [tilespmem:s6+$0xFFFFFFE0]  }
0x369: {  	v9 =	vld [tilespmem:s6+$0x50]  }
0x36a: {  	v11 =	vld [tilespmem:s6+$0xFFFFFFD0]  }
0x36b: {  	v2 =	vld [tilespmem:s6+$0x0]  }
0x36c: {  	v12 =	vld [tilespmem:s6+$0x40];
	v4 =	vand.u32 $0xFFFFFF80, v6;
	v13 =	vshll.u32 v5, $0x7;
	v15 =	vand.u32 $0x7F, v6  }
0x36d: {  	v14 =	vld [tilespmem:s6+$0xFFFFFFC0];
	v16 =	vand.u32 $0xFFFFFF80, v7;
	v17 =	vshll.u32 v8, $0x7;
	v4 =	vadd.s32 v13, v4  }
0x36e: {  	v52 =	vld [tilespmem:s6+$0x30];
	v19 =	vand.u32 $0x7F, v7;
	v16 =	vadd.s32 v17, v16;
	v15 =	vor.u32 v15, v4  }
0x36f: {  	v18 =	vld [tilespmem:s6+$0xFFFFFFB0];
	v53 =	vand.u32 $0xFFFFFF80, v9;
	v54 =	vshll.u32 v11, $0x7;
	v16 =	vor.u32 v19, v16  }
0x370: {  	v20 =	vld [tilespmem:s6+$0xFFFFFFA0];
	v22 =	vand.u32 $0x7F, v9;
	v17 =	vadd.s32 v54, v53  }
0x371: {  	v21 =	vadd.s32 $0x40, v5;
	v5 =	vld [tilespmem:s6+$0x10];
	v17 =	vor.u32 v22, v17  }
0x372: {  	v4 =	vld [tilespmem:s6+$0x20]  }
0x373: {  	v8 =	vadd.s32 $0x40, v8;
	[tilespmem:v15+s21+$0x0] =	vst.idx.add.f32.msk $0xffff, v1  }
0x374: {  	v55 =	vand.u32 $0xFFFFFF80, v12;
	v56 =	vshll.u32 v14, $0x7;
	v57 =	vand.u32 $0xFFFFFF80, v52;
	[tilespmem:v16+s21+$0x0] =	vst.idx.add.f32.msk $0xffff, v1  }
0x375: {  	v58 =	vshll.u32 v18, $0x7;
	v15 =	vadd.s32 v56, v55;
	[tilespmem:v6+s22+$0x0] =	vst.idx.add.f32.msk $0xffff, v1;
	v6 =	vand.u32 $0x7F, v12  }
0x376: {  	v59 =	vand.u32 $0x7F, v52;
	v60 =	vadd.s32 v58, v57;
	[tilespmem:v17+s21+$0x0] =	vst.idx.add.f32.msk $0xffff, v1;
	v6 =	vor.u32 v6, v15  }
0x377: {  	[tilespmem:v7+s22+$0x0] =	vst.idx.add.f32.msk $0xffff, v1;
	v7 =	vor.u32 v59, v60  }
0x378: {  	[tilespmem:v9+s22+$0x0] =	vst.idx.add.f32.msk $0xffff, v1  }
0x379: {  	v9 =	vadd.s32 $0x40, v14;
	[tilespmem:v21+s22+$0x0] =	vst.idx.add.f32.msk $0xffff, v1  }
0x37a: {  	v11 =	vadd.s32 $0x40, v11;
	[tilespmem:v8+s22+$0x0] =	vst.idx.add.f32.msk $0xffff, v1  }
0x37b: {  	v8 =	vshll.u32 v20, $0x7;
	[tilespmem:v6+s21+$0x0] =	vst.idx.add.f32.msk $0xffff, v1;
	v6 =	vand.u32 $0xFFFFFF80, v4  }
0x37c: {  	v61 =	vadd.s32 $0x40, v18;
	[tilespmem:v7+s21+$0x0] =	vst.idx.add.f32.msk $0xffff, v1;
	v7 =	vand.u32 $0x7F, v4;
	v6 =	vadd.s32 v8, v6  }
0x37d: {  	v62 =	vshll.u32 v10, $0x7;
	v8 =	vand.u32 $0xFFFFFF80, v5;
	[tilespmem:v12+s22+$0x0] =	vst.idx.add.f32.msk $0xffff, v1;
	v6 =	vor.u32 v7, v6  }
0x37e: {  	[tilespmem:v9+s22+$0x0] =	vst.idx.add.f32.msk $0xffff, v1;
	v9 =	vand.u32 $0x7F, v5;
	v8 =	vadd.s32 v62, v8  }
0x37f: {  	[tilespmem:v11+s22+$0x0] =	vst.idx.add.f32.msk $0xffff, v1;
	v11 =	vshll.u32 v3, $0x7;
	v7 =	vand.u32 $0xFFFFFF80, v2;
	v8 =	vor.u32 v9, v8  }
0x380: {  	v63 =	vand.u32 $0x7F, v2;
	[tilespmem:v52+s22+$0x0] =	vst.idx.add.f32.msk $0xffff, v1;
	v7 =	vadd.s32 v11, v7;
	v9 =	vadd.s32 $0x40, v20  }
0x381: {  	s7 =	simm.s32 $0x0;
	v10 =	vadd.s32 $0x40, v10;
	[tilespmem:v61+s22+$0x0] =	vst.idx.add.f32.msk $0xffff, v1;
	v7 =	vor.u32 v63, v7  }
.LBB2_31:
0x382: {  	s7 =	sadd.s32 $0x8, s7;
	[tilespmem:v6+s21+$0x0] =	vst.idx.add.f32.msk $0xffff, v1;
	s6 =	sadd.s32 $0x100, s6  }
0x383: {  	p1 =	slt.u32 s7, $0x38;
	[tilespmem:v4+s22+$0x0] =	vst.idx.add.f32.msk $0xffff, v1  }
0x384: {  	v3 =	vadd.s32 $0x40, v3;
	[tilespmem:v8+s21+$0x0] =	vst.idx.add.f32.msk $0xffff, v1  }
0x385: {  	[tilespmem:v9+s22+$0x0] =	vst.idx.add.f32.msk $0xffff, v1  }
0x386: {  	[tilespmem:v5+s22+$0x0] =	vst.idx.add.f32.msk $0xffff, v1  }
0x387: {  	[tilespmem:v10+s22+$0x0] =	vst.idx.add.f32.msk $0xffff, v1  }
0x388: {  	[tilespmem:v7+s21+$0x0] =	vst.idx.add.f32.msk $0xffff, v1  }
0x389: {  	[tilespmem:v2+s22+$0x0] =	vst.idx.add.f32.msk $0xffff, v1  }
0x38a: {  	[tilespmem:v3+s22+$0x0] =	vst.idx.add.f32.msk $0xffff, v1  }
0x38b: {  	v3 =	vld [tilespmem:s6+$0xFFFFFF80]  }
0x38c: {  	v10 =	vld [tilespmem:s6+$0xFFFFFF90]  }
0x38d: {  	v2 =	vld [tilespmem:s6+$0x0]  }
0x38e: {  	v6 =	vld [tilespmem:s6+$0x70]  }
0x38f: {  	v4 =	vld [tilespmem:s6+$0xFFFFFFF0]  }
0x390: {  	v7 =	vld [tilespmem:s6+$0x60]  }
0x391: {  	v5 =	vld [tilespmem:s6+$0xFFFFFFE0]  }
0x392: {  	v8 =	vld [tilespmem:s6+$0x50]  }
0x393: {  	v9 =	vld [tilespmem:s6+$0xFFFFFFD0]  }
0x394: {  	v12 =	vand.u32 $0xFFFFFF80, v6;
	v11 =	vld [tilespmem:s6+$0x40];
	v13 =	vshll.u32 v4, $0x7  }
0x395: {  	v15 =	vand.u32 $0x7F, v6;
	v14 =	vld [tilespmem:s6+$0xFFFFFFC0];
	v12 =	vadd.s32 v13, v12  }
0x396: {  	v16 =	vand.u32 $0xFFFFFF80, v7;
	v13 =	vld [tilespmem:s6+$0x30];
	v17 =	vshll.u32 v5, $0x7;
	v12 =	vor.u32 v15, v12  }
0x397: {  	v18 =	vand.u32 $0x7F, v7;
	v15 =	vld [tilespmem:s6+$0xFFFFFFB0];
	v16 =	vadd.s32 v17, v16;
	v17 =	vadd.s32 $0x40, v4  }
0x398: {  	v19 =	vand.u32 $0xFFFFFF80, v8;
	v4 =	vld [tilespmem:s6+$0x20];
	v20 =	vshll.u32 v9, $0x7;
	v16 =	vor.u32 v18, v16  }
0x399: {  	v21 =	vand.u32 $0x7F, v8;
	v18 =	vld [tilespmem:s6+$0xFFFFFFA0];
	v19 =	vadd.s32 v20, v19;
	v20 =	vadd.s32 $0x40, v5  }
0x39a: {  	v22 =	vand.u32 $0xFFFFFF80, v11;
	v5 =	vld [tilespmem:s6+$0x10];
	v23 =	vshll.u32 v14, $0x7;
	v19 =	vor.u32 v21, v19  }
0x39b: {  	v24 =	vand.u32 $0x7F, v11;
	v21 =	vand.u32 $0xFFFFFF80, v13;
	v22 =	vadd.s32 v23, v22;
	[tilespmem:v12+s21+$0x0] =	vst.idx.add.f32.msk $0xffff, v1  }
0x39c: {  	v12 =	vshll.u32 v15, $0x7;
	v15 =	vadd.s32 $0x40, v15;
	v22 =	vor.u32 v24, v22;
	[tilespmem:v6+s22+$0x0] =	vst.idx.add.f32.msk $0xffff, v1  }
0x39d: {  	v23 =	vand.u32 $0x7F, v13;
	v6 =	vand.u32 $0xFFFFFF80, v4;
	v12 =	vadd.s32 v12, v21;
	[tilespmem:v16+s21+$0x0] =	vst.idx.add.f32.msk $0xffff, v1  }
0x39e: {  	v21 =	vadd.s32 $0x40, v9;
	v16 =	vshll.u32 v18, $0x7;
	v12 =	vor.u32 v23, v12;
	[tilespmem:v7+s22+$0x0] =	vst.idx.add.f32.msk $0xffff, v1  }
0x39f: {  	v14 =	vadd.s32 $0x40, v14;
	v7 =	vand.u32 $0x7F, v4;
	v6 =	vadd.s32 v16, v6;
	[tilespmem:v17+s22+$0x0] =	vst.idx.add.f32.msk $0xffff, v1  }
0x3a0: {  	v9 =	vand.u32 $0xFFFFFF80, v5;
	v16 =	vand.u32 $0x7F, v5;
	v6 =	vor.u32 v7, v6;
	[tilespmem:v19+s21+$0x0] =	vst.idx.add.f32.msk $0xffff, v1  }
0x3a1: {  	v17 =	vshll.u32 v3, $0x7;
	v7 =	vand.u32 $0xFFFFFF80, v2;
	v19 =	vshll.u32 v10, $0x7;
	[tilespmem:v8+s22+$0x0] =	vst.idx.add.f32.msk $0xffff, v1  }
0x3a2: {  	v8 =	vand.u32 $0x7F, v2;
	v7 =	vadd.s32 v17, v7;
	v9 =	vadd.s32 v19, v9;
	[tilespmem:v20+s22+$0x0] =	vst.idx.add.f32.msk $0xffff, v1  }
0x3a3: {  	v7 =	vor.u32 v8, v7;
	v8 =	vor.u32 v16, v9;
	[tilespmem:v22+s21+$0x0] =	vst.idx.add.f32.msk $0xffff, v1  }
0x3a4: {  	[tilespmem:v12+s21+$0x0] =	vst.idx.add.f32.msk $0xffff, v1  }
.Ltmp19:
0x3a5: {  	v9 =	vadd.s32 $0x40, v18;
	[tilespmem:v21+s22+$0x0] =	vst.idx.add.f32.msk $0xffff, v1;
	(pc) =	sbr.rel @p1 .LBB2_31-.Ltmp19, $4  }
0x3a6: {  	[tilespmem:v11+s22+$0x0] =	vst.idx.add.f32.msk $0xffff, v1  }
0x3a7: {  	v10 =	vadd.s32 $0x40, v10;
	[tilespmem:v14+s22+$0x0] =	vst.idx.add.f32.msk $0xffff, v1  }
0x3a8: {  	[tilespmem:v13+s22+$0x0] =	vst.idx.add.f32.msk $0xffff, v1  }
0x3a9: {  	[tilespmem:v15+s22+$0x0] =	vst.idx.add.f32.msk $0xffff, v1  }
0x3aa: {  	_ =	sdelay $0x3  }
0x3ab: {  	[tilespmem:v6+s21+$0x0] =	vst.idx.add.f32.msk $0xffff, v1  }
0x3ac: {  	[tilespmem:v8+s21+$0x0] =	vst.idx.add.f32.msk $0xffff, v1  }
0x3ad: {  	[tilespmem:v7+s21+$0x0] =	vst.idx.add.f32.msk $0xffff, v1  }
0x3ae: {  	v3 =	vadd.s32 $0x40, v3;
	[tilespmem:v4+s22+$0x0] =	vst.idx.add.f32.msk $0xffff, v1  }
0x3af: {  	[tilespmem:v5+s22+$0x0] =	vst.idx.add.f32.msk $0xffff, v1  }
0x3b0: {  	[tilespmem:v2+s22+$0x0] =	vst.idx.add.f32.msk $0xffff, v1  }
0x3b1: {  	[tilespmem:v9+s22+$0x0] =	vst.idx.add.f32.msk $0xffff, v1  }
0x3b2: {  	[tilespmem:v10+s22+$0x0] =	vst.idx.add.f32.msk $0xffff, v1  }
0x3b3: {  	[tilespmem:v3+s22+$0x0] =	vst.idx.add.f32.msk $0xffff, v1  }
0x3b4: {  	s6 =	sld [smem:$0x7FA];
	_ =	sdelay $0x1  }
.Ltmp20:
0x3b5: {  	s13 =	sld [smem:$0x7FB];
	(pc) =	sbr.rel @p0 .LBB2_34-.Ltmp20, $4  }
0x3b6: {  	s1 =	sadd.s32 s1, s6  }
0x3b7: {  	[hbm4b:s1+s2] =	stream.linear.scatter [tilespmem:s21], [sflag:$0xC], $0x2000, $0x38;
	[tilespmem:$0xC200] =	vst v63  }
0x3b8: {  	s0 =	sadd.s32 s0, s13  }
0x3b9: {  	[hbm4b:s0+s2] =	stream.linear.scatter [tilespmem:s22], [sflag:$0x10], $0x80, $0x38;
	[tilespmem:$0xC200] =	vst v63  }
.Ltmp21:
0x3ba: {  	s1 =	sld [smem:$0x7FC];
	(pc) =	sbr.rel .LBB2_4-.Ltmp21, $4  }
0x3bb: {  	_ = 	snop  }
0x3bc: {  	s0 =	sshll.u32 s31, $0x8  }
0x3bd: {  	s31 =	simm.s32 $0x3800;
	s30 =	sadd.s32 $0x1, s30;
	s0 =	sadd.s32 s0, s1  }
0x3be: {  	[tilespmem:s31], [sflag:$0x8] =	stream.linear.gather [hbm4b:s0+s2], $0x800, $0x38;
	[tilespmem:$0xC200] =	vst v63  }
.LBB2_35:
0x3bf: {  	_ =	sfence.sel $0x180000  }
0x3c0: {  	[bflag:$0x0] =	sbarrier.arrive $0xFFFF  }
0x3c1: {  	_ =	strace $0x90000047  }
0x3c2: {  	s0 =	stileid.u32;
	[bflag:$0x2] =	sbarrier.arrive $0xFFFF  }
0x3c3: {  	p0 =	sne.s32 s0, $0x0;
	s0 =	rddreg [dreg:$0x1]  }
0x3c4: {  	s0 =	sadd.s32 @!p0 $0x100000, s0  }
0x3c5: {  	[sflag:s0] =	ssyncadd.tile.s32 @!p0 $0x1;
	_ =	shalt  }
.Lfunc_end2:
_tile_overlayer_lowered:
.L_overlay_start_2:
0x3c6: {  	(tag) =	ssettag $0x2  }
0x3c7: {  	s0 =	rddreg [dreg:$0x0];
	s2 =	stileid.u32  }
0x3c8: {  	s1 =	rddreg [dreg:$0x1];
	p0 =	sne.s32 s2, $0x0  }
0x3c9: {  	s3 =	rddreg [dreg:$0x2];
	[bflag:$0x3] =	sbarrier.arrive $0xFFFF;
	s2 =	simm.s32 @!p0 $0x1C11  }
0x3ca: {  	[timem:s3], [sflag:s2] =	dma.local @!p0 [hbm:s0], s1  }
0x3cb: {  	s0 =	simm.s32 @!p0 $0x11  }
0x3cc: {  	_ =	swait.ge @!p0 [sflag:s0], s1  }
0x3cd: {  	s1 =	ssub.s32 @!p0 $0x0, s1;
	[sflag:s0] =	ssyncset.done @!p0 $0x0  }
0x3ce: {  	[sflag:s0] =	ssyncadd.s32 @!p0 s1  }
0x3cf: {  	[bflag:$0x3] =	sbarrier.arrive $0xFFFF  }
0x3d0: {  	_ =	shalt  }

// kernel: kernel.9.cloned.1.call-start
scs
__scs_entry_jumppad:
0x0: {  	(pc) =	sbr.rel $0x88, $3  }
0x1: {  	(tag) =	ssettag $0x0;
	lr =	simm.s32 $0x1  }
0x2: {  	[smem:$0x3F99] =	sst lr;
	_ =	strace $0xD0000000  }
0x3: {  	_ = 	snop  }
0x4: {  	_ = 	snop  }
0x5: {  	_ = 	snop  }
0x6: {  	_ = 	snop  }
0x7: {  	_ = 	snop  }
__scs_overlays_trampoline_lowered:
0x8: {  	[smem:$0x3FA8] =	sst s0  }
0x9: {  	[smem:$0x3FA9] =	sst s1  }
0xa: {  	[smem:$0x3FAA] =	sst s2  }
0xb: {  	[smem:$0x3FAB] =	sst s3  }
0xc: {  	[smem:$0x3FAC] =	sst s4  }
0xd: {  	[smem:$0x3FAD] =	sst s5  }
0xe: {  	[smem:$0x3FAE] =	sst s6  }
0xf: {  	[smem:$0x3FAF] =	sst s7  }
0x10: {  	[smem:$0x3FB0] =	sst s8  }
0x11: {  	[smem:$0x3FB1] =	sst s9;
	s0 =	simm.s32 @!p0 $0x0  }
0x12: {  	s1 =	sld [smem:$0x3F97];
	s0 =	simm.s32 @p0 $0x1  }
0x13: {  	[smem:$0x3FB2] =	sst s0;
	s0 =	simm.s32 @!p1 $0x0  }
0x14: {  	s2 =	sld [smem:$0x3F96];
	s0 =	simm.s32 @p1 $0x1  }
0x15: {  	[smem:$0x3FB3] =	sst s0;
	s0 =	simm.s32 @!p2 $0x0  }
0x16: {  	s3 =	sld [smem:$0x3FDB];
	s0 =	simm.s32 @p2 $0x1  }
0x17: {  	s4 =	simm.s32 $0x1BF5;
	[smem:$0x3FB5] =	sst s0  }
0x18: {  	s0 =	sld [smem:$0x3F98];
	_ =	swait.ge [sflag:s4], $0x0  }
0x19: {  	s7 =	sld [smem:$0x3F99]  }
0x1a: {  	s8 =	sadd.s32 $0xFFFFE003, lr  }
0x1b: {  	s9 =	sadd.s32 $0xFFFFFEF7, lr;
	s5 =	simm.s32 $0xFFFFFFFF;
	p2 =	slt.u32 s8, $0xFFFFF086  }
0x1c: {  	p1 =	slt.u32 s9, $0xF7A;
	s5 =	simm.s32 @!p2 $0x0  }
0x1d: {  	s5 =	simm.s32 @p1 $0x1;
	p0 =	seq.s32 s7, s2  }
0x1e: {  	s7 =	smul.u32 @!p0 $0xF7A, s2;
	p2 =	seq.s32 @!p0 s5, $0x0  }
0x1f: {  	s9 =	smul.u32 $0xF7A, s1;
	s8 =	simm.s32 @!p0 $0x1BF5;
	p2 =	por !p2, p0  }
0x20: {  	[sflag:s8] =	ssyncset.s32 @!p0 $0xFFFFF086;
	s6 =	sadd.s32 @!p0 s3, s7;
	s7 =	simm.s32 @!p0 $0x108  }
0x21: {  	s3 =	sadd.s32 s3, s9;
	s6 =	sadd.s32 @!p0 $0x88, s6;
	s7 =	simm.s32 @p2 $0x1082  }
0x22: {  	[simem:s7], [sflag:s8] =	dma.local @!p0 [hbm:s6], $0xF7A  }
0x23: {  	s9 =	sor.u32 $0xD0000000, s2;
	s6 =	simm.s32 $0x108;
	_ =	swait.ge @!p0 [sflag:s8], $0x0  }
0x24: {  	s3 =	sadd.s32 $0x88, s3;
	s6 =	simm.s32 @!p1 $0x1082;
	[sflag:s4] =	ssyncset.s32 $0xFFFFF086  }
0x25: {  	[simem:s6], [sflag:s4] =	dma.local [hbm:s3], $0xF7A  }
0x26: {  	[smem:$0x3F99] =	sst s1;
	(tag) =	ssettag s2;
	_ =	strace s9  }
0x27: {  	s1 =	sld [smem:$0x3FA9]  }
0x28: {  	s2 =	sld [smem:$0x3FAA]  }
0x29: {  	s4 =	sld [smem:$0x3FAC]  }
0x2a: {  	p0 =	seq.s32 s5, $0x0;
	s5 =	sld [smem:$0x3FAD]  }
0x2b: {  	s6 =	sld [smem:$0x3FAE]  }
0x2c: {  	s7 =	sld [smem:$0x3FAF]  }
0x2d: {  	s3 =	simm.s32 $0x108;
	s8 =	sld [smem:$0x3FB0]  }
0x2e: {  	s3 =	simm.s32 @!p0 $0x1082;
	s9 =	sld [smem:$0x3FB1]  }
0x2f: {  	lr =	sadd.s32 s0, s3;
	s0 =	sld [smem:$0x3FA8]  }
0x30: {  	s3 =	sld [smem:$0x3FAB]  }
0x31: {  	[smem:$0x3FB4] =	sst s10  }
0x32: {  	s10 =	sld [smem:$0x3FB2];
	_ =	sdelay $0x3  }
0x33: {  	p0 =	seq.s32 s10, $0x1;
	s10 =	sld [smem:$0x3FB4];
	_ =	sdelay $0x3  }
0x34: {  	[smem:$0x3FB4] =	sst s10  }
0x35: {  	s10 =	sld [smem:$0x3FB3];
	_ =	sdelay $0x3  }
0x36: {  	p1 =	seq.s32 s10, $0x1;
	s10 =	sld [smem:$0x3FB4];
	_ =	sdelay $0x3  }
0x37: {  	[smem:$0x3FB4] =	sst s10  }
0x38: {  	s10 =	sld [smem:$0x3FB5]  }
0x39: {  	_ = 	snop;
	(pc) =	sbr.ind lr, $3  }
0x3a: {  	_ = 	snop  }
0x3b: {  	_ = 	snop  }
0x3c: {  	p2 =	seq.s32 s10, $0x1;
	s10 =	sld [smem:$0x3FB4]  }
0x3d: {  	_ =	shalt  }
0x3e: {  	_ =	shalt  }
0x3f: {  	_ =	shalt  }
0x40: {  	_ =	shalt  }
0x41: {  	_ =	shalt  }
0x42: {  	_ =	shalt  }
0x43: {  	_ =	shalt  }
0x44: {  	_ =	shalt  }
0x45: {  	_ =	shalt  }
0x46: {  	_ =	shalt  }
0x47: {  	_ =	shalt  }
0x48: {  	_ =	shalt  }
0x49: {  	_ =	shalt  }
0x4a: {  	_ =	shalt  }
0x4b: {  	_ =	shalt  }
0x4c: {  	_ =	shalt  }
0x4d: {  	_ =	shalt  }
0x4e: {  	_ =	shalt  }
0x4f: {  	_ =	shalt  }
0x50: {  	_ =	shalt  }
0x51: {  	_ =	shalt  }
0x52: {  	_ =	shalt  }
0x53: {  	_ =	shalt  }
0x54: {  	_ =	shalt  }
0x55: {  	_ =	shalt  }
0x56: {  	_ =	shalt  }
0x57: {  	_ =	shalt  }
0x58: {  	_ =	shalt  }
0x59: {  	_ =	shalt  }
0x5a: {  	_ =	shalt  }
0x5b: {  	_ =	shalt  }
0x5c: {  	_ =	shalt  }
0x5d: {  	_ =	shalt  }
0x5e: {  	_ =	shalt  }
0x5f: {  	_ =	shalt  }
0x60: {  	_ =	shalt  }
0x61: {  	_ =	shalt  }
0x62: {  	_ =	shalt  }
0x63: {  	_ =	shalt  }
0x64: {  	_ =	shalt  }
0x65: {  	_ =	shalt  }
0x66: {  	_ =	shalt  }
0x67: {  	_ =	shalt  }
0x68: {  	_ =	shalt  }
0x69: {  	_ =	shalt  }
0x6a: {  	_ =	shalt  }
0x6b: {  	_ =	shalt  }
0x6c: {  	_ =	shalt  }
0x6d: {  	_ =	shalt  }
0x6e: {  	_ =	shalt  }
0x6f: {  	_ =	shalt  }
0x70: {  	_ =	shalt  }
0x71: {  	_ =	shalt  }
0x72: {  	_ =	shalt  }
0x73: {  	_ =	shalt  }
0x74: {  	_ =	shalt  }
0x75: {  	_ =	shalt  }
0x76: {  	_ =	shalt  }
0x77: {  	_ =	shalt  }
0x78: {  	_ =	shalt  }
0x79: {  	_ =	shalt  }
0x7a: {  	_ =	shalt  }
0x7b: {  	_ =	shalt  }
0x7c: {  	_ =	shalt  }
0x7d: {  	_ =	shalt  }
0x7e: {  	_ =	shalt  }
0x7f: {  	_ =	shalt  }
0x80: {  	_ =	shalt  }
0x81: {  	_ =	shalt  }
0x82: {  	_ =	shalt  }
0x83: {  	_ =	shalt  }
0x84: {  	_ =	shalt  }
0x85: {  	_ =	shalt  }
0x86: {  	_ =	shalt  }
0x87: {  	_ =	shalt  }
.Lfunc_end0:
.L_simem_size_0:
called_computation.1_lowered:
.L_overlay_start_0:
0x88: {  	s2 =	sld [smem:$0x3FD9]  }
0x89: {  	s3 =	sld [smem:$0x3FFE];
	_ =	sdelay $0x1  }
0x8a: {  	s1 =	srdreg.scid  }
0x8b: {  	s0 =	sand.u32 $0x1, s1  }
0x8c: {  	s17 =	sshll.u32 s0, $0xA;
	s2 =	sadd.s32 s3, s2  }
0x8d: {  	s2 =	sadd.s32 s2, s17  }
0x8e: {  	[smem:$0x3FC0] =	sst s2  }
0x8f: {  	_ = 	snop  }
0x90: {  	(tm) =	ssettm $0x1  }
0x91: {  	s18 =	sld [smem:$0x3FFB];
	_ =	sdelay $0x3  }
0x92: {  	_ =	strace s18  }
0x93: {  	s2 =	sld [smem:$0x3FFC];
	_ =	sdelay $0x3  }
0x94: {  	_ =	strace s2  }
0x95: {  	s2 =	sld [smem:$0x3FFD];
	_ =	sdelay $0x3  }
0x96: {  	_ =	strace s2  }
0x97: {  	_ =	strace $0x8FFFFFFF  }
0x98: {  	s19 =	sld [smem:$0x3FDB];
	_ =	sdelay $0x1  }
0x99: {  	s20 =	simm.s32 $_scs_section_size  }
0x9a: {  	s4 =	simm.s32 $_size__tile_overlayer_lowered;
	s5 =	simm.s32 $_tile_overlayer_lowered  }
0x9b: {  	s6 =	simm.s32 $0x1BFF;
	s21 =	sshll.u32 s5, $0x1;
	s3 =	sadd.s32 s20, s19  }
0x9c: {  	s22 =	simm.s32 $0x0;
	s4 =	sshll.u32 s4, $0x1;
	s5 =	sadd.s32 s21, s3  }
0x9d: {  	[timem:s22], [sflag:s6] =	dma.local [hbm:s5], s4  }
0x9e: {  	_ =	swait.ge [sflag:s6], s4  }
0x9f: {  	s4 =	ssub.s32 $0x0, s4;
	[sflag:s6] =	ssyncset.done $0x0  }
0xa0: {  	[sflag:s6] =	ssyncadd.s32 s4;
	_ =	sdelay $0x1  }
0xa1: {  	s23 =	simm.s32 $0x1B8B  }
0xa2: {  	_ =	swait.ge [sflag:s23], $0x1  }
0xa3: {  	[sflag:s23] =	ssyncset.done $0x0  }
0xa4: {  	[sflag:s23] =	ssyncadd.s32 $0xFFFFFFFF  }
0xa5: {  	s4 =	sld [smem:$0x0]  }
0xa6: {  	s5 =	sand.u32 $0xFFFFFFFE, s1  }
0xa7: {  	p0 =	sne.s32 s1, s5  }
0xa8: {  	s5 =	sshll.u32 @p0 s5, $0xE  }
0xa9: {  	s5 =	sadd.s32 @p0 $0x11B8D, s5;
	s6 =	sshll.u32 @p0 s4, $0x11  }
0xaa: {  	s5 =	sor.u32 @p0 s6, s5  }
0xab: {  	[sflag:s5] =	ssyncadd.remote.s32 @p0 $0x1;
	_ =	sdelay $0x1  }
0xac: {  	s5 =	simm.s32 @p0 $0x1B8D  }
0xad: {  	_ =	swait.eq @p0 [sflag:s5], $0x1  }
0xae: {  	[sflag:s5] =	ssyncadd.s32 @p0 $0xFFFFFFFF  }
0xaf: {  	s6 =	sshll.u32 @!p0 s1, $0xE  }
0xb0: {  	s6 =	sor.u32 @!p0 $0x4000, s6;
	s5 =	simm.s32 @!p0 $0x1B8D  }
0xb1: {  	s4 =	sshll.u32 @!p0 s4, $0x11;
	s6 =	sadd.s32 @!p0 $0x11B8D, s6;
	_ =	swait.eq @!p0 [sflag:s5], $0x1  }
0xb2: {  	s4 =	sor.u32 @!p0 s4, s6;
	[sflag:s5] =	ssyncadd.s32 @!p0 $0xFFFFFFFF  }
0xb3: {  	s25 =	simm.s32 $0x1B8E;
	s24 =	sld [smem:$0x3FFE];
	[sflag:s4] =	ssyncadd.remote.s32 @!p0 $0x1  }
0xb4: {  	s26 =	simm.s32 $execute0_lowered;
	[smem:$0x3FD2] =	sst s25  }
0xb5: {  	s5 =	sshll.u32 s26, $0x1;
	_ =	strace $0x80000049;
	[dreg:$0x1] =	wrdreg $0xFFFFFFFF  }
0xb6: {  	s28 =	simm.s32 $_size_execute0_lowered;
	s3 =	sadd.s32 s3, s5;
	[dreg:$0x0] =	wrdreg $0x0  }
0xb7: {  	s5 =	sshll.u32 s28, $0x1;
	[dreg:$0x2] =	wrdreg s3  }
0xb8: {  	[dreg:$0x3] =	wrdreg s5  }
0xb9: {  	[dreg:$0x4] =	wrdreg $0xC0  }
0xba: {  	_ =	task [dreg:s22], $0x5FFFF  }
0xbb: {  	[dreg:$0x1] =	wrdreg $0xFFFFFFFF  }
0xbc: {  	[dreg:$0x0] =	wrdreg $0x60  }
0xbd: {  	[dreg:$0x2] =	wrdreg s24  }
0xbe: {  	[dreg:$0x3] =	wrdreg $0xA  }
0xbf: {  	_ =	task.clear_ibuf [dreg:s22], $0x4FFFF;
	_ =	strace $0x90000049  }
0xc0: {  	s29 =	simm.s32 $0xA;
	_ =	strace $0x8000004B  }
0xc1: {  	_ =	swait.ge [sflag:s29], $0x1  }
0xc2: {  	[sflag:s29] =	ssyncadd.s32 $0xFFFFFFFF  }
0xc3: {  	_ =	strace $0x9000004B  }
0xc4: {  	_ =	sfence  }
0xc5: {  	s30 =	sld [smem:$0x0];
	_ =	sdelay $0x2  }
0xc6: {  	s31 =	sshll.u32 s1, $0xD;
	s1 =	sshrl.u32 s1, $0x2  }
0xc7: {  	s4 =	sand.u32 $0x4000, s31;
	s1 =	sadd.s32 s1, s30  }
0xc8: {  	s0 =	sor.u32 s4, s0;
	s1 =	sshll.u32 s1, $0x11  }
0xc9: {  	s0 =	sor.u32 s1, s0  }
0xca: {  	s0 =	sadd.s32 $0x8F2B, s0  }
0xcb: {  	[sflag:s0] =	ssyncadd.remote.s32 $0x1  }
0xcc: {  	_ =	sfence.sel $0xFFFF  }
0xcd: {  	[dreg:$0x0] =	wrdreg $0xFFFFFFFF;
	(pc) =	sbr.abs _section_cstart, $3  }
0xce: {  	[dreg:$0x1] =	wrdreg $0xFFFFFFFF  }
0xcf: {  	_ =	task.clear_ibuf [dreg:s22], $0x2FFFF;
	_ =	strace $0x9FFFFFFF  }
0xd0: {  	(tm) =	ssettm $0x7FFFFFFF  }
0xd1: {  	_ =	shalt  }
tec
execute0_lowered:
.L_overlay_start_1:
0x0: {  	(tag) =	ssettag $0x1  }
0x1: {  	s0 =	srdreg.scid  }
0x2: {  	s2 =	stileid.u32;
	s1 =	rddreg [dreg:$0x0];
	s0 =	sand.u32 $0x1, s0  }
0x3: {  	s3 =	sshll.u32 s2, $0x6;
	s2 =	simm.s32 $0x0;
	s4 =	sshll.u32 s0, $0x5  }
0x4: {  	[smem:$0x7FF] =	sst s2;
	s3 =	sor.u32 s4, s3  }
0x5: {  	s22 =	sadd.s32 $0x18A600, s1;
	[dreg:$0x2] =	wrdreg s3  }
0x6: {  	s23 =	sadd.s32 $0x186600, s1;
	_ =	strace $0x8000004A;
	[dreg:$0x3] =	wrdreg s22  }
0x7: {  	s7 =	sadd.s32 $0x18AA00, s1;
	[dreg:$0x4] =	wrdreg s23  }
0x8: {  	s8 =	sadd.s32 $0x186610, s1;
	[dreg:$0xd] =	wrdreg s7  }
0x9: {  	s9 =	sadd.s32 $0x42E00, s1;
	[dreg:$0xe] =	wrdreg s8  }
0xa: {  	s10 =	sadd.s32 $0x42F00, s1;
	[dreg:$0xf] =	wrdreg s9  }
0xb: {  	s11 =	sadd.s32 $0x18AE00, s1;
	[dreg:$0x10] =	wrdreg s10  }
0xc: {  	s12 =	sadd.s32 $0x186620, s1;
	[dreg:$0x11] =	wrdreg s11  }
0xd: {  	s13 =	sadd.s32 $0x18B200, s1;
	[dreg:$0x12] =	wrdreg s12  }
0xe: {  	s28 =	simm.s32 $0x7;
	s14 =	sadd.s32 $0x43000, s1;
	[dreg:$0x13] =	wrdreg s13  }
0xf: {  	s29 =	simm.s32 $0x8;
	s15 =	sadd.s32 $0x186630, s1;
	[dreg:$0x14] =	wrdreg s14  }
0x10: {  	s16 =	sadd.s32 $0x43100, s1;
	s17 =	sadd.s32 $0x18B600, s1;
	[dreg:$0x15] =	wrdreg s15  }
0x11: {  	s18 =	sadd.s32 $0x186640, s1;
	s20 =	sadd.s32 $0x18BA00, s1;
	[dreg:$0x16] =	wrdreg s16  }
0x12: {  	s21 =	sadd.s32 $0x186650, s1;
	s0 =	ssub.s32 $0x2, s0;
	[dreg:$0x17] =	wrdreg s17  }
0x13: {  	s19 =	sshrl.u32 s0, $0x1;
	s4 =	simm.s32 $0xF;
	[dreg:$0x18] =	wrdreg s18  }
0x14: {  	s3 =	sshll.u32 s3, $0x8;
	s0 =	ssub.s32 s0, s19;
	[dreg:$0x19] =	wrdreg s20  }
0x15: {  	s19 =	simm.s32 $0x10;
	[dreg:$0x1a] =	wrdreg s21;
	s22 =	sadd.s32 $0x43200, s1  }
0x16: {  	s3 =	sadd.s32 s3, s1;
	s23 =	sadd.s32 $0x43300, s1;
	[dreg:$0x1b] =	wrdreg s22  }
0x17: {  	s0 =	smax.u32 s0, $0x1;
	s9 =	simm.s32 $0x4000;
	[dreg:$0x1c] =	wrdreg s23  }
0x18: {  	s10 =	simm.s32 $0xC000;
	s24 =	sadd.s32 $0x42600, s3;
	[smem:$0x7FD] =	sst s0  }
0x19: {  	s16 =	simm.s32 $0xA;
	s25 =	sadd.s32 $0x42700, s3;
	[dreg:$0x5] =	wrdreg s24  }
0x1a: {  	s17 =	simm.s32 $0xE;
	s26 =	sadd.s32 $0x42800, s3;
	[dreg:$0x6] =	wrdreg s25  }
0x1b: {  	s21 =	simm.s32 $0x6000;
	s30 =	sadd.s32 $0x42900, s3;
	[dreg:$0x7] =	wrdreg s26  }
0x1c: {  	s12 =	simm.s32 $0xC080;
	s31 =	sadd.s32 $0x42A00, s3;
	[dreg:$0x8] =	wrdreg s30  }
0x1d: {  	s8 =	simm.s32 $0x3;
	s5 =	sadd.s32 $0x42B00, s3;
	[dreg:$0x9] =	wrdreg s31  }
0x1e: {  	s14 =	simm.s32 $0xC100;
	s6 =	sadd.s32 $0x42C00, s3;
	[dreg:$0xa] =	wrdreg s5  }
0x1f: {  	s15 =	simm.s32 $0x4;
	s3 =	sadd.s32 $0x42D00, s3;
	[dreg:$0xb] =	wrdreg s6  }
0x20: {  	s18 =	simm.s32 $0xC;
	[dreg:$0xc] =	wrdreg s3;
	s24 =	sadd.s32 $0x18BE00, s1  }
0x21: {  	s20 =	simm.s32 $0xA000;
	s25 =	sadd.s32 $0x186660, s1;
	[dreg:$0x1d] =	wrdreg s24  }
0x22: {  	s22 =	simm.s32 $0xC180;
	s26 =	sadd.s32 $0x18C200, s1;
	[dreg:$0x1e] =	wrdreg s25  }
.Ltmp0:
0x23: {  	s30 =	sadd.s32 $0x43400, s1;
	[dreg:$0x1f] =	wrdreg s26;
	(pc) =	sbr.rel .LBB2_1-.Ltmp0, $4  }
0x24: {  	s23 =	simm.s32 $0x5;
	s31 =	sadd.s32 $0x186670, s1;
	[smem:$0x7FA] =	sst s30  }
0x25: {  	s1 =	sadd.s32 $0x43500, s1;
	s3 =	simm.s32 $0xB;
	[smem:$0x7FB] =	sst s31  }
0x26: {  	s5 =	simm.s32 $0x8000;
	[smem:$0x7FC] =	sst s1;
	s24 =	simm.s32 $0x9  }
0x27: {  	v0 =	vimm.f32 $0.0e+00;
	v1 =	vimm.f32 $1.000000000e+00;
	s25 =	simm.s32 $0xD;
	s26 =	simm.s32 $0x6;
	s1 =	simm.s32 $0x0  }
.LBB2_34:
0x28: {  	_ =	swait.ge [sflag:s24], $0x2000  }
0x29: {  	[sflag:s24] =	ssyncset.done $0x0  }
0x2a: {  	[sflag:s24] =	ssyncadd.s32 $0xFFFFE000  }
0x2b: {  	_ =	swait.ge [sflag:s25], $0x80  }
0x2c: {  	[sflag:s25] =	ssyncset.done $0x0  }
0x2d: {  	[sflag:s25] =	ssyncadd.s32 $0xFFFFFF80  }
0x2e: {  	_ =	swait.ge [sflag:s16], $0x2000  }
0x2f: {  	[sflag:s16] =	ssyncset.done $0x0  }
0x30: {  	[sflag:s16] =	ssyncadd.s32 $0xFFFFE000  }
0x31: {  	_ =	swait.ge [sflag:s17], $0x80  }
0x32: {  	[sflag:s17] =	ssyncset.done $0x0  }
0x33: {  	[sflag:s17] =	ssyncadd.s32 $0xFFFFFF80  }
0x34: {  	_ =	swait.ge [sflag:s3], $0x2000  }
0x35: {  	[sflag:s3] =	ssyncset.done $0x0  }
0x36: {  	[sflag:s3] =	ssyncadd.s32 $0xFFFFE000  }
0x37: {  	_ =	swait.ge [sflag:s4], $0x80  }
0x38: {  	[sflag:s4] =	ssyncset.done $0x0  }
0x39: {  	[sflag:s4] =	ssyncadd.s32 $0xFFFFFF80  }
0x3a: {  	_ =	swait.ge [sflag:s18], $0x2000  }
0x3b: {  	[sflag:s18] =	ssyncset.done $0x0  }
0x3c: {  	[sflag:s18] =	ssyncadd.s32 $0xFFFFE000  }
0x3d: {  	_ =	swait.ge [sflag:s19], $0x80  }
0x3e: {  	s1 =	sld [smem:$0x7F9]  }
0x3f: {  	s0 =	sld [smem:$0x7FD];
	_ =	sdelay $0x1  }
0x40: {  	s1 =	sadd.s32 $0x1, s1  }
0x41: {  	p0 =	sne.s32 s1, s0  }
.Ltmp1:
0x42: {  	_ = 	snop;
	(pc) =	sbr.rel @!p0 .LBB2_35-.Ltmp1, $3  }
0x43: {  	_ =	sdelay $0x1  }
0x44: {  	[sflag:s19] =	ssyncset.done $0x0  }
0x45: {  	[sflag:s19] =	ssyncadd.s32 $0xFFFFFF80  }
.LBB2_1:
0x46: {  	[smem:$0x7F9] =	sst s1;
	s0 =	simm.s32 $0x0;
	s1 =	simm.s32 $0x200  }
.LBB2_2:
0x47: {  	p0 =	sne.s32 s1, $0x7E00;
	[tilespmem:s0+$0xA030] =	vst v0  }
0x48: {  	[tilespmem:s0+$0x4000] =	vst v0  }
0x49: {  	[tilespmem:s0+$0x4010] =	vst v0  }
0x4a: {  	[tilespmem:s0+$0x4020] =	vst v0  }
0x4b: {  	[tilespmem:s0+$0x4030] =	vst v0  }
0x4c: {  	[tilespmem:s0+$0x6000] =	vst v0  }
0x4d: {  	[tilespmem:s0+$0x6010] =	vst v0  }
0x4e: {  	[tilespmem:s0+$0x6020] =	vst v0  }
0x4f: {  	[tilespmem:s0+$0x6030] =	vst v0  }
0x50: {  	[tilespmem:s0+$0x8000] =	vst v0  }
0x51: {  	[tilespmem:s0+$0x8010] =	vst v0  }
.Ltmp2:
0x52: {  	[tilespmem:s0+$0x8020] =	vst v0;
	(pc) =	sbr.rel @p0 .LBB2_2-.Ltmp2, $4  }
0x53: {  	[tilespmem:s0+$0x8030] =	vst v0  }
0x54: {  	[tilespmem:s0+$0xA000] =	vst v0  }
0x55: {  	[tilespmem:s0+$0xA010] =	vst v0  }
0x56: {  	[tilespmem:s0+$0xA020] =	vst v0;
	s0 =	sshra.s32 s1, $0x2;
	s1 =	sadd.s32 $0x200, s1  }
0x57: {  	[tilespmem:s0+$0xA030] =	vst v0  }
0x58: {  	[tilespmem:s0+$0x4000] =	vst v0  }
0x59: {  	[tilespmem:s0+$0x4010] =	vst v0  }
0x5a: {  	[tilespmem:s0+$0x4020] =	vst v0  }
0x5b: {  	[tilespmem:s0+$0x4030] =	vst v0  }
0x5c: {  	[tilespmem:s0+$0x6000] =	vst v0  }
0x5d: {  	[tilespmem:s0+$0x6010] =	vst v0  }
0x5e: {  	[tilespmem:s0+$0x6020] =	vst v0  }
0x5f: {  	[tilespmem:s0+$0x6030] =	vst v0  }
0x60: {  	[tilespmem:s0+$0x8000] =	vst v0  }
0x61: {  	[tilespmem:s0+$0x8010] =	vst v0  }
0x62: {  	[tilespmem:s0+$0x8020] =	vst v0  }
0x63: {  	[tilespmem:s0+$0x8030] =	vst v0  }
0x64: {  	[tilespmem:s0+$0xA000] =	vst v0  }
0x65: {  	[tilespmem:s0+$0xA010] =	vst v0  }
0x66: {  	[tilespmem:s0+$0xA020] =	vst v0  }
0x67: {  	[tilespmem:$0xC000] =	vst v0  }
0x68: {  	[tilespmem:$0xC010] =	vst v0  }
0x69: {  	[tilespmem:$0xC020] =	vst v0  }
0x6a: {  	[tilespmem:$0xC030] =	vst v0  }
0x6b: {  	[tilespmem:$0xC040] =	vst v0  }
0x6c: {  	[tilespmem:$0xC050] =	vst v0  }
0x6d: {  	[tilespmem:$0xC060] =	vst v0  }
0x6e: {  	[tilespmem:$0xC070] =	vst v0  }
0x6f: {  	[tilespmem:$0xC080] =	vst v0  }
0x70: {  	[tilespmem:$0xC090] =	vst v0  }
0x71: {  	[tilespmem:$0xC0A0] =	vst v0  }
0x72: {  	[tilespmem:$0xC0B0] =	vst v0  }
0x73: {  	[tilespmem:$0xC0C0] =	vst v0  }
0x74: {  	[tilespmem:$0xC0D0] =	vst v0  }
0x75: {  	[tilespmem:$0xC0E0] =	vst v0  }
0x76: {  	[tilespmem:$0xC0F0] =	vst v0  }
0x77: {  	[tilespmem:$0xC100] =	vst v0  }
0x78: {  	[tilespmem:$0xC110] =	vst v0  }
0x79: {  	[tilespmem:$0xC120] =	vst v0  }
0x7a: {  	[tilespmem:$0xC130] =	vst v0  }
0x7b: {  	[tilespmem:$0xC140] =	vst v0  }
0x7c: {  	[tilespmem:$0xC150] =	vst v0  }
0x7d: {  	[tilespmem:$0xC160] =	vst v0  }
0x7e: {  	[tilespmem:$0xC170] =	vst v0  }
0x7f: {  	[tilespmem:$0xC180] =	vst v0  }
0x80: {  	[tilespmem:$0xC190] =	vst v0  }
0x81: {  	[tilespmem:$0xC1A0] =	vst v0  }
0x82: {  	[tilespmem:$0xC1B0] =	vst v0  }
0x83: {  	[tilespmem:$0xC1C0] =	vst v0  }
0x84: {  	[tilespmem:$0xC1D0] =	vst v0  }
0x85: {  	[tilespmem:$0xC1E0] =	vst v0  }
0x86: {  	s30 =	simm.s32 $0x0;
	s13 =	rddreg [dreg:$0x5];
	[tilespmem:$0xC1F0] =	vst v0  }
0x87: {  	[tilespmem:s30], [sflag:$0x1] =	stream.linear.gather [hbm4b:s13+s30], $0x800, $0x38;
	[tilespmem:$0xC200] =	vst v63  }
0x88: {  	s31 =	rddreg [dreg:$0x6];
	s1 =	simm.s32 $0x800  }
0x89: {  	[tilespmem:s1], [sflag:$0x2] =	stream.linear.gather [hbm4b:s31+s30], $0x800, $0x38;
	[tilespmem:$0xC200] =	vst v63  }
0x8a: {  	s6 =	simm.s32 $0x1000;
	s1 =	rddreg [dreg:$0x7]  }
0x8b: {  	[tilespmem:s6], [sflag:$0x3] =	stream.linear.gather [hbm4b:s1+s30], $0x800, $0x38;
	[tilespmem:$0xC200] =	vst v63  }
0x8c: {  	s7 =	rddreg [dreg:$0x8];
	s11 =	simm.s32 $0x1800  }
0x8d: {  	[tilespmem:s11], [sflag:$0x4] =	stream.linear.gather [hbm4b:s7+s30], $0x800, $0x38;
	[tilespmem:$0xC200] =	vst v63  }
0x8e: {  	s13 =	rddreg [dreg:$0x9];
	s31 =	simm.s32 $0x2000  }
0x8f: {  	[tilespmem:s31], [sflag:$0x5] =	stream.linear.gather [hbm4b:s13+s30], $0x800, $0x38;
	[tilespmem:$0xC200] =	vst v63  }
0x90: {  	s1 =	rddreg [dreg:$0xa];
	s6 =	simm.s32 $0x2800  }
0x91: {  	[tilespmem:s6], [sflag:$0x6] =	stream.linear.gather [hbm4b:s1+s30], $0x800, $0x38;
	[tilespmem:$0xC200] =	vst v63  }
0x92: {  	s7 =	rddreg [dreg:$0xb];
	s11 =	simm.s32 $0x3000  }
0x93: {  	[tilespmem:s11], [sflag:$0x7] =	stream.linear.gather [hbm4b:s7+s30], $0x800, $0x38;
	[tilespmem:$0xC200] =	vst v63  }
0x94: {  	s13 =	rddreg [dreg:$0xc];
	s31 =	simm.s32 $0x3800  }
0x95: {  	[tilespmem:s31], [sflag:$0x8] =	stream.linear.gather [hbm4b:s13+s30], $0x800, $0x38;
	[tilespmem:$0xC200] =	vst v63  }
.LBB2_4:
0x96: {  	s0 =	simm.s32 $0x1  }
0x97: {  	_ =	swait.ge [sflag:s0], $0x800  }
0x98: {  	p0 =	seq.s32 s30, $0x0;
	[sflag:s0] =	ssyncset.done $0x0  }
0x99: {  	[sflag:s0] =	ssyncadd.s32 $0xFFFFF800;
	s0 =	simm.s32 @!p0 $0x9  }
0x9a: {  	_ =	swait.ge @!p0 [sflag:s0], $0x2000  }
0x9b: {  	[sflag:s0] =	ssyncset.done @!p0 $0x0  }
0x9c: {  	[sflag:s0] =	ssyncadd.s32 @!p0 $0xFFFFE000;
	s0 =	simm.s32 @!p0 $0xD  }
0x9d: {  	_ =	swait.ge @!p0 [sflag:s0], $0x80  }
0x9e: {  	[sflag:s0] =	ssyncset.done @!p0 $0x0  }
0x9f: {  	[sflag:s0] =	ssyncadd.s32 @!p0 $0xFFFFFF80;
	s0 =	simm.s32 $0x80  }
0xa0: {  	v3 =	vld [tilespmem:s0+$0xFFFFFF80]  }
0xa1: {  	v6 =	vld [tilespmem:s0+$0x70]  }
0xa2: {  	v5 =	vld [tilespmem:s0+$0xFFFFFFF0]  }
0xa3: {  	v7 =	vld [tilespmem:s0+$0x60]  }
0xa4: {  	v8 =	vld [tilespmem:s0+$0xFFFFFFE0]  }
0xa5: {  	v9 =	vld [tilespmem:s0+$0x50]  }
0xa6: {  	v11 =	vld [tilespmem:s0+$0xFFFFFFD0]  }
0xa7: {  	v10 =	vld [tilespmem:s0+$0xFFFFFF90]  }
0xa8: {  	v2 =	vld [tilespmem:s0+$0x0];
	v4 =	vand.u32 $0xFFFFFF80, v6;
	v13 =	vshll.u32 v5, $0x7  }
0xa9: {  	v12 =	vld [tilespmem:s0+$0x40];
	v15 =	vand.u32 $0x7F, v6;
	v16 =	vand.u32 $0xFFFFFF80, v7;
	v17 =	vshll.u32 v8, $0x7  }
0xaa: {  	v14 =	vld [tilespmem:s0+$0xFFFFFFC0];
	v19 =	vand.u32 $0x7F, v7;
	v53 =	vand.u32 $0xFFFFFF80, v9;
	v4 =	vadd.s32 v13, v4  }
0xab: {  	v52 =	vld [tilespmem:s0+$0x30];
	v54 =	vshll.u32 v11, $0x7;
	v16 =	vadd.s32 v17, v16;
	v15 =	vor.u32 v15, v4  }
0xac: {  	v18 =	vld [tilespmem:s0+$0xFFFFFFB0];
	v22 =	vand.u32 $0x7F, v9;
	v17 =	vadd.s32 v54, v53;
	v16 =	vor.u32 v19, v16  }
0xad: {  	v20 =	vld [tilespmem:s0+$0xFFFFFFA0];
	v17 =	vor.u32 v22, v17  }
0xae: {  	v21 =	vadd.s32 $0x40, v5;
	v5 =	vld [tilespmem:s0+$0x10]  }
0xaf: {  	v4 =	vld [tilespmem:s0+$0x20]  }
0xb0: {  	[tilespmem:v15+s9+$0x0] =	vst.idx.add.f32.msk $0xffff, v1  }
0xb1: {  	v8 =	vadd.s32 $0x40, v8;
	v55 =	vand.u32 $0xFFFFFF80, v12;
	[tilespmem:v16+s9+$0x0] =	vst.idx.add.f32.msk $0xffff, v1  }
0xb2: {  	v56 =	vshll.u32 v14, $0x7;
	v57 =	vand.u32 $0xFFFFFF80, v52;
	v58 =	vshll.u32 v18, $0x7;
	[tilespmem:v17+s9+$0x0] =	vst.idx.add.f32.msk $0xffff, v1  }
0xb3: {  	v11 =	vadd.s32 $0x40, v11;
	v15 =	vadd.s32 v56, v55;
	[tilespmem:v6+s10+$0x0] =	vst.idx.add.f32.msk $0xffff, v1;
	v6 =	vand.u32 $0x7F, v12  }
0xb4: {  	v59 =	vand.u32 $0x7F, v52;
	v60 =	vadd.s32 v58, v57;
	[tilespmem:v7+s10+$0x0] =	vst.idx.add.f32.msk $0xffff, v1;
	v6 =	vor.u32 v6, v15  }
0xb5: {  	v7 =	vor.u32 v59, v60;
	[tilespmem:v9+s10+$0x0] =	vst.idx.add.f32.msk $0xffff, v1  }
0xb6: {  	[tilespmem:v21+s10+$0x0] =	vst.idx.add.f32.msk $0xffff, v1  }
0xb7: {  	v9 =	vadd.s32 $0x40, v14;
	[tilespmem:v8+s10+$0x0] =	vst.idx.add.f32.msk $0xffff, v1  }
0xb8: {  	[tilespmem:v11+s10+$0x0] =	vst.idx.add.f32.msk $0xffff, v1  }
0xb9: {  	v8 =	vshll.u32 v20, $0x7;
	[tilespmem:v6+s9+$0x0] =	vst.idx.add.f32.msk $0xffff, v1;
	v6 =	vand.u32 $0xFFFFFF80, v4  }
0xba: {  	v61 =	vadd.s32 $0x40, v18;
	[tilespmem:v7+s9+$0x0] =	vst.idx.add.f32.msk $0xffff, v1;
	v7 =	vand.u32 $0x7F, v4;
	v6 =	vadd.s32 v8, v6  }
0xbb: {  	v62 =	vshll.u32 v10, $0x7;
	v8 =	vand.u32 $0xFFFFFF80, v5;
	[tilespmem:v12+s10+$0x0] =	vst.idx.add.f32.msk $0xffff, v1;
	v6 =	vor.u32 v7, v6  }
0xbc: {  	[tilespmem:v9+s10+$0x0] =	vst.idx.add.f32.msk $0xffff, v1;
	v9 =	vand.u32 $0x7F, v5;
	v8 =	vadd.s32 v62, v8  }
0xbd: {  	v11 =	vshll.u32 v3, $0x7;
	[tilespmem:v52+s10+$0x0] =	vst.idx.add.f32.msk $0xffff, v1;
	v7 =	vand.u32 $0xFFFFFF80, v2;
	v8 =	vor.u32 v9, v8  }
0xbe: {  	s1 =	sshll.u32 s30, $0x3;
	v63 =	vand.u32 $0x7F, v2;
	v7 =	vadd.s32 v11, v7;
	s6 =	rddreg [dreg:$0x2];
	v9 =	vadd.s32 $0x40, v20  }
0xbf: {  	v10 =	vadd.s32 $0x40, v10;
	[tilespmem:v61+s10+$0x0] =	vst.idx.add.f32.msk $0xffff, v1;
	v7 =	vor.u32 v63, v7;
	s31 =	sadd.s32 s6, s1;
	s1 =	simm.s32 $0x0  }
.LBB2_5:
0xc0: {  	s1 =	sadd.s32 $0x8, s1;
	[tilespmem:v6+s9+$0x0] =	vst.idx.add.f32.msk $0xffff, v1;
	s0 =	sadd.s32 $0x100, s0  }
0xc1: {  	p1 =	slt.u32 s1, $0x38;
	[tilespmem:v4+s10+$0x0] =	vst.idx.add.f32.msk $0xffff, v1  }
0xc2: {  	v3 =	vadd.s32 $0x40, v3;
	[tilespmem:v8+s9+$0x0] =	vst.idx.add.f32.msk $0xffff, v1  }
0xc3: {  	[tilespmem:v9+s10+$0x0] =	vst.idx.add.f32.msk $0xffff, v1  }
0xc4: {  	[tilespmem:v5+s10+$0x0] =	vst.idx.add.f32.msk $0xffff, v1  }
0xc5: {  	[tilespmem:v10+s10+$0x0] =	vst.idx.add.f32.msk $0xffff, v1  }
0xc6: {  	[tilespmem:v7+s9+$0x0] =	vst.idx.add.f32.msk $0xffff, v1  }
0xc7: {  	[tilespmem:v2+s10+$0x0] =	vst.idx.add.f32.msk $0xffff, v1  }
0xc8: {  	[tilespmem:v3+s10+$0x0] =	vst.idx.add.f32.msk $0xffff, v1  }
0xc9: {  	v3 =	vld [tilespmem:s0+$0xFFFFFF80]  }
0xca: {  	v10 =	vld [tilespmem:s0+$0xFFFFFF90]  }
0xcb: {  	v2 =	vld [tilespmem:s0+$0x0]  }
0xcc: {  	v6 =	vld [tilespmem:s0+$0x70]  }
0xcd: {  	v4 =	vld [tilespmem:s0+$0xFFFFFFF0]  }
0xce: {  	v7 =	vld [tilespmem:s0+$0x60]  }
0xcf: {  	v5 =	vld [tilespmem:s0+$0xFFFFFFE0]  }
0xd0: {  	v8 =	vld [tilespmem:s0+$0x50]  }
0xd1: {  	v9 =	vld [tilespmem:s0+$0xFFFFFFD0]  }
0xd2: {  	v12 =	vand.u32 $0xFFFFFF80, v6;
	v11 =	vld [tilespmem:s0+$0x40];
	v13 =	vshll.u32 v4, $0x7  }
0xd3: {  	v15 =	vand.u32 $0x7F, v6;
	v14 =	vld [tilespmem:s0+$0xFFFFFFC0];
	v12 =	vadd.s32 v13, v12  }
0xd4: {  	v16 =	vand.u32 $0xFFFFFF80, v7;
	v13 =	vld [tilespmem:s0+$0x30];
	v17 =	vshll.u32 v5, $0x7;
	v12 =	vor.u32 v15, v12  }
0xd5: {  	v18 =	vand.u32 $0x7F, v7;
	v15 =	vld [tilespmem:s0+$0xFFFFFFB0];
	v16 =	vadd.s32 v17, v16;
	v17 =	vadd.s32 $0x40, v4  }
0xd6: {  	v19 =	vand.u32 $0xFFFFFF80, v8;
	v4 =	vld [tilespmem:s0+$0x20];
	v20 =	vshll.u32 v9, $0x7;
	v16 =	vor.u32 v18, v16  }
0xd7: {  	v21 =	vand.u32 $0x7F, v8;
	v18 =	vld [tilespmem:s0+$0xFFFFFFA0];
	v19 =	vadd.s32 v20, v19;
	v20 =	vadd.s32 $0x40, v5  }
0xd8: {  	v22 =	vand.u32 $0xFFFFFF80, v11;
	v5 =	vld [tilespmem:s0+$0x10];
	v23 =	vshll.u32 v14, $0x7;
	v19 =	vor.u32 v21, v19  }
0xd9: {  	v24 =	vand.u32 $0x7F, v11;
	v21 =	vand.u32 $0xFFFFFF80, v13;
	v22 =	vadd.s32 v23, v22;
	[tilespmem:v12+s9+$0x0] =	vst.idx.add.f32.msk $0xffff, v1  }
0xda: {  	v12 =	vshll.u32 v15, $0x7;
	v15 =	vadd.s32 $0x40, v15;
	v22 =	vor.u32 v24, v22;
	[tilespmem:v6+s10+$0x0] =	vst.idx.add.f32.msk $0xffff, v1  }
0xdb: {  	v23 =	vand.u32 $0x7F, v13;
	v6 =	vand.u32 $0xFFFFFF80, v4;
	v12 =	vadd.s32 v12, v21;
	[tilespmem:v16+s9+$0x0] =	vst.idx.add.f32.msk $0xffff, v1  }
0xdc: {  	v21 =	vadd.s32 $0x40, v9;
	v16 =	vshll.u32 v18, $0x7;
	v12 =	vor.u32 v23, v12;
	[tilespmem:v7+s10+$0x0] =	vst.idx.add.f32.msk $0xffff, v1  }
0xdd: {  	v14 =	vadd.s32 $0x40, v14;
	v7 =	vand.u32 $0x7F, v4;
	v6 =	vadd.s32 v16, v6;
	[tilespmem:v17+s10+$0x0] =	vst.idx.add.f32.msk $0xffff, v1  }
0xde: {  	v9 =	vand.u32 $0xFFFFFF80, v5;
	v16 =	vand.u32 $0x7F, v5;
	v6 =	vor.u32 v7, v6;
	[tilespmem:v19+s9+$0x0] =	vst.idx.add.f32.msk $0xffff, v1  }
0xdf: {  	v17 =	vshll.u32 v3, $0x7;
	v7 =	vand.u32 $0xFFFFFF80, v2;
	v19 =	vshll.u32 v10, $0x7;
	[tilespmem:v8+s10+$0x0] =	vst.idx.add.f32.msk $0xffff, v1  }
0xe0: {  	v8 =	vand.u32 $0x7F, v2;
	v7 =	vadd.s32 v17, v7;
	v9 =	vadd.s32 v19, v9;
	[tilespmem:v20+s10+$0x0] =	vst.idx.add.f32.msk $0xffff, v1  }
0xe1: {  	v7 =	vor.u32 v8, v7;
	v8 =	vor.u32 v16, v9;
	[tilespmem:v22+s9+$0x0] =	vst.idx.add.f32.msk $0xffff, v1  }
0xe2: {  	[tilespmem:v12+s9+$0x0] =	vst.idx.add.f32.msk $0xffff, v1  }
.Ltmp3:
0xe3: {  	v9 =	vadd.s32 $0x40, v18;
	[tilespmem:v21+s10+$0x0] =	vst.idx.add.f32.msk $0xffff, v1;
	(pc) =	sbr.rel @p1 .LBB2_5-.Ltmp3, $4  }
0xe4: {  	[tilespmem:v11+s10+$0x0] =	vst.idx.add.f32.msk $0xffff, v1  }
0xe5: {  	v10 =	vadd.s32 $0x40, v10;
	[tilespmem:v14+s10+$0x0] =	vst.idx.add.f32.msk $0xffff, v1  }
0xe6: {  	[tilespmem:v13+s10+$0x0] =	vst.idx.add.f32.msk $0xffff, v1  }
0xe7: {  	[tilespmem:v15+s10+$0x0] =	vst.idx.add.f32.msk $0xffff, v1  }
0xe8: {  	_ =	sdelay $0x3  }
0xe9: {  	[tilespmem:v6+s9+$0x0] =	vst.idx.add.f32.msk $0xffff, v1  }
0xea: {  	[tilespmem:v8+s9+$0x0] =	vst.idx.add.f32.msk $0xffff, v1  }
0xeb: {  	[tilespmem:v7+s9+$0x0] =	vst.idx.add.f32.msk $0xffff, v1  }
0xec: {  	v3 =	vadd.s32 $0x40, v3;
	[tilespmem:v4+s10+$0x0] =	vst.idx.add.f32.msk $0xffff, v1  }
0xed: {  	[tilespmem:v5+s10+$0x0] =	vst.idx.add.f32.msk $0xffff, v1  }
0xee: {  	[tilespmem:v2+s10+$0x0] =	vst.idx.add.f32.msk $0xffff, v1  }
0xef: {  	[tilespmem:v9+s10+$0x0] =	vst.idx.add.f32.msk $0xffff, v1  }
0xf0: {  	[tilespmem:v10+s10+$0x0] =	vst.idx.add.f32.msk $0xffff, v1  }
0xf1: {  	[tilespmem:v3+s10+$0x0] =	vst.idx.add.f32.msk $0xffff, v1  }
0xf2: {  	s1 =	sshll.u32 s31, $0xA;
	p1 =	sne.s32 s30, $0x3;
	s0 =	rddreg [dreg:$0x3]  }
.Ltmp4:
0xf3: {  	s0 =	sadd.s32 s0, s1;
	(pc) =	sbr.rel @p1 .LBB2_8-.Ltmp4, $4  }
0xf4: {  	[hbm4b:s0+s2] =	stream.linear.scatter [tilespmem:s9], [sflag:$0x9], $0x2000, $0x38;
	[tilespmem:$0xC200] =	vst v63  }
0xf5: {  	s6 =	rddreg [dreg:$0x4];
	s0 =	sshll.u32 s31, $0x4  }
0xf6: {  	s6 =	sadd.s32 s6, s0  }
0xf7: {  	[hbm4b:s6+s2] =	stream.linear.scatter [tilespmem:s10], [sflag:$0xD], $0x80, $0x38;
	[tilespmem:$0xC200] =	vst v63  }
.Ltmp5:
0xf8: {  	(pc) =	sbr.rel .LBB2_9-.Ltmp5, $4  }
0xf9: {  	s6 =	simm.s32 $0x2  }
0xfa: {  	_ =	swait.ge [sflag:s6], $0x800  }
0xfb: {  	[sflag:s6] =	ssyncset.done $0x0  }
0xfc: {  	[sflag:s6] =	ssyncadd.s32 $0xFFFFF800  }
.LBB2_8:
0xfd: {  	s6 =	sshll.u32 s31, $0x8;
	s7 =	rddreg [dreg:$0xf]  }
.Ltmp6:
0xfe: {  	s13 =	simm.s32 $0x2;
	s6 =	sadd.s32 s6, s7;
	(pc) =	sbr.rel @p0 .LBB2_10-.Ltmp6, $4  }
0xff: {  	[tilespmem:s2], [sflag:$0x1] =	stream.linear.gather [hbm4b:s6+s2], $0x800, $0x38;
	[tilespmem:$0xC200] =	vst v63  }
0x100: {  	_ =	swait.ge [sflag:s13], $0x800  }
0x101: {  	[sflag:s13] =	ssyncset.done $0x0  }
0x102: {  	[sflag:s13] =	ssyncadd.s32 $0xFFFFF800  }
.LBB2_9:
0x103: {  	_ =	swait.ge [sflag:s16], $0x2000  }
0x104: {  	[sflag:s16] =	ssyncset.done $0x0  }
0x105: {  	[sflag:s16] =	ssyncadd.s32 $0xFFFFE000  }
0x106: {  	_ =	swait.ge [sflag:s17], $0x80  }
0x107: {  	[sflag:s17] =	ssyncset.done $0x0  }
0x108: {  	[sflag:s17] =	ssyncadd.s32 $0xFFFFFF80  }
.LBB2_10:
0x109: {  	s6 =	simm.s32 $0x880  }
0x10a: {  	v3 =	vld [tilespmem:s6+$0xFFFFFF80]  }
0x10b: {  	v10 =	vld [tilespmem:s6+$0xFFFFFF90]  }
0x10c: {  	v6 =	vld [tilespmem:s6+$0x70]  }
0x10d: {  	v5 =	vld [tilespmem:s6+$0xFFFFFFF0]  }
0x10e: {  	v7 =	vld [tilespmem:s6+$0x60]  }
0x10f: {  	v8 =	vld [tilespmem:s6+$0xFFFFFFE0]  }
0x110: {  	v9 =	vld [tilespmem:s6+$0x50]  }
0x111: {  	v11 =	vld [tilespmem:s6+$0xFFFFFFD0]  }
0x112: {  	v2 =	vld [tilespmem:s6+$0x0]  }
0x113: {  	v12 =	vld [tilespmem:s6+$0x40];
	v4 =	vand.u32 $0xFFFFFF80, v6;
	v13 =	vshll.u32 v5, $0x7;
	v15 =	vand.u32 $0x7F, v6  }
0x114: {  	v14 =	vld [tilespmem:s6+$0xFFFFFFC0];
	v16 =	vand.u32 $0xFFFFFF80, v7;
	v17 =	vshll.u32 v8, $0x7;
	v4 =	vadd.s32 v13, v4  }
0x115: {  	v52 =	vld [tilespmem:s6+$0x30];
	v19 =	vand.u32 $0x7F, v7;
	v16 =	vadd.s32 v17, v16;
	v15 =	vor.u32 v15, v4  }
0x116: {  	v18 =	vld [tilespmem:s6+$0xFFFFFFB0];
	v53 =	vand.u32 $0xFFFFFF80, v9;
	v54 =	vshll.u32 v11, $0x7;
	v16 =	vor.u32 v19, v16  }
0x117: {  	v20 =	vld [tilespmem:s6+$0xFFFFFFA0];
	v22 =	vand.u32 $0x7F, v9;
	v17 =	vadd.s32 v54, v53  }
0x118: {  	v21 =	vadd.s32 $0x40, v5;
	v5 =	vld [tilespmem:s6+$0x10];
	v17 =	vor.u32 v22, v17  }
0x119: {  	v4 =	vld [tilespmem:s6+$0x20]  }
0x11a: {  	v8 =	vadd.s32 $0x40, v8;
	[tilespmem:v15+s21+$0x0] =	vst.idx.add.f32.msk $0xffff, v1  }
0x11b: {  	v55 =	vand.u32 $0xFFFFFF80, v12;
	v56 =	vshll.u32 v14, $0x7;
	v57 =	vand.u32 $0xFFFFFF80, v52;
	[tilespmem:v16+s21+$0x0] =	vst.idx.add.f32.msk $0xffff, v1  }
0x11c: {  	v58 =	vshll.u32 v18, $0x7;
	v15 =	vadd.s32 v56, v55;
	[tilespmem:v6+s12+$0x0] =	vst.idx.add.f32.msk $0xffff, v1;
	v6 =	vand.u32 $0x7F, v12  }
0x11d: {  	v59 =	vand.u32 $0x7F, v52;
	v60 =	vadd.s32 v58, v57;
	[tilespmem:v17+s21+$0x0] =	vst.idx.add.f32.msk $0xffff, v1;
	v6 =	vor.u32 v6, v15  }
0x11e: {  	[tilespmem:v7+s12+$0x0] =	vst.idx.add.f32.msk $0xffff, v1;
	v7 =	vor.u32 v59, v60  }
0x11f: {  	[tilespmem:v9+s12+$0x0] =	vst.idx.add.f32.msk $0xffff, v1  }
0x120: {  	v9 =	vadd.s32 $0x40, v14;
	[tilespmem:v21+s12+$0x0] =	vst.idx.add.f32.msk $0xffff, v1  }
0x121: {  	v11 =	vadd.s32 $0x40, v11;
	[tilespmem:v8+s12+$0x0] =	vst.idx.add.f32.msk $0xffff, v1  }
0x122: {  	v8 =	vshll.u32 v20, $0x7;
	[tilespmem:v6+s21+$0x0] =	vst.idx.add.f32.msk $0xffff, v1;
	v6 =	vand.u32 $0xFFFFFF80, v4  }
0x123: {  	v61 =	vadd.s32 $0x40, v18;
	[tilespmem:v7+s21+$0x0] =	vst.idx.add.f32.msk $0xffff, v1;
	v7 =	vand.u32 $0x7F, v4;
	v6 =	vadd.s32 v8, v6  }
0x124: {  	v62 =	vshll.u32 v10, $0x7;
	v8 =	vand.u32 $0xFFFFFF80, v5;
	[tilespmem:v12+s12+$0x0] =	vst.idx.add.f32.msk $0xffff, v1;
	v6 =	vor.u32 v7, v6  }
0x125: {  	[tilespmem:v9+s12+$0x0] =	vst.idx.add.f32.msk $0xffff, v1;
	v9 =	vand.u32 $0x7F, v5;
	v8 =	vadd.s32 v62, v8  }
0x126: {  	[tilespmem:v11+s12+$0x0] =	vst.idx.add.f32.msk $0xffff, v1;
	v11 =	vshll.u32 v3, $0x7;
	v7 =	vand.u32 $0xFFFFFF80, v2;
	v8 =	vor.u32 v9, v8  }
0x127: {  	v63 =	vand.u32 $0x7F, v2;
	[tilespmem:v52+s12+$0x0] =	vst.idx.add.f32.msk $0xffff, v1;
	v7 =	vadd.s32 v11, v7;
	v9 =	vadd.s32 $0x40, v20  }
0x128: {  	s7 =	simm.s32 $0x0;
	v10 =	vadd.s32 $0x40, v10;
	[tilespmem:v61+s12+$0x0] =	vst.idx.add.f32.msk $0xffff, v1;
	v7 =	vor.u32 v63, v7  }
.LBB2_11:
0x129: {  	s7 =	sadd.s32 $0x8, s7;
	[tilespmem:v6+s21+$0x0] =	vst.idx.add.f32.msk $0xffff, v1;
	s6 =	sadd.s32 $0x100, s6  }
0x12a: {  	p2 =	slt.u32 s7, $0x38;
	[tilespmem:v4+s12+$0x0] =	vst.idx.add.f32.msk $0xffff, v1  }
0x12b: {  	v3 =	vadd.s32 $0x40, v3;
	[tilespmem:v8+s21+$0x0] =	vst.idx.add.f32.msk $0xffff, v1  }
0x12c: {  	[tilespmem:v9+s12+$0x0] =	vst.idx.add.f32.msk $0xffff, v1  }
0x12d: {  	[tilespmem:v5+s12+$0x0] =	vst.idx.add.f32.msk $0xffff, v1  }
0x12e: {  	[tilespmem:v10+s12+$0x0] =	vst.idx.add.f32.msk $0xffff, v1  }
0x12f: {  	[tilespmem:v7+s21+$0x0] =	vst.idx.add.f32.msk $0xffff, v1  }
0x130: {  	[tilespmem:v2+s12+$0x0] =	vst.idx.add.f32.msk $0xffff, v1  }
0x131: {  	[tilespmem:v3+s12+$0x0] =	vst.idx.add.f32.msk $0xffff, v1  }
0x132: {  	v3 =	vld [tilespmem:s6+$0xFFFFFF80]  }
0x133: {  	v10 =	vld [tilespmem:s6+$0xFFFFFF90]  }
0x134: {  	v2 =	vld [tilespmem:s6+$0x0]  }
0x135: {  	v6 =	vld [tilespmem:s6+$0x70]  }
0x136: {  	v4 =	vld [tilespmem:s6+$0xFFFFFFF0]  }
0x137: {  	v7 =	vld [tilespmem:s6+$0x60]  }
0x138: {  	v5 =	vld [tilespmem:s6+$0xFFFFFFE0]  }
0x139: {  	v8 =	vld [tilespmem:s6+$0x50]  }
0x13a: {  	v9 =	vld [tilespmem:s6+$0xFFFFFFD0]  }
0x13b: {  	v12 =	vand.u32 $0xFFFFFF80, v6;
	v11 =	vld [tilespmem:s6+$0x40];
	v13 =	vshll.u32 v4, $0x7  }
0x13c: {  	v15 =	vand.u32 $0x7F, v6;
	v14 =	vld [tilespmem:s6+$0xFFFFFFC0];
	v12 =	vadd.s32 v13, v12  }
0x13d: {  	v16 =	vand.u32 $0xFFFFFF80, v7;
	v13 =	vld [tilespmem:s6+$0x30];
	v17 =	vshll.u32 v5, $0x7;
	v12 =	vor.u32 v15, v12  }
0x13e: {  	v18 =	vand.u32 $0x7F, v7;
	v15 =	vld [tilespmem:s6+$0xFFFFFFB0];
	v16 =	vadd.s32 v17, v16;
	v17 =	vadd.s32 $0x40, v4  }
0x13f: {  	v19 =	vand.u32 $0xFFFFFF80, v8;
	v4 =	vld [tilespmem:s6+$0x20];
	v20 =	vshll.u32 v9, $0x7;
	v16 =	vor.u32 v18, v16  }
0x140: {  	v21 =	vand.u32 $0x7F, v8;
	v18 =	vld [tilespmem:s6+$0xFFFFFFA0];
	v19 =	vadd.s32 v20, v19;
	v20 =	vadd.s32 $0x40, v5  }
0x141: {  	v22 =	vand.u32 $0xFFFFFF80, v11;
	v5 =	vld [tilespmem:s6+$0x10];
	v23 =	vshll.u32 v14, $0x7;
	v19 =	vor.u32 v21, v19  }
0x142: {  	v24 =	vand.u32 $0x7F, v11;
	v21 =	vand.u32 $0xFFFFFF80, v13;
	v22 =	vadd.s32 v23, v22;
	[tilespmem:v12+s21+$0x0] =	vst.idx.add.f32.msk $0xffff, v1  }
0x143: {  	v12 =	vshll.u32 v15, $0x7;
	v15 =	vadd.s32 $0x40, v15;
	v22 =	vor.u32 v24, v22;
	[tilespmem:v6+s12+$0x0] =	vst.idx.add.f32.msk $0xffff, v1  }
0x144: {  	v23 =	vand.u32 $0x7F, v13;
	v6 =	vand.u32 $0xFFFFFF80, v4;
	v12 =	vadd.s32 v12, v21;
	[tilespmem:v16+s21+$0x0] =	vst.idx.add.f32.msk $0xffff, v1  }
0x145: {  	v21 =	vadd.s32 $0x40, v9;
	v16 =	vshll.u32 v18, $0x7;
	v12 =	vor.u32 v23, v12;
	[tilespmem:v7+s12+$0x0] =	vst.idx.add.f32.msk $0xffff, v1  }
0x146: {  	v14 =	vadd.s32 $0x40, v14;
	v7 =	vand.u32 $0x7F, v4;
	v6 =	vadd.s32 v16, v6;
	[tilespmem:v17+s12+$0x0] =	vst.idx.add.f32.msk $0xffff, v1  }
0x147: {  	v9 =	vand.u32 $0xFFFFFF80, v5;
	v16 =	vand.u32 $0x7F, v5;
	v6 =	vor.u32 v7, v6;
	[tilespmem:v19+s21+$0x0] =	vst.idx.add.f32.msk $0xffff, v1  }
0x148: {  	v17 =	vshll.u32 v3, $0x7;
	v7 =	vand.u32 $0xFFFFFF80, v2;
	v19 =	vshll.u32 v10, $0x7;
	[tilespmem:v8+s12+$0x0] =	vst.idx.add.f32.msk $0xffff, v1  }
0x149: {  	v8 =	vand.u32 $0x7F, v2;
	v7 =	vadd.s32 v17, v7;
	v9 =	vadd.s32 v19, v9;
	[tilespmem:v20+s12+$0x0] =	vst.idx.add.f32.msk $0xffff, v1  }
0x14a: {  	v7 =	vor.u32 v8, v7;
	v8 =	vor.u32 v16, v9;
	[tilespmem:v22+s21+$0x0] =	vst.idx.add.f32.msk $0xffff, v1  }
0x14b: {  	[tilespmem:v12+s21+$0x0] =	vst.idx.add.f32.msk $0xffff, v1  }
.Ltmp7:
0x14c: {  	v9 =	vadd.s32 $0x40, v18;
	[tilespmem:v21+s12+$0x0] =	vst.idx.add.f32.msk $0xffff, v1;
	(pc) =	sbr.rel @p2 .LBB2_11-.Ltmp7, $4  }
0x14d: {  	[tilespmem:v11+s12+$0x0] =	vst.idx.add.f32.msk $0xffff, v1  }
0x14e: {  	v10 =	vadd.s32 $0x40, v10;
	[tilespmem:v14+s12+$0x0] =	vst.idx.add.f32.msk $0xffff, v1  }
0x14f: {  	[tilespmem:v13+s12+$0x0] =	vst.idx.add.f32.msk $0xffff, v1  }
0x150: {  	[tilespmem:v15+s12+$0x0] =	vst.idx.add.f32.msk $0xffff, v1  }
0x151: {  	_ =	sdelay $0x3  }
0x152: {  	[tilespmem:v6+s21+$0x0] =	vst.idx.add.f32.msk $0xffff, v1  }
0x153: {  	[tilespmem:v8+s21+$0x0] =	vst.idx.add.f32.msk $0xffff, v1  }
0x154: {  	[tilespmem:v7+s21+$0x0] =	vst.idx.add.f32.msk $0xffff, v1  }
0x155: {  	v3 =	vadd.s32 $0x40, v3;
	[tilespmem:v4+s12+$0x0] =	vst.idx.add.f32.msk $0xffff, v1  }
0x156: {  	[tilespmem:v5+s12+$0x0] =	vst.idx.add.f32.msk $0xffff, v1  }
0x157: {  	[tilespmem:v2+s12+$0x0] =	vst.idx.add.f32.msk $0xffff, v1  }
0x158: {  	[tilespmem:v9+s12+$0x0] =	vst.idx.add.f32.msk $0xffff, v1  }
0x159: {  	[tilespmem:v10+s12+$0x0] =	vst.idx.add.f32.msk $0xffff, v1  }
0x15a: {  	[tilespmem:v3+s12+$0x0] =	vst.idx.add.f32.msk $0xffff, v1  }
.Ltmp8:
0x15b: {  	s6 =	rddreg [dreg:$0xd];
	(pc) =	sbr.rel @p1 .LBB2_14-.Ltmp8, $4  }
0x15c: {  	s13 =	rddreg [dreg:$0xe];
	s6 =	sadd.s32 s1, s6  }
0x15d: {  	[hbm4b:s6+s2] =	stream.linear.scatter [tilespmem:s21], [sflag:$0xA], $0x2000, $0x38;
	[tilespmem:$0xC200] =	vst v63  }
0x15e: {  	s6 =	sadd.s32 s0, s13  }
0x15f: {  	[hbm4b:s6+s2] =	stream.linear.scatter [tilespmem:s12], [sflag:$0xE], $0x80, $0x38;
	[tilespmem:$0xC200] =	vst v63  }
.Ltmp9:
0x160: {  	(pc) =	sbr.rel .LBB2_15-.Ltmp9, $4  }
0x161: {  	_ = 	snop  }
0x162: {  	_ =	swait.ge [sflag:s8], $0x800  }
0x163: {  	[sflag:s8] =	ssyncset.done $0x0  }
0x164: {  	[sflag:s8] =	ssyncadd.s32 $0xFFFFF800  }
.LBB2_14:
0x165: {  	s6 =	sshll.u32 s31, $0x8;
	s7 =	rddreg [dreg:$0x10]  }
.Ltmp10:
0x166: {  	s13 =	simm.s32 $0x800;
	s6 =	sadd.s32 s6, s7;
	(pc) =	sbr.rel @p0 .LBB2_16-.Ltmp10, $4  }
0x167: {  	[tilespmem:s13], [sflag:$0x2] =	stream.linear.gather [hbm4b:s6+s2], $0x800, $0x38;
	[tilespmem:$0xC200] =	vst v63  }
0x168: {  	_ =	swait.ge [sflag:s8], $0x800  }
0x169: {  	[sflag:s8] =	ssyncset.done $0x0  }
0x16a: {  	[sflag:s8] =	ssyncadd.s32 $0xFFFFF800  }
.LBB2_15:
0x16b: {  	_ =	swait.ge [sflag:s3], $0x2000  }
0x16c: {  	[sflag:s3] =	ssyncset.done $0x0  }
0x16d: {  	[sflag:s3] =	ssyncadd.s32 $0xFFFFE000  }
0x16e: {  	_ =	swait.ge [sflag:s4], $0x80  }
0x16f: {  	[sflag:s4] =	ssyncset.done $0x0  }
0x170: {  	[sflag:s4] =	ssyncadd.s32 $0xFFFFFF80  }
.LBB2_16:
0x171: {  	s6 =	simm.s32 $0x1080  }
0x172: {  	v3 =	vld [tilespmem:s6+$0xFFFFFF80]  }
0x173: {  	v10 =	vld [tilespmem:s6+$0xFFFFFF90]  }
0x174: {  	v6 =	vld [tilespmem:s6+$0x70]  }
0x175: {  	v5 =	vld [tilespmem:s6+$0xFFFFFFF0]  }
0x176: {  	v7 =	vld [tilespmem:s6+$0x60]  }
0x177: {  	v8 =	vld [tilespmem:s6+$0xFFFFFFE0]  }
0x178: {  	v9 =	vld [tilespmem:s6+$0x50]  }
0x179: {  	v11 =	vld [tilespmem:s6+$0xFFFFFFD0]  }
0x17a: {  	v2 =	vld [tilespmem:s6+$0x0]  }
0x17b: {  	v12 =	vld [tilespmem:s6+$0x40];
	v4 =	vand.u32 $0xFFFFFF80, v6;
	v13 =	vshll.u32 v5, $0x7;
	v15 =	vand.u32 $0x7F, v6  }
0x17c: {  	v14 =	vld [tilespmem:s6+$0xFFFFFFC0];
	v16 =	vand.u32 $0xFFFFFF80, v7;
	v17 =	vshll.u32 v8, $0x7;
	v4 =	vadd.s32 v13, v4  }
0x17d: {  	v52 =	vld [tilespmem:s6+$0x30];
	v19 =	vand.u32 $0x7F, v7;
	v16 =	vadd.s32 v17, v16;
	v15 =	vor.u32 v15, v4  }
0x17e: {  	v18 =	vld [tilespmem:s6+$0xFFFFFFB0];
	v53 =	vand.u32 $0xFFFFFF80, v9;
	v54 =	vshll.u32 v11, $0x7;
	v16 =	vor.u32 v19, v16  }
0x17f: {  	v20 =	vld [tilespmem:s6+$0xFFFFFFA0];
	v22 =	vand.u32 $0x7F, v9;
	v17 =	vadd.s32 v54, v53  }
0x180: {  	v21 =	vadd.s32 $0x40, v5;
	v5 =	vld [tilespmem:s6+$0x10];
	v17 =	vor.u32 v22, v17  }
0x181: {  	v4 =	vld [tilespmem:s6+$0x20]  }
0x182: {  	v8 =	vadd.s32 $0x40, v8;
	[tilespmem:v15+s5+$0x0] =	vst.idx.add.f32.msk $0xffff, v1  }
0x183: {  	v55 =	vand.u32 $0xFFFFFF80, v12;
	v56 =	vshll.u32 v14, $0x7;
	v57 =	vand.u32 $0xFFFFFF80, v52;
	[tilespmem:v16+s5+$0x0] =	vst.idx.add.f32.msk $0xffff, v1  }
0x184: {  	v58 =	vshll.u32 v18, $0x7;
	v15 =	vadd.s32 v56, v55;
	[tilespmem:v6+s14+$0x0] =	vst.idx.add.f32.msk $0xffff, v1;
	v6 =	vand.u32 $0x7F, v12  }
0x185: {  	v59 =	vand.u32 $0x7F, v52;
	v60 =	vadd.s32 v58, v57;
	[tilespmem:v17+s5+$0x0] =	vst.idx.add.f32.msk $0xffff, v1;
	v6 =	vor.u32 v6, v15  }
0x186: {  	[tilespmem:v7+s14+$0x0] =	vst.idx.add.f32.msk $0xffff, v1;
	v7 =	vor.u32 v59, v60  }
0x187: {  	[tilespmem:v9+s14+$0x0] =	vst.idx.add.f32.msk $0xffff, v1  }
0x188: {  	v9 =	vadd.s32 $0x40, v14;
	[tilespmem:v21+s14+$0x0] =	vst.idx.add.f32.msk $0xffff, v1  }
0x189: {  	v11 =	vadd.s32 $0x40, v11;
	[tilespmem:v8+s14+$0x0] =	vst.idx.add.f32.msk $0xffff, v1  }
0x18a: {  	v8 =	vshll.u32 v20, $0x7;
	[tilespmem:v6+s5+$0x0] =	vst.idx.add.f32.msk $0xffff, v1;
	v6 =	vand.u32 $0xFFFFFF80, v4  }
0x18b: {  	v61 =	vadd.s32 $0x40, v18;
	[tilespmem:v7+s5+$0x0] =	vst.idx.add.f32.msk $0xffff, v1;
	v7 =	vand.u32 $0x7F, v4;
	v6 =	vadd.s32 v8, v6  }
0x18c: {  	v62 =	vshll.u32 v10, $0x7;
	v8 =	vand.u32 $0xFFFFFF80, v5;
	[tilespmem:v12+s14+$0x0] =	vst.idx.add.f32.msk $0xffff, v1;
	v6 =	vor.u32 v7, v6  }
0x18d: {  	[tilespmem:v9+s14+$0x0] =	vst.idx.add.f32.msk $0xffff, v1;
	v9 =	vand.u32 $0x7F, v5;
	v8 =	vadd.s32 v62, v8  }
0x18e: {  	[tilespmem:v11+s14+$0x0] =	vst.idx.add.f32.msk $0xffff, v1;
	v11 =	vshll.u32 v3, $0x7;
	v7 =	vand.u32 $0xFFFFFF80, v2;
	v8 =	vor.u32 v9, v8  }
0x18f: {  	v63 =	vand.u32 $0x7F, v2;
	[tilespmem:v52+s14+$0x0] =	vst.idx.add.f32.msk $0xffff, v1;
	v7 =	vadd.s32 v11, v7;
	v9 =	vadd.s32 $0x40, v20  }
0x190: {  	s7 =	simm.s32 $0x0;
	v10 =	vadd.s32 $0x40, v10;
	[tilespmem:v61+s14+$0x0] =	vst.idx.add.f32.msk $0xffff, v1;
	v7 =	vor.u32 v63, v7  }
.LBB2_17:
0x191: {  	s7 =	sadd.s32 $0x8, s7;
	[tilespmem:v6+s5+$0x0] =	vst.idx.add.f32.msk $0xffff, v1;
	s6 =	sadd.s32 $0x100, s6  }
0x192: {  	p2 =	slt.u32 s7, $0x38;
	[tilespmem:v4+s14+$0x0] =	vst.idx.add.f32.msk $0xffff, v1  }
0x193: {  	v3 =	vadd.s32 $0x40, v3;
	[tilespmem:v8+s5+$0x0] =	vst.idx.add.f32.msk $0xffff, v1  }
0x194: {  	[tilespmem:v9+s14+$0x0] =	vst.idx.add.f32.msk $0xffff, v1  }
0x195: {  	[tilespmem:v5+s14+$0x0] =	vst.idx.add.f32.msk $0xffff, v1  }
0x196: {  	[tilespmem:v10+s14+$0x0] =	vst.idx.add.f32.msk $0xffff, v1  }
0x197: {  	[tilespmem:v7+s5+$0x0] =	vst.idx.add.f32.msk $0xffff, v1  }
0x198: {  	[tilespmem:v2+s14+$0x0] =	vst.idx.add.f32.msk $0xffff, v1  }
0x199: {  	[tilespmem:v3+s14+$0x0] =	vst.idx.add.f32.msk $0xffff, v1  }
0x19a: {  	v3 =	vld [tilespmem:s6+$0xFFFFFF80]  }
0x19b: {  	v10 =	vld [tilespmem:s6+$0xFFFFFF90]  }
0x19c: {  	v2 =	vld [tilespmem:s6+$0x0]  }
0x19d: {  	v6 =	vld [tilespmem:s6+$0x70]  }
0x19e: {  	v4 =	vld [tilespmem:s6+$0xFFFFFFF0]  }
0x19f: {  	v7 =	vld [tilespmem:s6+$0x60]  }
0x1a0: {  	v5 =	vld [tilespmem:s6+$0xFFFFFFE0]  }
0x1a1: {  	v8 =	vld [tilespmem:s6+$0x50]  }
0x1a2: {  	v9 =	vld [tilespmem:s6+$0xFFFFFFD0]  }
0x1a3: {  	v12 =	vand.u32 $0xFFFFFF80, v6;
	v11 =	vld [tilespmem:s6+$0x40];
	v13 =	vshll.u32 v4, $0x7  }
0x1a4: {  	v15 =	vand.u32 $0x7F, v6;
	v14 =	vld [tilespmem:s6+$0xFFFFFFC0];
	v12 =	vadd.s32 v13, v12  }
0x1a5: {  	v16 =	vand.u32 $0xFFFFFF80, v7;
	v13 =	vld [tilespmem:s6+$0x30];
	v17 =	vshll.u32 v5, $0x7;
	v12 =	vor.u32 v15, v12  }
0x1a6: {  	v18 =	vand.u32 $0x7F, v7;
	v15 =	vld [tilespmem:s6+$0xFFFFFFB0];
	v16 =	vadd.s32 v17, v16;
	v17 =	vadd.s32 $0x40, v4  }
0x1a7: {  	v19 =	vand.u32 $0xFFFFFF80, v8;
	v4 =	vld [tilespmem:s6+$0x20];
	v20 =	vshll.u32 v9, $0x7;
	v16 =	vor.u32 v18, v16  }
0x1a8: {  	v21 =	vand.u32 $0x7F, v8;
	v18 =	vld [tilespmem:s6+$0xFFFFFFA0];
	v19 =	vadd.s32 v20, v19;
	v20 =	vadd.s32 $0x40, v5  }
0x1a9: {  	v22 =	vand.u32 $0xFFFFFF80, v11;
	v5 =	vld [tilespmem:s6+$0x10];
	v23 =	vshll.u32 v14, $0x7;
	v19 =	vor.u32 v21, v19  }
0x1aa: {  	v24 =	vand.u32 $0x7F, v11;
	v21 =	vand.u32 $0xFFFFFF80, v13;
	v22 =	vadd.s32 v23, v22;
	[tilespmem:v12+s5+$0x0] =	vst.idx.add.f32.msk $0xffff, v1  }
0x1ab: {  	v12 =	vshll.u32 v15, $0x7;
	v15 =	vadd.s32 $0x40, v15;
	v22 =	vor.u32 v24, v22;
	[tilespmem:v6+s14+$0x0] =	vst.idx.add.f32.msk $0xffff, v1  }
0x1ac: {  	v23 =	vand.u32 $0x7F, v13;
	v6 =	vand.u32 $0xFFFFFF80, v4;
	v12 =	vadd.s32 v12, v21;
	[tilespmem:v16+s5+$0x0] =	vst.idx.add.f32.msk $0xffff, v1  }
0x1ad: {  	v21 =	vadd.s32 $0x40, v9;
	v16 =	vshll.u32 v18, $0x7;
	v12 =	vor.u32 v23, v12;
	[tilespmem:v7+s14+$0x0] =	vst.idx.add.f32.msk $0xffff, v1  }
0x1ae: {  	v14 =	vadd.s32 $0x40, v14;
	v7 =	vand.u32 $0x7F, v4;
	v6 =	vadd.s32 v16, v6;
	[tilespmem:v17+s14+$0x0] =	vst.idx.add.f32.msk $0xffff, v1  }
0x1af: {  	v9 =	vand.u32 $0xFFFFFF80, v5;
	v16 =	vand.u32 $0x7F, v5;
	v6 =	vor.u32 v7, v6;
	[tilespmem:v19+s5+$0x0] =	vst.idx.add.f32.msk $0xffff, v1  }
0x1b0: {  	v17 =	vshll.u32 v3, $0x7;
	v7 =	vand.u32 $0xFFFFFF80, v2;
	v19 =	vshll.u32 v10, $0x7;
	[tilespmem:v8+s14+$0x0] =	vst.idx.add.f32.msk $0xffff, v1  }
0x1b1: {  	v8 =	vand.u32 $0x7F, v2;
	v7 =	vadd.s32 v17, v7;
	v9 =	vadd.s32 v19, v9;
	[tilespmem:v20+s14+$0x0] =	vst.idx.add.f32.msk $0xffff, v1  }
0x1b2: {  	v7 =	vor.u32 v8, v7;
	v8 =	vor.u32 v16, v9;
	[tilespmem:v22+s5+$0x0] =	vst.idx.add.f32.msk $0xffff, v1  }
0x1b3: {  	[tilespmem:v12+s5+$0x0] =	vst.idx.add.f32.msk $0xffff, v1  }
.Ltmp11:
0x1b4: {  	v9 =	vadd.s32 $0x40, v18;
	[tilespmem:v21+s14+$0x0] =	vst.idx.add.f32.msk $0xffff, v1;
	(pc) =	sbr.rel @p2 .LBB2_17-.Ltmp11, $4  }
0x1b5: {  	[tilespmem:v11+s14+$0x0] =	vst.idx.add.f32.msk $0xffff, v1  }
0x1b6: {  	v10 =	vadd.s32 $0x40, v10;
	[tilespmem:v14+s14+$0x0] =	vst.idx.add.f32.msk $0xffff, v1  }
0x1b7: {  	[tilespmem:v13+s14+$0x0] =	vst.idx.add.f32.msk $0xffff, v1  }
0x1b8: {  	[tilespmem:v15+s14+$0x0] =	vst.idx.add.f32.msk $0xffff, v1  }
0x1b9: {  	_ =	sdelay $0x3  }
0x1ba: {  	[tilespmem:v6+s5+$0x0] =	vst.idx.add.f32.msk $0xffff, v1  }
0x1bb: {  	[tilespmem:v8+s5+$0x0] =	vst.idx.add.f32.msk $0xffff, v1  }
0x1bc: {  	[tilespmem:v7+s5+$0x0] =	vst.idx.add.f32.msk $0xffff, v1  }
0x1bd: {  	v3 =	vadd.s32 $0x40, v3;
	[tilespmem:v4+s14+$0x0] =	vst.idx.add.f32.msk $0xffff, v1  }
0x1be: {  	[tilespmem:v5+s14+$0x0] =	vst.idx.add.f32.msk $0xffff, v1  }
0x1bf: {  	[tilespmem:v2+s14+$0x0] =	vst.idx.add.f32.msk $0xffff, v1  }
0x1c0: {  	[tilespmem:v9+s14+$0x0] =	vst.idx.add.f32.msk $0xffff, v1  }
0x1c1: {  	[tilespmem:v10+s14+$0x0] =	vst.idx.add.f32.msk $0xffff, v1  }
0x1c2: {  	[tilespmem:v3+s14+$0x0] =	vst.idx.add.f32.msk $0xffff, v1  }
.Ltmp12:
0x1c3: {  	s6 =	rddreg [dreg:$0x11];
	(pc) =	sbr.rel @p1 .LBB2_20-.Ltmp12, $4  }
0x1c4: {  	s13 =	rddreg [dreg:$0x12];
	s6 =	sadd.s32 s1, s6  }
0x1c5: {  	[hbm4b:s6+s2] =	stream.linear.scatter [tilespmem:s5], [sflag:$0xB], $0x2000, $0x38;
	[tilespmem:$0xC200] =	vst v63  }
0x1c6: {  	s6 =	sadd.s32 s0, s13  }
0x1c7: {  	[hbm4b:s6+s2] =	stream.linear.scatter [tilespmem:s14], [sflag:$0xF], $0x80, $0x38;
	[tilespmem:$0xC200] =	vst v63  }
.Ltmp13:
0x1c8: {  	(pc) =	sbr.rel .LBB2_21-.Ltmp13, $4  }
0x1c9: {  	_ = 	snop  }
0x1ca: {  	_ =	swait.ge [sflag:s15], $0x800  }
0x1cb: {  	[sflag:s15] =	ssyncset.done $0x0  }
0x1cc: {  	[sflag:s15] =	ssyncadd.s32 $0xFFFFF800  }
.LBB2_20:
0x1cd: {  	s6 =	sshll.u32 s31, $0x8;
	s7 =	rddreg [dreg:$0x14]  }
.Ltmp14:
0x1ce: {  	s13 =	simm.s32 $0x1000;
	s6 =	sadd.s32 s6, s7;
	(pc) =	sbr.rel @p0 .LBB2_22-.Ltmp14, $4  }
0x1cf: {  	[tilespmem:s13], [sflag:$0x3] =	stream.linear.gather [hbm4b:s6+s2], $0x800, $0x38;
	[tilespmem:$0xC200] =	vst v63  }
0x1d0: {  	_ =	swait.ge [sflag:s15], $0x800  }
0x1d1: {  	[sflag:s15] =	ssyncset.done $0x0  }
0x1d2: {  	[sflag:s15] =	ssyncadd.s32 $0xFFFFF800  }
.LBB2_21:
0x1d3: {  	_ =	swait.ge [sflag:s18], $0x2000  }
0x1d4: {  	[sflag:s18] =	ssyncset.done $0x0  }
0x1d5: {  	[sflag:s18] =	ssyncadd.s32 $0xFFFFE000  }
0x1d6: {  	_ =	swait.ge [sflag:s19], $0x80  }
0x1d7: {  	[sflag:s19] =	ssyncset.done $0x0  }
0x1d8: {  	[sflag:s19] =	ssyncadd.s32 $0xFFFFFF80  }
.LBB2_22:
0x1d9: {  	s6 =	simm.s32 $0x1880  }
0x1da: {  	v3 =	vld [tilespmem:s6+$0xFFFFFF80]  }
0x1db: {  	v10 =	vld [tilespmem:s6+$0xFFFFFF90]  }
0x1dc: {  	v6 =	vld [tilespmem:s6+$0x70]  }
0x1dd: {  	v5 =	vld [tilespmem:s6+$0xFFFFFFF0]  }
0x1de: {  	v7 =	vld [tilespmem:s6+$0x60]  }
0x1df: {  	v8 =	vld [tilespmem:s6+$0xFFFFFFE0]  }
0x1e0: {  	v9 =	vld [tilespmem:s6+$0x50]  }
0x1e1: {  	v11 =	vld [tilespmem:s6+$0xFFFFFFD0]  }
0x1e2: {  	v2 =	vld [tilespmem:s6+$0x0]  }
0x1e3: {  	v12 =	vld [tilespmem:s6+$0x40];
	v4 =	vand.u32 $0xFFFFFF80, v6;
	v13 =	vshll.u32 v5, $0x7;
	v15 =	vand.u32 $0x7F, v6  }
0x1e4: {  	v14 =	vld [tilespmem:s6+$0xFFFFFFC0];
	v16 =	vand.u32 $0xFFFFFF80, v7;
	v17 =	vshll.u32 v8, $0x7;
	v4 =	vadd.s32 v13, v4  }
0x1e5: {  	v52 =	vld [tilespmem:s6+$0x30];
	v19 =	vand.u32 $0x7F, v7;
	v16 =	vadd.s32 v17, v16;
	v15 =	vor.u32 v15, v4  }
0x1e6: {  	v18 =	vld [tilespmem:s6+$0xFFFFFFB0];
	v53 =	vand.u32 $0xFFFFFF80, v9;
	v54 =	vshll.u32 v11, $0x7;
	v16 =	vor.u32 v19, v16  }
0x1e7: {  	v20 =	vld [tilespmem:s6+$0xFFFFFFA0];
	v22 =	vand.u32 $0x7F, v9;
	v17 =	vadd.s32 v54, v53  }
0x1e8: {  	v21 =	vadd.s32 $0x40, v5;
	v5 =	vld [tilespmem:s6+$0x10];
	v17 =	vor.u32 v22, v17  }
0x1e9: {  	v4 =	vld [tilespmem:s6+$0x20]  }
0x1ea: {  	v8 =	vadd.s32 $0x40, v8;
	[tilespmem:v15+s20+$0x0] =	vst.idx.add.f32.msk $0xffff, v1  }
0x1eb: {  	v55 =	vand.u32 $0xFFFFFF80, v12;
	v56 =	vshll.u32 v14, $0x7;
	v57 =	vand.u32 $0xFFFFFF80, v52;
	[tilespmem:v16+s20+$0x0] =	vst.idx.add.f32.msk $0xffff, v1  }
0x1ec: {  	v58 =	vshll.u32 v18, $0x7;
	v15 =	vadd.s32 v56, v55;
	[tilespmem:v6+s22+$0x0] =	vst.idx.add.f32.msk $0xffff, v1;
	v6 =	vand.u32 $0x7F, v12  }
0x1ed: {  	v59 =	vand.u32 $0x7F, v52;
	v60 =	vadd.s32 v58, v57;
	[tilespmem:v17+s20+$0x0] =	vst.idx.add.f32.msk $0xffff, v1;
	v6 =	vor.u32 v6, v15  }
0x1ee: {  	[tilespmem:v7+s22+$0x0] =	vst.idx.add.f32.msk $0xffff, v1;
	v7 =	vor.u32 v59, v60  }
0x1ef: {  	[tilespmem:v9+s22+$0x0] =	vst.idx.add.f32.msk $0xffff, v1  }
0x1f0: {  	v9 =	vadd.s32 $0x40, v14;
	[tilespmem:v21+s22+$0x0] =	vst.idx.add.f32.msk $0xffff, v1  }
0x1f1: {  	v11 =	vadd.s32 $0x40, v11;
	[tilespmem:v8+s22+$0x0] =	vst.idx.add.f32.msk $0xffff, v1  }
0x1f2: {  	v8 =	vshll.u32 v20, $0x7;
	[tilespmem:v6+s20+$0x0] =	vst.idx.add.f32.msk $0xffff, v1;
	v6 =	vand.u32 $0xFFFFFF80, v4  }
0x1f3: {  	v61 =	vadd.s32 $0x40, v18;
	[tilespmem:v7+s20+$0x0] =	vst.idx.add.f32.msk $0xffff, v1;
	v7 =	vand.u32 $0x7F, v4;
	v6 =	vadd.s32 v8, v6  }
0x1f4: {  	v62 =	vshll.u32 v10, $0x7;
	v8 =	vand.u32 $0xFFFFFF80, v5;
	[tilespmem:v12+s22+$0x0] =	vst.idx.add.f32.msk $0xffff, v1;
	v6 =	vor.u32 v7, v6  }
0x1f5: {  	[tilespmem:v9+s22+$0x0] =	vst.idx.add.f32.msk $0xffff, v1;
	v9 =	vand.u32 $0x7F, v5;
	v8 =	vadd.s32 v62, v8  }
0x1f6: {  	[tilespmem:v11+s22+$0x0] =	vst.idx.add.f32.msk $0xffff, v1;
	v11 =	vshll.u32 v3, $0x7;
	v7 =	vand.u32 $0xFFFFFF80, v2;
	v8 =	vor.u32 v9, v8  }
0x1f7: {  	v63 =	vand.u32 $0x7F, v2;
	[tilespmem:v52+s22+$0x0] =	vst.idx.add.f32.msk $0xffff, v1;
	v7 =	vadd.s32 v11, v7;
	v9 =	vadd.s32 $0x40, v20  }
0x1f8: {  	s7 =	simm.s32 $0x0;
	v10 =	vadd.s32 $0x40, v10;
	[tilespmem:v61+s22+$0x0] =	vst.idx.add.f32.msk $0xffff, v1;
	v7 =	vor.u32 v63, v7  }
.LBB2_23:
0x1f9: {  	s7 =	sadd.s32 $0x8, s7;
	[tilespmem:v6+s20+$0x0] =	vst.idx.add.f32.msk $0xffff, v1;
	s6 =	sadd.s32 $0x100, s6  }
0x1fa: {  	p0 =	slt.u32 s7, $0x38;
	[tilespmem:v4+s22+$0x0] =	vst.idx.add.f32.msk $0xffff, v1  }
0x1fb: {  	v3 =	vadd.s32 $0x40, v3;
	[tilespmem:v8+s20+$0x0] =	vst.idx.add.f32.msk $0xffff, v1  }
0x1fc: {  	[tilespmem:v9+s22+$0x0] =	vst.idx.add.f32.msk $0xffff, v1  }
0x1fd: {  	[tilespmem:v5+s22+$0x0] =	vst.idx.add.f32.msk $0xffff, v1  }
0x1fe: {  	[tilespmem:v10+s22+$0x0] =	vst.idx.add.f32.msk $0xffff, v1  }
0x1ff: {  	[tilespmem:v7+s20+$0x0] =	vst.idx.add.f32.msk $0xffff, v1  }
0x200: {  	[tilespmem:v2+s22+$0x0] =	vst.idx.add.f32.msk $0xffff, v1  }
0x201: {  	[tilespmem:v3+s22+$0x0] =	vst.idx.add.f32.msk $0xffff, v1  }
0x202: {  	v3 =	vld [tilespmem:s6+$0xFFFFFF80]  }
0x203: {  	v10 =	vld [tilespmem:s6+$0xFFFFFF90]  }
0x204: {  	v2 =	vld [tilespmem:s6+$0x0]  }
0x205: {  	v6 =	vld [tilespmem:s6+$0x70]  }
0x206: {  	v4 =	vld [tilespmem:s6+$0xFFFFFFF0]  }
0x207: {  	v7 =	vld [tilespmem:s6+$0x60]  }
0x208: {  	v5 =	vld [tilespmem:s6+$0xFFFFFFE0]  }
0x209: {  	v8 =	vld [tilespmem:s6+$0x50]  }
0x20a: {  	v9 =	vld [tilespmem:s6+$0xFFFFFFD0]  }
0x20b: {  	v12 =	vand.u32 $0xFFFFFF80, v6;
	v11 =	vld [tilespmem:s6+$0x40];
	v13 =	vshll.u32 v4, $0x7  }
0x20c: {  	v15 =	vand.u32 $0x7F, v6;
	v14 =	vld [tilespmem:s6+$0xFFFFFFC0];
	v12 =	vadd.s32 v13, v12  }
0x20d: {  	v16 =	vand.u32 $0xFFFFFF80, v7;
	v13 =	vld [tilespmem:s6+$0x30];
	v17 =	vshll.u32 v5, $0x7;
	v12 =	vor.u32 v15, v12  }
0x20e: {  	v18 =	vand.u32 $0x7F, v7;
	v15 =	vld [tilespmem:s6+$0xFFFFFFB0];
	v16 =	vadd.s32 v17, v16;
	v17 =	vadd.s32 $0x40, v4  }
0x20f: {  	v19 =	vand.u32 $0xFFFFFF80, v8;
	v4 =	vld [tilespmem:s6+$0x20];
	v20 =	vshll.u32 v9, $0x7;
	v16 =	vor.u32 v18, v16  }
0x210: {  	v21 =	vand.u32 $0x7F, v8;
	v18 =	vld [tilespmem:s6+$0xFFFFFFA0];
	v19 =	vadd.s32 v20, v19;
	v20 =	vadd.s32 $0x40, v5  }
0x211: {  	v22 =	vand.u32 $0xFFFFFF80, v11;
	v5 =	vld [tilespmem:s6+$0x10];
	v23 =	vshll.u32 v14, $0x7;
	v19 =	vor.u32 v21, v19  }
0x212: {  	v24 =	vand.u32 $0x7F, v11;
	v21 =	vand.u32 $0xFFFFFF80, v13;
	v22 =	vadd.s32 v23, v22;
	[tilespmem:v12+s20+$0x0] =	vst.idx.add.f32.msk $0xffff, v1  }
0x213: {  	v12 =	vshll.u32 v15, $0x7;
	v15 =	vadd.s32 $0x40, v15;
	v22 =	vor.u32 v24, v22;
	[tilespmem:v6+s22+$0x0] =	vst.idx.add.f32.msk $0xffff, v1  }
0x214: {  	v23 =	vand.u32 $0x7F, v13;
	v6 =	vand.u32 $0xFFFFFF80, v4;
	v12 =	vadd.s32 v12, v21;
	[tilespmem:v16+s20+$0x0] =	vst.idx.add.f32.msk $0xffff, v1  }
0x215: {  	v21 =	vadd.s32 $0x40, v9;
	v16 =	vshll.u32 v18, $0x7;
	v12 =	vor.u32 v23, v12;
	[tilespmem:v7+s22+$0x0] =	vst.idx.add.f32.msk $0xffff, v1  }
0x216: {  	v14 =	vadd.s32 $0x40, v14;
	v7 =	vand.u32 $0x7F, v4;
	v6 =	vadd.s32 v16, v6;
	[tilespmem:v17+s22+$0x0] =	vst.idx.add.f32.msk $0xffff, v1  }
0x217: {  	v9 =	vand.u32 $0xFFFFFF80, v5;
	v16 =	vand.u32 $0x7F, v5;
	v6 =	vor.u32 v7, v6;
	[tilespmem:v19+s20+$0x0] =	vst.idx.add.f32.msk $0xffff, v1  }
0x218: {  	v17 =	vshll.u32 v3, $0x7;
	v7 =	vand.u32 $0xFFFFFF80, v2;
	v19 =	vshll.u32 v10, $0x7;
	[tilespmem:v8+s22+$0x0] =	vst.idx.add.f32.msk $0xffff, v1  }
0x219: {  	v8 =	vand.u32 $0x7F, v2;
	v7 =	vadd.s32 v17, v7;
	v9 =	vadd.s32 v19, v9;
	[tilespmem:v20+s22+$0x0] =	vst.idx.add.f32.msk $0xffff, v1  }
0x21a: {  	v7 =	vor.u32 v8, v7;
	v8 =	vor.u32 v16, v9;
	[tilespmem:v22+s20+$0x0] =	vst.idx.add.f32.msk $0xffff, v1  }
0x21b: {  	[tilespmem:v12+s20+$0x0] =	vst.idx.add.f32.msk $0xffff, v1  }
.Ltmp15:
0x21c: {  	v9 =	vadd.s32 $0x40, v18;
	[tilespmem:v21+s22+$0x0] =	vst.idx.add.f32.msk $0xffff, v1;
	(pc) =	sbr.rel @p0 .LBB2_23-.Ltmp15, $4  }
0x21d: {  	[tilespmem:v11+s22+$0x0] =	vst.idx.add.f32.msk $0xffff, v1  }
0x21e: {  	v10 =	vadd.s32 $0x40, v10;
	[tilespmem:v14+s22+$0x0] =	vst.idx.add.f32.msk $0xffff, v1  }
0x21f: {  	[tilespmem:v13+s22+$0x0] =	vst.idx.add.f32.msk $0xffff, v1  }
0x220: {  	[tilespmem:v15+s22+$0x0] =	vst.idx.add.f32.msk $0xffff, v1  }
0x221: {  	_ =	sdelay $0x3  }
0x222: {  	[tilespmem:v6+s20+$0x0] =	vst.idx.add.f32.msk $0xffff, v1  }
0x223: {  	[tilespmem:v8+s20+$0x0] =	vst.idx.add.f32.msk $0xffff, v1  }
0x224: {  	[tilespmem:v7+s20+$0x0] =	vst.idx.add.f32.msk $0xffff, v1  }
0x225: {  	v3 =	vadd.s32 $0x40, v3;
	[tilespmem:v4+s22+$0x0] =	vst.idx.add.f32.msk $0xffff, v1  }
0x226: {  	[tilespmem:v5+s22+$0x0] =	vst.idx.add.f32.msk $0xffff, v1  }
0x227: {  	[tilespmem:v2+s22+$0x0] =	vst.idx.add.f32.msk $0xffff, v1  }
0x228: {  	[tilespmem:v9+s22+$0x0] =	vst.idx.add.f32.msk $0xffff, v1  }
0x229: {  	[tilespmem:v10+s22+$0x0] =	vst.idx.add.f32.msk $0xffff, v1  }
0x22a: {  	[tilespmem:v3+s22+$0x0] =	vst.idx.add.f32.msk $0xffff, v1  }
0x22b: {  	s6 =	rddreg [dreg:$0x13]  }
0x22c: {  	s13 =	rddreg [dreg:$0x15];
	s6 =	sadd.s32 s1, s6  }
0x22d: {  	[hbm4b:s6+s2] =	stream.linear.scatter [tilespmem:s20], [sflag:$0xC], $0x2000, $0x38;
	[tilespmem:$0xC200] =	vst v63  }
0x22e: {  	p0 =	seq.s32 s30, $0x3;
	s6 =	sadd.s32 s0, s13  }
0x22f: {  	[hbm4b:s6+s2] =	stream.linear.scatter [tilespmem:s22], [sflag:$0x10], $0x80, $0x38;
	[tilespmem:$0xC200] =	vst v63  }
0x230: {  	s7 =	rddreg [dreg:$0x16];
	s6 =	sshll.u32 @!p0 s31, $0x8  }
0x231: {  	s11 =	simm.s32 @!p0 $0x1800;
	s13 =	simm.s32 @!p0 $0x0;
	s7 =	sadd.s32 @!p0 s6, s7  }
0x232: {  	[tilespmem:s11], [sflag:$0x4] =	stream.linear.gather @!p0 [hbm4b:s7+s13], $0x800, $0x38;
	[tilespmem:$0xC200] =	vst v63  }
0x233: {  	_ =	swait.ge [sflag:s23], $0x800  }
0x234: {  	[sflag:s23] =	ssyncset.done $0x0  }
0x235: {  	[sflag:s23] =	ssyncadd.s32 $0xFFFFF800  }
0x236: {  	_ =	swait.ge [sflag:s24], $0x2000  }
0x237: {  	[sflag:s24] =	ssyncset.done $0x0  }
0x238: {  	[sflag:s24] =	ssyncadd.s32 $0xFFFFE000  }
0x239: {  	_ =	swait.ge [sflag:s25], $0x80  }
0x23a: {  	[sflag:s25] =	ssyncset.done $0x0  }
0x23b: {  	s7 =	simm.s32 $0x2080;
	[sflag:s25] =	ssyncadd.s32 $0xFFFFFF80  }
0x23c: {  	v3 =	vld [tilespmem:s7+$0xFFFFFF80]  }
0x23d: {  	v10 =	vld [tilespmem:s7+$0xFFFFFF90]  }
0x23e: {  	v6 =	vld [tilespmem:s7+$0x70]  }
0x23f: {  	v5 =	vld [tilespmem:s7+$0xFFFFFFF0]  }
0x240: {  	v7 =	vld [tilespmem:s7+$0x60]  }
0x241: {  	v8 =	vld [tilespmem:s7+$0xFFFFFFE0]  }
0x242: {  	v9 =	vld [tilespmem:s7+$0x50]  }
0x243: {  	v11 =	vld [tilespmem:s7+$0xFFFFFFD0]  }
0x244: {  	v2 =	vld [tilespmem:s7+$0x0]  }
0x245: {  	v12 =	vld [tilespmem:s7+$0x40];
	v4 =	vand.u32 $0xFFFFFF80, v6;
	v13 =	vshll.u32 v5, $0x7;
	v15 =	vand.u32 $0x7F, v6  }
0x246: {  	v14 =	vld [tilespmem:s7+$0xFFFFFFC0];
	v16 =	vand.u32 $0xFFFFFF80, v7;
	v17 =	vshll.u32 v8, $0x7;
	v4 =	vadd.s32 v13, v4  }
0x247: {  	v52 =	vld [tilespmem:s7+$0x30];
	v19 =	vand.u32 $0x7F, v7;
	v16 =	vadd.s32 v17, v16;
	v15 =	vor.u32 v15, v4  }
0x248: {  	v18 =	vld [tilespmem:s7+$0xFFFFFFB0];
	v53 =	vand.u32 $0xFFFFFF80, v9;
	v54 =	vshll.u32 v11, $0x7;
	v16 =	vor.u32 v19, v16  }
0x249: {  	v20 =	vld [tilespmem:s7+$0xFFFFFFA0];
	v22 =	vand.u32 $0x7F, v9;
	v17 =	vadd.s32 v54, v53  }
0x24a: {  	v21 =	vadd.s32 $0x40, v5;
	v5 =	vld [tilespmem:s7+$0x10];
	v17 =	vor.u32 v22, v17  }
0x24b: {  	v4 =	vld [tilespmem:s7+$0x20]  }
0x24c: {  	v8 =	vadd.s32 $0x40, v8;
	[tilespmem:v15+s9+$0x0] =	vst.idx.add.f32.msk $0xffff, v1  }
0x24d: {  	v55 =	vand.u32 $0xFFFFFF80, v12;
	v56 =	vshll.u32 v14, $0x7;
	v57 =	vand.u32 $0xFFFFFF80, v52;
	[tilespmem:v16+s9+$0x0] =	vst.idx.add.f32.msk $0xffff, v1  }
0x24e: {  	v58 =	vshll.u32 v18, $0x7;
	v15 =	vadd.s32 v56, v55;
	[tilespmem:v6+s10+$0x0] =	vst.idx.add.f32.msk $0xffff, v1;
	v6 =	vand.u32 $0x7F, v12  }
0x24f: {  	v59 =	vand.u32 $0x7F, v52;
	v60 =	vadd.s32 v58, v57;
	[tilespmem:v17+s9+$0x0] =	vst.idx.add.f32.msk $0xffff, v1;
	v6 =	vor.u32 v6, v15  }
0x250: {  	[tilespmem:v7+s10+$0x0] =	vst.idx.add.f32.msk $0xffff, v1;
	v7 =	vor.u32 v59, v60  }
0x251: {  	[tilespmem:v9+s10+$0x0] =	vst.idx.add.f32.msk $0xffff, v1  }
0x252: {  	v9 =	vadd.s32 $0x40, v14;
	[tilespmem:v21+s10+$0x0] =	vst.idx.add.f32.msk $0xffff, v1  }
0x253: {  	v11 =	vadd.s32 $0x40, v11;
	[tilespmem:v8+s10+$0x0] =	vst.idx.add.f32.msk $0xffff, v1  }
0x254: {  	v8 =	vshll.u32 v20, $0x7;
	[tilespmem:v6+s9+$0x0] =	vst.idx.add.f32.msk $0xffff, v1;
	v6 =	vand.u32 $0xFFFFFF80, v4  }
0x255: {  	v61 =	vadd.s32 $0x40, v18;
	[tilespmem:v7+s9+$0x0] =	vst.idx.add.f32.msk $0xffff, v1;
	v7 =	vand.u32 $0x7F, v4;
	v6 =	vadd.s32 v8, v6  }
0x256: {  	v62 =	vshll.u32 v10, $0x7;
	v8 =	vand.u32 $0xFFFFFF80, v5;
	[tilespmem:v12+s10+$0x0] =	vst.idx.add.f32.msk $0xffff, v1;
	v6 =	vor.u32 v7, v6  }
0x257: {  	[tilespmem:v9+s10+$0x0] =	vst.idx.add.f32.msk $0xffff, v1;
	v9 =	vand.u32 $0x7F, v5;
	v8 =	vadd.s32 v62, v8  }
0x258: {  	[tilespmem:v11+s10+$0x0] =	vst.idx.add.f32.msk $0xffff, v1;
	v11 =	vshll.u32 v3, $0x7;
	v7 =	vand.u32 $0xFFFFFF80, v2;
	v8 =	vor.u32 v9, v8  }
0x259: {  	v63 =	vand.u32 $0x7F, v2;
	[tilespmem:v52+s10+$0x0] =	vst.idx.add.f32.msk $0xffff, v1;
	v7 =	vadd.s32 v11, v7;
	v9 =	vadd.s32 $0x40, v20  }
0x25a: {  	s13 =	simm.s32 $0x0;
	v10 =	vadd.s32 $0x40, v10;
	[tilespmem:v61+s10+$0x0] =	vst.idx.add.f32.msk $0xffff, v1;
	v7 =	vor.u32 v63, v7  }
.LBB2_25:
0x25b: {  	s13 =	sadd.s32 $0x8, s13;
	[tilespmem:v6+s9+$0x0] =	vst.idx.add.f32.msk $0xffff, v1;
	s7 =	sadd.s32 $0x100, s7  }
0x25c: {  	p1 =	slt.u32 s13, $0x38;
	[tilespmem:v4+s10+$0x0] =	vst.idx.add.f32.msk $0xffff, v1  }
0x25d: {  	v3 =	vadd.s32 $0x40, v3;
	[tilespmem:v8+s9+$0x0] =	vst.idx.add.f32.msk $0xffff, v1  }
0x25e: {  	[tilespmem:v9+s10+$0x0] =	vst.idx.add.f32.msk $0xffff, v1  }
0x25f: {  	[tilespmem:v5+s10+$0x0] =	vst.idx.add.f32.msk $0xffff, v1  }
0x260: {  	[tilespmem:v10+s10+$0x0] =	vst.idx.add.f32.msk $0xffff, v1  }
0x261: {  	[tilespmem:v7+s9+$0x0] =	vst.idx.add.f32.msk $0xffff, v1  }
0x262: {  	[tilespmem:v2+s10+$0x0] =	vst.idx.add.f32.msk $0xffff, v1  }
0x263: {  	[tilespmem:v3+s10+$0x0] =	vst.idx.add.f32.msk $0xffff, v1  }
0x264: {  	v3 =	vld [tilespmem:s7+$0xFFFFFF80]  }
0x265: {  	v10 =	vld [tilespmem:s7+$0xFFFFFF90]  }
0x266: {  	v2 =	vld [tilespmem:s7+$0x0]  }
0x267: {  	v6 =	vld [tilespmem:s7+$0x70]  }
0x268: {  	v4 =	vld [tilespmem:s7+$0xFFFFFFF0]  }
0x269: {  	v7 =	vld [tilespmem:s7+$0x60]  }
0x26a: {  	v5 =	vld [tilespmem:s7+$0xFFFFFFE0]  }
0x26b: {  	v8 =	vld [tilespmem:s7+$0x50]  }
0x26c: {  	v9 =	vld [tilespmem:s7+$0xFFFFFFD0]  }
0x26d: {  	v12 =	vand.u32 $0xFFFFFF80, v6;
	v11 =	vld [tilespmem:s7+$0x40];
	v13 =	vshll.u32 v4, $0x7  }
0x26e: {  	v15 =	vand.u32 $0x7F, v6;
	v14 =	vld [tilespmem:s7+$0xFFFFFFC0];
	v12 =	vadd.s32 v13, v12  }
0x26f: {  	v16 =	vand.u32 $0xFFFFFF80, v7;
	v13 =	vld [tilespmem:s7+$0x30];
	v17 =	vshll.u32 v5, $0x7;
	v12 =	vor.u32 v15, v12  }
0x270: {  	v18 =	vand.u32 $0x7F, v7;
	v15 =	vld [tilespmem:s7+$0xFFFFFFB0];
	v16 =	vadd.s32 v17, v16;
	v17 =	vadd.s32 $0x40, v4  }
0x271: {  	v19 =	vand.u32 $0xFFFFFF80, v8;
	v4 =	vld [tilespmem:s7+$0x20];
	v20 =	vshll.u32 v9, $0x7;
	v16 =	vor.u32 v18, v16  }
0x272: {  	v21 =	vand.u32 $0x7F, v8;
	v18 =	vld [tilespmem:s7+$0xFFFFFFA0];
	v19 =	vadd.s32 v20, v19;
	v20 =	vadd.s32 $0x40, v5  }
0x273: {  	v22 =	vand.u32 $0xFFFFFF80, v11;
	v5 =	vld [tilespmem:s7+$0x10];
	v23 =	vshll.u32 v14, $0x7;
	v19 =	vor.u32 v21, v19  }
0x274: {  	v24 =	vand.u32 $0x7F, v11;
	v21 =	vand.u32 $0xFFFFFF80, v13;
	v22 =	vadd.s32 v23, v22;
	[tilespmem:v12+s9+$0x0] =	vst.idx.add.f32.msk $0xffff, v1  }
0x275: {  	v12 =	vshll.u32 v15, $0x7;
	v15 =	vadd.s32 $0x40, v15;
	v22 =	vor.u32 v24, v22;
	[tilespmem:v6+s10+$0x0] =	vst.idx.add.f32.msk $0xffff, v1  }
0x276: {  	v23 =	vand.u32 $0x7F, v13;
	v6 =	vand.u32 $0xFFFFFF80, v4;
	v12 =	vadd.s32 v12, v21;
	[tilespmem:v16+s9+$0x0] =	vst.idx.add.f32.msk $0xffff, v1  }
0x277: {  	v21 =	vadd.s32 $0x40, v9;
	v16 =	vshll.u32 v18, $0x7;
	v12 =	vor.u32 v23, v12;
	[tilespmem:v7+s10+$0x0] =	vst.idx.add.f32.msk $0xffff, v1  }
0x278: {  	v14 =	vadd.s32 $0x40, v14;
	v7 =	vand.u32 $0x7F, v4;
	v6 =	vadd.s32 v16, v6;
	[tilespmem:v17+s10+$0x0] =	vst.idx.add.f32.msk $0xffff, v1  }
0x279: {  	v9 =	vand.u32 $0xFFFFFF80, v5;
	v16 =	vand.u32 $0x7F, v5;
	v6 =	vor.u32 v7, v6;
	[tilespmem:v19+s9+$0x0] =	vst.idx.add.f32.msk $0xffff, v1  }
0x27a: {  	v17 =	vshll.u32 v3, $0x7;
	v7 =	vand.u32 $0xFFFFFF80, v2;
	v19 =	vshll.u32 v10, $0x7;
	[tilespmem:v8+s10+$0x0] =	vst.idx.add.f32.msk $0xffff, v1  }
0x27b: {  	v8 =	vand.u32 $0x7F, v2;
	v7 =	vadd.s32 v17, v7;
	v9 =	vadd.s32 v19, v9;
	[tilespmem:v20+s10+$0x0] =	vst.idx.add.f32.msk $0xffff, v1  }
0x27c: {  	v7 =	vor.u32 v8, v7;
	v8 =	vor.u32 v16, v9;
	[tilespmem:v22+s9+$0x0] =	vst.idx.add.f32.msk $0xffff, v1  }
0x27d: {  	[tilespmem:v12+s9+$0x0] =	vst.idx.add.f32.msk $0xffff, v1  }
.Ltmp16:
0x27e: {  	v9 =	vadd.s32 $0x40, v18;
	[tilespmem:v21+s10+$0x0] =	vst.idx.add.f32.msk $0xffff, v1;
	(pc) =	sbr.rel @p1 .LBB2_25-.Ltmp16, $4  }
0x27f: {  	[tilespmem:v11+s10+$0x0] =	vst.idx.add.f32.msk $0xffff, v1  }
0x280: {  	v10 =	vadd.s32 $0x40, v10;
	[tilespmem:v14+s10+$0x0] =	vst.idx.add.f32.msk $0xffff, v1  }
0x281: {  	[tilespmem:v13+s10+$0x0] =	vst.idx.add.f32.msk $0xffff, v1  }
0x282: {  	[tilespmem:v15+s10+$0x0] =	vst.idx.add.f32.msk $0xffff, v1  }
0x283: {  	_ =	sdelay $0x3  }
0x284: {  	[tilespmem:v6+s9+$0x0] =	vst.idx.add.f32.msk $0xffff, v1  }
0x285: {  	[tilespmem:v8+s9+$0x0] =	vst.idx.add.f32.msk $0xffff, v1  }
0x286: {  	[tilespmem:v7+s9+$0x0] =	vst.idx.add.f32.msk $0xffff, v1  }
0x287: {  	v3 =	vadd.s32 $0x40, v3;
	[tilespmem:v4+s10+$0x0] =	vst.idx.add.f32.msk $0xffff, v1  }
0x288: {  	[tilespmem:v5+s10+$0x0] =	vst.idx.add.f32.msk $0xffff, v1  }
0x289: {  	[tilespmem:v2+s10+$0x0] =	vst.idx.add.f32.msk $0xffff, v1  }
0x28a: {  	[tilespmem:v9+s10+$0x0] =	vst.idx.add.f32.msk $0xffff, v1  }
0x28b: {  	[tilespmem:v10+s10+$0x0] =	vst.idx.add.f32.msk $0xffff, v1  }
0x28c: {  	[tilespmem:v3+s10+$0x0] =	vst.idx.add.f32.msk $0xffff, v1  }
0x28d: {  	s7 =	rddreg [dreg:$0x17]  }
0x28e: {  	s13 =	rddreg [dreg:$0x18];
	s7 =	sadd.s32 s1, s7  }
0x28f: {  	[hbm4b:s7+s2] =	stream.linear.scatter [tilespmem:s9], [sflag:$0x9], $0x2000, $0x38;
	[tilespmem:$0xC200] =	vst v63  }
0x290: {  	s7 =	sadd.s32 s0, s13  }
0x291: {  	[hbm4b:s7+s2] =	stream.linear.scatter [tilespmem:s10], [sflag:$0xD], $0x80, $0x38;
	[tilespmem:$0xC200] =	vst v63  }
0x292: {  	s7 =	rddreg [dreg:$0x1b]  }
0x293: {  	s11 =	simm.s32 @!p0 $0x0;
	s13 =	simm.s32 @!p0 $0x2000;
	s7 =	sadd.s32 @!p0 s6, s7  }
0x294: {  	[tilespmem:s13], [sflag:$0x5] =	stream.linear.gather @!p0 [hbm4b:s7+s11], $0x800, $0x38;
	[tilespmem:$0xC200] =	vst v63  }
0x295: {  	_ =	swait.ge [sflag:s26], $0x800  }
0x296: {  	[sflag:s26] =	ssyncset.done $0x0  }
0x297: {  	[sflag:s26] =	ssyncadd.s32 $0xFFFFF800  }
0x298: {  	_ =	swait.ge [sflag:s16], $0x2000  }
0x299: {  	[sflag:s16] =	ssyncset.done $0x0  }
0x29a: {  	[sflag:s16] =	ssyncadd.s32 $0xFFFFE000  }
0x29b: {  	_ =	swait.ge [sflag:s17], $0x80  }
0x29c: {  	[sflag:s17] =	ssyncset.done $0x0  }
0x29d: {  	s7 =	simm.s32 $0x2880;
	[sflag:s17] =	ssyncadd.s32 $0xFFFFFF80  }
0x29e: {  	v3 =	vld [tilespmem:s7+$0xFFFFFF80]  }
0x29f: {  	v10 =	vld [tilespmem:s7+$0xFFFFFF90]  }
0x2a0: {  	v6 =	vld [tilespmem:s7+$0x70]  }
0x2a1: {  	v5 =	vld [tilespmem:s7+$0xFFFFFFF0]  }
0x2a2: {  	v7 =	vld [tilespmem:s7+$0x60]  }
0x2a3: {  	v8 =	vld [tilespmem:s7+$0xFFFFFFE0]  }
0x2a4: {  	v9 =	vld [tilespmem:s7+$0x50]  }
0x2a5: {  	v11 =	vld [tilespmem:s7+$0xFFFFFFD0]  }
0x2a6: {  	v2 =	vld [tilespmem:s7+$0x0]  }
0x2a7: {  	v12 =	vld [tilespmem:s7+$0x40];
	v4 =	vand.u32 $0xFFFFFF80, v6;
	v13 =	vshll.u32 v5, $0x7;
	v15 =	vand.u32 $0x7F, v6  }
0x2a8: {  	v14 =	vld [tilespmem:s7+$0xFFFFFFC0];
	v16 =	vand.u32 $0xFFFFFF80, v7;
	v17 =	vshll.u32 v8, $0x7;
	v4 =	vadd.s32 v13, v4  }
0x2a9: {  	v52 =	vld [tilespmem:s7+$0x30];
	v19 =	vand.u32 $0x7F, v7;
	v16 =	vadd.s32 v17, v16;
	v15 =	vor.u32 v15, v4  }
0x2aa: {  	v18 =	vld [tilespmem:s7+$0xFFFFFFB0];
	v53 =	vand.u32 $0xFFFFFF80, v9;
	v54 =	vshll.u32 v11, $0x7;
	v16 =	vor.u32 v19, v16  }
0x2ab: {  	v20 =	vld [tilespmem:s7+$0xFFFFFFA0];
	v22 =	vand.u32 $0x7F, v9;
	v17 =	vadd.s32 v54, v53  }
0x2ac: {  	v21 =	vadd.s32 $0x40, v5;
	v5 =	vld [tilespmem:s7+$0x10];
	v17 =	vor.u32 v22, v17  }
0x2ad: {  	v4 =	vld [tilespmem:s7+$0x20]  }
0x2ae: {  	v8 =	vadd.s32 $0x40, v8;
	[tilespmem:v15+s21+$0x0] =	vst.idx.add.f32.msk $0xffff, v1  }
0x2af: {  	v55 =	vand.u32 $0xFFFFFF80, v12;
	v56 =	vshll.u32 v14, $0x7;
	v57 =	vand.u32 $0xFFFFFF80, v52;
	[tilespmem:v16+s21+$0x0] =	vst.idx.add.f32.msk $0xffff, v1  }
0x2b0: {  	v58 =	vshll.u32 v18, $0x7;
	v15 =	vadd.s32 v56, v55;
	[tilespmem:v6+s12+$0x0] =	vst.idx.add.f32.msk $0xffff, v1;
	v6 =	vand.u32 $0x7F, v12  }
0x2b1: {  	v59 =	vand.u32 $0x7F, v52;
	v60 =	vadd.s32 v58, v57;
	[tilespmem:v17+s21+$0x0] =	vst.idx.add.f32.msk $0xffff, v1;
	v6 =	vor.u32 v6, v15  }
0x2b2: {  	[tilespmem:v7+s12+$0x0] =	vst.idx.add.f32.msk $0xffff, v1;
	v7 =	vor.u32 v59, v60  }
0x2b3: {  	[tilespmem:v9+s12+$0x0] =	vst.idx.add.f32.msk $0xffff, v1  }
0x2b4: {  	v9 =	vadd.s32 $0x40, v14;
	[tilespmem:v21+s12+$0x0] =	vst.idx.add.f32.msk $0xffff, v1  }
0x2b5: {  	v11 =	vadd.s32 $0x40, v11;
	[tilespmem:v8+s12+$0x0] =	vst.idx.add.f32.msk $0xffff, v1  }
0x2b6: {  	v8 =	vshll.u32 v20, $0x7;
	[tilespmem:v6+s21+$0x0] =	vst.idx.add.f32.msk $0xffff, v1;
	v6 =	vand.u32 $0xFFFFFF80, v4  }
0x2b7: {  	v61 =	vadd.s32 $0x40, v18;
	[tilespmem:v7+s21+$0x0] =	vst.idx.add.f32.msk $0xffff, v1;
	v7 =	vand.u32 $0x7F, v4;
	v6 =	vadd.s32 v8, v6  }
0x2b8: {  	v62 =	vshll.u32 v10, $0x7;
	v8 =	vand.u32 $0xFFFFFF80, v5;
	[tilespmem:v12+s12+$0x0] =	vst.idx.add.f32.msk $0xffff, v1;
	v6 =	vor.u32 v7, v6  }
0x2b9: {  	[tilespmem:v9+s12+$0x0] =	vst.idx.add.f32.msk $0xffff, v1;
	v9 =	vand.u32 $0x7F, v5;
	v8 =	vadd.s32 v62, v8  }
0x2ba: {  	[tilespmem:v11+s12+$0x0] =	vst.idx.add.f32.msk $0xffff, v1;
	v11 =	vshll.u32 v3, $0x7;
	v7 =	vand.u32 $0xFFFFFF80, v2;
	v8 =	vor.u32 v9, v8  }
0x2bb: {  	v63 =	vand.u32 $0x7F, v2;
	[tilespmem:v52+s12+$0x0] =	vst.idx.add.f32.msk $0xffff, v1;
	v7 =	vadd.s32 v11, v7;
	v9 =	vadd.s32 $0x40, v20  }
0x2bc: {  	s13 =	simm.s32 $0x0;
	v10 =	vadd.s32 $0x40, v10;
	[tilespmem:v61+s12+$0x0] =	vst.idx.add.f32.msk $0xffff, v1;
	v7 =	vor.u32 v63, v7  }
.LBB2_27:
0x2bd: {  	s13 =	sadd.s32 $0x8, s13;
	[tilespmem:v6+s21+$0x0] =	vst.idx.add.f32.msk $0xffff, v1;
	s7 =	sadd.s32 $0x100, s7  }
0x2be: {  	p1 =	slt.u32 s13, $0x38;
	[tilespmem:v4+s12+$0x0] =	vst.idx.add.f32.msk $0xffff, v1  }
0x2bf: {  	v3 =	vadd.s32 $0x40, v3;
	[tilespmem:v8+s21+$0x0] =	vst.idx.add.f32.msk $0xffff, v1  }
0x2c0: {  	[tilespmem:v9+s12+$0x0] =	vst.idx.add.f32.msk $0xffff, v1  }
0x2c1: {  	[tilespmem:v5+s12+$0x0] =	vst.idx.add.f32.msk $0xffff, v1  }
0x2c2: {  	[tilespmem:v10+s12+$0x0] =	vst.idx.add.f32.msk $0xffff, v1  }
0x2c3: {  	[tilespmem:v7+s21+$0x0] =	vst.idx.add.f32.msk $0xffff, v1  }
0x2c4: {  	[tilespmem:v2+s12+$0x0] =	vst.idx.add.f32.msk $0xffff, v1  }
0x2c5: {  	[tilespmem:v3+s12+$0x0] =	vst.idx.add.f32.msk $0xffff, v1  }
0x2c6: {  	v3 =	vld [tilespmem:s7+$0xFFFFFF80]  }
0x2c7: {  	v10 =	vld [tilespmem:s7+$0xFFFFFF90]  }
0x2c8: {  	v2 =	vld [tilespmem:s7+$0x0]  }
0x2c9: {  	v6 =	vld [tilespmem:s7+$0x70]  }
0x2ca: {  	v4 =	vld [tilespmem:s7+$0xFFFFFFF0]  }
0x2cb: {  	v7 =	vld [tilespmem:s7+$0x60]  }
0x2cc: {  	v5 =	vld [tilespmem:s7+$0xFFFFFFE0]  }
0x2cd: {  	v8 =	vld [tilespmem:s7+$0x50]  }
0x2ce: {  	v9 =	vld [tilespmem:s7+$0xFFFFFFD0]  }
0x2cf: {  	v12 =	vand.u32 $0xFFFFFF80, v6;
	v11 =	vld [tilespmem:s7+$0x40];
	v13 =	vshll.u32 v4, $0x7  }
0x2d0: {  	v15 =	vand.u32 $0x7F, v6;
	v14 =	vld [tilespmem:s7+$0xFFFFFFC0];
	v12 =	vadd.s32 v13, v12  }
0x2d1: {  	v16 =	vand.u32 $0xFFFFFF80, v7;
	v13 =	vld [tilespmem:s7+$0x30];
	v17 =	vshll.u32 v5, $0x7;
	v12 =	vor.u32 v15, v12  }
0x2d2: {  	v18 =	vand.u32 $0x7F, v7;
	v15 =	vld [tilespmem:s7+$0xFFFFFFB0];
	v16 =	vadd.s32 v17, v16;
	v17 =	vadd.s32 $0x40, v4  }
0x2d3: {  	v19 =	vand.u32 $0xFFFFFF80, v8;
	v4 =	vld [tilespmem:s7+$0x20];
	v20 =	vshll.u32 v9, $0x7;
	v16 =	vor.u32 v18, v16  }
0x2d4: {  	v21 =	vand.u32 $0x7F, v8;
	v18 =	vld [tilespmem:s7+$0xFFFFFFA0];
	v19 =	vadd.s32 v20, v19;
	v20 =	vadd.s32 $0x40, v5  }
0x2d5: {  	v22 =	vand.u32 $0xFFFFFF80, v11;
	v5 =	vld [tilespmem:s7+$0x10];
	v23 =	vshll.u32 v14, $0x7;
	v19 =	vor.u32 v21, v19  }
0x2d6: {  	v24 =	vand.u32 $0x7F, v11;
	v21 =	vand.u32 $0xFFFFFF80, v13;
	v22 =	vadd.s32 v23, v22;
	[tilespmem:v12+s21+$0x0] =	vst.idx.add.f32.msk $0xffff, v1  }
0x2d7: {  	v12 =	vshll.u32 v15, $0x7;
	v15 =	vadd.s32 $0x40, v15;
	v22 =	vor.u32 v24, v22;
	[tilespmem:v6+s12+$0x0] =	vst.idx.add.f32.msk $0xffff, v1  }
0x2d8: {  	v23 =	vand.u32 $0x7F, v13;
	v6 =	vand.u32 $0xFFFFFF80, v4;
	v12 =	vadd.s32 v12, v21;
	[tilespmem:v16+s21+$0x0] =	vst.idx.add.f32.msk $0xffff, v1  }
0x2d9: {  	v21 =	vadd.s32 $0x40, v9;
	v16 =	vshll.u32 v18, $0x7;
	v12 =	vor.u32 v23, v12;
	[tilespmem:v7+s12+$0x0] =	vst.idx.add.f32.msk $0xffff, v1  }
0x2da: {  	v14 =	vadd.s32 $0x40, v14;
	v7 =	vand.u32 $0x7F, v4;
	v6 =	vadd.s32 v16, v6;
	[tilespmem:v17+s12+$0x0] =	vst.idx.add.f32.msk $0xffff, v1  }
0x2db: {  	v9 =	vand.u32 $0xFFFFFF80, v5;
	v16 =	vand.u32 $0x7F, v5;
	v6 =	vor.u32 v7, v6;
	[tilespmem:v19+s21+$0x0] =	vst.idx.add.f32.msk $0xffff, v1  }
0x2dc: {  	v17 =	vshll.u32 v3, $0x7;
	v7 =	vand.u32 $0xFFFFFF80, v2;
	v19 =	vshll.u32 v10, $0x7;
	[tilespmem:v8+s12+$0x0] =	vst.idx.add.f32.msk $0xffff, v1  }
0x2dd: {  	v8 =	vand.u32 $0x7F, v2;
	v7 =	vadd.s32 v17, v7;
	v9 =	vadd.s32 v19, v9;
	[tilespmem:v20+s12+$0x0] =	vst.idx.add.f32.msk $0xffff, v1  }
0x2de: {  	v7 =	vor.u32 v8, v7;
	v8 =	vor.u32 v16, v9;
	[tilespmem:v22+s21+$0x0] =	vst.idx.add.f32.msk $0xffff, v1  }
0x2df: {  	[tilespmem:v12+s21+$0x0] =	vst.idx.add.f32.msk $0xffff, v1  }
.Ltmp17:
0x2e0: {  	v9 =	vadd.s32 $0x40, v18;
	[tilespmem:v21+s12+$0x0] =	vst.idx.add.f32.msk $0xffff, v1;
	(pc) =	sbr.rel @p1 .LBB2_27-.Ltmp17, $4  }
0x2e1: {  	[tilespmem:v11+s12+$0x0] =	vst.idx.add.f32.msk $0xffff, v1  }
0x2e2: {  	v10 =	vadd.s32 $0x40, v10;
	[tilespmem:v14+s12+$0x0] =	vst.idx.add.f32.msk $0xffff, v1  }
0x2e3: {  	[tilespmem:v13+s12+$0x0] =	vst.idx.add.f32.msk $0xffff, v1  }
0x2e4: {  	[tilespmem:v15+s12+$0x0] =	vst.idx.add.f32.msk $0xffff, v1  }
0x2e5: {  	_ =	sdelay $0x3  }
0x2e6: {  	[tilespmem:v6+s21+$0x0] =	vst.idx.add.f32.msk $0xffff, v1  }
0x2e7: {  	[tilespmem:v8+s21+$0x0] =	vst.idx.add.f32.msk $0xffff, v1  }
0x2e8: {  	[tilespmem:v7+s21+$0x0] =	vst.idx.add.f32.msk $0xffff, v1  }
0x2e9: {  	v3 =	vadd.s32 $0x40, v3;
	[tilespmem:v4+s12+$0x0] =	vst.idx.add.f32.msk $0xffff, v1  }
0x2ea: {  	[tilespmem:v5+s12+$0x0] =	vst.idx.add.f32.msk $0xffff, v1  }
0x2eb: {  	[tilespmem:v2+s12+$0x0] =	vst.idx.add.f32.msk $0xffff, v1  }
0x2ec: {  	[tilespmem:v9+s12+$0x0] =	vst.idx.add.f32.msk $0xffff, v1  }
0x2ed: {  	[tilespmem:v10+s12+$0x0] =	vst.idx.add.f32.msk $0xffff, v1  }
0x2ee: {  	[tilespmem:v3+s12+$0x0] =	vst.idx.add.f32.msk $0xffff, v1  }
0x2ef: {  	s7 =	rddreg [dreg:$0x19]  }
0x2f0: {  	s13 =	rddreg [dreg:$0x1a];
	s7 =	sadd.s32 s1, s7  }
0x2f1: {  	[hbm4b:s7+s2] =	stream.linear.scatter [tilespmem:s21], [sflag:$0xA], $0x2000, $0x38;
	[tilespmem:$0xC200] =	vst v63  }
0x2f2: {  	s7 =	sadd.s32 s0, s13  }
0x2f3: {  	[hbm4b:s7+s2] =	stream.linear.scatter [tilespmem:s12], [sflag:$0xE], $0x80, $0x38;
	[tilespmem:$0xC200] =	vst v63  }
0x2f4: {  	s7 =	rddreg [dreg:$0x1c]  }
0x2f5: {  	s11 =	simm.s32 @!p0 $0x0;
	s13 =	simm.s32 @!p0 $0x2800;
	s7 =	sadd.s32 @!p0 s6, s7  }
0x2f6: {  	[tilespmem:s13], [sflag:$0x6] =	stream.linear.gather @!p0 [hbm4b:s7+s11], $0x800, $0x38;
	[tilespmem:$0xC200] =	vst v63  }
0x2f7: {  	_ =	swait.ge [sflag:s28], $0x800  }
0x2f8: {  	[sflag:s28] =	ssyncset.done $0x0  }
0x2f9: {  	[sflag:s28] =	ssyncadd.s32 $0xFFFFF800  }
0x2fa: {  	_ =	swait.ge [sflag:s3], $0x2000  }
0x2fb: {  	[sflag:s3] =	ssyncset.done $0x0  }
0x2fc: {  	[sflag:s3] =	ssyncadd.s32 $0xFFFFE000  }
0x2fd: {  	_ =	swait.ge [sflag:s4], $0x80  }
0x2fe: {  	[sflag:s4] =	ssyncset.done $0x0  }
0x2ff: {  	s7 =	simm.s32 $0x3080;
	[sflag:s4] =	ssyncadd.s32 $0xFFFFFF80  }
0x300: {  	v3 =	vld [tilespmem:s7+$0xFFFFFF80]  }
0x301: {  	v10 =	vld [tilespmem:s7+$0xFFFFFF90]  }
0x302: {  	v6 =	vld [tilespmem:s7+$0x70]  }
0x303: {  	v5 =	vld [tilespmem:s7+$0xFFFFFFF0]  }
0x304: {  	v7 =	vld [tilespmem:s7+$0x60]  }
0x305: {  	v8 =	vld [tilespmem:s7+$0xFFFFFFE0]  }
0x306: {  	v9 =	vld [tilespmem:s7+$0x50]  }
0x307: {  	v11 =	vld [tilespmem:s7+$0xFFFFFFD0]  }
0x308: {  	v2 =	vld [tilespmem:s7+$0x0]  }
0x309: {  	v12 =	vld [tilespmem:s7+$0x40];
	v4 =	vand.u32 $0xFFFFFF80, v6;
	v13 =	vshll.u32 v5, $0x7;
	v15 =	vand.u32 $0x7F, v6  }
0x30a: {  	v14 =	vld [tilespmem:s7+$0xFFFFFFC0];
	v16 =	vand.u32 $0xFFFFFF80, v7;
	v17 =	vshll.u32 v8, $0x7;
	v4 =	vadd.s32 v13, v4  }
0x30b: {  	v52 =	vld [tilespmem:s7+$0x30];
	v19 =	vand.u32 $0x7F, v7;
	v16 =	vadd.s32 v17, v16;
	v15 =	vor.u32 v15, v4  }
0x30c: {  	v18 =	vld [tilespmem:s7+$0xFFFFFFB0];
	v53 =	vand.u32 $0xFFFFFF80, v9;
	v54 =	vshll.u32 v11, $0x7;
	v16 =	vor.u32 v19, v16  }
0x30d: {  	v20 =	vld [tilespmem:s7+$0xFFFFFFA0];
	v22 =	vand.u32 $0x7F, v9;
	v17 =	vadd.s32 v54, v53  }
0x30e: {  	v21 =	vadd.s32 $0x40, v5;
	v5 =	vld [tilespmem:s7+$0x10];
	v17 =	vor.u32 v22, v17  }
0x30f: {  	v4 =	vld [tilespmem:s7+$0x20]  }
0x310: {  	v8 =	vadd.s32 $0x40, v8;
	[tilespmem:v15+s5+$0x0] =	vst.idx.add.f32.msk $0xffff, v1  }
0x311: {  	v55 =	vand.u32 $0xFFFFFF80, v12;
	v56 =	vshll.u32 v14, $0x7;
	v57 =	vand.u32 $0xFFFFFF80, v52;
	[tilespmem:v16+s5+$0x0] =	vst.idx.add.f32.msk $0xffff, v1  }
0x312: {  	v58 =	vshll.u32 v18, $0x7;
	v15 =	vadd.s32 v56, v55;
	[tilespmem:v6+s14+$0x0] =	vst.idx.add.f32.msk $0xffff, v1;
	v6 =	vand.u32 $0x7F, v12  }
0x313: {  	v59 =	vand.u32 $0x7F, v52;
	v60 =	vadd.s32 v58, v57;
	[tilespmem:v17+s5+$0x0] =	vst.idx.add.f32.msk $0xffff, v1;
	v6 =	vor.u32 v6, v15  }
0x314: {  	[tilespmem:v7+s14+$0x0] =	vst.idx.add.f32.msk $0xffff, v1;
	v7 =	vor.u32 v59, v60  }
0x315: {  	[tilespmem:v9+s14+$0x0] =	vst.idx.add.f32.msk $0xffff, v1  }
0x316: {  	v9 =	vadd.s32 $0x40, v14;
	[tilespmem:v21+s14+$0x0] =	vst.idx.add.f32.msk $0xffff, v1  }
0x317: {  	v11 =	vadd.s32 $0x40, v11;
	[tilespmem:v8+s14+$0x0] =	vst.idx.add.f32.msk $0xffff, v1  }
0x318: {  	v8 =	vshll.u32 v20, $0x7;
	[tilespmem:v6+s5+$0x0] =	vst.idx.add.f32.msk $0xffff, v1;
	v6 =	vand.u32 $0xFFFFFF80, v4  }
0x319: {  	v61 =	vadd.s32 $0x40, v18;
	[tilespmem:v7+s5+$0x0] =	vst.idx.add.f32.msk $0xffff, v1;
	v7 =	vand.u32 $0x7F, v4;
	v6 =	vadd.s32 v8, v6  }
0x31a: {  	v62 =	vshll.u32 v10, $0x7;
	v8 =	vand.u32 $0xFFFFFF80, v5;
	[tilespmem:v12+s14+$0x0] =	vst.idx.add.f32.msk $0xffff, v1;
	v6 =	vor.u32 v7, v6  }
0x31b: {  	[tilespmem:v9+s14+$0x0] =	vst.idx.add.f32.msk $0xffff, v1;
	v9 =	vand.u32 $0x7F, v5;
	v8 =	vadd.s32 v62, v8  }
0x31c: {  	[tilespmem:v11+s14+$0x0] =	vst.idx.add.f32.msk $0xffff, v1;
	v11 =	vshll.u32 v3, $0x7;
	v7 =	vand.u32 $0xFFFFFF80, v2;
	v8 =	vor.u32 v9, v8  }
0x31d: {  	v63 =	vand.u32 $0x7F, v2;
	[tilespmem:v52+s14+$0x0] =	vst.idx.add.f32.msk $0xffff, v1;
	v7 =	vadd.s32 v11, v7;
	v9 =	vadd.s32 $0x40, v20  }
0x31e: {  	s13 =	simm.s32 $0x0;
	v10 =	vadd.s32 $0x40, v10;
	[tilespmem:v61+s14+$0x0] =	vst.idx.add.f32.msk $0xffff, v1;
	v7 =	vor.u32 v63, v7  }
.LBB2_29:
0x31f: {  	s13 =	sadd.s32 $0x8, s13;
	[tilespmem:v6+s5+$0x0] =	vst.idx.add.f32.msk $0xffff, v1;
	s7 =	sadd.s32 $0x100, s7  }
0x320: {  	p1 =	slt.u32 s13, $0x38;
	[tilespmem:v4+s14+$0x0] =	vst.idx.add.f32.msk $0xffff, v1  }
0x321: {  	v3 =	vadd.s32 $0x40, v3;
	[tilespmem:v8+s5+$0x0] =	vst.idx.add.f32.msk $0xffff, v1  }
0x322: {  	[tilespmem:v9+s14+$0x0] =	vst.idx.add.f32.msk $0xffff, v1  }
0x323: {  	[tilespmem:v5+s14+$0x0] =	vst.idx.add.f32.msk $0xffff, v1  }
0x324: {  	[tilespmem:v10+s14+$0x0] =	vst.idx.add.f32.msk $0xffff, v1  }
0x325: {  	[tilespmem:v7+s5+$0x0] =	vst.idx.add.f32.msk $0xffff, v1  }
0x326: {  	[tilespmem:v2+s14+$0x0] =	vst.idx.add.f32.msk $0xffff, v1  }
0x327: {  	[tilespmem:v3+s14+$0x0] =	vst.idx.add.f32.msk $0xffff, v1  }
0x328: {  	v3 =	vld [tilespmem:s7+$0xFFFFFF80]  }
0x329: {  	v10 =	vld [tilespmem:s7+$0xFFFFFF90]  }
0x32a: {  	v2 =	vld [tilespmem:s7+$0x0]  }
0x32b: {  	v6 =	vld [tilespmem:s7+$0x70]  }
0x32c: {  	v4 =	vld [tilespmem:s7+$0xFFFFFFF0]  }
0x32d: {  	v7 =	vld [tilespmem:s7+$0x60]  }
0x32e: {  	v5 =	vld [tilespmem:s7+$0xFFFFFFE0]  }
0x32f: {  	v8 =	vld [tilespmem:s7+$0x50]  }
0x330: {  	v9 =	vld [tilespmem:s7+$0xFFFFFFD0]  }
0x331: {  	v12 =	vand.u32 $0xFFFFFF80, v6;
	v11 =	vld [tilespmem:s7+$0x40];
	v13 =	vshll.u32 v4, $0x7  }
0x332: {  	v15 =	vand.u32 $0x7F, v6;
	v14 =	vld [tilespmem:s7+$0xFFFFFFC0];
	v12 =	vadd.s32 v13, v12  }
0x333: {  	v16 =	vand.u32 $0xFFFFFF80, v7;
	v13 =	vld [tilespmem:s7+$0x30];
	v17 =	vshll.u32 v5, $0x7;
	v12 =	vor.u32 v15, v12  }
0x334: {  	v18 =	vand.u32 $0x7F, v7;
	v15 =	vld [tilespmem:s7+$0xFFFFFFB0];
	v16 =	vadd.s32 v17, v16;
	v17 =	vadd.s32 $0x40, v4  }
0x335: {  	v19 =	vand.u32 $0xFFFFFF80, v8;
	v4 =	vld [tilespmem:s7+$0x20];
	v20 =	vshll.u32 v9, $0x7;
	v16 =	vor.u32 v18, v16  }
0x336: {  	v21 =	vand.u32 $0x7F, v8;
	v18 =	vld [tilespmem:s7+$0xFFFFFFA0];
	v19 =	vadd.s32 v20, v19;
	v20 =	vadd.s32 $0x40, v5  }
0x337: {  	v22 =	vand.u32 $0xFFFFFF80, v11;
	v5 =	vld [tilespmem:s7+$0x10];
	v23 =	vshll.u32 v14, $0x7;
	v19 =	vor.u32 v21, v19  }
0x338: {  	v24 =	vand.u32 $0x7F, v11;
	v21 =	vand.u32 $0xFFFFFF80, v13;
	v22 =	vadd.s32 v23, v22;
	[tilespmem:v12+s5+$0x0] =	vst.idx.add.f32.msk $0xffff, v1  }
0x339: {  	v12 =	vshll.u32 v15, $0x7;
	v15 =	vadd.s32 $0x40, v15;
	v22 =	vor.u32 v24, v22;
	[tilespmem:v6+s14+$0x0] =	vst.idx.add.f32.msk $0xffff, v1  }
0x33a: {  	v23 =	vand.u32 $0x7F, v13;
	v6 =	vand.u32 $0xFFFFFF80, v4;
	v12 =	vadd.s32 v12, v21;
	[tilespmem:v16+s5+$0x0] =	vst.idx.add.f32.msk $0xffff, v1  }
0x33b: {  	v21 =	vadd.s32 $0x40, v9;
	v16 =	vshll.u32 v18, $0x7;
	v12 =	vor.u32 v23, v12;
	[tilespmem:v7+s14+$0x0] =	vst.idx.add.f32.msk $0xffff, v1  }
0x33c: {  	v14 =	vadd.s32 $0x40, v14;
	v7 =	vand.u32 $0x7F, v4;
	v6 =	vadd.s32 v16, v6;
	[tilespmem:v17+s14+$0x0] =	vst.idx.add.f32.msk $0xffff, v1  }
0x33d: {  	v9 =	vand.u32 $0xFFFFFF80, v5;
	v16 =	vand.u32 $0x7F, v5;
	v6 =	vor.u32 v7, v6;
	[tilespmem:v19+s5+$0x0] =	vst.idx.add.f32.msk $0xffff, v1  }
0x33e: {  	v17 =	vshll.u32 v3, $0x7;
	v7 =	vand.u32 $0xFFFFFF80, v2;
	v19 =	vshll.u32 v10, $0x7;
	[tilespmem:v8+s14+$0x0] =	vst.idx.add.f32.msk $0xffff, v1  }
0x33f: {  	v8 =	vand.u32 $0x7F, v2;
	v7 =	vadd.s32 v17, v7;
	v9 =	vadd.s32 v19, v9;
	[tilespmem:v20+s14+$0x0] =	vst.idx.add.f32.msk $0xffff, v1  }
0x340: {  	v7 =	vor.u32 v8, v7;
	v8 =	vor.u32 v16, v9;
	[tilespmem:v22+s5+$0x0] =	vst.idx.add.f32.msk $0xffff, v1  }
0x341: {  	[tilespmem:v12+s5+$0x0] =	vst.idx.add.f32.msk $0xffff, v1  }
.Ltmp18:
0x342: {  	v9 =	vadd.s32 $0x40, v18;
	[tilespmem:v21+s14+$0x0] =	vst.idx.add.f32.msk $0xffff, v1;
	(pc) =	sbr.rel @p1 .LBB2_29-.Ltmp18, $4  }
0x343: {  	[tilespmem:v11+s14+$0x0] =	vst.idx.add.f32.msk $0xffff, v1  }
0x344: {  	v10 =	vadd.s32 $0x40, v10;
	[tilespmem:v14+s14+$0x0] =	vst.idx.add.f32.msk $0xffff, v1  }
0x345: {  	[tilespmem:v13+s14+$0x0] =	vst.idx.add.f32.msk $0xffff, v1  }
0x346: {  	[tilespmem:v15+s14+$0x0] =	vst.idx.add.f32.msk $0xffff, v1  }
0x347: {  	_ =	sdelay $0x3  }
0x348: {  	[tilespmem:v6+s5+$0x0] =	vst.idx.add.f32.msk $0xffff, v1  }
0x349: {  	[tilespmem:v8+s5+$0x0] =	vst.idx.add.f32.msk $0xffff, v1  }
0x34a: {  	[tilespmem:v7+s5+$0x0] =	vst.idx.add.f32.msk $0xffff, v1  }
0x34b: {  	v3 =	vadd.s32 $0x40, v3;
	[tilespmem:v4+s14+$0x0] =	vst.idx.add.f32.msk $0xffff, v1  }
0x34c: {  	[tilespmem:v5+s14+$0x0] =	vst.idx.add.f32.msk $0xffff, v1  }
0x34d: {  	[tilespmem:v2+s14+$0x0] =	vst.idx.add.f32.msk $0xffff, v1  }
0x34e: {  	[tilespmem:v9+s14+$0x0] =	vst.idx.add.f32.msk $0xffff, v1  }
0x34f: {  	[tilespmem:v10+s14+$0x0] =	vst.idx.add.f32.msk $0xffff, v1  }
0x350: {  	[tilespmem:v3+s14+$0x0] =	vst.idx.add.f32.msk $0xffff, v1  }
0x351: {  	s7 =	rddreg [dreg:$0x1d]  }
0x352: {  	s13 =	rddreg [dreg:$0x1e];
	s7 =	sadd.s32 s1, s7  }
0x353: {  	[hbm4b:s7+s2] =	stream.linear.scatter [tilespmem:s5], [sflag:$0xB], $0x2000, $0x38;
	[tilespmem:$0xC200] =	vst v63  }
0x354: {  	s7 =	sadd.s32 s0, s13  }
0x355: {  	[hbm4b:s7+s2] =	stream.linear.scatter [tilespmem:s14], [sflag:$0xF], $0x80, $0x38;
	[tilespmem:$0xC200] =	vst v63  }
0x356: {  	s7 =	sld [smem:$0x7FA];
	_ =	sdelay $0x2  }
0x357: {  	s11 =	simm.s32 @!p0 $0x3000;
	s6 =	sadd.s32 @!p0 s6, s7;
	s7 =	simm.s32 @!p0 $0x0  }
0x358: {  	[tilespmem:s11], [sflag:$0x7] =	stream.linear.gather @!p0 [hbm4b:s6+s7], $0x800, $0x38;
	[tilespmem:$0xC200] =	vst v63  }
0x359: {  	_ =	swait.ge [sflag:s29], $0x800  }
0x35a: {  	[sflag:s29] =	ssyncset.done $0x0  }
0x35b: {  	[sflag:s29] =	ssyncadd.s32 $0xFFFFF800  }
0x35c: {  	_ =	swait.ge [sflag:s18], $0x2000  }
0x35d: {  	[sflag:s18] =	ssyncset.done $0x0  }
0x35e: {  	[sflag:s18] =	ssyncadd.s32 $0xFFFFE000  }
0x35f: {  	_ =	swait.ge [sflag:s19], $0x80  }
0x360: {  	[sflag:s19] =	ssyncset.done $0x0  }
0x361: {  	s6 =	simm.s32 $0x3880;
	[sflag:s19] =	ssyncadd.s32 $0xFFFFFF80  }
0x362: {  	v3 =	vld [tilespmem:s6+$0xFFFFFF80]  }
0x363: {  	v10 =	vld [tilespmem:s6+$0xFFFFFF90]  }
0x364: {  	v6 =	vld [tilespmem:s6+$0x70]  }
0x365: {  	v5 =	vld [tilespmem:s6+$0xFFFFFFF0]  }
0x366: {  	v7 =	vld [tilespmem:s6+$0x60]  }
0x367: {  	v8 =	vld [tilespmem:s6+$0xFFFFFFE0]  }
0x368: {  	v9 =	vld [tilespmem:s6+$0x50]  }
0x369: {  	v11 =	vld [tilespmem:s6+$0xFFFFFFD0]  }
0x36a: {  	v2 =	vld [tilespmem:s6+$0x0]  }
0x36b: {  	v12 =	vld [tilespmem:s6+$0x40];
	v4 =	vand.u32 $0xFFFFFF80, v6;
	v13 =	vshll.u32 v5, $0x7;
	v15 =	vand.u32 $0x7F, v6  }
0x36c: {  	v14 =	vld [tilespmem:s6+$0xFFFFFFC0];
	v16 =	vand.u32 $0xFFFFFF80, v7;
	v17 =	vshll.u32 v8, $0x7;
	v4 =	vadd.s32 v13, v4  }
0x36d: {  	v52 =	vld [tilespmem:s6+$0x30];
	v19 =	vand.u32 $0x7F, v7;
	v16 =	vadd.s32 v17, v16;
	v15 =	vor.u32 v15, v4  }
0x36e: {  	v18 =	vld [tilespmem:s6+$0xFFFFFFB0];
	v53 =	vand.u32 $0xFFFFFF80, v9;
	v54 =	vshll.u32 v11, $0x7;
	v16 =	vor.u32 v19, v16  }
0x36f: {  	v20 =	vld [tilespmem:s6+$0xFFFFFFA0];
	v22 =	vand.u32 $0x7F, v9;
	v17 =	vadd.s32 v54, v53  }
0x370: {  	v21 =	vadd.s32 $0x40, v5;
	v5 =	vld [tilespmem:s6+$0x10];
	v17 =	vor.u32 v22, v17  }
0x371: {  	v4 =	vld [tilespmem:s6+$0x20]  }
0x372: {  	v8 =	vadd.s32 $0x40, v8;
	[tilespmem:v15+s20+$0x0] =	vst.idx.add.f32.msk $0xffff, v1  }
0x373: {  	v55 =	vand.u32 $0xFFFFFF80, v12;
	v56 =	vshll.u32 v14, $0x7;
	v57 =	vand.u32 $0xFFFFFF80, v52;
	[tilespmem:v16+s20+$0x0] =	vst.idx.add.f32.msk $0xffff, v1  }
0x374: {  	v58 =	vshll.u32 v18, $0x7;
	v15 =	vadd.s32 v56, v55;
	[tilespmem:v6+s22+$0x0] =	vst.idx.add.f32.msk $0xffff, v1;
	v6 =	vand.u32 $0x7F, v12  }
0x375: {  	v59 =	vand.u32 $0x7F, v52;
	v60 =	vadd.s32 v58, v57;
	[tilespmem:v17+s20+$0x0] =	vst.idx.add.f32.msk $0xffff, v1;
	v6 =	vor.u32 v6, v15  }
0x376: {  	[tilespmem:v7+s22+$0x0] =	vst.idx.add.f32.msk $0xffff, v1;
	v7 =	vor.u32 v59, v60  }
0x377: {  	[tilespmem:v9+s22+$0x0] =	vst.idx.add.f32.msk $0xffff, v1  }
0x378: {  	v9 =	vadd.s32 $0x40, v14;
	[tilespmem:v21+s22+$0x0] =	vst.idx.add.f32.msk $0xffff, v1  }
0x379: {  	v11 =	vadd.s32 $0x40, v11;
	[tilespmem:v8+s22+$0x0] =	vst.idx.add.f32.msk $0xffff, v1  }
0x37a: {  	v8 =	vshll.u32 v20, $0x7;
	[tilespmem:v6+s20+$0x0] =	vst.idx.add.f32.msk $0xffff, v1;
	v6 =	vand.u32 $0xFFFFFF80, v4  }
0x37b: {  	v61 =	vadd.s32 $0x40, v18;
	[tilespmem:v7+s20+$0x0] =	vst.idx.add.f32.msk $0xffff, v1;
	v7 =	vand.u32 $0x7F, v4;
	v6 =	vadd.s32 v8, v6  }
0x37c: {  	v62 =	vshll.u32 v10, $0x7;
	v8 =	vand.u32 $0xFFFFFF80, v5;
	[tilespmem:v12+s22+$0x0] =	vst.idx.add.f32.msk $0xffff, v1;
	v6 =	vor.u32 v7, v6  }
0x37d: {  	[tilespmem:v9+s22+$0x0] =	vst.idx.add.f32.msk $0xffff, v1;
	v9 =	vand.u32 $0x7F, v5;
	v8 =	vadd.s32 v62, v8  }
0x37e: {  	[tilespmem:v11+s22+$0x0] =	vst.idx.add.f32.msk $0xffff, v1;
	v11 =	vshll.u32 v3, $0x7;
	v7 =	vand.u32 $0xFFFFFF80, v2;
	v8 =	vor.u32 v9, v8  }
0x37f: {  	v63 =	vand.u32 $0x7F, v2;
	[tilespmem:v52+s22+$0x0] =	vst.idx.add.f32.msk $0xffff, v1;
	v7 =	vadd.s32 v11, v7;
	v9 =	vadd.s32 $0x40, v20  }
0x380: {  	s7 =	simm.s32 $0x0;
	v10 =	vadd.s32 $0x40, v10;
	[tilespmem:v61+s22+$0x0] =	vst.idx.add.f32.msk $0xffff, v1;
	v7 =	vor.u32 v63, v7  }
.LBB2_31:
0x381: {  	s7 =	sadd.s32 $0x8, s7;
	[tilespmem:v6+s20+$0x0] =	vst.idx.add.f32.msk $0xffff, v1;
	s6 =	sadd.s32 $0x100, s6  }
0x382: {  	p1 =	slt.u32 s7, $0x38;
	[tilespmem:v4+s22+$0x0] =	vst.idx.add.f32.msk $0xffff, v1  }
0x383: {  	v3 =	vadd.s32 $0x40, v3;
	[tilespmem:v8+s20+$0x0] =	vst.idx.add.f32.msk $0xffff, v1  }
0x384: {  	[tilespmem:v9+s22+$0x0] =	vst.idx.add.f32.msk $0xffff, v1  }
0x385: {  	[tilespmem:v5+s22+$0x0] =	vst.idx.add.f32.msk $0xffff, v1  }
0x386: {  	[tilespmem:v10+s22+$0x0] =	vst.idx.add.f32.msk $0xffff, v1  }
0x387: {  	[tilespmem:v7+s20+$0x0] =	vst.idx.add.f32.msk $0xffff, v1  }
0x388: {  	[tilespmem:v2+s22+$0x0] =	vst.idx.add.f32.msk $0xffff, v1  }
0x389: {  	[tilespmem:v3+s22+$0x0] =	vst.idx.add.f32.msk $0xffff, v1  }
0x38a: {  	v3 =	vld [tilespmem:s6+$0xFFFFFF80]  }
0x38b: {  	v10 =	vld [tilespmem:s6+$0xFFFFFF90]  }
0x38c: {  	v2 =	vld [tilespmem:s6+$0x0]  }
0x38d: {  	v6 =	vld [tilespmem:s6+$0x70]  }
0x38e: {  	v4 =	vld [tilespmem:s6+$0xFFFFFFF0]  }
0x38f: {  	v7 =	vld [tilespmem:s6+$0x60]  }
0x390: {  	v5 =	vld [tilespmem:s6+$0xFFFFFFE0]  }
0x391: {  	v8 =	vld [tilespmem:s6+$0x50]  }
0x392: {  	v9 =	vld [tilespmem:s6+$0xFFFFFFD0]  }
0x393: {  	v12 =	vand.u32 $0xFFFFFF80, v6;
	v11 =	vld [tilespmem:s6+$0x40];
	v13 =	vshll.u32 v4, $0x7  }
0x394: {  	v15 =	vand.u32 $0x7F, v6;
	v14 =	vld [tilespmem:s6+$0xFFFFFFC0];
	v12 =	vadd.s32 v13, v12  }
0x395: {  	v16 =	vand.u32 $0xFFFFFF80, v7;
	v13 =	vld [tilespmem:s6+$0x30];
	v17 =	vshll.u32 v5, $0x7;
	v12 =	vor.u32 v15, v12  }
0x396: {  	v18 =	vand.u32 $0x7F, v7;
	v15 =	vld [tilespmem:s6+$0xFFFFFFB0];
	v16 =	vadd.s32 v17, v16;
	v17 =	vadd.s32 $0x40, v4  }
0x397: {  	v19 =	vand.u32 $0xFFFFFF80, v8;
	v4 =	vld [tilespmem:s6+$0x20];
	v20 =	vshll.u32 v9, $0x7;
	v16 =	vor.u32 v18, v16  }
0x398: {  	v21 =	vand.u32 $0x7F, v8;
	v18 =	vld [tilespmem:s6+$0xFFFFFFA0];
	v19 =	vadd.s32 v20, v19;
	v20 =	vadd.s32 $0x40, v5  }
0x399: {  	v22 =	vand.u32 $0xFFFFFF80, v11;
	v5 =	vld [tilespmem:s6+$0x10];
	v23 =	vshll.u32 v14, $0x7;
	v19 =	vor.u32 v21, v19  }
0x39a: {  	v24 =	vand.u32 $0x7F, v11;
	v21 =	vand.u32 $0xFFFFFF80, v13;
	v22 =	vadd.s32 v23, v22;
	[tilespmem:v12+s20+$0x0] =	vst.idx.add.f32.msk $0xffff, v1  }
0x39b: {  	v12 =	vshll.u32 v15, $0x7;
	v15 =	vadd.s32 $0x40, v15;
	v22 =	vor.u32 v24, v22;
	[tilespmem:v6+s22+$0x0] =	vst.idx.add.f32.msk $0xffff, v1  }
0x39c: {  	v23 =	vand.u32 $0x7F, v13;
	v6 =	vand.u32 $0xFFFFFF80, v4;
	v12 =	vadd.s32 v12, v21;
	[tilespmem:v16+s20+$0x0] =	vst.idx.add.f32.msk $0xffff, v1  }
0x39d: {  	v21 =	vadd.s32 $0x40, v9;
	v16 =	vshll.u32 v18, $0x7;
	v12 =	vor.u32 v23, v12;
	[tilespmem:v7+s22+$0x0] =	vst.idx.add.f32.msk $0xffff, v1  }
0x39e: {  	v14 =	vadd.s32 $0x40, v14;
	v7 =	vand.u32 $0x7F, v4;
	v6 =	vadd.s32 v16, v6;
	[tilespmem:v17+s22+$0x0] =	vst.idx.add.f32.msk $0xffff, v1  }
0x39f: {  	v9 =	vand.u32 $0xFFFFFF80, v5;
	v16 =	vand.u32 $0x7F, v5;
	v6 =	vor.u32 v7, v6;
	[tilespmem:v19+s20+$0x0] =	vst.idx.add.f32.msk $0xffff, v1  }
0x3a0: {  	v17 =	vshll.u32 v3, $0x7;
	v7 =	vand.u32 $0xFFFFFF80, v2;
	v19 =	vshll.u32 v10, $0x7;
	[tilespmem:v8+s22+$0x0] =	vst.idx.add.f32.msk $0xffff, v1  }
0x3a1: {  	v8 =	vand.u32 $0x7F, v2;
	v7 =	vadd.s32 v17, v7;
	v9 =	vadd.s32 v19, v9;
	[tilespmem:v20+s22+$0x0] =	vst.idx.add.f32.msk $0xffff, v1  }
0x3a2: {  	v7 =	vor.u32 v8, v7;
	v8 =	vor.u32 v16, v9;
	[tilespmem:v22+s20+$0x0] =	vst.idx.add.f32.msk $0xffff, v1  }
0x3a3: {  	[tilespmem:v12+s20+$0x0] =	vst.idx.add.f32.msk $0xffff, v1  }
.Ltmp19:
0x3a4: {  	v9 =	vadd.s32 $0x40, v18;
	[tilespmem:v21+s22+$0x0] =	vst.idx.add.f32.msk $0xffff, v1;
	(pc) =	sbr.rel @p1 .LBB2_31-.Ltmp19, $4  }
0x3a5: {  	[tilespmem:v11+s22+$0x0] =	vst.idx.add.f32.msk $0xffff, v1  }
0x3a6: {  	v10 =	vadd.s32 $0x40, v10;
	[tilespmem:v14+s22+$0x0] =	vst.idx.add.f32.msk $0xffff, v1  }
0x3a7: {  	[tilespmem:v13+s22+$0x0] =	vst.idx.add.f32.msk $0xffff, v1  }
0x3a8: {  	[tilespmem:v15+s22+$0x0] =	vst.idx.add.f32.msk $0xffff, v1  }
0x3a9: {  	_ =	sdelay $0x3  }
0x3aa: {  	[tilespmem:v6+s20+$0x0] =	vst.idx.add.f32.msk $0xffff, v1  }
0x3ab: {  	[tilespmem:v8+s20+$0x0] =	vst.idx.add.f32.msk $0xffff, v1  }
0x3ac: {  	[tilespmem:v7+s20+$0x0] =	vst.idx.add.f32.msk $0xffff, v1  }
0x3ad: {  	v3 =	vadd.s32 $0x40, v3;
	[tilespmem:v4+s22+$0x0] =	vst.idx.add.f32.msk $0xffff, v1  }
0x3ae: {  	[tilespmem:v5+s22+$0x0] =	vst.idx.add.f32.msk $0xffff, v1  }
0x3af: {  	[tilespmem:v2+s22+$0x0] =	vst.idx.add.f32.msk $0xffff, v1  }
0x3b0: {  	[tilespmem:v9+s22+$0x0] =	vst.idx.add.f32.msk $0xffff, v1  }
0x3b1: {  	[tilespmem:v10+s22+$0x0] =	vst.idx.add.f32.msk $0xffff, v1  }
0x3b2: {  	[tilespmem:v3+s22+$0x0] =	vst.idx.add.f32.msk $0xffff, v1  }
0x3b3: {  	s6 =	rddreg [dreg:$0x1f]  }
.Ltmp20:
0x3b4: {  	s13 =	sld [smem:$0x7FB];
	(pc) =	sbr.rel @p0 .LBB2_34-.Ltmp20, $4  }
0x3b5: {  	s1 =	sadd.s32 s1, s6  }
0x3b6: {  	[hbm4b:s1+s2] =	stream.linear.scatter [tilespmem:s20], [sflag:$0xC], $0x2000, $0x38;
	[tilespmem:$0xC200] =	vst v63  }
0x3b7: {  	s0 =	sadd.s32 s0, s13  }
0x3b8: {  	[hbm4b:s0+s2] =	stream.linear.scatter [tilespmem:s22], [sflag:$0x10], $0x80, $0x38;
	[tilespmem:$0xC200] =	vst v63  }
.Ltmp21:
0x3b9: {  	s1 =	sld [smem:$0x7FC];
	(pc) =	sbr.rel .LBB2_4-.Ltmp21, $4  }
0x3ba: {  	_ = 	snop  }
0x3bb: {  	s0 =	sshll.u32 s31, $0x8  }
0x3bc: {  	s31 =	simm.s32 $0x3800;
	s30 =	sadd.s32 $0x1, s30;
	s0 =	sadd.s32 s0, s1  }
0x3bd: {  	[tilespmem:s31], [sflag:$0x8] =	stream.linear.gather [hbm4b:s0+s2], $0x800, $0x38;
	[tilespmem:$0xC200] =	vst v63  }
.LBB2_35:
0x3be: {  	_ =	sfence.sel $0x180000  }
0x3bf: {  	[bflag:$0x0] =	sbarrier.arrive $0xFFFF  }
0x3c0: {  	_ =	strace $0x9000004A  }
0x3c1: {  	s0 =	stileid.u32;
	[bflag:$0x2] =	sbarrier.arrive $0xFFFF  }
0x3c2: {  	p0 =	sne.s32 s0, $0x0;
	s0 =	rddreg [dreg:$0x1]  }
0x3c3: {  	s0 =	sadd.s32 @!p0 $0x100000, s0  }
0x3c4: {  	[sflag:s0] =	ssyncadd.tile.s32 @!p0 $0x1;
	_ =	shalt  }
.Lfunc_end2:
_tile_overlayer_lowered:
.L_overlay_start_2:
0x3c5: {  	(tag) =	ssettag $0x2  }
0x3c6: {  	s0 =	rddreg [dreg:$0x0];
	s2 =	stileid.u32  }
0x3c7: {  	s1 =	rddreg [dreg:$0x1];
	p0 =	sne.s32 s2, $0x0  }
0x3c8: {  	s3 =	rddreg [dreg:$0x2];
	[bflag:$0x3] =	sbarrier.arrive $0xFFFF;
	s2 =	simm.s32 @!p0 $0x1C11  }
0x3c9: {  	[timem:s3], [sflag:s2] =	dma.local @!p0 [hbm:s0], s1  }
0x3ca: {  	s0 =	simm.s32 @!p0 $0x11  }
0x3cb: {  	_ =	swait.ge @!p0 [sflag:s0], s1  }
0x3cc: {  	s1 =	ssub.s32 @!p0 $0x0, s1;
	[sflag:s0] =	ssyncset.done @!p0 $0x0  }
0x3cd: {  	[sflag:s0] =	ssyncadd.s32 @!p0 s1  }
0x3ce: {  	[bflag:$0x3] =	sbarrier.arrive $0xFFFF  }
0x3cf: {  	_ =	shalt  }

</sc_bundles>
